<compile_context>
chip_gen: v7x
topology: tpu7x:2x2x1
jax: 0.10.2.dev20260603
libtpu: 0.0.44.dev20260713+nightly
codegen_flags: <defaults>
</compile_context>

<pallas_src>
import functools

import jax
import jax.numpy as jnp
from jax import lax
from jax.experimental import pallas as pl
from jax.experimental.pallas import tpu as pltpu
from jax.experimental.pallas import tpu_sc as plsc

F = 128
H = 128
G = 8
BM = 256
K = 128
N_TILES = 32
N_SUB = 16


def _pad_up(n, m):
    return (n + m - 1) // m * m



NB = 2
CH0_SHARE = 1.0


def _deg_kernel(npad, ch):
    rows_pt = npad // N_SUB
    mesh = plsc.VectorSubcoreMesh(core_axis_name="c", subcore_axis_name="s")
    scratch = [
        pltpu.VMEM((ch, K), jnp.int32),
        pltpu.VMEM((K, H), jnp.float32),
        pltpu.VMEM_SHARED((npad, H), jnp.float32),
    ] + [pltpu.SemaphoreType.DMA] * NB

    @functools.partial(
        pl.kernel,
        out_type=jax.ShapeDtypeStruct((2, npad, H), jnp.float32),
        mesh=mesh,
        scratch_types=scratch,
    )
    def deg(dst_hbm, ones_hbm, zeros_hbm, out_hbm, di_all, ones_v, acc,
            *ssem):
        c = lax.axis_index("c")
        s = lax.axis_index("s")
        tid = c * N_SUB + s

        pltpu.sync_copy(ones_hbm, ones_v)
        pltpu.sync_copy(dst_hbm.at[pl.ds(tid * ch, ch)], di_all)
        pltpu.sync_copy(zeros_hbm, acc.at[pl.ds(s * rows_pt, rows_pt)])
        plsc.subcore_barrier()

        def group(g, carry):
            for b in range(NB):
                j = g * NB + b

                @pl.when(j >= NB)
                def _drain():
                    pltpu.make_async_copy(
                        ones_v, acc.at[di_all.at[0]], ssem[b]).wait()

                pltpu.async_copy(ones_v, acc.at[di_all.at[j]], ssem[b],
                                 add=True)
            return carry

        lax.fori_loop(0, ch // NB, group, 0)
        for b in range(NB):
            pltpu.make_async_copy(ones_v, acc.at[di_all.at[0]], ssem[b]).wait()
        plsc.subcore_barrier()
        pltpu.sync_copy(acc.at[pl.ds(s * rows_pt, rows_pt)],
                        out_hbm.at[c, pl.ds(s * rows_pt, rows_pt)])

    return deg


def _scatter_kernel(npad, ch0, ch1):
    rows_pt = npad // N_SUB
    mesh = plsc.VectorSubcoreMesh(core_axis_name="c", subcore_axis_name="s")
    scratch = (
        [pltpu.VMEM((2, NB, K), jnp.int32)] * 2
        + [pltpu.VMEM((K, H), jnp.float32)] * NB
        + [pltpu.VMEM_SHARED((npad, H), jnp.float32)]
        + [pltpu.SemaphoreType.DMA] * (2 * NB + 4)
    )

    @functools.partial(
        pl.kernel,
        out_type=jax.ShapeDtypeStruct((2, npad, H), jnp.float32),
        mesh=mesh,
        scratch_types=scratch,
    )
    def scat(y_hbm, src_hbm, dst_hbm, zeros_hbm, out_hbm, si_buf, di_buf,
             *rest):
        rows = rest[:NB]
        acc = rest[NB]
        gsem = rest[NB + 1:2 * NB + 1]
        ssem = rest[2 * NB + 1:3 * NB + 1]
        isem = rest[3 * NB + 1:3 * NB + 3]
        jsem = rest[3 * NB + 3:]
        c = lax.axis_index("c")
        s = lax.axis_index("s")
        base = jnp.where(c == 0, s * ch0, N_SUB * ch0 + s * ch1)
        ng = jnp.where(c == 0, ch0 // NB, ch1 // NB)

        pltpu.sync_copy(zeros_hbm, acc.at[pl.ds(s * rows_pt, rows_pt)])

        @pl.when(ng > 0)
        def _prologue():
            pltpu.sync_copy(src_hbm.at[pl.ds(base, NB)], si_buf.at[0])
            pltpu.sync_copy(dst_hbm.at[pl.ds(base, NB)], di_buf.at[0])
            for b in range(NB):
                pltpu.async_copy(y_hbm.at[si_buf.at[0, b]], rows[b], gsem[b])
            pltpu.async_copy(src_hbm.at[pl.ds(base + NB, NB)], si_buf.at[1],
                             isem[1])
            pltpu.async_copy(dst_hbm.at[pl.ds(base + NB, NB)], di_buf.at[1],
                             jsem[1])

        plsc.subcore_barrier()

        def big_group(gg, carry):
            for p in range(2):
                g = gg * 2 + p
                for b in range(NB):
                    pltpu.make_async_copy(
                        y_hbm.at[si_buf.at[0, 0]], rows[b], gsem[b]).wait()
                    pltpu.async_copy(rows[b], acc.at[di_buf.at[p, b]],
                                     ssem[b], add=True)
                    pltpu.make_async_copy(
                        rows[b], acc.at[di_buf.at[0, 0]], ssem[b]).wait()

                    if b == NB - 1:
                        @pl.when(g + 2 < ng)
                        def _prefetch():
                            pltpu.async_copy(
                                src_hbm.at[pl.ds(base + (g + 2) * NB, NB)],
                                si_buf.at[p], isem[p])
                            pltpu.async_copy(
                                dst_hbm.at[pl.ds(base + (g + 2) * NB, NB)],
                                di_buf.at[p], jsem[p])

                    @pl.when(g + 1 < ng)
                    def _advance():
                        if b == 0:
                            pltpu.make_async_copy(
                                src_hbm.at[pl.ds(base, NB)],
                                si_buf.at[1 - p], isem[1 - p]).wait()
                            pltpu.make_async_copy(
                                dst_hbm.at[pl.ds(base, NB)],
                                di_buf.at[1 - p], jsem[1 - p]).wait()
                        pltpu.async_copy(y_hbm.at[si_buf.at[1 - p, b]],
                                         rows[b], gsem[b])
            return carry

        lax.fori_loop(0, lax.div(ng, 2), big_group, 0)
        plsc.subcore_barrier()
        pltpu.sync_copy(acc.at[pl.ds(s * rows_pt, rows_pt)],
                        out_hbm.at[c, pl.ds(s * rows_pt, rows_pt)])

    return scat



def _dinv_of(d0, d1):
    return lax.rsqrt(d0[:, 0:1] + d1[:, 0:1] + 1.0)


def _dot(a, b):
    return jnp.dot(a, b, preferred_element_type=jnp.float32,
                   precision=lax.Precision.HIGHEST)


def _t0_body(x_ref, w_ref, d0_ref, d1_ref, y_ref):
    dinv = _dinv_of(d0_ref[...], d1_ref[...])
    y_ref[...] = _dot(x_ref[...], w_ref[...]) * dinv


def _tmid_body(p0_ref, p1_ref, yp_ref, d0_ref, d1_ref, w_ref,
               rm_ref, rv_ref, ga_ref, be_ref, bc_ref, y_ref):
    dinv = _dinv_of(d0_ref[...], d1_ref[...])
    agg = (p0_ref[...] + p1_ref[...] + yp_ref[...]) * dinv + bc_ref[...]
    hb = (agg - rm_ref[...]) * lax.rsqrt(rv_ref[...] + 1e-5) * ga_ref[...] \
        + be_ref[...]
    h = jnp.maximum(hb, 0.0)
    y_ref[...] = _dot(h, w_ref[...]) * dinv


def _tfin_body(p0_ref, p1_ref, yp_ref, d0_ref, d1_ref, b_ref,
               rm_ref, rv_ref, ga_ref, be_ref, bc_ref,
               w1_ref, b1_ref, w2_ref, b2_ref, w3_ref, b3_ref,
               out_ref, pool_acc, cnt_acc):
    i = pl.program_id(0)
    nsteps = pl.num_programs(0)

    @pl.when(i == 0)
    def _init():
        pool_acc[...] = jnp.zeros_like(pool_acc)
        cnt_acc[...] = jnp.zeros_like(cnt_acc)

    dinv = _dinv_of(d0_ref[...], d1_ref[...])
    agg = (p0_ref[...] + p1_ref[...] + yp_ref[...]) * dinv + bc_ref[...]
    hb = (agg - rm_ref[...]) * lax.rsqrt(rv_ref[...] + 1e-5) * ga_ref[...] \
        + be_ref[...]
    h = jnp.maximum(hb, 0.0)

    gids = lax.broadcasted_iota(jnp.int32, (G, BM), 0)
    onehot = (b_ref[...] == gids).astype(jnp.float32)
    pool_acc[...] += _dot(onehot, h)
    cnt_acc[...] += jnp.broadcast_to(
        jnp.sum(onehot, axis=1, keepdims=True), (G, H))

    @pl.when(i == nsteps - 1)
    def _finish():
        pooled = pool_acc[...] / jnp.maximum(cnt_acc[...], 1.0)
        z = jnp.maximum(_dot(pooled, w1_ref[...]) + b1_ref[...], 0.0)
        z = jnp.maximum(_dot(z, w2_ref[...]) + b2_ref[...], 0.0)
        out_ref[...] = _dot(z, w3_ref[...]) + b3_ref[...]


def _row_spec(w):
    return pl.BlockSpec((BM, w), lambda i: (i, 0))


def _full_spec(r, c):
    return pl.BlockSpec((r, c), lambda i: (0, 0))



def kernel(x, edge_index, batch, Wc, bc, gamma, beta, rm, rv,
           Wm1, bm1, Wm2, bm2, Wm3, bm3):
    n, f = x.shape
    e = edge_index.shape[1]
    npad = _pad_up(n + 1, BM)
    ep = _pad_up(e, N_TILES * K * NB * 2)
    ch = ep // (N_TILES * K)
    ch_pair = ep // (N_SUB * K)
    ch0 = _pad_up(int(ch_pair * CH0_SHARE), 2 * NB)
    ch1 = ch_pair - ch0

    xp = jnp.zeros((npad, f), jnp.float32).at[:n].set(x)
    srcp = jnp.concatenate(
        [edge_index[0].astype(jnp.int32),
         jnp.zeros((ep - e,), jnp.int32)]).reshape(ep // K, K)
    dstp = jnp.concatenate(
        [edge_index[1].astype(jnp.int32),
         jnp.full((ep - e,), n, jnp.int32)]).reshape(ep // K, K)
    bpad = jnp.full((1, npad), G, jnp.int32).at[0, :n].set(
        batch.astype(jnp.int32))

    zeros_w = jnp.zeros((npad // N_SUB, H), jnp.float32)
    ones_w = jnp.ones((K, H), jnp.float32)

    w2p = jnp.zeros((H, H), jnp.float32).at[:, :Wm2.shape[1]].set(Wm2)
    b2p = jnp.zeros((1, H), jnp.float32).at[0, :Wm2.shape[1]].set(bm2)
    w3p = jnp.zeros((H, H), jnp.float32).at[:Wm3.shape[0], 0].set(Wm3[:, 0])
    b3p = jnp.zeros((1, H), jnp.float32).at[0, 0].set(bm3[0])
    w1p = Wm1
    b1p = bm1.reshape(1, H)

    params = [(rm[i].reshape(1, H), rv[i].reshape(1, H),
               gamma[i].reshape(1, H), beta[i].reshape(1, H),
               bc[i].reshape(1, H)) for i in range(3)]

    grid = (npad // BM,)

    degp = _deg_kernel(npad, ch)(dstp, ones_w, zeros_w)
    d0, d1 = degp[0], degp[1]

    y = pl.pallas_call(
        _t0_body,
        grid=grid,
        in_specs=[_row_spec(f), _full_spec(f, H), _row_spec(H), _row_spec(H)],
        out_specs=_row_spec(H),
        out_shape=jax.ShapeDtypeStruct((npad, H), jnp.float32),
    )(xp, Wc[0], d0, d1)

    for i in range(2):
        part = _scatter_kernel(npad, ch0, ch1)(y, srcp, dstp, zeros_w)
        rm_i, rv_i, ga_i, be_i, bc_i = params[i]
        y = pl.pallas_call(
            _tmid_body,
            grid=grid,
            in_specs=[_row_spec(H), _row_spec(H), _row_spec(H),
                      _row_spec(H), _row_spec(H), _full_spec(H, H),
                      _full_spec(1, H), _full_spec(1, H), _full_spec(1, H),
                      _full_spec(1, H), _full_spec(1, H)],
            out_specs=_row_spec(H),
            out_shape=jax.ShapeDtypeStruct((npad, H), jnp.float32),
        )(part[0], part[1], y, d0, d1, Wc[i + 1],
          rm_i, rv_i, ga_i, be_i, bc_i)

    part = _scatter_kernel(npad, ch0, ch1)(y, srcp, dstp, zeros_w)
    rm_i, rv_i, ga_i, be_i, bc_i = params[2]
    out = pl.pallas_call(
        _tfin_body,
        grid=grid,
        in_specs=[_row_spec(H), _row_spec(H), _row_spec(H),
                  _row_spec(H), _row_spec(H),
                  pl.BlockSpec((1, BM), lambda i: (0, i)),
                  _full_spec(1, H), _full_spec(1, H), _full_spec(1, H),
                  _full_spec(1, H), _full_spec(1, H),
                  _full_spec(H, H), _full_spec(1, H), _full_spec(H, H),
                  _full_spec(1, H), _full_spec(H, H), _full_spec(1, H)],
        out_specs=_full_spec(G, H),
        out_shape=jax.ShapeDtypeStruct((G, H), jnp.float32),
        scratch_shapes=[pltpu.VMEM((G, H), jnp.float32),
                        pltpu.VMEM((G, H), jnp.float32)],
    )(part[0], part[1], y, d0, d1, bpad,
      rm_i, rv_i, ga_i, be_i, bc_i,
      w1p, b1p, w2p, b2p, w3p, b3p)

    return out[:, 0]

# --- scband reference (transcript-rebuilt; emitter-appended) ---
"""Pipeline reference for scband-power-estimation-gnn-2568390443008 (READ-ONLY COPY).

The authoritative reference and input builder live on the scoring server;
editing this copy changes nothing except your own understanding.
"""

import jax, jax.numpy as jnp
import numpy as np

N = 10000
E = 320000
F = 128
H = 128
G = 8

def setup_inputs(seed: int = 0) -> dict:
    key = jax.random.key(seed)
    ks = jax.random.split(key, 12)
    x = jax.random.normal(ks[0], (N, F), dtype=jnp.float32)
    edge_index = jax.random.randint(ks[1], (2, E), 0, N)
    batch = jnp.sort(jax.random.randint(ks[2], (N,), 0, G))
    Wc = jax.random.normal(ks[3], (3, H, H), dtype=jnp.float32) * 0.05
    bc = jnp.zeros((3, H), dtype=jnp.float32)
    gamma = jnp.ones((3, H), dtype=jnp.float32)
    beta = jnp.zeros((3, H), dtype=jnp.float32)
    rm = jnp.zeros((3, H), dtype=jnp.float32)
    rv = jnp.ones((3, H), dtype=jnp.float32)
    Wm1 = jax.random.normal(ks[4], (H, H), dtype=jnp.float32) * 0.05
    bm1 = jnp.zeros((H,), dtype=jnp.float32)
    Wm2 = jax.random.normal(ks[5], (H, H // 2), dtype=jnp.float32) * 0.05
    bm2 = jnp.zeros((H // 2,), dtype=jnp.float32)
    Wm3 = jax.random.normal(ks[6], (H // 2, 1), dtype=jnp.float32) * 0.05
    bm3 = jnp.zeros((1,), dtype=jnp.float32)
    return {"x": x, "edge_index": edge_index, "batch": batch, "Wc": Wc, "bc": bc,
            "gamma": gamma, "beta": beta, "rm": rm, "rv": rv,
            "Wm1": Wm1, "bm1": bm1, "Wm2": Wm2, "bm2": bm2, "Wm3": Wm3, "bm3": bm3}

def reference(x, edge_index, batch, Wc, bc, gamma, beta, rm, rv, Wm1, bm1, Wm2, bm2, Wm3, bm3):
    n = x.shape[0]
    src = edge_index[0]
    dst = edge_index[1]
    # GCN normalization with self-loops: deg_hat = deg + 1
    deg = jnp.zeros((n,), dtype=jnp.float32).at[dst].add(1.0) + 1.0
    dinv = jax.lax.rsqrt(deg)
    enorm = dinv[src] * dinv[dst]
    snorm = dinv * dinv
    h = x
    for i in range(3):
        h = h @ Wc[i]
        agg = jnp.zeros_like(h).at[dst].add(h[src] * enorm[:, None])
        agg = agg + h * snorm[:, None] + bc[i]
        # BatchNorm1d in eval mode (running stats)
        hb = (agg - rm[i]) * jax.lax.rsqrt(rv[i] + 1e-5) * gamma[i] + beta[i]
        h = jax.nn.relu(hb)
        # dropout is identity in eval mode
    # global mean pool over graphs
    sums = jax.ops.segment_sum(h, batch, num_segments=G)
    counts = jax.ops.segment_sum(jnp.ones((n,), dtype=jnp.float32), batch, num_segments=G)
    pooled = sums / jnp.maximum(counts, 1.0)[:, None]
    z = jax.nn.relu(pooled @ Wm1 + bm1)
    z = jax.nn.relu(z @ Wm2 + bm2)
    z = z @ Wm3 + bm3
    return jnp.squeeze(z, -1)

if __name__ == "__main__":
    import jax
    _d = setup_inputs()
    print(jax.jit(kernel)(*tuple(_d.values())))

</pallas_src>

<mosaic_0001>
#map = affine_map<(d0, d1) -> (0, 0)>
#map1 = affine_map<(d0, d1) -> (0, 0, 0)>
module attributes {stable_mosaic.version = 14 : i64} {
  func.func @deg(%arg0: i32, %arg1: i32, %arg2: memref<2560x128xi32, #tpu.memory_space<hbm>>, %arg3: memref<128x128xf32, #tpu.memory_space<hbm>>, %arg4: memref<640x128xf32, #tpu.memory_space<hbm>>, %arg5: memref<2x10240x128xf32, #tpu.memory_space<hbm>>, %arg6: memref<80x128xi32, #tpu.memory_space<vmem>>, %arg7: memref<128x128xf32, #tpu.memory_space<vmem>>, %arg8: memref<10240x128xf32, #tpu.memory_space<vmem_shared>>, %arg9: memref<!tpu.dma_semaphore, #tpu.memory_space<semaphore_mem>>, %arg10: memref<!tpu.dma_semaphore, #tpu.memory_space<semaphore_mem>>) attributes {dimension_semantics = [#tpu.dimension_semantics<core_parallel>, #tpu.dimension_semantics<subcore_parallel>], iteration_bounds = array<i64: 2, 16>, scalar_prefetch = 0 : i64, scratch_operands = 5 : i64, tpu.core_type = #tpu.core_type<sc_vector_subcore>, window_params = [{transform_indices = #map}, {transform_indices = #map}, {transform_indices = #map}, {transform_indices = #map1}]} {
    %mul3A = arith.constant 16 : i32
    %mul3A_0 = arith.muli %arg0, %mul3A : i32
    %add3A = arith.addi %mul3A_0, %arg1 : i32
    "tpu.region"() ({
      %run_scoped3A = tpu.sem_alloc : memref<!tpu.dma_semaphore, #tpu.memory_space<semaphore_mem>>
      tpu.enqueue_dma source(%arg3 : memref<128x128xf32, #tpu.memory_space<hbm>>) target(%arg7 : memref<128x128xf32, #tpu.memory_space<vmem>>) target_semaphore(%run_scoped3A : memref<!tpu.dma_semaphore, #tpu.memory_space<semaphore_mem>>)
      tpu.wait_dma2 semaphore(%run_scoped3A : memref<!tpu.dma_semaphore, #tpu.memory_space<semaphore_mem>>) src(%arg3 : memref<128x128xf32, #tpu.memory_space<hbm>>) dst(%arg7 : memref<128x128xf32, #tpu.memory_space<vmem>>)
      tpu.yield
    }) : () -> ()
    %mul3A_1 = arith.constant 80 : i32
    %mul3A_2 = arith.muli %add3A, %mul3A_1 : i32
    "tpu.region"() ({
      %run_scoped3A = tpu.sem_alloc : memref<!tpu.dma_semaphore, #tpu.memory_space<semaphore_mem>>
      %dma_start3A = arith.constant 0 : i32
      %dma_start3A_28 = tpu.memref_slice %arg2[%mul3A_2, %dma_start3A] : memref<2560x128xi32, #tpu.memory_space<hbm>> -> memref<80x128xi32, #tpu.memory_space<hbm>>
      %dma_start3A_29 = arith.constant 0 : i32
      %dma_start3A_30 = tpu.memref_slice %arg2[%mul3A_2, %dma_start3A_29] : memref<2560x128xi32, #tpu.memory_space<hbm>> -> memref<80x128xi32, #tpu.memory_space<hbm>>
      tpu.enqueue_dma source(%dma_start3A_30 : memref<80x128xi32, #tpu.memory_space<hbm>>) target(%arg6 : memref<80x128xi32, #tpu.memory_space<vmem>>) target_semaphore(%run_scoped3A : memref<!tpu.dma_semaphore, #tpu.memory_space<semaphore_mem>>)
      %dma_wait3A_31 = arith.constant 0 : i32
      %dma_wait3A_32 = tpu.memref_slice %arg2[%mul3A_2, %dma_wait3A_31] : memref<2560x128xi32, #tpu.memory_space<hbm>> -> memref<80x128xi32, #tpu.memory_space<hbm>>
      %dma_wait3A_33 = arith.constant 0 : i32
      %dma_wait3A_34 = tpu.memref_slice %arg2[%mul3A_2, %dma_wait3A_33] : memref<2560x128xi32, #tpu.memory_space<hbm>> -> memref<80x128xi32, #tpu.memory_space<hbm>>
      tpu.wait_dma2 semaphore(%run_scoped3A : memref<!tpu.dma_semaphore, #tpu.memory_space<semaphore_mem>>) src(%dma_wait3A_34 : memref<80x128xi32, #tpu.memory_space<hbm>>) dst(%arg6 : memref<80x128xi32, #tpu.memory_space<vmem>>)
      tpu.yield
    }) : () -> ()
    %mul3A_3 = arith.constant 640 : i32
    %mul3A_4 = arith.muli %arg1, %mul3A_3 : i32
    "tpu.region"() ({
      %run_scoped3A = tpu.sem_alloc : memref<!tpu.dma_semaphore, #tpu.memory_space<semaphore_mem>>
      %dma_start3A = arith.constant 0 : i32
      %dma_start3A_28 = tpu.memref_slice %arg8[%mul3A_4, %dma_start3A] : memref<10240x128xf32, #tpu.memory_space<vmem_shared>> -> memref<640x128xf32, #tpu.memory_space<vmem_shared>>
      tpu.enqueue_dma source(%arg4 : memref<640x128xf32, #tpu.memory_space<hbm>>) target(%dma_start3A_28 : memref<640x128xf32, #tpu.memory_space<vmem_shared>>) target_semaphore(%run_scoped3A : memref<!tpu.dma_semaphore, #tpu.memory_space<semaphore_mem>>)
      %dma_wait3A_29 = arith.constant 0 : i32
      %dma_wait3A_30 = tpu.memref_slice %arg8[%mul3A_4, %dma_wait3A_29] : memref<10240x128xf32, #tpu.memory_space<vmem_shared>> -> memref<640x128xf32, #tpu.memory_space<vmem_shared>>
      tpu.wait_dma2 semaphore(%run_scoped3A : memref<!tpu.dma_semaphore, #tpu.memory_space<semaphore_mem>>) src(%arg4 : memref<640x128xf32, #tpu.memory_space<hbm>>) dst(%dma_wait3A_30 : memref<640x128xf32, #tpu.memory_space<vmem_shared>>)
      tpu.yield
    }) : () -> ()
    %barrier3A = arith.constant 0 : index
    tpu.barrier barrier_id(%barrier3A)
    %scan3A = arith.constant 0 : i32
    %scan3A_5 = arith.constant 0 : i32
    %scan3A_6 = arith.constant 40 : i32
    %scan3A_7 = arith.addi %scan3A_5, %scan3A_6 : i32
    %scan3A_8 = arith.constant 1 : i32
    scf.for %scan3A_28 = %scan3A_5 to %scan3A_7 step %scan3A_8  : i32 {
      %mul3A_29 = arith.constant 2 : i32
      %mul3A_30 = arith.muli %scan3A_28, %mul3A_29 : i32
      %add3A_31 = arith.constant 0 : i32
      %add3A_32 = arith.addi %mul3A_30, %add3A_31 : i32
      %ge3A = arith.constant 2 : i32
      %ge3A_33 = arith.cmpi sge, %add3A_32, %ge3A : i32
      %convert_element_type3A = arith.extui %ge3A_33 : i1 to i32
      %cond3A = arith.constant 0 : i32
      %cond3A_34 = arith.cmpi ne, %convert_element_type3A, %cond3A : i32
      scf.if %cond3A_34 {
        %dma_wait3A_55 = arith.constant 0 : i32
        %dma_wait3A_56 = arith.constant 0 : i32
        %dma_wait3A_57 = tpu.memref_slice %arg6[%dma_wait3A_55, %dma_wait3A_56] : memref<80x128xi32, #tpu.memory_space<vmem>> -> memref<1x128xi32, #tpu.memory_space<vmem>>
        %dma_wait3A_58 = tpu.memref_squeeze %dma_wait3A_57 : memref<1x128xi32, #tpu.memory_space<vmem>> -> memref<128xi32, #tpu.memory_space<vmem>>
        %dma_wait3A_59 = arith.constant 0 : i32
        %dma_wait3A_60 = arith.constant 0 : i32
        %dma_wait3A_61 = tpu.memref_slice %arg8[%dma_wait3A_59, %dma_wait3A_60] : memref<10240x128xf32, #tpu.memory_space<vmem_shared>> -> memref<10240x128xf32, #tpu.memory_space<vmem_shared>>
        tpu.wait_indirect_dma semaphore(%arg9 : memref<!tpu.dma_semaphore, #tpu.memory_space<semaphore_mem>>) src(%arg7 : memref<128x128xf32, #tpu.memory_space<vmem>>) dst(%dma_wait3A_61 : memref<10240x128xf32, #tpu.memory_space<vmem_shared>>)
      } else {
      }
      %dma_start3A = arith.constant 0 : i32
      %dma_start3A_35 = tpu.memref_slice %arg6[%add3A_32, %dma_start3A] : memref<80x128xi32, #tpu.memory_space<vmem>> -> memref<1x128xi32, #tpu.memory_space<vmem>>
      %dma_start3A_36 = tpu.memref_squeeze %dma_start3A_35 : memref<1x128xi32, #tpu.memory_space<vmem>> -> memref<128xi32, #tpu.memory_space<vmem>>
      %dma_start3A_37 = arith.constant 0 : i32
      %dma_start3A_38 = arith.constant 0 : i32
      %dma_start3A_39 = tpu.memref_slice %arg8[%dma_start3A_37, %dma_start3A_38] : memref<10240x128xf32, #tpu.memory_space<vmem_shared>> -> memref<10240x128xf32, #tpu.memory_space<vmem_shared>>
      tpu.enqueue_indirect_dma source(%arg7 : memref<128x128xf32, #tpu.memory_space<vmem>>) target(%dma_start3A_39 : memref<10240x128xf32, #tpu.memory_space<vmem_shared>>) offsets(%dma_start3A_36 : memref<128xi32, #tpu.memory_space<vmem>>) semaphore(%arg9 : memref<!tpu.dma_semaphore, #tpu.memory_space<semaphore_mem>>) {add = true}
      %mul3A_40 = arith.constant 2 : i32
      %mul3A_41 = arith.muli %scan3A_28, %mul3A_40 : i32
      %add3A_42 = arith.constant 1 : i32
      %add3A_43 = arith.addi %mul3A_41, %add3A_42 : i32
      %ge3A_44 = arith.constant 2 : i32
      %ge3A_45 = arith.cmpi sge, %add3A_43, %ge3A_44 : i32
      %convert_element_type3A_46 = arith.extui %ge3A_45 : i1 to i32
      %cond3A_47 = arith.constant 0 : i32
      %cond3A_48 = arith.cmpi ne, %convert_element_type3A_46, %cond3A_47 : i32
      scf.if %cond3A_48 {
        %dma_wait3A_55 = arith.constant 0 : i32
        %dma_wait3A_56 = arith.constant 0 : i32
        %dma_wait3A_57 = tpu.memref_slice %arg6[%dma_wait3A_55, %dma_wait3A_56] : memref<80x128xi32, #tpu.memory_space<vmem>> -> memref<1x128xi32, #tpu.memory_space<vmem>>
        %dma_wait3A_58 = tpu.memref_squeeze %dma_wait3A_57 : memref<1x128xi32, #tpu.memory_space<vmem>> -> memref<128xi32, #tpu.memory_space<vmem>>
        %dma_wait3A_59 = arith.constant 0 : i32
        %dma_wait3A_60 = arith.constant 0 : i32
        %dma_wait3A_61 = tpu.memref_slice %arg8[%dma_wait3A_59, %dma_wait3A_60] : memref<10240x128xf32, #tpu.memory_space<vmem_shared>> -> memref<10240x128xf32, #tpu.memory_space<vmem_shared>>
        tpu.wait_indirect_dma semaphore(%arg10 : memref<!tpu.dma_semaphore, #tpu.memory_space<semaphore_mem>>) src(%arg7 : memref<128x128xf32, #tpu.memory_space<vmem>>) dst(%dma_wait3A_61 : memref<10240x128xf32, #tpu.memory_space<vmem_shared>>)
      } else {
      }
      %dma_start3A_49 = arith.constant 0 : i32
      %dma_start3A_50 = tpu.memref_slice %arg6[%add3A_43, %dma_start3A_49] : memref<80x128xi32, #tpu.memory_space<vmem>> -> memref<1x128xi32, #tpu.memory_space<vmem>>
      %dma_start3A_51 = tpu.memref_squeeze %dma_start3A_50 : memref<1x128xi32, #tpu.memory_space<vmem>> -> memref<128xi32, #tpu.memory_space<vmem>>
      %dma_start3A_52 = arith.constant 0 : i32
      %dma_start3A_53 = arith.constant 0 : i32
      %dma_start3A_54 = tpu.memref_slice %arg8[%dma_start3A_52, %dma_start3A_53] : memref<10240x128xf32, #tpu.memory_space<vmem_shared>> -> memref<10240x128xf32, #tpu.memory_space<vmem_shared>>
      tpu.enqueue_indirect_dma source(%arg7 : memref<128x128xf32, #tpu.memory_space<vmem>>) target(%dma_start3A_54 : memref<10240x128xf32, #tpu.memory_space<vmem_shared>>) offsets(%dma_start3A_51 : memref<128xi32, #tpu.memory_space<vmem>>) semaphore(%arg10 : memref<!tpu.dma_semaphore, #tpu.memory_space<semaphore_mem>>) {add = true}
    }
    %scan3A_9 = arith.constant 40 : i32
    %dma_wait3A = arith.constant 0 : i32
    %dma_wait3A_10 = arith.constant 0 : i32
    %dma_wait3A_11 = tpu.memref_slice %arg6[%dma_wait3A, %dma_wait3A_10] : memref<80x128xi32, #tpu.memory_space<vmem>> -> memref<1x128xi32, #tpu.memory_space<vmem>>
    %dma_wait3A_12 = tpu.memref_squeeze %dma_wait3A_11 : memref<1x128xi32, #tpu.memory_space<vmem>> -> memref<128xi32, #tpu.memory_space<vmem>>
    %dma_wait3A_13 = arith.constant 0 : i32
    %dma_wait3A_14 = arith.constant 0 : i32
    %dma_wait3A_15 = tpu.memref_slice %arg8[%dma_wait3A_13, %dma_wait3A_14] : memref<10240x128xf32, #tpu.memory_space<vmem_shared>> -> memref<10240x128xf32, #tpu.memory_space<vmem_shared>>
    tpu.wait_indirect_dma semaphore(%arg9 : memref<!tpu.dma_semaphore, #tpu.memory_space<semaphore_mem>>) src(%arg7 : memref<128x128xf32, #tpu.memory_space<vmem>>) dst(%dma_wait3A_15 : memref<10240x128xf32, #tpu.memory_space<vmem_shared>>)
    %dma_wait3A_16 = arith.constant 0 : i32
    %dma_wait3A_17 = arith.constant 0 : i32
    %dma_wait3A_18 = tpu.memref_slice %arg6[%dma_wait3A_16, %dma_wait3A_17] : memref<80x128xi32, #tpu.memory_space<vmem>> -> memref<1x128xi32, #tpu.memory_space<vmem>>
    %dma_wait3A_19 = tpu.memref_squeeze %dma_wait3A_18 : memref<1x128xi32, #tpu.memory_space<vmem>> -> memref<128xi32, #tpu.memory_space<vmem>>
    %dma_wait3A_20 = arith.constant 0 : i32
    %dma_wait3A_21 = arith.constant 0 : i32
    %dma_wait3A_22 = tpu.memref_slice %arg8[%dma_wait3A_20, %dma_wait3A_21] : memref<10240x128xf32, #tpu.memory_space<vmem_shared>> -> memref<10240x128xf32, #tpu.memory_space<vmem_shared>>
    tpu.wait_indirect_dma semaphore(%arg10 : memref<!tpu.dma_semaphore, #tpu.memory_space<semaphore_mem>>) src(%arg7 : memref<128x128xf32, #tpu.memory_space<vmem>>) dst(%dma_wait3A_22 : memref<10240x128xf32, #tpu.memory_space<vmem_shared>>)
    %barrier3A_23 = arith.constant 0 : index
    tpu.barrier barrier_id(%barrier3A_23)
    %mul3A_24 = arith.constant 640 : i32
    %mul3A_25 = arith.muli %arg1, %mul3A_24 : i32
    %mul3A_26 = arith.constant 640 : i32
    %mul3A_27 = arith.muli %arg1, %mul3A_26 : i32
    "tpu.region"() ({
      %run_scoped3A = tpu.sem_alloc : memref<!tpu.dma_semaphore, #tpu.memory_space<semaphore_mem>>
      %dma_start3A = arith.constant 0 : i32
      %dma_start3A_28 = tpu.memref_slice %arg5[%arg0, %mul3A_27, %dma_start3A] : memref<2x10240x128xf32, #tpu.memory_space<hbm>> -> memref<1x640x128xf32, #tpu.memory_space<hbm>>
      %dma_start3A_29 = tpu.memref_squeeze %dma_start3A_28 : memref<1x640x128xf32, #tpu.memory_space<hbm>> -> memref<640x128xf32, #tpu.memory_space<hbm>>
      %dma_start3A_30 = arith.constant 0 : i32
      %dma_start3A_31 = tpu.memref_slice %arg8[%mul3A_25, %dma_start3A_30] : memref<10240x128xf32, #tpu.memory_space<vmem_shared>> -> memref<640x128xf32, #tpu.memory_space<vmem_shared>>
      tpu.enqueue_dma source(%dma_start3A_31 : memref<640x128xf32, #tpu.memory_space<vmem_shared>>) target(%dma_start3A_29 : memref<640x128xf32, #tpu.memory_space<hbm>>) target_semaphore(%run_scoped3A : memref<!tpu.dma_semaphore, #tpu.memory_space<semaphore_mem>>)
      %dma_wait3A_32 = arith.constant 0 : i32
      %dma_wait3A_33 = tpu.memref_slice %arg5[%arg0, %mul3A_27, %dma_wait3A_32] : memref<2x10240x128xf32, #tpu.memory_space<hbm>> -> memref<1x640x128xf32, #tpu.memory_space<hbm>>
      %dma_wait3A_34 = tpu.memref_squeeze %dma_wait3A_33 : memref<1x640x128xf32, #tpu.memory_space<hbm>> -> memref<640x128xf32, #tpu.memory_space<hbm>>
      %dma_wait3A_35 = arith.constant 0 : i32
      %dma_wait3A_36 = tpu.memref_slice %arg8[%mul3A_25, %dma_wait3A_35] : memref<10240x128xf32, #tpu.memory_space<vmem_shared>> -> memref<640x128xf32, #tpu.memory_space<vmem_shared>>
      tpu.wait_dma2 semaphore(%run_scoped3A : memref<!tpu.dma_semaphore, #tpu.memory_space<semaphore_mem>>) src(%dma_wait3A_36 : memref<640x128xf32, #tpu.memory_space<vmem_shared>>) dst(%dma_wait3A_34 : memref<640x128xf32, #tpu.memory_space<hbm>>)
      tpu.yield
    }) : () -> ()
    return
  }
}

#map = affine_map<(d0, d1) -> (0, 0)>
#map1 = affine_map<(d0, d1) -> (0, 0, 0)>
module attributes {stable_mosaic.version = 14 : i64} {
  func.func @scat(%arg0: i32, %arg1: i32, %arg2: memref<10240x128xf32, #tpu.memory_space<hbm>>, %arg3: memref<2560x128xi32, #tpu.memory_space<hbm>>, %arg4: memref<2560x128xi32, #tpu.memory_space<hbm>>, %arg5: memref<640x128xf32, #tpu.memory_space<hbm>>, %arg6: memref<2x10240x128xf32, #tpu.memory_space<hbm>>, %arg7: memref<2x2x128xi32, #tpu.memory_space<vmem>>, %arg8: memref<2x2x128xi32, #tpu.memory_space<vmem>>, %arg9: memref<128x128xf32, #tpu.memory_space<vmem>>, %arg10: memref<128x128xf32, #tpu.memory_space<vmem>>, %arg11: memref<10240x128xf32, #tpu.memory_space<vmem_shared>>, %arg12: memref<!tpu.dma_semaphore, #tpu.memory_space<semaphore_mem>>, %arg13: memref<!tpu.dma_semaphore, #tpu.memory_space<semaphore_mem>>, %arg14: memref<!tpu.dma_semaphore, #tpu.memory_space<semaphore_mem>>, %arg15: memref<!tpu.dma_semaphore, #tpu.memory_space<semaphore_mem>>, %arg16: memref<!tpu.dma_semaphore, #tpu.memory_space<semaphore_mem>>, %arg17: memref<!tpu.dma_semaphore, #tpu.memory_space<semaphore_mem>>, %arg18: memref<!tpu.dma_semaphore, #tpu.memory_space<semaphore_mem>>, %arg19: memref<!tpu.dma_semaphore, #tpu.memory_space<semaphore_mem>>) attributes {dimension_semantics = [#tpu.dimension_semantics<core_parallel>, #tpu.dimension_semantics<subcore_parallel>], iteration_bounds = array<i64: 2, 16>, scalar_prefetch = 0 : i64, scratch_operands = 13 : i64, tpu.core_type = #tpu.core_type<sc_vector_subcore>, window_params = [{transform_indices = #map}, {transform_indices = #map}, {transform_indices = #map}, {transform_indices = #map}, {transform_indices = #map1}]} {
    %eq3A = arith.constant 0 : i32
    %eq3A_0 = arith.cmpi eq, %arg0, %eq3A : i32
    %mul3A = arith.constant 160 : i32
    %mul3A_1 = arith.muli %arg1, %mul3A : i32
    %mul3A_2 = arith.constant 0 : i32
    %mul3A_3 = arith.muli %arg1, %mul3A_2 : i32
    %add3A = arith.constant 2560 : i32
    %add3A_4 = arith.addi %add3A, %mul3A_3 : i32
    %select_n3A = arith.select %eq3A_0, %mul3A_1, %add3A_4 : i32
    %eq3A_5 = arith.constant 0 : i32
    %eq3A_6 = arith.cmpi eq, %arg0, %eq3A_5 : i32
    %jit3A = arith.constant 80 : i32
    %jit3A_7 = arith.constant 0 : i32
    %select_n3A_8 = arith.select %eq3A_6, %jit3A, %jit3A_7 : i32
    %mul3A_9 = arith.constant 640 : i32
    %mul3A_10 = arith.muli %arg1, %mul3A_9 : i32
    "tpu.region"() ({
      %run_scoped3A = tpu.sem_alloc : memref<!tpu.dma_semaphore, #tpu.memory_space<semaphore_mem>>
      %dma_start3A = arith.constant 0 : i32
      %dma_start3A_28 = tpu.memref_slice %arg11[%mul3A_10, %dma_start3A] : memref<10240x128xf32, #tpu.memory_space<vmem_shared>> -> memref<640x128xf32, #tpu.memory_space<vmem_shared>>
      tpu.enqueue_dma source(%arg5 : memref<640x128xf32, #tpu.memory_space<hbm>>) target(%dma_start3A_28 : memref<640x128xf32, #tpu.memory_space<vmem_shared>>) target_semaphore(%run_scoped3A : memref<!tpu.dma_semaphore, #tpu.memory_space<semaphore_mem>>)
      %dma_wait3A = arith.constant 0 : i32
      %dma_wait3A_29 = tpu.memref_slice %arg11[%mul3A_10, %dma_wait3A] : memref<10240x128xf32, #tpu.memory_space<vmem_shared>> -> memref<640x128xf32, #tpu.memory_space<vmem_shared>>
      tpu.wait_dma2 semaphore(%run_scoped3A : memref<!tpu.dma_semaphore, #tpu.memory_space<semaphore_mem>>) src(%arg5 : memref<640x128xf32, #tpu.memory_space<hbm>>) dst(%dma_wait3A_29 : memref<640x128xf32, #tpu.memory_space<vmem_shared>>)
      tpu.yield
    }) : () -> ()
    %gt3A = arith.constant 0 : i32
    %gt3A_11 = arith.cmpi sgt, %select_n3A_8, %gt3A : i32
    %convert_element_type3A = arith.extui %gt3A_11 : i1 to i32
    %cond3A = arith.constant 0 : i32
    %cond3A_12 = arith.cmpi ne, %convert_element_type3A, %cond3A : i32
    scf.if %cond3A_12 {
      %run_scoped3A = arith.constant 0 : i32
      "tpu.region"() ({
        %run_scoped3A_74 = tpu.sem_alloc : memref<!tpu.dma_semaphore, #tpu.memory_space<semaphore_mem>>
        %dma_start3A_75 = arith.constant 0 : i32
        %dma_start3A_76 = arith.constant 0 : i32
        %dma_start3A_77 = tpu.memref_slice %arg7[%run_scoped3A, %dma_start3A_75, %dma_start3A_76] : memref<2x2x128xi32, #tpu.memory_space<vmem>> -> memref<1x2x128xi32, #tpu.memory_space<vmem>>
        %dma_start3A_78 = tpu.memref_squeeze %dma_start3A_77 : memref<1x2x128xi32, #tpu.memory_space<vmem>> -> memref<2x128xi32, #tpu.memory_space<vmem>>
        %dma_start3A_79 = arith.constant 0 : i32
        %dma_start3A_80 = tpu.memref_slice %arg3[%select_n3A, %dma_start3A_79] : memref<2560x128xi32, #tpu.memory_space<hbm>> -> memref<2x128xi32, #tpu.memory_space<hbm>>
        %dma_start3A_81 = arith.constant 0 : i32
        %dma_start3A_82 = arith.constant 0 : i32
        %dma_start3A_83 = tpu.memref_slice %arg7[%run_scoped3A, %dma_start3A_81, %dma_start3A_82] : memref<2x2x128xi32, #tpu.memory_space<vmem>> -> memref<1x2x128xi32, #tpu.memory_space<vmem>>
        %dma_start3A_84 = tpu.memref_squeeze %dma_start3A_83 : memref<1x2x128xi32, #tpu.memory_space<vmem>> -> memref<2x128xi32, #tpu.memory_space<vmem>>
        %dma_start3A_85 = arith.constant 0 : i32
        %dma_start3A_86 = tpu.memref_slice %arg3[%select_n3A, %dma_start3A_85] : memref<2560x128xi32, #tpu.memory_space<hbm>> -> memref<2x128xi32, #tpu.memory_space<hbm>>
        tpu.enqueue_dma source(%dma_start3A_86 : memref<2x128xi32, #tpu.memory_space<hbm>>) target(%dma_start3A_84 : memref<2x128xi32, #tpu.memory_space<vmem>>) target_semaphore(%run_scoped3A_74 : memref<!tpu.dma_semaphore, #tpu.memory_space<semaphore_mem>>)
        %dma_wait3A = arith.constant 0 : i32
        %dma_wait3A_87 = arith.constant 0 : i32
        %dma_wait3A_88 = tpu.memref_slice %arg7[%run_scoped3A, %dma_wait3A, %dma_wait3A_87] : memref<2x2x128xi32, #tpu.memory_space<vmem>> -> memref<1x2x128xi32, #tpu.memory_space<vmem>>
        %dma_wait3A_89 = tpu.memref_squeeze %dma_wait3A_88 : memref<1x2x128xi32, #tpu.memory_space<vmem>> -> memref<2x128xi32, #tpu.memory_space<vmem>>
        %dma_wait3A_90 = arith.constant 0 : i32
        %dma_wait3A_91 = tpu.memref_slice %arg3[%select_n3A, %dma_wait3A_90] : memref<2560x128xi32, #tpu.memory_space<hbm>> -> memref<2x128xi32, #tpu.memory_space<hbm>>
        %dma_wait3A_92 = arith.constant 0 : i32
        %dma_wait3A_93 = arith.constant 0 : i32
        %dma_wait3A_94 = tpu.memref_slice %arg7[%run_scoped3A, %dma_wait3A_92, %dma_wait3A_93] : memref<2x2x128xi32, #tpu.memory_space<vmem>> -> memref<1x2x128xi32, #tpu.memory_space<vmem>>
        %dma_wait3A_95 = tpu.memref_squeeze %dma_wait3A_94 : memref<1x2x128xi32, #tpu.memory_space<vmem>> -> memref<2x128xi32, #tpu.memory_space<vmem>>
        %dma_wait3A_96 = arith.constant 0 : i32
        %dma_wait3A_97 = tpu.memref_slice %arg3[%select_n3A, %dma_wait3A_96] : memref<2560x128xi32, #tpu.memory_space<hbm>> -> memref<2x128xi32, #tpu.memory_space<hbm>>
        tpu.wait_dma2 semaphore(%run_scoped3A_74 : memref<!tpu.dma_semaphore, #tpu.memory_space<semaphore_mem>>) src(%dma_wait3A_97 : memref<2x128xi32, #tpu.memory_space<hbm>>) dst(%dma_wait3A_95 : memref<2x128xi32, #tpu.memory_space<vmem>>)
        tpu.yield
      }) : () -> ()
      %run_scoped3A_28 = arith.constant 0 : i32
      "tpu.region"() ({
        %run_scoped3A_74 = tpu.sem_alloc : memref<!tpu.dma_semaphore, #tpu.memory_space<semaphore_mem>>
        %dma_start3A_75 = arith.constant 0 : i32
        %dma_start3A_76 = arith.constant 0 : i32
        %dma_start3A_77 = tpu.memref_slice %arg8[%run_scoped3A_28, %dma_start3A_75, %dma_start3A_76] : memref<2x2x128xi32, #tpu.memory_space<vmem>> -> memref<1x2x128xi32, #tpu.memory_space<vmem>>
        %dma_start3A_78 = tpu.memref_squeeze %dma_start3A_77 : memref<1x2x128xi32, #tpu.memory_space<vmem>> -> memref<2x128xi32, #tpu.memory_space<vmem>>
        %dma_start3A_79 = arith.constant 0 : i32
        %dma_start3A_80 = tpu.memref_slice %arg4[%select_n3A, %dma_start3A_79] : memref<2560x128xi32, #tpu.memory_space<hbm>> -> memref<2x128xi32, #tpu.memory_space<hbm>>
        %dma_start3A_81 = arith.constant 0 : i32
        %dma_start3A_82 = arith.constant 0 : i32
        %dma_start3A_83 = tpu.memref_slice %arg8[%run_scoped3A_28, %dma_start3A_81, %dma_start3A_82] : memref<2x2x128xi32, #tpu.memory_space<vmem>> -> memref<1x2x128xi32, #tpu.memory_space<vmem>>
        %dma_start3A_84 = tpu.memref_squeeze %dma_start3A_83 : memref<1x2x128xi32, #tpu.memory_space<vmem>> -> memref<2x128xi32, #tpu.memory_space<vmem>>
        %dma_start3A_85 = arith.constant 0 : i32
        %dma_start3A_86 = tpu.memref_slice %arg4[%select_n3A, %dma_start3A_85] : memref<2560x128xi32, #tpu.memory_space<hbm>> -> memref<2x128xi32, #tpu.memory_space<hbm>>
        tpu.enqueue_dma source(%dma_start3A_86 : memref<2x128xi32, #tpu.memory_space<hbm>>) target(%dma_start3A_84 : memref<2x128xi32, #tpu.memory_space<vmem>>) target_semaphore(%run_scoped3A_74 : memref<!tpu.dma_semaphore, #tpu.memory_space<semaphore_mem>>)
        %dma_wait3A = arith.constant 0 : i32
        %dma_wait3A_87 = arith.constant 0 : i32
        %dma_wait3A_88 = tpu.memref_slice %arg8[%run_scoped3A_28, %dma_wait3A, %dma_wait3A_87] : memref<2x2x128xi32, #tpu.memory_space<vmem>> -> memref<1x2x128xi32, #tpu.memory_space<vmem>>
        %dma_wait3A_89 = tpu.memref_squeeze %dma_wait3A_88 : memref<1x2x128xi32, #tpu.memory_space<vmem>> -> memref<2x128xi32, #tpu.memory_space<vmem>>
        %dma_wait3A_90 = arith.constant 0 : i32
        %dma_wait3A_91 = tpu.memref_slice %arg4[%select_n3A, %dma_wait3A_90] : memref<2560x128xi32, #tpu.memory_space<hbm>> -> memref<2x128xi32, #tpu.memory_space<hbm>>
        %dma_wait3A_92 = arith.constant 0 : i32
        %dma_wait3A_93 = arith.constant 0 : i32
        %dma_wait3A_94 = tpu.memref_slice %arg8[%run_scoped3A_28, %dma_wait3A_92, %dma_wait3A_93] : memref<2x2x128xi32, #tpu.memory_space<vmem>> -> memref<1x2x128xi32, #tpu.memory_space<vmem>>
        %dma_wait3A_95 = tpu.memref_squeeze %dma_wait3A_94 : memref<1x2x128xi32, #tpu.memory_space<vmem>> -> memref<2x128xi32, #tpu.memory_space<vmem>>
        %dma_wait3A_96 = arith.constant 0 : i32
        %dma_wait3A_97 = tpu.memref_slice %arg4[%select_n3A, %dma_wait3A_96] : memref<2560x128xi32, #tpu.memory_space<hbm>> -> memref<2x128xi32, #tpu.memory_space<hbm>>
        tpu.wait_dma2 semaphore(%run_scoped3A_74 : memref<!tpu.dma_semaphore, #tpu.memory_space<semaphore_mem>>) src(%dma_wait3A_97 : memref<2x128xi32, #tpu.memory_space<hbm>>) dst(%dma_wait3A_95 : memref<2x128xi32, #tpu.memory_space<vmem>>)
        tpu.yield
      }) : () -> ()
      %dma_start3A = arith.constant 0 : i32
      %dma_start3A_29 = arith.constant 0 : i32
      %dma_start3A_30 = arith.constant 0 : i32
      %dma_start3A_31 = tpu.memref_slice %arg7[%dma_start3A, %dma_start3A_29, %dma_start3A_30] : memref<2x2x128xi32, #tpu.memory_space<vmem>> -> memref<1x1x128xi32, #tpu.memory_space<vmem>>
      %dma_start3A_32 = tpu.memref_squeeze %dma_start3A_31 : memref<1x1x128xi32, #tpu.memory_space<vmem>> -> memref<128xi32, #tpu.memory_space<vmem>>
      %dma_start3A_33 = arith.constant 0 : i32
      %dma_start3A_34 = arith.constant 0 : i32
      %dma_start3A_35 = tpu.memref_slice %arg2[%dma_start3A_33, %dma_start3A_34] : memref<10240x128xf32, #tpu.memory_space<hbm>> -> memref<10240x128xf32, #tpu.memory_space<hbm>>
      tpu.enqueue_indirect_dma source(%dma_start3A_35 : memref<10240x128xf32, #tpu.memory_space<hbm>>) target(%arg9 : memref<128x128xf32, #tpu.memory_space<vmem>>) offsets(%dma_start3A_32 : memref<128xi32, #tpu.memory_space<vmem>>) semaphore(%arg12 : memref<!tpu.dma_semaphore, #tpu.memory_space<semaphore_mem>>)
      %dma_start3A_36 = arith.constant 0 : i32
      %dma_start3A_37 = arith.constant 1 : i32
      %dma_start3A_38 = arith.constant 0 : i32
      %dma_start3A_39 = tpu.memref_slice %arg7[%dma_start3A_36, %dma_start3A_37, %dma_start3A_38] : memref<2x2x128xi32, #tpu.memory_space<vmem>> -> memref<1x1x128xi32, #tpu.memory_space<vmem>>
      %dma_start3A_40 = tpu.memref_squeeze %dma_start3A_39 : memref<1x1x128xi32, #tpu.memory_space<vmem>> -> memref<128xi32, #tpu.memory_space<vmem>>
      %dma_start3A_41 = arith.constant 0 : i32
      %dma_start3A_42 = arith.constant 0 : i32
      %dma_start3A_43 = tpu.memref_slice %arg2[%dma_start3A_41, %dma_start3A_42] : memref<10240x128xf32, #tpu.memory_space<hbm>> -> memref<10240x128xf32, #tpu.memory_space<hbm>>
      tpu.enqueue_indirect_dma source(%dma_start3A_43 : memref<10240x128xf32, #tpu.memory_space<hbm>>) target(%arg10 : memref<128x128xf32, #tpu.memory_space<vmem>>) offsets(%dma_start3A_40 : memref<128xi32, #tpu.memory_space<vmem>>) semaphore(%arg13 : memref<!tpu.dma_semaphore, #tpu.memory_space<semaphore_mem>>)
      %add3A_44 = arith.constant 2 : i32
      %add3A_45 = arith.addi %select_n3A, %add3A_44 : i32
      %dma_start3A_46 = arith.constant 1 : i32
      %dma_start3A_47 = arith.constant 0 : i32
      %dma_start3A_48 = arith.constant 0 : i32
      %dma_start3A_49 = tpu.memref_slice %arg7[%dma_start3A_46, %dma_start3A_47, %dma_start3A_48] : memref<2x2x128xi32, #tpu.memory_space<vmem>> -> memref<1x2x128xi32, #tpu.memory_space<vmem>>
      %dma_start3A_50 = tpu.memref_squeeze %dma_start3A_49 : memref<1x2x128xi32, #tpu.memory_space<vmem>> -> memref<2x128xi32, #tpu.memory_space<vmem>>
      %dma_start3A_51 = arith.constant 0 : i32
      %dma_start3A_52 = tpu.memref_slice %arg3[%add3A_45, %dma_start3A_51] : memref<2560x128xi32, #tpu.memory_space<hbm>> -> memref<2x128xi32, #tpu.memory_space<hbm>>
      %dma_start3A_53 = arith.constant 0 : i32
      %dma_start3A_54 = arith.constant 0 : i32
      %dma_start3A_55 = tpu.memref_slice %arg7[%dma_start3A_46, %dma_start3A_53, %dma_start3A_54] : memref<2x2x128xi32, #tpu.memory_space<vmem>> -> memref<1x2x128xi32, #tpu.memory_space<vmem>>
      %dma_start3A_56 = tpu.memref_squeeze %dma_start3A_55 : memref<1x2x128xi32, #tpu.memory_space<vmem>> -> memref<2x128xi32, #tpu.memory_space<vmem>>
      %dma_start3A_57 = arith.constant 0 : i32
      %dma_start3A_58 = tpu.memref_slice %arg3[%add3A_45, %dma_start3A_57] : memref<2560x128xi32, #tpu.memory_space<hbm>> -> memref<2x128xi32, #tpu.memory_space<hbm>>
      tpu.enqueue_dma source(%dma_start3A_58 : memref<2x128xi32, #tpu.memory_space<hbm>>) target(%dma_start3A_56 : memref<2x128xi32, #tpu.memory_space<vmem>>) target_semaphore(%arg17 : memref<!tpu.dma_semaphore, #tpu.memory_space<semaphore_mem>>)
      %add3A_59 = arith.constant 2 : i32
      %add3A_60 = arith.addi %select_n3A, %add3A_59 : i32
      %dma_start3A_61 = arith.constant 1 : i32
      %dma_start3A_62 = arith.constant 0 : i32
      %dma_start3A_63 = arith.constant 0 : i32
      %dma_start3A_64 = tpu.memref_slice %arg8[%dma_start3A_61, %dma_start3A_62, %dma_start3A_63] : memref<2x2x128xi32, #tpu.memory_space<vmem>> -> memref<1x2x128xi32, #tpu.memory_space<vmem>>
      %dma_start3A_65 = tpu.memref_squeeze %dma_start3A_64 : memref<1x2x128xi32, #tpu.memory_space<vmem>> -> memref<2x128xi32, #tpu.memory_space<vmem>>
      %dma_start3A_66 = arith.constant 0 : i32
      %dma_start3A_67 = tpu.memref_slice %arg4[%add3A_60, %dma_start3A_66] : memref<2560x128xi32, #tpu.memory_space<hbm>> -> memref<2x128xi32, #tpu.memory_space<hbm>>
      %dma_start3A_68 = arith.constant 0 : i32
      %dma_start3A_69 = arith.constant 0 : i32
      %dma_start3A_70 = tpu.memref_slice %arg8[%dma_start3A_61, %dma_start3A_68, %dma_start3A_69] : memref<2x2x128xi32, #tpu.memory_space<vmem>> -> memref<1x2x128xi32, #tpu.memory_space<vmem>>
      %dma_start3A_71 = tpu.memref_squeeze %dma_start3A_70 : memref<1x2x128xi32, #tpu.memory_space<vmem>> -> memref<2x128xi32, #tpu.memory_space<vmem>>
      %dma_start3A_72 = arith.constant 0 : i32
      %dma_start3A_73 = tpu.memref_slice %arg4[%add3A_60, %dma_start3A_72] : memref<2560x128xi32, #tpu.memory_space<hbm>> -> memref<2x128xi32, #tpu.memory_space<hbm>>
      tpu.enqueue_dma source(%dma_start3A_73 : memref<2x128xi32, #tpu.memory_space<hbm>>) target(%dma_start3A_71 : memref<2x128xi32, #tpu.memory_space<vmem>>) target_semaphore(%arg19 : memref<!tpu.dma_semaphore, #tpu.memory_space<semaphore_mem>>)
    } else {
    }
    %barrier3A = arith.constant 0 : index
    tpu.barrier barrier_id(%barrier3A)
    %div3A = arith.constant 2 : i32
    %div3A_13 = arith.divsi %select_n3A_8, %div3A : i32
    %while3A = arith.constant 0 : i32
    %while3A_14 = arith.constant 0 : i32
    %while3A_15 = arith.subi %div3A_13, %while3A_14 : i32
    %while3A_16 = arith.addi %while3A_14, %while3A_15 : i32
    %while3A_17 = arith.constant 1 : i32
    %while3A_18 = arith.divsi %while3A_15, %while3A_17 : i32
    %while3A_19 = arith.muli %while3A_18, %while3A_17 : i32
    %while3A_20 = arith.addi %while3A_14, %while3A_19 : i32
    %while3A_21 = arith.constant 1 : i32
    scf.for %while3A_28 = %while3A_14 to %while3A_20 step %while3A_21  : i32 {
      %mul3A_29 = arith.constant 2 : i32
      %mul3A_30 = arith.muli %while3A_28, %mul3A_29 : i32
      %add3A_31 = arith.constant 0 : i32
      %add3A_32 = arith.addi %mul3A_30, %add3A_31 : i32
      %dma_wait3A = arith.constant 0 : i32
      %dma_wait3A_33 = arith.constant 0 : i32
      %dma_wait3A_34 = arith.constant 0 : i32
      %dma_wait3A_35 = tpu.memref_slice %arg7[%dma_wait3A, %dma_wait3A_33, %dma_wait3A_34] : memref<2x2x128xi32, #tpu.memory_space<vmem>> -> memref<1x1x128xi32, #tpu.memory_space<vmem>>
      %dma_wait3A_36 = tpu.memref_squeeze %dma_wait3A_35 : memref<1x1x128xi32, #tpu.memory_space<vmem>> -> memref<128xi32, #tpu.memory_space<vmem>>
      %dma_wait3A_37 = arith.constant 0 : i32
      %dma_wait3A_38 = arith.constant 0 : i32
      %dma_wait3A_39 = tpu.memref_slice %arg2[%dma_wait3A_37, %dma_wait3A_38] : memref<10240x128xf32, #tpu.memory_space<hbm>> -> memref<10240x128xf32, #tpu.memory_space<hbm>>
      tpu.wait_indirect_dma semaphore(%arg12 : memref<!tpu.dma_semaphore, #tpu.memory_space<semaphore_mem>>) src(%dma_wait3A_39 : memref<10240x128xf32, #tpu.memory_space<hbm>>) dst(%arg9 : memref<128x128xf32, #tpu.memory_space<vmem>>)
      %dma_start3A = arith.constant 0 : i32
      %dma_start3A_40 = arith.constant 0 : i32
      %dma_start3A_41 = arith.constant 0 : i32
      %dma_start3A_42 = tpu.memref_slice %arg8[%dma_start3A, %dma_start3A_40, %dma_start3A_41] : memref<2x2x128xi32, #tpu.memory_space<vmem>> -> memref<1x1x128xi32, #tpu.memory_space<vmem>>
      %dma_start3A_43 = tpu.memref_squeeze %dma_start3A_42 : memref<1x1x128xi32, #tpu.memory_space<vmem>> -> memref<128xi32, #tpu.memory_space<vmem>>
      %dma_start3A_44 = arith.constant 0 : i32
      %dma_start3A_45 = arith.constant 0 : i32
      %dma_start3A_46 = tpu.memref_slice %arg11[%dma_start3A_44, %dma_start3A_45] : memref<10240x128xf32, #tpu.memory_space<vmem_shared>> -> memref<10240x128xf32, #tpu.memory_space<vmem_shared>>
      tpu.enqueue_indirect_dma source(%arg9 : memref<128x128xf32, #tpu.memory_space<vmem>>) target(%dma_start3A_46 : memref<10240x128xf32, #tpu.memory_space<vmem_shared>>) offsets(%dma_start3A_43 : memref<128xi32, #tpu.memory_space<vmem>>) semaphore(%arg14 : memref<!tpu.dma_semaphore, #tpu.memory_space<semaphore_mem>>) {add = true}
      %dma_wait3A_47 = arith.constant 0 : i32
      %dma_wait3A_48 = arith.constant 0 : i32
      %dma_wait3A_49 = arith.constant 0 : i32
      %dma_wait3A_50 = tpu.memref_slice %arg8[%dma_wait3A_47, %dma_wait3A_48, %dma_wait3A_49] : memref<2x2x128xi32, #tpu.memory_space<vmem>> -> memref<1x1x128xi32, #tpu.memory_space<vmem>>
      %dma_wait3A_51 = tpu.memref_squeeze %dma_wait3A_50 : memref<1x1x128xi32, #tpu.memory_space<vmem>> -> memref<128xi32, #tpu.memory_space<vmem>>
      %dma_wait3A_52 = arith.constant 0 : i32
      %dma_wait3A_53 = arith.constant 0 : i32
      %dma_wait3A_54 = tpu.memref_slice %arg11[%dma_wait3A_52, %dma_wait3A_53] : memref<10240x128xf32, #tpu.memory_space<vmem_shared>> -> memref<10240x128xf32, #tpu.memory_space<vmem_shared>>
      tpu.wait_indirect_dma semaphore(%arg14 : memref<!tpu.dma_semaphore, #tpu.memory_space<semaphore_mem>>) src(%arg9 : memref<128x128xf32, #tpu.memory_space<vmem>>) dst(%dma_wait3A_54 : memref<10240x128xf32, #tpu.memory_space<vmem_shared>>)
      %add3A_55 = arith.constant 1 : i32
      %add3A_56 = arith.addi %add3A_32, %add3A_55 : i32
      %lt3A = arith.cmpi slt, %add3A_56, %select_n3A_8 : i32
      %convert_element_type3A_57 = arith.extui %lt3A : i1 to i32
      %cond3A_58 = arith.constant 0 : i32
      %cond3A_59 = arith.cmpi ne, %convert_element_type3A_57, %cond3A_58 : i32
      scf.if %cond3A_59 {
        %dma_wait3A_166 = arith.constant 1 : i32
        %dma_wait3A_167 = arith.constant 0 : i32
        %dma_wait3A_168 = arith.constant 0 : i32
        %dma_wait3A_169 = tpu.memref_slice %arg7[%dma_wait3A_166, %dma_wait3A_167, %dma_wait3A_168] : memref<2x2x128xi32, #tpu.memory_space<vmem>> -> memref<1x2x128xi32, #tpu.memory_space<vmem>>
        %dma_wait3A_170 = tpu.memref_squeeze %dma_wait3A_169 : memref<1x2x128xi32, #tpu.memory_space<vmem>> -> memref<2x128xi32, #tpu.memory_space<vmem>>
        %dma_wait3A_171 = arith.constant 0 : i32
        %dma_wait3A_172 = tpu.memref_slice %arg3[%select_n3A, %dma_wait3A_171] : memref<2560x128xi32, #tpu.memory_space<hbm>> -> memref<2x128xi32, #tpu.memory_space<hbm>>
        %dma_wait3A_173 = arith.constant 0 : i32
        %dma_wait3A_174 = arith.constant 0 : i32
        %dma_wait3A_175 = tpu.memref_slice %arg7[%dma_wait3A_166, %dma_wait3A_173, %dma_wait3A_174] : memref<2x2x128xi32, #tpu.memory_space<vmem>> -> memref<1x2x128xi32, #tpu.memory_space<vmem>>
        %dma_wait3A_176 = tpu.memref_squeeze %dma_wait3A_175 : memref<1x2x128xi32, #tpu.memory_space<vmem>> -> memref<2x128xi32, #tpu.memory_space<vmem>>
        %dma_wait3A_177 = arith.constant 0 : i32
        %dma_wait3A_178 = tpu.memref_slice %arg3[%select_n3A, %dma_wait3A_177] : memref<2560x128xi32, #tpu.memory_space<hbm>> -> memref<2x128xi32, #tpu.memory_space<hbm>>
        tpu.wait_dma2 semaphore(%arg17 : memref<!tpu.dma_semaphore, #tpu.memory_space<semaphore_mem>>) src(%dma_wait3A_178 : memref<2x128xi32, #tpu.memory_space<hbm>>) dst(%dma_wait3A_176 : memref<2x128xi32, #tpu.memory_space<vmem>>)
        %dma_wait3A_179 = arith.constant 1 : i32
        %dma_wait3A_180 = arith.constant 0 : i32
        %dma_wait3A_181 = arith.constant 0 : i32
        %dma_wait3A_182 = tpu.memref_slice %arg8[%dma_wait3A_179, %dma_wait3A_180, %dma_wait3A_181] : memref<2x2x128xi32, #tpu.memory_space<vmem>> -> memref<1x2x128xi32, #tpu.memory_space<vmem>>
        %dma_wait3A_183 = tpu.memref_squeeze %dma_wait3A_182 : memref<1x2x128xi32, #tpu.memory_space<vmem>> -> memref<2x128xi32, #tpu.memory_space<vmem>>
        %dma_wait3A_184 = arith.constant 0 : i32
        %dma_wait3A_185 = tpu.memref_slice %arg4[%select_n3A, %dma_wait3A_184] : memref<2560x128xi32, #tpu.memory_space<hbm>> -> memref<2x128xi32, #tpu.memory_space<hbm>>
        %dma_wait3A_186 = arith.constant 0 : i32
        %dma_wait3A_187 = arith.constant 0 : i32
        %dma_wait3A_188 = tpu.memref_slice %arg8[%dma_wait3A_179, %dma_wait3A_186, %dma_wait3A_187] : memref<2x2x128xi32, #tpu.memory_space<vmem>> -> memref<1x2x128xi32, #tpu.memory_space<vmem>>
        %dma_wait3A_189 = tpu.memref_squeeze %dma_wait3A_188 : memref<1x2x128xi32, #tpu.memory_space<vmem>> -> memref<2x128xi32, #tpu.memory_space<vmem>>
        %dma_wait3A_190 = arith.constant 0 : i32
        %dma_wait3A_191 = tpu.memref_slice %arg4[%select_n3A, %dma_wait3A_190] : memref<2560x128xi32, #tpu.memory_space<hbm>> -> memref<2x128xi32, #tpu.memory_space<hbm>>
        tpu.wait_dma2 semaphore(%arg19 : memref<!tpu.dma_semaphore, #tpu.memory_space<semaphore_mem>>) src(%dma_wait3A_191 : memref<2x128xi32, #tpu.memory_space<hbm>>) dst(%dma_wait3A_189 : memref<2x128xi32, #tpu.memory_space<vmem>>)
        %dma_start3A_192 = arith.constant 1 : i32
        %dma_start3A_193 = arith.constant 0 : i32
        %dma_start3A_194 = arith.constant 0 : i32
        %dma_start3A_195 = tpu.memref_slice %arg7[%dma_start3A_192, %dma_start3A_193, %dma_start3A_194] : memref<2x2x128xi32, #tpu.memory_space<vmem>> -> memref<1x1x128xi32, #tpu.memory_space<vmem>>
        %dma_start3A_196 = tpu.memref_squeeze %dma_start3A_195 : memref<1x1x128xi32, #tpu.memory_space<vmem>> -> memref<128xi32, #tpu.memory_space<vmem>>
        %dma_start3A_197 = arith.constant 0 : i32
        %dma_start3A_198 = arith.constant 0 : i32
        %dma_start3A_199 = tpu.memref_slice %arg2[%dma_start3A_197, %dma_start3A_198] : memref<10240x128xf32, #tpu.memory_space<hbm>> -> memref<10240x128xf32, #tpu.memory_space<hbm>>
        tpu.enqueue_indirect_dma source(%dma_start3A_199 : memref<10240x128xf32, #tpu.memory_space<hbm>>) target(%arg9 : memref<128x128xf32, #tpu.memory_space<vmem>>) offsets(%dma_start3A_196 : memref<128xi32, #tpu.memory_space<vmem>>) semaphore(%arg12 : memref<!tpu.dma_semaphore, #tpu.memory_space<semaphore_mem>>)
      } else {
      }
      %dma_wait3A_60 = arith.constant 0 : i32
      %dma_wait3A_61 = arith.constant 0 : i32
      %dma_wait3A_62 = arith.constant 0 : i32
      %dma_wait3A_63 = tpu.memref_slice %arg7[%dma_wait3A_60, %dma_wait3A_61, %dma_wait3A_62] : memref<2x2x128xi32, #tpu.memory_space<vmem>> -> memref<1x1x128xi32, #tpu.memory_space<vmem>>
      %dma_wait3A_64 = tpu.memref_squeeze %dma_wait3A_63 : memref<1x1x128xi32, #tpu.memory_space<vmem>> -> memref<128xi32, #tpu.memory_space<vmem>>
      %dma_wait3A_65 = arith.constant 0 : i32
      %dma_wait3A_66 = arith.constant 0 : i32
      %dma_wait3A_67 = tpu.memref_slice %arg2[%dma_wait3A_65, %dma_wait3A_66] : memref<10240x128xf32, #tpu.memory_space<hbm>> -> memref<10240x128xf32, #tpu.memory_space<hbm>>
      tpu.wait_indirect_dma semaphore(%arg13 : memref<!tpu.dma_semaphore, #tpu.memory_space<semaphore_mem>>) src(%dma_wait3A_67 : memref<10240x128xf32, #tpu.memory_space<hbm>>) dst(%arg10 : memref<128x128xf32, #tpu.memory_space<vmem>>)
      %dma_start3A_68 = arith.constant 0 : i32
      %dma_start3A_69 = arith.constant 1 : i32
      %dma_start3A_70 = arith.constant 0 : i32
      %dma_start3A_71 = tpu.memref_slice %arg8[%dma_start3A_68, %dma_start3A_69, %dma_start3A_70] : memref<2x2x128xi32, #tpu.memory_space<vmem>> -> memref<1x1x128xi32, #tpu.memory_space<vmem>>
      %dma_start3A_72 = tpu.memref_squeeze %dma_start3A_71 : memref<1x1x128xi32, #tpu.memory_space<vmem>> -> memref<128xi32, #tpu.memory_space<vmem>>
      %dma_start3A_73 = arith.constant 0 : i32
      %dma_start3A_74 = arith.constant 0 : i32
      %dma_start3A_75 = tpu.memref_slice %arg11[%dma_start3A_73, %dma_start3A_74] : memref<10240x128xf32, #tpu.memory_space<vmem_shared>> -> memref<10240x128xf32, #tpu.memory_space<vmem_shared>>
      tpu.enqueue_indirect_dma source(%arg10 : memref<128x128xf32, #tpu.memory_space<vmem>>) target(%dma_start3A_75 : memref<10240x128xf32, #tpu.memory_space<vmem_shared>>) offsets(%dma_start3A_72 : memref<128xi32, #tpu.memory_space<vmem>>) semaphore(%arg15 : memref<!tpu.dma_semaphore, #tpu.memory_space<semaphore_mem>>) {add = true}
      %dma_wait3A_76 = arith.constant 0 : i32
      %dma_wait3A_77 = arith.constant 0 : i32
      %dma_wait3A_78 = arith.constant 0 : i32
      %dma_wait3A_79 = tpu.memref_slice %arg8[%dma_wait3A_76, %dma_wait3A_77, %dma_wait3A_78] : memref<2x2x128xi32, #tpu.memory_space<vmem>> -> memref<1x1x128xi32, #tpu.memory_space<vmem>>
      %dma_wait3A_80 = tpu.memref_squeeze %dma_wait3A_79 : memref<1x1x128xi32, #tpu.memory_space<vmem>> -> memref<128xi32, #tpu.memory_space<vmem>>
      %dma_wait3A_81 = arith.constant 0 : i32
      %dma_wait3A_82 = arith.constant 0 : i32
      %dma_wait3A_83 = tpu.memref_slice %arg11[%dma_wait3A_81, %dma_wait3A_82] : memref<10240x128xf32, #tpu.memory_space<vmem_shared>> -> memref<10240x128xf32, #tpu.memory_space<vmem_shared>>
      tpu.wait_indirect_dma semaphore(%arg15 : memref<!tpu.dma_semaphore, #tpu.memory_space<semaphore_mem>>) src(%arg10 : memref<128x128xf32, #tpu.memory_space<vmem>>) dst(%dma_wait3A_83 : memref<10240x128xf32, #tpu.memory_space<vmem_shared>>)
      %add3A_84 = arith.constant 2 : i32
      %add3A_85 = arith.addi %add3A_32, %add3A_84 : i32
      %lt3A_86 = arith.cmpi slt, %add3A_85, %select_n3A_8 : i32
      %convert_element_type3A_87 = arith.extui %lt3A_86 : i1 to i32
      %cond3A_88 = arith.constant 0 : i32
      %cond3A_89 = arith.cmpi ne, %convert_element_type3A_87, %cond3A_88 : i32
      scf.if %cond3A_89 {
        %add3A_166 = arith.constant 2 : i32
        %add3A_167 = arith.addi %add3A_32, %add3A_166 : i32
        %mul3A_168 = arith.constant 2 : i32
        %mul3A_169 = arith.muli %add3A_167, %mul3A_168 : i32
        %add3A_170 = arith.addi %select_n3A, %mul3A_169 : i32
        %dma_start3A_171 = arith.constant 0 : i32
        %dma_start3A_172 = arith.constant 0 : i32
        %dma_start3A_173 = arith.constant 0 : i32
        %dma_start3A_174 = tpu.memref_slice %arg7[%dma_start3A_171, %dma_start3A_172, %dma_start3A_173] : memref<2x2x128xi32, #tpu.memory_space<vmem>> -> memref<1x2x128xi32, #tpu.memory_space<vmem>>
        %dma_start3A_175 = tpu.memref_squeeze %dma_start3A_174 : memref<1x2x128xi32, #tpu.memory_space<vmem>> -> memref<2x128xi32, #tpu.memory_space<vmem>>
        %dma_start3A_176 = arith.constant 0 : i32
        %dma_start3A_177 = tpu.memref_slice %arg3[%add3A_170, %dma_start3A_176] : memref<2560x128xi32, #tpu.memory_space<hbm>> -> memref<2x128xi32, #tpu.memory_space<hbm>>
        %dma_start3A_178 = arith.constant 0 : i32
        %dma_start3A_179 = arith.constant 0 : i32
        %dma_start3A_180 = tpu.memref_slice %arg7[%dma_start3A_171, %dma_start3A_178, %dma_start3A_179] : memref<2x2x128xi32, #tpu.memory_space<vmem>> -> memref<1x2x128xi32, #tpu.memory_space<vmem>>
        %dma_start3A_181 = tpu.memref_squeeze %dma_start3A_180 : memref<1x2x128xi32, #tpu.memory_space<vmem>> -> memref<2x128xi32, #tpu.memory_space<vmem>>
        %dma_start3A_182 = arith.constant 0 : i32
        %dma_start3A_183 = tpu.memref_slice %arg3[%add3A_170, %dma_start3A_182] : memref<2560x128xi32, #tpu.memory_space<hbm>> -> memref<2x128xi32, #tpu.memory_space<hbm>>
        tpu.enqueue_dma source(%dma_start3A_183 : memref<2x128xi32, #tpu.memory_space<hbm>>) target(%dma_start3A_181 : memref<2x128xi32, #tpu.memory_space<vmem>>) target_semaphore(%arg16 : memref<!tpu.dma_semaphore, #tpu.memory_space<semaphore_mem>>)
        %add3A_184 = arith.constant 2 : i32
        %add3A_185 = arith.addi %add3A_32, %add3A_184 : i32
        %mul3A_186 = arith.constant 2 : i32
        %mul3A_187 = arith.muli %add3A_185, %mul3A_186 : i32
        %add3A_188 = arith.addi %select_n3A, %mul3A_187 : i32
        %dma_start3A_189 = arith.constant 0 : i32
        %dma_start3A_190 = arith.constant 0 : i32
        %dma_start3A_191 = arith.constant 0 : i32
        %dma_start3A_192 = tpu.memref_slice %arg8[%dma_start3A_189, %dma_start3A_190, %dma_start3A_191] : memref<2x2x128xi32, #tpu.memory_space<vmem>> -> memref<1x2x128xi32, #tpu.memory_space<vmem>>
        %dma_start3A_193 = tpu.memref_squeeze %dma_start3A_192 : memref<1x2x128xi32, #tpu.memory_space<vmem>> -> memref<2x128xi32, #tpu.memory_space<vmem>>
        %dma_start3A_194 = arith.constant 0 : i32
        %dma_start3A_195 = tpu.memref_slice %arg4[%add3A_188, %dma_start3A_194] : memref<2560x128xi32, #tpu.memory_space<hbm>> -> memref<2x128xi32, #tpu.memory_space<hbm>>
        %dma_start3A_196 = arith.constant 0 : i32
        %dma_start3A_197 = arith.constant 0 : i32
        %dma_start3A_198 = tpu.memref_slice %arg8[%dma_start3A_189, %dma_start3A_196, %dma_start3A_197] : memref<2x2x128xi32, #tpu.memory_space<vmem>> -> memref<1x2x128xi32, #tpu.memory_space<vmem>>
        %dma_start3A_199 = tpu.memref_squeeze %dma_start3A_198 : memref<1x2x128xi32, #tpu.memory_space<vmem>> -> memref<2x128xi32, #tpu.memory_space<vmem>>
        %dma_start3A_200 = arith.constant 0 : i32
        %dma_start3A_201 = tpu.memref_slice %arg4[%add3A_188, %dma_start3A_200] : memref<2560x128xi32, #tpu.memory_space<hbm>> -> memref<2x128xi32, #tpu.memory_space<hbm>>
        tpu.enqueue_dma source(%dma_start3A_201 : memref<2x128xi32, #tpu.memory_space<hbm>>) target(%dma_start3A_199 : memref<2x128xi32, #tpu.memory_space<vmem>>) target_semaphore(%arg18 : memref<!tpu.dma_semaphore, #tpu.memory_space<semaphore_mem>>)
      } else {
      }
      %add3A_90 = arith.constant 1 : i32
      %add3A_91 = arith.addi %add3A_32, %add3A_90 : i32
      %lt3A_92 = arith.cmpi slt, %add3A_91, %select_n3A_8 : i32
      %convert_element_type3A_93 = arith.extui %lt3A_92 : i1 to i32
      %cond3A_94 = arith.constant 0 : i32
      %cond3A_95 = arith.cmpi ne, %convert_element_type3A_93, %cond3A_94 : i32
      scf.if %cond3A_95 {
        %dma_start3A_166 = arith.constant 1 : i32
        %dma_start3A_167 = arith.constant 1 : i32
        %dma_start3A_168 = arith.constant 0 : i32
        %dma_start3A_169 = tpu.memref_slice %arg7[%dma_start3A_166, %dma_start3A_167, %dma_start3A_168] : memref<2x2x128xi32, #tpu.memory_space<vmem>> -> memref<1x1x128xi32, #tpu.memory_space<vmem>>
        %dma_start3A_170 = tpu.memref_squeeze %dma_start3A_169 : memref<1x1x128xi32, #tpu.memory_space<vmem>> -> memref<128xi32, #tpu.memory_space<vmem>>
        %dma_start3A_171 = arith.constant 0 : i32
        %dma_start3A_172 = arith.constant 0 : i32
        %dma_start3A_173 = tpu.memref_slice %arg2[%dma_start3A_171, %dma_start3A_172] : memref<10240x128xf32, #tpu.memory_space<hbm>> -> memref<10240x128xf32, #tpu.memory_space<hbm>>
        tpu.enqueue_indirect_dma source(%dma_start3A_173 : memref<10240x128xf32, #tpu.memory_space<hbm>>) target(%arg10 : memref<128x128xf32, #tpu.memory_space<vmem>>) offsets(%dma_start3A_170 : memref<128xi32, #tpu.memory_space<vmem>>) semaphore(%arg13 : memref<!tpu.dma_semaphore, #tpu.memory_space<semaphore_mem>>)
      } else {
      }
      %mul3A_96 = arith.constant 2 : i32
      %mul3A_97 = arith.muli %while3A_28, %mul3A_96 : i32
      %add3A_98 = arith.constant 1 : i32
      %add3A_99 = arith.addi %mul3A_97, %add3A_98 : i32
      %dma_wait3A_100 = arith.constant 0 : i32
      %dma_wait3A_101 = arith.constant 0 : i32
      %dma_wait3A_102 = arith.constant 0 : i32
      %dma_wait3A_103 = tpu.memref_slice %arg7[%dma_wait3A_100, %dma_wait3A_101, %dma_wait3A_102] : memref<2x2x128xi32, #tpu.memory_space<vmem>> -> memref<1x1x128xi32, #tpu.memory_space<vmem>>
      %dma_wait3A_104 = tpu.memref_squeeze %dma_wait3A_103 : memref<1x1x128xi32, #tpu.memory_space<vmem>> -> memref<128xi32, #tpu.memory_space<vmem>>
      %dma_wait3A_105 = arith.constant 0 : i32
      %dma_wait3A_106 = arith.constant 0 : i32
      %dma_wait3A_107 = tpu.memref_slice %arg2[%dma_wait3A_105, %dma_wait3A_106] : memref<10240x128xf32, #tpu.memory_space<hbm>> -> memref<10240x128xf32, #tpu.memory_space<hbm>>
      tpu.wait_indirect_dma semaphore(%arg12 : memref<!tpu.dma_semaphore, #tpu.memory_space<semaphore_mem>>) src(%dma_wait3A_107 : memref<10240x128xf32, #tpu.memory_space<hbm>>) dst(%arg9 : memref<128x128xf32, #tpu.memory_space<vmem>>)
      %dma_start3A_108 = arith.constant 1 : i32
      %dma_start3A_109 = arith.constant 0 : i32
      %dma_start3A_110 = arith.constant 0 : i32
      %dma_start3A_111 = tpu.memref_slice %arg8[%dma_start3A_108, %dma_start3A_109, %dma_start3A_110] : memref<2x2x128xi32, #tpu.memory_space<vmem>> -> memref<1x1x128xi32, #tpu.memory_space<vmem>>
      %dma_start3A_112 = tpu.memref_squeeze %dma_start3A_111 : memref<1x1x128xi32, #tpu.memory_space<vmem>> -> memref<128xi32, #tpu.memory_space<vmem>>
      %dma_start3A_113 = arith.constant 0 : i32
      %dma_start3A_114 = arith.constant 0 : i32
      %dma_start3A_115 = tpu.memref_slice %arg11[%dma_start3A_113, %dma_start3A_114] : memref<10240x128xf32, #tpu.memory_space<vmem_shared>> -> memref<10240x128xf32, #tpu.memory_space<vmem_shared>>
      tpu.enqueue_indirect_dma source(%arg9 : memref<128x128xf32, #tpu.memory_space<vmem>>) target(%dma_start3A_115 : memref<10240x128xf32, #tpu.memory_space<vmem_shared>>) offsets(%dma_start3A_112 : memref<128xi32, #tpu.memory_space<vmem>>) semaphore(%arg14 : memref<!tpu.dma_semaphore, #tpu.memory_space<semaphore_mem>>) {add = true}
      %dma_wait3A_116 = arith.constant 0 : i32
      %dma_wait3A_117 = arith.constant 0 : i32
      %dma_wait3A_118 = arith.constant 0 : i32
      %dma_wait3A_119 = tpu.memref_slice %arg8[%dma_wait3A_116, %dma_wait3A_117, %dma_wait3A_118] : memref<2x2x128xi32, #tpu.memory_space<vmem>> -> memref<1x1x128xi32, #tpu.memory_space<vmem>>
      %dma_wait3A_120 = tpu.memref_squeeze %dma_wait3A_119 : memref<1x1x128xi32, #tpu.memory_space<vmem>> -> memref<128xi32, #tpu.memory_space<vmem>>
      %dma_wait3A_121 = arith.constant 0 : i32
      %dma_wait3A_122 = arith.constant 0 : i32
      %dma_wait3A_123 = tpu.memref_slice %arg11[%dma_wait3A_121, %dma_wait3A_122] : memref<10240x128xf32, #tpu.memory_space<vmem_shared>> -> memref<10240x128xf32, #tpu.memory_space<vmem_shared>>
      tpu.wait_indirect_dma semaphore(%arg14 : memref<!tpu.dma_semaphore, #tpu.memory_space<semaphore_mem>>) src(%arg9 : memref<128x128xf32, #tpu.memory_space<vmem>>) dst(%dma_wait3A_123 : memref<10240x128xf32, #tpu.memory_space<vmem_shared>>)
      %add3A_124 = arith.constant 1 : i32
      %add3A_125 = arith.addi %add3A_99, %add3A_124 : i32
      %lt3A_126 = arith.cmpi slt, %add3A_125, %select_n3A_8 : i32
      %convert_element_type3A_127 = arith.extui %lt3A_126 : i1 to i32
      %cond3A_128 = arith.constant 0 : i32
      %cond3A_129 = arith.cmpi ne, %convert_element_type3A_127, %cond3A_128 : i32
      scf.if %cond3A_129 {
        %dma_wait3A_166 = arith.constant 0 : i32
        %dma_wait3A_167 = arith.constant 0 : i32
        %dma_wait3A_168 = arith.constant 0 : i32
        %dma_wait3A_169 = tpu.memref_slice %arg7[%dma_wait3A_166, %dma_wait3A_167, %dma_wait3A_168] : memref<2x2x128xi32, #tpu.memory_space<vmem>> -> memref<1x2x128xi32, #tpu.memory_space<vmem>>
        %dma_wait3A_170 = tpu.memref_squeeze %dma_wait3A_169 : memref<1x2x128xi32, #tpu.memory_space<vmem>> -> memref<2x128xi32, #tpu.memory_space<vmem>>
        %dma_wait3A_171 = arith.constant 0 : i32
        %dma_wait3A_172 = tpu.memref_slice %arg3[%select_n3A, %dma_wait3A_171] : memref<2560x128xi32, #tpu.memory_space<hbm>> -> memref<2x128xi32, #tpu.memory_space<hbm>>
        %dma_wait3A_173 = arith.constant 0 : i32
        %dma_wait3A_174 = arith.constant 0 : i32
        %dma_wait3A_175 = tpu.memref_slice %arg7[%dma_wait3A_166, %dma_wait3A_173, %dma_wait3A_174] : memref<2x2x128xi32, #tpu.memory_space<vmem>> -> memref<1x2x128xi32, #tpu.memory_space<vmem>>
        %dma_wait3A_176 = tpu.memref_squeeze %dma_wait3A_175 : memref<1x2x128xi32, #tpu.memory_space<vmem>> -> memref<2x128xi32, #tpu.memory_space<vmem>>
        %dma_wait3A_177 = arith.constant 0 : i32
        %dma_wait3A_178 = tpu.memref_slice %arg3[%select_n3A, %dma_wait3A_177] : memref<2560x128xi32, #tpu.memory_space<hbm>> -> memref<2x128xi32, #tpu.memory_space<hbm>>
        tpu.wait_dma2 semaphore(%arg16 : memref<!tpu.dma_semaphore, #tpu.memory_space<semaphore_mem>>) src(%dma_wait3A_178 : memref<2x128xi32, #tpu.memory_space<hbm>>) dst(%dma_wait3A_176 : memref<2x128xi32, #tpu.memory_space<vmem>>)
        %dma_wait3A_179 = arith.constant 0 : i32
        %dma_wait3A_180 = arith.constant 0 : i32
        %dma_wait3A_181 = arith.constant 0 : i32
        %dma_wait3A_182 = tpu.memref_slice %arg8[%dma_wait3A_179, %dma_wait3A_180, %dma_wait3A_181] : memref<2x2x128xi32, #tpu.memory_space<vmem>> -> memref<1x2x128xi32, #tpu.memory_space<vmem>>
        %dma_wait3A_183 = tpu.memref_squeeze %dma_wait3A_182 : memref<1x2x128xi32, #tpu.memory_space<vmem>> -> memref<2x128xi32, #tpu.memory_space<vmem>>
        %dma_wait3A_184 = arith.constant 0 : i32
        %dma_wait3A_185 = tpu.memref_slice %arg4[%select_n3A, %dma_wait3A_184] : memref<2560x128xi32, #tpu.memory_space<hbm>> -> memref<2x128xi32, #tpu.memory_space<hbm>>
        %dma_wait3A_186 = arith.constant 0 : i32
        %dma_wait3A_187 = arith.constant 0 : i32
        %dma_wait3A_188 = tpu.memref_slice %arg8[%dma_wait3A_179, %dma_wait3A_186, %dma_wait3A_187] : memref<2x2x128xi32, #tpu.memory_space<vmem>> -> memref<1x2x128xi32, #tpu.memory_space<vmem>>
        %dma_wait3A_189 = tpu.memref_squeeze %dma_wait3A_188 : memref<1x2x128xi32, #tpu.memory_space<vmem>> -> memref<2x128xi32, #tpu.memory_space<vmem>>
        %dma_wait3A_190 = arith.constant 0 : i32
        %dma_wait3A_191 = tpu.memref_slice %arg4[%select_n3A, %dma_wait3A_190] : memref<2560x128xi32, #tpu.memory_space<hbm>> -> memref<2x128xi32, #tpu.memory_space<hbm>>
        tpu.wait_dma2 semaphore(%arg18 : memref<!tpu.dma_semaphore, #tpu.memory_space<semaphore_mem>>) src(%dma_wait3A_191 : memref<2x128xi32, #tpu.memory_space<hbm>>) dst(%dma_wait3A_189 : memref<2x128xi32, #tpu.memory_space<vmem>>)
        %dma_start3A_192 = arith.constant 0 : i32
        %dma_start3A_193 = arith.constant 0 : i32
        %dma_start3A_194 = arith.constant 0 : i32
        %dma_start3A_195 = tpu.memref_slice %arg7[%dma_start3A_192, %dma_start3A_193, %dma_start3A_194] : memref<2x2x128xi32, #tpu.memory_space<vmem>> -> memref<1x1x128xi32, #tpu.memory_space<vmem>>
        %dma_start3A_196 = tpu.memref_squeeze %dma_start3A_195 : memref<1x1x128xi32, #tpu.memory_space<vmem>> -> memref<128xi32, #tpu.memory_space<vmem>>
        %dma_start3A_197 = arith.constant 0 : i32
        %dma_start3A_198 = arith.constant 0 : i32
        %dma_start3A_199 = tpu.memref_slice %arg2[%dma_start3A_197, %dma_start3A_198] : memref<10240x128xf32, #tpu.memory_space<hbm>> -> memref<10240x128xf32, #tpu.memory_space<hbm>>
        tpu.enqueue_indirect_dma source(%dma_start3A_199 : memref<10240x128xf32, #tpu.memory_space<hbm>>) target(%arg9 : memref<128x128xf32, #tpu.memory_space<vmem>>) offsets(%dma_start3A_196 : memref<128xi32, #tpu.memory_space<vmem>>) semaphore(%arg12 : memref<!tpu.dma_semaphore, #tpu.memory_space<semaphore_mem>>)
      } else {
      }
      %dma_wait3A_130 = arith.constant 0 : i32
      %dma_wait3A_131 = arith.constant 0 : i32
      %dma_wait3A_132 = arith.constant 0 : i32
      %dma_wait3A_133 = tpu.memref_slice %arg7[%dma_wait3A_130, %dma_wait3A_131, %dma_wait3A_132] : memref<2x2x128xi32, #tpu.memory_space<vmem>> -> memref<1x1x128xi32, #tpu.memory_space<vmem>>
      %dma_wait3A_134 = tpu.memref_squeeze %dma_wait3A_133 : memref<1x1x128xi32, #tpu.memory_space<vmem>> -> memref<128xi32, #tpu.memory_space<vmem>>
      %dma_wait3A_135 = arith.constant 0 : i32
      %dma_wait3A_136 = arith.constant 0 : i32
      %dma_wait3A_137 = tpu.memref_slice %arg2[%dma_wait3A_135, %dma_wait3A_136] : memref<10240x128xf32, #tpu.memory_space<hbm>> -> memref<10240x128xf32, #tpu.memory_space<hbm>>
      tpu.wait_indirect_dma semaphore(%arg13 : memref<!tpu.dma_semaphore, #tpu.memory_space<semaphore_mem>>) src(%dma_wait3A_137 : memref<10240x128xf32, #tpu.memory_space<hbm>>) dst(%arg10 : memref<128x128xf32, #tpu.memory_space<vmem>>)
      %dma_start3A_138 = arith.constant 1 : i32
      %dma_start3A_139 = arith.constant 1 : i32
      %dma_start3A_140 = arith.constant 0 : i32
      %dma_start3A_141 = tpu.memref_slice %arg8[%dma_start3A_138, %dma_start3A_139, %dma_start3A_140] : memref<2x2x128xi32, #tpu.memory_space<vmem>> -> memref<1x1x128xi32, #tpu.memory_space<vmem>>
      %dma_start3A_142 = tpu.memref_squeeze %dma_start3A_141 : memref<1x1x128xi32, #tpu.memory_space<vmem>> -> memref<128xi32, #tpu.memory_space<vmem>>
      %dma_start3A_143 = arith.constant 0 : i32
      %dma_start3A_144 = arith.constant 0 : i32
      %dma_start3A_145 = tpu.memref_slice %arg11[%dma_start3A_143, %dma_start3A_144] : memref<10240x128xf32, #tpu.memory_space<vmem_shared>> -> memref<10240x128xf32, #tpu.memory_space<vmem_shared>>
      tpu.enqueue_indirect_dma source(%arg10 : memref<128x128xf32, #tpu.memory_space<vmem>>) target(%dma_start3A_145 : memref<10240x128xf32, #tpu.memory_space<vmem_shared>>) offsets(%dma_start3A_142 : memref<128xi32, #tpu.memory_space<vmem>>) semaphore(%arg15 : memref<!tpu.dma_semaphore, #tpu.memory_space<semaphore_mem>>) {add = true}
      %dma_wait3A_146 = arith.constant 0 : i32
      %dma_wait3A_147 = arith.constant 0 : i32
      %dma_wait3A_148 = arith.constant 0 : i32
      %dma_wait3A_149 = tpu.memref_slice %arg8[%dma_wait3A_146, %dma_wait3A_147, %dma_wait3A_148] : memref<2x2x128xi32, #tpu.memory_space<vmem>> -> memref<1x1x128xi32, #tpu.memory_space<vmem>>
      %dma_wait3A_150 = tpu.memref_squeeze %dma_wait3A_149 : memref<1x1x128xi32, #tpu.memory_space<vmem>> -> memref<128xi32, #tpu.memory_space<vmem>>
      %dma_wait3A_151 = arith.constant 0 : i32
      %dma_wait3A_152 = arith.constant 0 : i32
      %dma_wait3A_153 = tpu.memref_slice %arg11[%dma_wait3A_151, %dma_wait3A_152] : memref<10240x128xf32, #tpu.memory_space<vmem_shared>> -> memref<10240x128xf32, #tpu.memory_space<vmem_shared>>
      tpu.wait_indirect_dma semaphore(%arg15 : memref<!tpu.dma_semaphore, #tpu.memory_space<semaphore_mem>>) src(%arg10 : memref<128x128xf32, #tpu.memory_space<vmem>>) dst(%dma_wait3A_153 : memref<10240x128xf32, #tpu.memory_space<vmem_shared>>)
      %add3A_154 = arith.constant 2 : i32
      %add3A_155 = arith.addi %add3A_99, %add3A_154 : i32
      %lt3A_156 = arith.cmpi slt, %add3A_155, %select_n3A_8 : i32
      %convert_element_type3A_157 = arith.extui %lt3A_156 : i1 to i32
      %cond3A_158 = arith.constant 0 : i32
      %cond3A_159 = arith.cmpi ne, %convert_element_type3A_157, %cond3A_158 : i32
      scf.if %cond3A_159 {
        %add3A_166 = arith.constant 2 : i32
        %add3A_167 = arith.addi %add3A_99, %add3A_166 : i32
        %mul3A_168 = arith.constant 2 : i32
        %mul3A_169 = arith.muli %add3A_167, %mul3A_168 : i32
        %add3A_170 = arith.addi %select_n3A, %mul3A_169 : i32
        %dma_start3A_171 = arith.constant 1 : i32
        %dma_start3A_172 = arith.constant 0 : i32
        %dma_start3A_173 = arith.constant 0 : i32
        %dma_start3A_174 = tpu.memref_slice %arg7[%dma_start3A_171, %dma_start3A_172, %dma_start3A_173] : memref<2x2x128xi32, #tpu.memory_space<vmem>> -> memref<1x2x128xi32, #tpu.memory_space<vmem>>
        %dma_start3A_175 = tpu.memref_squeeze %dma_start3A_174 : memref<1x2x128xi32, #tpu.memory_space<vmem>> -> memref<2x128xi32, #tpu.memory_space<vmem>>
        %dma_start3A_176 = arith.constant 0 : i32
        %dma_start3A_177 = tpu.memref_slice %arg3[%add3A_170, %dma_start3A_176] : memref<2560x128xi32, #tpu.memory_space<hbm>> -> memref<2x128xi32, #tpu.memory_space<hbm>>
        %dma_start3A_178 = arith.constant 0 : i32
        %dma_start3A_179 = arith.constant 0 : i32
        %dma_start3A_180 = tpu.memref_slice %arg7[%dma_start3A_171, %dma_start3A_178, %dma_start3A_179] : memref<2x2x128xi32, #tpu.memory_space<vmem>> -> memref<1x2x128xi32, #tpu.memory_space<vmem>>
        %dma_start3A_181 = tpu.memref_squeeze %dma_start3A_180 : memref<1x2x128xi32, #tpu.memory_space<vmem>> -> memref<2x128xi32, #tpu.memory_space<vmem>>
        %dma_start3A_182 = arith.constant 0 : i32
        %dma_start3A_183 = tpu.memref_slice %arg3[%add3A_170, %dma_start3A_182] : memref<2560x128xi32, #tpu.memory_space<hbm>> -> memref<2x128xi32, #tpu.memory_space<hbm>>
        tpu.enqueue_dma source(%dma_start3A_183 : memref<2x128xi32, #tpu.memory_space<hbm>>) target(%dma_start3A_181 : memref<2x128xi32, #tpu.memory_space<vmem>>) target_semaphore(%arg17 : memref<!tpu.dma_semaphore, #tpu.memory_space<semaphore_mem>>)
        %add3A_184 = arith.constant 2 : i32
        %add3A_185 = arith.addi %add3A_99, %add3A_184 : i32
        %mul3A_186 = arith.constant 2 : i32
        %mul3A_187 = arith.muli %add3A_185, %mul3A_186 : i32
        %add3A_188 = arith.addi %select_n3A, %mul3A_187 : i32
        %dma_start3A_189 = arith.constant 1 : i32
        %dma_start3A_190 = arith.constant 0 : i32
        %dma_start3A_191 = arith.constant 0 : i32
        %dma_start3A_192 = tpu.memref_slice %arg8[%dma_start3A_189, %dma_start3A_190, %dma_start3A_191] : memref<2x2x128xi32, #tpu.memory_space<vmem>> -> memref<1x2x128xi32, #tpu.memory_space<vmem>>
        %dma_start3A_193 = tpu.memref_squeeze %dma_start3A_192 : memref<1x2x128xi32, #tpu.memory_space<vmem>> -> memref<2x128xi32, #tpu.memory_space<vmem>>
        %dma_start3A_194 = arith.constant 0 : i32
        %dma_start3A_195 = tpu.memref_slice %arg4[%add3A_188, %dma_start3A_194] : memref<2560x128xi32, #tpu.memory_space<hbm>> -> memref<2x128xi32, #tpu.memory_space<hbm>>
        %dma_start3A_196 = arith.constant 0 : i32
        %dma_start3A_197 = arith.constant 0 : i32
        %dma_start3A_198 = tpu.memref_slice %arg8[%dma_start3A_189, %dma_start3A_196, %dma_start3A_197] : memref<2x2x128xi32, #tpu.memory_space<vmem>> -> memref<1x2x128xi32, #tpu.memory_space<vmem>>
        %dma_start3A_199 = tpu.memref_squeeze %dma_start3A_198 : memref<1x2x128xi32, #tpu.memory_space<vmem>> -> memref<2x128xi32, #tpu.memory_space<vmem>>
        %dma_start3A_200 = arith.constant 0 : i32
        %dma_start3A_201 = tpu.memref_slice %arg4[%add3A_188, %dma_start3A_200] : memref<2560x128xi32, #tpu.memory_space<hbm>> -> memref<2x128xi32, #tpu.memory_space<hbm>>
        tpu.enqueue_dma source(%dma_start3A_201 : memref<2x128xi32, #tpu.memory_space<hbm>>) target(%dma_start3A_199 : memref<2x128xi32, #tpu.memory_space<vmem>>) target_semaphore(%arg19 : memref<!tpu.dma_semaphore, #tpu.memory_space<semaphore_mem>>)
      } else {
      }
      %add3A_160 = arith.constant 1 : i32
      %add3A_161 = arith.addi %add3A_99, %add3A_160 : i32
      %lt3A_162 = arith.cmpi slt, %add3A_161, %select_n3A_8 : i32
      %convert_element_type3A_163 = arith.extui %lt3A_162 : i1 to i32
      %cond3A_164 = arith.constant 0 : i32
      %cond3A_165 = arith.cmpi ne, %convert_element_type3A_163, %cond3A_164 : i32
      scf.if %cond3A_165 {
        %dma_start3A_166 = arith.constant 0 : i32
        %dma_start3A_167 = arith.constant 1 : i32
        %dma_start3A_168 = arith.constant 0 : i32
        %dma_start3A_169 = tpu.memref_slice %arg7[%dma_start3A_166, %dma_start3A_167, %dma_start3A_168] : memref<2x2x128xi32, #tpu.memory_space<vmem>> -> memref<1x1x128xi32, #tpu.memory_space<vmem>>
        %dma_start3A_170 = tpu.memref_squeeze %dma_start3A_169 : memref<1x1x128xi32, #tpu.memory_space<vmem>> -> memref<128xi32, #tpu.memory_space<vmem>>
        %dma_start3A_171 = arith.constant 0 : i32
        %dma_start3A_172 = arith.constant 0 : i32
        %dma_start3A_173 = tpu.memref_slice %arg2[%dma_start3A_171, %dma_start3A_172] : memref<10240x128xf32, #tpu.memory_space<hbm>> -> memref<10240x128xf32, #tpu.memory_space<hbm>>
        tpu.enqueue_indirect_dma source(%dma_start3A_173 : memref<10240x128xf32, #tpu.memory_space<hbm>>) target(%arg10 : memref<128x128xf32, #tpu.memory_space<vmem>>) offsets(%dma_start3A_170 : memref<128xi32, #tpu.memory_space<vmem>>) semaphore(%arg13 : memref<!tpu.dma_semaphore, #tpu.memory_space<semaphore_mem>>)
      } else {
      }
    }
    %while3A_22 = arith.constant 1 : i32
    scf.for %while3A_28 = %while3A_20 to %while3A_16 step %while3A_22  : i32 {
      %mul3A_29 = arith.constant 2 : i32
      %mul3A_30 = arith.muli %while3A_28, %mul3A_29 : i32
      %add3A_31 = arith.constant 0 : i32
      %add3A_32 = arith.addi %mul3A_30, %add3A_31 : i32
      %dma_wait3A = arith.constant 0 : i32
      %dma_wait3A_33 = arith.constant 0 : i32
      %dma_wait3A_34 = arith.constant 0 : i32
      %dma_wait3A_35 = tpu.memref_slice %arg7[%dma_wait3A, %dma_wait3A_33, %dma_wait3A_34] : memref<2x2x128xi32, #tpu.memory_space<vmem>> -> memref<1x1x128xi32, #tpu.memory_space<vmem>>
      %dma_wait3A_36 = tpu.memref_squeeze %dma_wait3A_35 : memref<1x1x128xi32, #tpu.memory_space<vmem>> -> memref<128xi32, #tpu.memory_space<vmem>>
      %dma_wait3A_37 = arith.constant 0 : i32
      %dma_wait3A_38 = arith.constant 0 : i32
      %dma_wait3A_39 = tpu.memref_slice %arg2[%dma_wait3A_37, %dma_wait3A_38] : memref<10240x128xf32, #tpu.memory_space<hbm>> -> memref<10240x128xf32, #tpu.memory_space<hbm>>
      tpu.wait_indirect_dma semaphore(%arg12 : memref<!tpu.dma_semaphore, #tpu.memory_space<semaphore_mem>>) src(%dma_wait3A_39 : memref<10240x128xf32, #tpu.memory_space<hbm>>) dst(%arg9 : memref<128x128xf32, #tpu.memory_space<vmem>>)
      %dma_start3A = arith.constant 0 : i32
      %dma_start3A_40 = arith.constant 0 : i32
      %dma_start3A_41 = arith.constant 0 : i32
      %dma_start3A_42 = tpu.memref_slice %arg8[%dma_start3A, %dma_start3A_40, %dma_start3A_41] : memref<2x2x128xi32, #tpu.memory_space<vmem>> -> memref<1x1x128xi32, #tpu.memory_space<vmem>>
      %dma_start3A_43 = tpu.memref_squeeze %dma_start3A_42 : memref<1x1x128xi32, #tpu.memory_space<vmem>> -> memref<128xi32, #tpu.memory_space<vmem>>
      %dma_start3A_44 = arith.constant 0 : i32
      %dma_start3A_45 = arith.constant 0 : i32
      %dma_start3A_46 = tpu.memref_slice %arg11[%dma_start3A_44, %dma_start3A_45] : memref<10240x128xf32, #tpu.memory_space<vmem_shared>> -> memref<10240x128xf32, #tpu.memory_space<vmem_shared>>
      tpu.enqueue_indirect_dma source(%arg9 : memref<128x128xf32, #tpu.memory_space<vmem>>) target(%dma_start3A_46 : memref<10240x128xf32, #tpu.memory_space<vmem_shared>>) offsets(%dma_start3A_43 : memref<128xi32, #tpu.memory_space<vmem>>) semaphore(%arg14 : memref<!tpu.dma_semaphore, #tpu.memory_space<semaphore_mem>>) {add = true}
      %dma_wait3A_47 = arith.constant 0 : i32
      %dma_wait3A_48 = arith.constant 0 : i32
      %dma_wait3A_49 = arith.constant 0 : i32
      %dma_wait3A_50 = tpu.memref_slice %arg8[%dma_wait3A_47, %dma_wait3A_48, %dma_wait3A_49] : memref<2x2x128xi32, #tpu.memory_space<vmem>> -> memref<1x1x128xi32, #tpu.memory_space<vmem>>
      %dma_wait3A_51 = tpu.memref_squeeze %dma_wait3A_50 : memref<1x1x128xi32, #tpu.memory_space<vmem>> -> memref<128xi32, #tpu.memory_space<vmem>>
      %dma_wait3A_52 = arith.constant 0 : i32
      %dma_wait3A_53 = arith.constant 0 : i32
      %dma_wait3A_54 = tpu.memref_slice %arg11[%dma_wait3A_52, %dma_wait3A_53] : memref<10240x128xf32, #tpu.memory_space<vmem_shared>> -> memref<10240x128xf32, #tpu.memory_space<vmem_shared>>
      tpu.wait_indirect_dma semaphore(%arg14 : memref<!tpu.dma_semaphore, #tpu.memory_space<semaphore_mem>>) src(%arg9 : memref<128x128xf32, #tpu.memory_space<vmem>>) dst(%dma_wait3A_54 : memref<10240x128xf32, #tpu.memory_space<vmem_shared>>)
      %add3A_55 = arith.constant 1 : i32
      %add3A_56 = arith.addi %add3A_32, %add3A_55 : i32
      %lt3A = arith.cmpi slt, %add3A_56, %select_n3A_8 : i32
      %convert_element_type3A_57 = arith.extui %lt3A : i1 to i32
      %cond3A_58 = arith.constant 0 : i32
      %cond3A_59 = arith.cmpi ne, %convert_element_type3A_57, %cond3A_58 : i32
      scf.if %cond3A_59 {
        %dma_wait3A_166 = arith.constant 1 : i32
        %dma_wait3A_167 = arith.constant 0 : i32
        %dma_wait3A_168 = arith.constant 0 : i32
        %dma_wait3A_169 = tpu.memref_slice %arg7[%dma_wait3A_166, %dma_wait3A_167, %dma_wait3A_168] : memref<2x2x128xi32, #tpu.memory_space<vmem>> -> memref<1x2x128xi32, #tpu.memory_space<vmem>>
        %dma_wait3A_170 = tpu.memref_squeeze %dma_wait3A_169 : memref<1x2x128xi32, #tpu.memory_space<vmem>> -> memref<2x128xi32, #tpu.memory_space<vmem>>
        %dma_wait3A_171 = arith.constant 0 : i32
        %dma_wait3A_172 = tpu.memref_slice %arg3[%select_n3A, %dma_wait3A_171] : memref<2560x128xi32, #tpu.memory_space<hbm>> -> memref<2x128xi32, #tpu.memory_space<hbm>>
        %dma_wait3A_173 = arith.constant 0 : i32
        %dma_wait3A_174 = arith.constant 0 : i32
        %dma_wait3A_175 = tpu.memref_slice %arg7[%dma_wait3A_166, %dma_wait3A_173, %dma_wait3A_174] : memref<2x2x128xi32, #tpu.memory_space<vmem>> -> memref<1x2x128xi32, #tpu.memory_space<vmem>>
        %dma_wait3A_176 = tpu.memref_squeeze %dma_wait3A_175 : memref<1x2x128xi32, #tpu.memory_space<vmem>> -> memref<2x128xi32, #tpu.memory_space<vmem>>
        %dma_wait3A_177 = arith.constant 0 : i32
        %dma_wait3A_178 = tpu.memref_slice %arg3[%select_n3A, %dma_wait3A_177] : memref<2560x128xi32, #tpu.memory_space<hbm>> -> memref<2x128xi32, #tpu.memory_space<hbm>>
        tpu.wait_dma2 semaphore(%arg17 : memref<!tpu.dma_semaphore, #tpu.memory_space<semaphore_mem>>) src(%dma_wait3A_178 : memref<2x128xi32, #tpu.memory_space<hbm>>) dst(%dma_wait3A_176 : memref<2x128xi32, #tpu.memory_space<vmem>>)
        %dma_wait3A_179 = arith.constant 1 : i32
        %dma_wait3A_180 = arith.constant 0 : i32
        %dma_wait3A_181 = arith.constant 0 : i32
        %dma_wait3A_182 = tpu.memref_slice %arg8[%dma_wait3A_179, %dma_wait3A_180, %dma_wait3A_181] : memref<2x2x128xi32, #tpu.memory_space<vmem>> -> memref<1x2x128xi32, #tpu.memory_space<vmem>>
        %dma_wait3A_183 = tpu.memref_squeeze %dma_wait3A_182 : memref<1x2x128xi32, #tpu.memory_space<vmem>> -> memref<2x128xi32, #tpu.memory_space<vmem>>
        %dma_wait3A_184 = arith.constant 0 : i32
        %dma_wait3A_185 = tpu.memref_slice %arg4[%select_n3A, %dma_wait3A_184] : memref<2560x128xi32, #tpu.memory_space<hbm>> -> memref<2x128xi32, #tpu.memory_space<hbm>>
        %dma_wait3A_186 = arith.constant 0 : i32
        %dma_wait3A_187 = arith.constant 0 : i32
        %dma_wait3A_188 = tpu.memref_slice %arg8[%dma_wait3A_179, %dma_wait3A_186, %dma_wait3A_187] : memref<2x2x128xi32, #tpu.memory_space<vmem>> -> memref<1x2x128xi32, #tpu.memory_space<vmem>>
        %dma_wait3A_189 = tpu.memref_squeeze %dma_wait3A_188 : memref<1x2x128xi32, #tpu.memory_space<vmem>> -> memref<2x128xi32, #tpu.memory_space<vmem>>
        %dma_wait3A_190 = arith.constant 0 : i32
        %dma_wait3A_191 = tpu.memref_slice %arg4[%select_n3A, %dma_wait3A_190] : memref<2560x128xi32, #tpu.memory_space<hbm>> -> memref<2x128xi32, #tpu.memory_space<hbm>>
        tpu.wait_dma2 semaphore(%arg19 : memref<!tpu.dma_semaphore, #tpu.memory_space<semaphore_mem>>) src(%dma_wait3A_191 : memref<2x128xi32, #tpu.memory_space<hbm>>) dst(%dma_wait3A_189 : memref<2x128xi32, #tpu.memory_space<vmem>>)
        %dma_start3A_192 = arith.constant 1 : i32
        %dma_start3A_193 = arith.constant 0 : i32
        %dma_start3A_194 = arith.constant 0 : i32
        %dma_start3A_195 = tpu.memref_slice %arg7[%dma_start3A_192, %dma_start3A_193, %dma_start3A_194] : memref<2x2x128xi32, #tpu.memory_space<vmem>> -> memref<1x1x128xi32, #tpu.memory_space<vmem>>
        %dma_start3A_196 = tpu.memref_squeeze %dma_start3A_195 : memref<1x1x128xi32, #tpu.memory_space<vmem>> -> memref<128xi32, #tpu.memory_space<vmem>>
        %dma_start3A_197 = arith.constant 0 : i32
        %dma_start3A_198 = arith.constant 0 : i32
        %dma_start3A_199 = tpu.memref_slice %arg2[%dma_start3A_197, %dma_start3A_198] : memref<10240x128xf32, #tpu.memory_space<hbm>> -> memref<10240x128xf32, #tpu.memory_space<hbm>>
        tpu.enqueue_indirect_dma source(%dma_start3A_199 : memref<10240x128xf32, #tpu.memory_space<hbm>>) target(%arg9 : memref<128x128xf32, #tpu.memory_space<vmem>>) offsets(%dma_start3A_196 : memref<128xi32, #tpu.memory_space<vmem>>) semaphore(%arg12 : memref<!tpu.dma_semaphore, #tpu.memory_space<semaphore_mem>>)
      } else {
      }
      %dma_wait3A_60 = arith.constant 0 : i32
      %dma_wait3A_61 = arith.constant 0 : i32
      %dma_wait3A_62 = arith.constant 0 : i32
      %dma_wait3A_63 = tpu.memref_slice %arg7[%dma_wait3A_60, %dma_wait3A_61, %dma_wait3A_62] : memref<2x2x128xi32, #tpu.memory_space<vmem>> -> memref<1x1x128xi32, #tpu.memory_space<vmem>>
      %dma_wait3A_64 = tpu.memref_squeeze %dma_wait3A_63 : memref<1x1x128xi32, #tpu.memory_space<vmem>> -> memref<128xi32, #tpu.memory_space<vmem>>
      %dma_wait3A_65 = arith.constant 0 : i32
      %dma_wait3A_66 = arith.constant 0 : i32
      %dma_wait3A_67 = tpu.memref_slice %arg2[%dma_wait3A_65, %dma_wait3A_66] : memref<10240x128xf32, #tpu.memory_space<hbm>> -> memref<10240x128xf32, #tpu.memory_space<hbm>>
      tpu.wait_indirect_dma semaphore(%arg13 : memref<!tpu.dma_semaphore, #tpu.memory_space<semaphore_mem>>) src(%dma_wait3A_67 : memref<10240x128xf32, #tpu.memory_space<hbm>>) dst(%arg10 : memref<128x128xf32, #tpu.memory_space<vmem>>)
      %dma_start3A_68 = arith.constant 0 : i32
      %dma_start3A_69 = arith.constant 1 : i32
      %dma_start3A_70 = arith.constant 0 : i32
      %dma_start3A_71 = tpu.memref_slice %arg8[%dma_start3A_68, %dma_start3A_69, %dma_start3A_70] : memref<2x2x128xi32, #tpu.memory_space<vmem>> -> memref<1x1x128xi32, #tpu.memory_space<vmem>>
      %dma_start3A_72 = tpu.memref_squeeze %dma_start3A_71 : memref<1x1x128xi32, #tpu.memory_space<vmem>> -> memref<128xi32, #tpu.memory_space<vmem>>
      %dma_start3A_73 = arith.constant 0 : i32
      %dma_start3A_74 = arith.constant 0 : i32
      %dma_start3A_75 = tpu.memref_slice %arg11[%dma_start3A_73, %dma_start3A_74] : memref<10240x128xf32, #tpu.memory_space<vmem_shared>> -> memref<10240x128xf32, #tpu.memory_space<vmem_shared>>
      tpu.enqueue_indirect_dma source(%arg10 : memref<128x128xf32, #tpu.memory_space<vmem>>) target(%dma_start3A_75 : memref<10240x128xf32, #tpu.memory_space<vmem_shared>>) offsets(%dma_start3A_72 : memref<128xi32, #tpu.memory_space<vmem>>) semaphore(%arg15 : memref<!tpu.dma_semaphore, #tpu.memory_space<semaphore_mem>>) {add = true}
      %dma_wait3A_76 = arith.constant 0 : i32
      %dma_wait3A_77 = arith.constant 0 : i32
      %dma_wait3A_78 = arith.constant 0 : i32
      %dma_wait3A_79 = tpu.memref_slice %arg8[%dma_wait3A_76, %dma_wait3A_77, %dma_wait3A_78] : memref<2x2x128xi32, #tpu.memory_space<vmem>> -> memref<1x1x128xi32, #tpu.memory_space<vmem>>
      %dma_wait3A_80 = tpu.memref_squeeze %dma_wait3A_79 : memref<1x1x128xi32, #tpu.memory_space<vmem>> -> memref<128xi32, #tpu.memory_space<vmem>>
      %dma_wait3A_81 = arith.constant 0 : i32
      %dma_wait3A_82 = arith.constant 0 : i32
      %dma_wait3A_83 = tpu.memref_slice %arg11[%dma_wait3A_81, %dma_wait3A_82] : memref<10240x128xf32, #tpu.memory_space<vmem_shared>> -> memref<10240x128xf32, #tpu.memory_space<vmem_shared>>
      tpu.wait_indirect_dma semaphore(%arg15 : memref<!tpu.dma_semaphore, #tpu.memory_space<semaphore_mem>>) src(%arg10 : memref<128x128xf32, #tpu.memory_space<vmem>>) dst(%dma_wait3A_83 : memref<10240x128xf32, #tpu.memory_space<vmem_shared>>)
      %add3A_84 = arith.constant 2 : i32
      %add3A_85 = arith.addi %add3A_32, %add3A_84 : i32
      %lt3A_86 = arith.cmpi slt, %add3A_85, %select_n3A_8 : i32
      %convert_element_type3A_87 = arith.extui %lt3A_86 : i1 to i32
      %cond3A_88 = arith.constant 0 : i32
      %cond3A_89 = arith.cmpi ne, %convert_element_type3A_87, %cond3A_88 : i32
      scf.if %cond3A_89 {
        %add3A_166 = arith.constant 2 : i32
        %add3A_167 = arith.addi %add3A_32, %add3A_166 : i32
        %mul3A_168 = arith.constant 2 : i32
        %mul3A_169 = arith.muli %add3A_167, %mul3A_168 : i32
        %add3A_170 = arith.addi %select_n3A, %mul3A_169 : i32
        %dma_start3A_171 = arith.constant 0 : i32
        %dma_start3A_172 = arith.constant 0 : i32
        %dma_start3A_173 = arith.constant 0 : i32
        %dma_start3A_174 = tpu.memref_slice %arg7[%dma_start3A_171, %dma_start3A_172, %dma_start3A_173] : memref<2x2x128xi32, #tpu.memory_space<vmem>> -> memref<1x2x128xi32, #tpu.memory_space<vmem>>
        %dma_start3A_175 = tpu.memref_squeeze %dma_start3A_174 : memref<1x2x128xi32, #tpu.memory_space<vmem>> -> memref<2x128xi32, #tpu.memory_space<vmem>>
        %dma_start3A_176 = arith.constant 0 : i32
        %dma_start3A_177 = tpu.memref_slice %arg3[%add3A_170, %dma_start3A_176] : memref<2560x128xi32, #tpu.memory_space<hbm>> -> memref<2x128xi32, #tpu.memory_space<hbm>>
        %dma_start3A_178 = arith.constant 0 : i32
        %dma_start3A_179 = arith.constant 0 : i32
        %dma_start3A_180 = tpu.memref_slice %arg7[%dma_start3A_171, %dma_start3A_178, %dma_start3A_179] : memref<2x2x128xi32, #tpu.memory_space<vmem>> -> memref<1x2x128xi32, #tpu.memory_space<vmem>>
        %dma_start3A_181 = tpu.memref_squeeze %dma_start3A_180 : memref<1x2x128xi32, #tpu.memory_space<vmem>> -> memref<2x128xi32, #tpu.memory_space<vmem>>
        %dma_start3A_182 = arith.constant 0 : i32
        %dma_start3A_183 = tpu.memref_slice %arg3[%add3A_170, %dma_start3A_182] : memref<2560x128xi32, #tpu.memory_space<hbm>> -> memref<2x128xi32, #tpu.memory_space<hbm>>
        tpu.enqueue_dma source(%dma_start3A_183 : memref<2x128xi32, #tpu.memory_space<hbm>>) target(%dma_start3A_181 : memref<2x128xi32, #tpu.memory_space<vmem>>) target_semaphore(%arg16 : memref<!tpu.dma_semaphore, #tpu.memory_space<semaphore_mem>>)
        %add3A_184 = arith.constant 2 : i32
        %add3A_185 = arith.addi %add3A_32, %add3A_184 : i32
        %mul3A_186 = arith.constant 2 : i32
        %mul3A_187 = arith.muli %add3A_185, %mul3A_186 : i32
        %add3A_188 = arith.addi %select_n3A, %mul3A_187 : i32
        %dma_start3A_189 = arith.constant 0 : i32
        %dma_start3A_190 = arith.constant 0 : i32
        %dma_start3A_191 = arith.constant 0 : i32
        %dma_start3A_192 = tpu.memref_slice %arg8[%dma_start3A_189, %dma_start3A_190, %dma_start3A_191] : memref<2x2x128xi32, #tpu.memory_space<vmem>> -> memref<1x2x128xi32, #tpu.memory_space<vmem>>
        %dma_start3A_193 = tpu.memref_squeeze %dma_start3A_192 : memref<1x2x128xi32, #tpu.memory_space<vmem>> -> memref<2x128xi32, #tpu.memory_space<vmem>>
        %dma_start3A_194 = arith.constant 0 : i32
        %dma_start3A_195 = tpu.memref_slice %arg4[%add3A_188, %dma_start3A_194] : memref<2560x128xi32, #tpu.memory_space<hbm>> -> memref<2x128xi32, #tpu.memory_space<hbm>>
        %dma_start3A_196 = arith.constant 0 : i32
        %dma_start3A_197 = arith.constant 0 : i32
        %dma_start3A_198 = tpu.memref_slice %arg8[%dma_start3A_189, %dma_start3A_196, %dma_start3A_197] : memref<2x2x128xi32, #tpu.memory_space<vmem>> -> memref<1x2x128xi32, #tpu.memory_space<vmem>>
        %dma_start3A_199 = tpu.memref_squeeze %dma_start3A_198 : memref<1x2x128xi32, #tpu.memory_space<vmem>> -> memref<2x128xi32, #tpu.memory_space<vmem>>
        %dma_start3A_200 = arith.constant 0 : i32
        %dma_start3A_201 = tpu.memref_slice %arg4[%add3A_188, %dma_start3A_200] : memref<2560x128xi32, #tpu.memory_space<hbm>> -> memref<2x128xi32, #tpu.memory_space<hbm>>
        tpu.enqueue_dma source(%dma_start3A_201 : memref<2x128xi32, #tpu.memory_space<hbm>>) target(%dma_start3A_199 : memref<2x128xi32, #tpu.memory_space<vmem>>) target_semaphore(%arg18 : memref<!tpu.dma_semaphore, #tpu.memory_space<semaphore_mem>>)
      } else {
      }
      %add3A_90 = arith.constant 1 : i32
      %add3A_91 = arith.addi %add3A_32, %add3A_90 : i32
      %lt3A_92 = arith.cmpi slt, %add3A_91, %select_n3A_8 : i32
      %convert_element_type3A_93 = arith.extui %lt3A_92 : i1 to i32
      %cond3A_94 = arith.constant 0 : i32
      %cond3A_95 = arith.cmpi ne, %convert_element_type3A_93, %cond3A_94 : i32
      scf.if %cond3A_95 {
        %dma_start3A_166 = arith.constant 1 : i32
        %dma_start3A_167 = arith.constant 1 : i32
        %dma_start3A_168 = arith.constant 0 : i32
        %dma_start3A_169 = tpu.memref_slice %arg7[%dma_start3A_166, %dma_start3A_167, %dma_start3A_168] : memref<2x2x128xi32, #tpu.memory_space<vmem>> -> memref<1x1x128xi32, #tpu.memory_space<vmem>>
        %dma_start3A_170 = tpu.memref_squeeze %dma_start3A_169 : memref<1x1x128xi32, #tpu.memory_space<vmem>> -> memref<128xi32, #tpu.memory_space<vmem>>
        %dma_start3A_171 = arith.constant 0 : i32
        %dma_start3A_172 = arith.constant 0 : i32
        %dma_start3A_173 = tpu.memref_slice %arg2[%dma_start3A_171, %dma_start3A_172] : memref<10240x128xf32, #tpu.memory_space<hbm>> -> memref<10240x128xf32, #tpu.memory_space<hbm>>
        tpu.enqueue_indirect_dma source(%dma_start3A_173 : memref<10240x128xf32, #tpu.memory_space<hbm>>) target(%arg10 : memref<128x128xf32, #tpu.memory_space<vmem>>) offsets(%dma_start3A_170 : memref<128xi32, #tpu.memory_space<vmem>>) semaphore(%arg13 : memref<!tpu.dma_semaphore, #tpu.memory_space<semaphore_mem>>)
      } else {
      }
      %mul3A_96 = arith.constant 2 : i32
      %mul3A_97 = arith.muli %while3A_28, %mul3A_96 : i32
      %add3A_98 = arith.constant 1 : i32
      %add3A_99 = arith.addi %mul3A_97, %add3A_98 : i32
      %dma_wait3A_100 = arith.constant 0 : i32
      %dma_wait3A_101 = arith.constant 0 : i32
      %dma_wait3A_102 = arith.constant 0 : i32
      %dma_wait3A_103 = tpu.memref_slice %arg7[%dma_wait3A_100, %dma_wait3A_101, %dma_wait3A_102] : memref<2x2x128xi32, #tpu.memory_space<vmem>> -> memref<1x1x128xi32, #tpu.memory_space<vmem>>
      %dma_wait3A_104 = tpu.memref_squeeze %dma_wait3A_103 : memref<1x1x128xi32, #tpu.memory_space<vmem>> -> memref<128xi32, #tpu.memory_space<vmem>>
      %dma_wait3A_105 = arith.constant 0 : i32
      %dma_wait3A_106 = arith.constant 0 : i32
      %dma_wait3A_107 = tpu.memref_slice %arg2[%dma_wait3A_105, %dma_wait3A_106] : memref<10240x128xf32, #tpu.memory_space<hbm>> -> memref<10240x128xf32, #tpu.memory_space<hbm>>
      tpu.wait_indirect_dma semaphore(%arg12 : memref<!tpu.dma_semaphore, #tpu.memory_space<semaphore_mem>>) src(%dma_wait3A_107 : memref<10240x128xf32, #tpu.memory_space<hbm>>) dst(%arg9 : memref<128x128xf32, #tpu.memory_space<vmem>>)
      %dma_start3A_108 = arith.constant 1 : i32
      %dma_start3A_109 = arith.constant 0 : i32
      %dma_start3A_110 = arith.constant 0 : i32
      %dma_start3A_111 = tpu.memref_slice %arg8[%dma_start3A_108, %dma_start3A_109, %dma_start3A_110] : memref<2x2x128xi32, #tpu.memory_space<vmem>> -> memref<1x1x128xi32, #tpu.memory_space<vmem>>
      %dma_start3A_112 = tpu.memref_squeeze %dma_start3A_111 : memref<1x1x128xi32, #tpu.memory_space<vmem>> -> memref<128xi32, #tpu.memory_space<vmem>>
      %dma_start3A_113 = arith.constant 0 : i32
      %dma_start3A_114 = arith.constant 0 : i32
      %dma_start3A_115 = tpu.memref_slice %arg11[%dma_start3A_113, %dma_start3A_114] : memref<10240x128xf32, #tpu.memory_space<vmem_shared>> -> memref<10240x128xf32, #tpu.memory_space<vmem_shared>>
      tpu.enqueue_indirect_dma source(%arg9 : memref<128x128xf32, #tpu.memory_space<vmem>>) target(%dma_start3A_115 : memref<10240x128xf32, #tpu.memory_space<vmem_shared>>) offsets(%dma_start3A_112 : memref<128xi32, #tpu.memory_space<vmem>>) semaphore(%arg14 : memref<!tpu.dma_semaphore, #tpu.memory_space<semaphore_mem>>) {add = true}
      %dma_wait3A_116 = arith.constant 0 : i32
      %dma_wait3A_117 = arith.constant 0 : i32
      %dma_wait3A_118 = arith.constant 0 : i32
      %dma_wait3A_119 = tpu.memref_slice %arg8[%dma_wait3A_116, %dma_wait3A_117, %dma_wait3A_118] : memref<2x2x128xi32, #tpu.memory_space<vmem>> -> memref<1x1x128xi32, #tpu.memory_space<vmem>>
      %dma_wait3A_120 = tpu.memref_squeeze %dma_wait3A_119 : memref<1x1x128xi32, #tpu.memory_space<vmem>> -> memref<128xi32, #tpu.memory_space<vmem>>
      %dma_wait3A_121 = arith.constant 0 : i32
      %dma_wait3A_122 = arith.constant 0 : i32
      %dma_wait3A_123 = tpu.memref_slice %arg11[%dma_wait3A_121, %dma_wait3A_122] : memref<10240x128xf32, #tpu.memory_space<vmem_shared>> -> memref<10240x128xf32, #tpu.memory_space<vmem_shared>>
      tpu.wait_indirect_dma semaphore(%arg14 : memref<!tpu.dma_semaphore, #tpu.memory_space<semaphore_mem>>) src(%arg9 : memref<128x128xf32, #tpu.memory_space<vmem>>) dst(%dma_wait3A_123 : memref<10240x128xf32, #tpu.memory_space<vmem_shared>>)
      %add3A_124 = arith.constant 1 : i32
      %add3A_125 = arith.addi %add3A_99, %add3A_124 : i32
      %lt3A_126 = arith.cmpi slt, %add3A_125, %select_n3A_8 : i32
      %convert_element_type3A_127 = arith.extui %lt3A_126 : i1 to i32
      %cond3A_128 = arith.constant 0 : i32
      %cond3A_129 = arith.cmpi ne, %convert_element_type3A_127, %cond3A_128 : i32
      scf.if %cond3A_129 {
        %dma_wait3A_166 = arith.constant 0 : i32
        %dma_wait3A_167 = arith.constant 0 : i32
        %dma_wait3A_168 = arith.constant 0 : i32
        %dma_wait3A_169 = tpu.memref_slice %arg7[%dma_wait3A_166, %dma_wait3A_167, %dma_wait3A_168] : memref<2x2x128xi32, #tpu.memory_space<vmem>> -> memref<1x2x128xi32, #tpu.memory_space<vmem>>
        %dma_wait3A_170 = tpu.memref_squeeze %dma_wait3A_169 : memref<1x2x128xi32, #tpu.memory_space<vmem>> -> memref<2x128xi32, #tpu.memory_space<vmem>>
        %dma_wait3A_171 = arith.constant 0 : i32
        %dma_wait3A_172 = tpu.memref_slice %arg3[%select_n3A, %dma_wait3A_171] : memref<2560x128xi32, #tpu.memory_space<hbm>> -> memref<2x128xi32, #tpu.memory_space<hbm>>
        %dma_wait3A_173 = arith.constant 0 : i32
        %dma_wait3A_174 = arith.constant 0 : i32
        %dma_wait3A_175 = tpu.memref_slice %arg7[%dma_wait3A_166, %dma_wait3A_173, %dma_wait3A_174] : memref<2x2x128xi32, #tpu.memory_space<vmem>> -> memref<1x2x128xi32, #tpu.memory_space<vmem>>
        %dma_wait3A_176 = tpu.memref_squeeze %dma_wait3A_175 : memref<1x2x128xi32, #tpu.memory_space<vmem>> -> memref<2x128xi32, #tpu.memory_space<vmem>>
        %dma_wait3A_177 = arith.constant 0 : i32
        %dma_wait3A_178 = tpu.memref_slice %arg3[%select_n3A, %dma_wait3A_177] : memref<2560x128xi32, #tpu.memory_space<hbm>> -> memref<2x128xi32, #tpu.memory_space<hbm>>
        tpu.wait_dma2 semaphore(%arg16 : memref<!tpu.dma_semaphore, #tpu.memory_space<semaphore_mem>>) src(%dma_wait3A_178 : memref<2x128xi32, #tpu.memory_space<hbm>>) dst(%dma_wait3A_176 : memref<2x128xi32, #tpu.memory_space<vmem>>)
        %dma_wait3A_179 = arith.constant 0 : i32
        %dma_wait3A_180 = arith.constant 0 : i32
        %dma_wait3A_181 = arith.constant 0 : i32
        %dma_wait3A_182 = tpu.memref_slice %arg8[%dma_wait3A_179, %dma_wait3A_180, %dma_wait3A_181] : memref<2x2x128xi32, #tpu.memory_space<vmem>> -> memref<1x2x128xi32, #tpu.memory_space<vmem>>
        %dma_wait3A_183 = tpu.memref_squeeze %dma_wait3A_182 : memref<1x2x128xi32, #tpu.memory_space<vmem>> -> memref<2x128xi32, #tpu.memory_space<vmem>>
        %dma_wait3A_184 = arith.constant 0 : i32
        %dma_wait3A_185 = tpu.memref_slice %arg4[%select_n3A, %dma_wait3A_184] : memref<2560x128xi32, #tpu.memory_space<hbm>> -> memref<2x128xi32, #tpu.memory_space<hbm>>
        %dma_wait3A_186 = arith.constant 0 : i32
        %dma_wait3A_187 = arith.constant 0 : i32
        %dma_wait3A_188 = tpu.memref_slice %arg8[%dma_wait3A_179, %dma_wait3A_186, %dma_wait3A_187] : memref<2x2x128xi32, #tpu.memory_space<vmem>> -> memref<1x2x128xi32, #tpu.memory_space<vmem>>
        %dma_wait3A_189 = tpu.memref_squeeze %dma_wait3A_188 : memref<1x2x128xi32, #tpu.memory_space<vmem>> -> memref<2x128xi32, #tpu.memory_space<vmem>>
        %dma_wait3A_190 = arith.constant 0 : i32
        %dma_wait3A_191 = tpu.memref_slice %arg4[%select_n3A, %dma_wait3A_190] : memref<2560x128xi32, #tpu.memory_space<hbm>> -> memref<2x128xi32, #tpu.memory_space<hbm>>
        tpu.wait_dma2 semaphore(%arg18 : memref<!tpu.dma_semaphore, #tpu.memory_space<semaphore_mem>>) src(%dma_wait3A_191 : memref<2x128xi32, #tpu.memory_space<hbm>>) dst(%dma_wait3A_189 : memref<2x128xi32, #tpu.memory_space<vmem>>)
        %dma_start3A_192 = arith.constant 0 : i32
        %dma_start3A_193 = arith.constant 0 : i32
        %dma_start3A_194 = arith.constant 0 : i32
        %dma_start3A_195 = tpu.memref_slice %arg7[%dma_start3A_192, %dma_start3A_193, %dma_start3A_194] : memref<2x2x128xi32, #tpu.memory_space<vmem>> -> memref<1x1x128xi32, #tpu.memory_space<vmem>>
        %dma_start3A_196 = tpu.memref_squeeze %dma_start3A_195 : memref<1x1x128xi32, #tpu.memory_space<vmem>> -> memref<128xi32, #tpu.memory_space<vmem>>
        %dma_start3A_197 = arith.constant 0 : i32
        %dma_start3A_198 = arith.constant 0 : i32
        %dma_start3A_199 = tpu.memref_slice %arg2[%dma_start3A_197, %dma_start3A_198] : memref<10240x128xf32, #tpu.memory_space<hbm>> -> memref<10240x128xf32, #tpu.memory_space<hbm>>
        tpu.enqueue_indirect_dma source(%dma_start3A_199 : memref<10240x128xf32, #tpu.memory_space<hbm>>) target(%arg9 : memref<128x128xf32, #tpu.memory_space<vmem>>) offsets(%dma_start3A_196 : memref<128xi32, #tpu.memory_space<vmem>>) semaphore(%arg12 : memref<!tpu.dma_semaphore, #tpu.memory_space<semaphore_mem>>)
      } else {
      }
      %dma_wait3A_130 = arith.constant 0 : i32
      %dma_wait3A_131 = arith.constant 0 : i32
      %dma_wait3A_132 = arith.constant 0 : i32
      %dma_wait3A_133 = tpu.memref_slice %arg7[%dma_wait3A_130, %dma_wait3A_131, %dma_wait3A_132] : memref<2x2x128xi32, #tpu.memory_space<vmem>> -> memref<1x1x128xi32, #tpu.memory_space<vmem>>
      %dma_wait3A_134 = tpu.memref_squeeze %dma_wait3A_133 : memref<1x1x128xi32, #tpu.memory_space<vmem>> -> memref<128xi32, #tpu.memory_space<vmem>>
      %dma_wait3A_135 = arith.constant 0 : i32
      %dma_wait3A_136 = arith.constant 0 : i32
      %dma_wait3A_137 = tpu.memref_slice %arg2[%dma_wait3A_135, %dma_wait3A_136] : memref<10240x128xf32, #tpu.memory_space<hbm>> -> memref<10240x128xf32, #tpu.memory_space<hbm>>
      tpu.wait_indirect_dma semaphore(%arg13 : memref<!tpu.dma_semaphore, #tpu.memory_space<semaphore_mem>>) src(%dma_wait3A_137 : memref<10240x128xf32, #tpu.memory_space<hbm>>) dst(%arg10 : memref<128x128xf32, #tpu.memory_space<vmem>>)
      %dma_start3A_138 = arith.constant 1 : i32
      %dma_start3A_139 = arith.constant 1 : i32
      %dma_start3A_140 = arith.constant 0 : i32
      %dma_start3A_141 = tpu.memref_slice %arg8[%dma_start3A_138, %dma_start3A_139, %dma_start3A_140] : memref<2x2x128xi32, #tpu.memory_space<vmem>> -> memref<1x1x128xi32, #tpu.memory_space<vmem>>
      %dma_start3A_142 = tpu.memref_squeeze %dma_start3A_141 : memref<1x1x128xi32, #tpu.memory_space<vmem>> -> memref<128xi32, #tpu.memory_space<vmem>>
      %dma_start3A_143 = arith.constant 0 : i32
      %dma_start3A_144 = arith.constant 0 : i32
      %dma_start3A_145 = tpu.memref_slice %arg11[%dma_start3A_143, %dma_start3A_144] : memref<10240x128xf32, #tpu.memory_space<vmem_shared>> -> memref<10240x128xf32, #tpu.memory_space<vmem_shared>>
      tpu.enqueue_indirect_dma source(%arg10 : memref<128x128xf32, #tpu.memory_space<vmem>>) target(%dma_start3A_145 : memref<10240x128xf32, #tpu.memory_space<vmem_shared>>) offsets(%dma_start3A_142 : memref<128xi32, #tpu.memory_space<vmem>>) semaphore(%arg15 : memref<!tpu.dma_semaphore, #tpu.memory_space<semaphore_mem>>) {add = true}
      %dma_wait3A_146 = arith.constant 0 : i32
      %dma_wait3A_147 = arith.constant 0 : i32
      %dma_wait3A_148 = arith.constant 0 : i32
      %dma_wait3A_149 = tpu.memref_slice %arg8[%dma_wait3A_146, %dma_wait3A_147, %dma_wait3A_148] : memref<2x2x128xi32, #tpu.memory_space<vmem>> -> memref<1x1x128xi32, #tpu.memory_space<vmem>>
      %dma_wait3A_150 = tpu.memref_squeeze %dma_wait3A_149 : memref<1x1x128xi32, #tpu.memory_space<vmem>> -> memref<128xi32, #tpu.memory_space<vmem>>
      %dma_wait3A_151 = arith.constant 0 : i32
      %dma_wait3A_152 = arith.constant 0 : i32
      %dma_wait3A_153 = tpu.memref_slice %arg11[%dma_wait3A_151, %dma_wait3A_152] : memref<10240x128xf32, #tpu.memory_space<vmem_shared>> -> memref<10240x128xf32, #tpu.memory_space<vmem_shared>>
      tpu.wait_indirect_dma semaphore(%arg15 : memref<!tpu.dma_semaphore, #tpu.memory_space<semaphore_mem>>) src(%arg10 : memref<128x128xf32, #tpu.memory_space<vmem>>) dst(%dma_wait3A_153 : memref<10240x128xf32, #tpu.memory_space<vmem_shared>>)
      %add3A_154 = arith.constant 2 : i32
      %add3A_155 = arith.addi %add3A_99, %add3A_154 : i32
      %lt3A_156 = arith.cmpi slt, %add3A_155, %select_n3A_8 : i32
      %convert_element_type3A_157 = arith.extui %lt3A_156 : i1 to i32
      %cond3A_158 = arith.constant 0 : i32
      %cond3A_159 = arith.cmpi ne, %convert_element_type3A_157, %cond3A_158 : i32
      scf.if %cond3A_159 {
        %add3A_166 = arith.constant 2 : i32
        %add3A_167 = arith.addi %add3A_99, %add3A_166 : i32
        %mul3A_168 = arith.constant 2 : i32
        %mul3A_169 = arith.muli %add3A_167, %mul3A_168 : i32
        %add3A_170 = arith.addi %select_n3A, %mul3A_169 : i32
        %dma_start3A_171 = arith.constant 1 : i32
        %dma_start3A_172 = arith.constant 0 : i32
        %dma_start3A_173 = arith.constant 0 : i32
        %dma_start3A_174 = tpu.memref_slice %arg7[%dma_start3A_171, %dma_start3A_172, %dma_start3A_173] : memref<2x2x128xi32, #tpu.memory_space<vmem>> -> memref<1x2x128xi32, #tpu.memory_space<vmem>>
        %dma_start3A_175 = tpu.memref_squeeze %dma_start3A_174 : memref<1x2x128xi32, #tpu.memory_space<vmem>> -> memref<2x128xi32, #tpu.memory_space<vmem>>
        %dma_start3A_176 = arith.constant 0 : i32
        %dma_start3A_177 = tpu.memref_slice %arg3[%add3A_170, %dma_start3A_176] : memref<2560x128xi32, #tpu.memory_space<hbm>> -> memref<2x128xi32, #tpu.memory_space<hbm>>
        %dma_start3A_178 = arith.constant 0 : i32
        %dma_start3A_179 = arith.constant 0 : i32
        %dma_start3A_180 = tpu.memref_slice %arg7[%dma_start3A_171, %dma_start3A_178, %dma_start3A_179] : memref<2x2x128xi32, #tpu.memory_space<vmem>> -> memref<1x2x128xi32, #tpu.memory_space<vmem>>
        %dma_start3A_181 = tpu.memref_squeeze %dma_start3A_180 : memref<1x2x128xi32, #tpu.memory_space<vmem>> -> memref<2x128xi32, #tpu.memory_space<vmem>>
        %dma_start3A_182 = arith.constant 0 : i32
        %dma_start3A_183 = tpu.memref_slice %arg3[%add3A_170, %dma_start3A_182] : memref<2560x128xi32, #tpu.memory_space<hbm>> -> memref<2x128xi32, #tpu.memory_space<hbm>>
        tpu.enqueue_dma source(%dma_start3A_183 : memref<2x128xi32, #tpu.memory_space<hbm>>) target(%dma_start3A_181 : memref<2x128xi32, #tpu.memory_space<vmem>>) target_semaphore(%arg17 : memref<!tpu.dma_semaphore, #tpu.memory_space<semaphore_mem>>)
        %add3A_184 = arith.constant 2 : i32
        %add3A_185 = arith.addi %add3A_99, %add3A_184 : i32
        %mul3A_186 = arith.constant 2 : i32
        %mul3A_187 = arith.muli %add3A_185, %mul3A_186 : i32
        %add3A_188 = arith.addi %select_n3A, %mul3A_187 : i32
        %dma_start3A_189 = arith.constant 1 : i32
        %dma_start3A_190 = arith.constant 0 : i32
        %dma_start3A_191 = arith.constant 0 : i32
        %dma_start3A_192 = tpu.memref_slice %arg8[%dma_start3A_189, %dma_start3A_190, %dma_start3A_191] : memref<2x2x128xi32, #tpu.memory_space<vmem>> -> memref<1x2x128xi32, #tpu.memory_space<vmem>>
        %dma_start3A_193 = tpu.memref_squeeze %dma_start3A_192 : memref<1x2x128xi32, #tpu.memory_space<vmem>> -> memref<2x128xi32, #tpu.memory_space<vmem>>
        %dma_start3A_194 = arith.constant 0 : i32
        %dma_start3A_195 = tpu.memref_slice %arg4[%add3A_188, %dma_start3A_194] : memref<2560x128xi32, #tpu.memory_space<hbm>> -> memref<2x128xi32, #tpu.memory_space<hbm>>
        %dma_start3A_196 = arith.constant 0 : i32
        %dma_start3A_197 = arith.constant 0 : i32
        %dma_start3A_198 = tpu.memref_slice %arg8[%dma_start3A_189, %dma_start3A_196, %dma_start3A_197] : memref<2x2x128xi32, #tpu.memory_space<vmem>> -> memref<1x2x128xi32, #tpu.memory_space<vmem>>
        %dma_start3A_199 = tpu.memref_squeeze %dma_start3A_198 : memref<1x2x128xi32, #tpu.memory_space<vmem>> -> memref<2x128xi32, #tpu.memory_space<vmem>>
        %dma_start3A_200 = arith.constant 0 : i32
        %dma_start3A_201 = tpu.memref_slice %arg4[%add3A_188, %dma_start3A_200] : memref<2560x128xi32, #tpu.memory_space<hbm>> -> memref<2x128xi32, #tpu.memory_space<hbm>>
        tpu.enqueue_dma source(%dma_start3A_201 : memref<2x128xi32, #tpu.memory_space<hbm>>) target(%dma_start3A_199 : memref<2x128xi32, #tpu.memory_space<vmem>>) target_semaphore(%arg19 : memref<!tpu.dma_semaphore, #tpu.memory_space<semaphore_mem>>)
      } else {
      }
      %add3A_160 = arith.constant 1 : i32
      %add3A_161 = arith.addi %add3A_99, %add3A_160 : i32
      %lt3A_162 = arith.cmpi slt, %add3A_161, %select_n3A_8 : i32
      %convert_element_type3A_163 = arith.extui %lt3A_162 : i1 to i32
      %cond3A_164 = arith.constant 0 : i32
      %cond3A_165 = arith.cmpi ne, %convert_element_type3A_163, %cond3A_164 : i32
      scf.if %cond3A_165 {
        %dma_start3A_166 = arith.constant 0 : i32
        %dma_start3A_167 = arith.constant 1 : i32
        %dma_start3A_168 = arith.constant 0 : i32
        %dma_start3A_169 = tpu.memref_slice %arg7[%dma_start3A_166, %dma_start3A_167, %dma_start3A_168] : memref<2x2x128xi32, #tpu.memory_space<vmem>> -> memref<1x1x128xi32, #tpu.memory_space<vmem>>
        %dma_start3A_170 = tpu.memref_squeeze %dma_start3A_169 : memref<1x1x128xi32, #tpu.memory_space<vmem>> -> memref<128xi32, #tpu.memory_space<vmem>>
        %dma_start3A_171 = arith.constant 0 : i32
        %dma_start3A_172 = arith.constant 0 : i32
        %dma_start3A_173 = tpu.memref_slice %arg2[%dma_start3A_171, %dma_start3A_172] : memref<10240x128xf32, #tpu.memory_space<hbm>> -> memref<10240x128xf32, #tpu.memory_space<hbm>>
        tpu.enqueue_indirect_dma source(%dma_start3A_173 : memref<10240x128xf32, #tpu.memory_space<hbm>>) target(%arg10 : memref<128x128xf32, #tpu.memory_space<vmem>>) offsets(%dma_start3A_170 : memref<128xi32, #tpu.memory_space<vmem>>) semaphore(%arg13 : memref<!tpu.dma_semaphore, #tpu.memory_space<semaphore_mem>>)
      } else {
      }
    }
    %barrier3A_23 = arith.constant 0 : index
    tpu.barrier barrier_id(%barrier3A_23)
    %mul3A_24 = arith.constant 640 : i32
    %mul3A_25 = arith.muli %arg1, %mul3A_24 : i32
    %mul3A_26 = arith.constant 640 : i32
    %mul3A_27 = arith.muli %arg1, %mul3A_26 : i32
    "tpu.region"() ({
      %run_scoped3A = tpu.sem_alloc : memref<!tpu.dma_semaphore, #tpu.memory_space<semaphore_mem>>
      %dma_start3A = arith.constant 0 : i32
      %dma_start3A_28 = tpu.memref_slice %arg6[%arg0, %mul3A_27, %dma_start3A] : memref<2x10240x128xf32, #tpu.memory_space<hbm>> -> memref<1x640x128xf32, #tpu.memory_space<hbm>>
      %dma_start3A_29 = tpu.memref_squeeze %dma_start3A_28 : memref<1x640x128xf32, #tpu.memory_space<hbm>> -> memref<640x128xf32, #tpu.memory_space<hbm>>
      %dma_start3A_30 = arith.constant 0 : i32
      %dma_start3A_31 = tpu.memref_slice %arg11[%mul3A_25, %dma_start3A_30] : memref<10240x128xf32, #tpu.memory_space<vmem_shared>> -> memref<640x128xf32, #tpu.memory_space<vmem_shared>>
      tpu.enqueue_dma source(%dma_start3A_31 : memref<640x128xf32, #tpu.memory_space<vmem_shared>>) target(%dma_start3A_29 : memref<640x128xf32, #tpu.memory_space<hbm>>) target_semaphore(%run_scoped3A : memref<!tpu.dma_semaphore, #tpu.memory_space<semaphore_mem>>)
      %dma_wait3A = arith.constant 0 : i32
      %dma_wait3A_32 = tpu.memref_slice %arg6[%arg0, %mul3A_27, %dma_wait3A] : memref<2x10240x128xf32, #tpu.memory_space<hbm>> -> memref<1x640x128xf32, #tpu.memory_space<hbm>>
      %dma_wait3A_33 = tpu.memref_squeeze %dma_wait3A_32 : memref<1x640x128xf32, #tpu.memory_space<hbm>> -> memref<640x128xf32, #tpu.memory_space<hbm>>
      %dma_wait3A_34 = arith.constant 0 : i32
      %dma_wait3A_35 = tpu.memref_slice %arg11[%mul3A_25, %dma_wait3A_34] : memref<10240x128xf32, #tpu.memory_space<vmem_shared>> -> memref<640x128xf32, #tpu.memory_space<vmem_shared>>
      tpu.wait_dma2 semaphore(%run_scoped3A : memref<!tpu.dma_semaphore, #tpu.memory_space<semaphore_mem>>) src(%dma_wait3A_35 : memref<640x128xf32, #tpu.memory_space<vmem_shared>>) dst(%dma_wait3A_33 : memref<640x128xf32, #tpu.memory_space<hbm>>)
      tpu.yield
    }) : () -> ()
    return
  }
}

#map = affine_map<(d0, d1) -> (0, 0)>
#map1 = affine_map<(d0, d1) -> (0, 0, 0)>
module attributes {stable_mosaic.version = 14 : i64} {
  func.func @scat(%arg0: i32, %arg1: i32, %arg2: memref<10240x128xf32, #tpu.memory_space<hbm>>, %arg3: memref<2560x128xi32, #tpu.memory_space<hbm>>, %arg4: memref<2560x128xi32, #tpu.memory_space<hbm>>, %arg5: memref<640x128xf32, #tpu.memory_space<hbm>>, %arg6: memref<2x10240x128xf32, #tpu.memory_space<hbm>>, %arg7: memref<2x2x128xi32, #tpu.memory_space<vmem>>, %arg8: memref<2x2x128xi32, #tpu.memory_space<vmem>>, %arg9: memref<128x128xf32, #tpu.memory_space<vmem>>, %arg10: memref<128x128xf32, #tpu.memory_space<vmem>>, %arg11: memref<10240x128xf32, #tpu.memory_space<vmem_shared>>, %arg12: memref<!tpu.dma_semaphore, #tpu.memory_space<semaphore_mem>>, %arg13: memref<!tpu.dma_semaphore, #tpu.memory_space<semaphore_mem>>, %arg14: memref<!tpu.dma_semaphore, #tpu.memory_space<semaphore_mem>>, %arg15: memref<!tpu.dma_semaphore, #tpu.memory_space<semaphore_mem>>, %arg16: memref<!tpu.dma_semaphore, #tpu.memory_space<semaphore_mem>>, %arg17: memref<!tpu.dma_semaphore, #tpu.memory_space<semaphore_mem>>, %arg18: memref<!tpu.dma_semaphore, #tpu.memory_space<semaphore_mem>>, %arg19: memref<!tpu.dma_semaphore, #tpu.memory_space<semaphore_mem>>) attributes {dimension_semantics = [#tpu.dimension_semantics<core_parallel>, #tpu.dimension_semantics<subcore_parallel>], iteration_bounds = array<i64: 2, 16>, scalar_prefetch = 0 : i64, scratch_operands = 13 : i64, tpu.core_type = #tpu.core_type<sc_vector_subcore>, window_params = [{transform_indices = #map}, {transform_indices = #map}, {transform_indices = #map}, {transform_indices = #map}, {transform_indices = #map1}]} {
    %eq3A = arith.constant 0 : i32
    %eq3A_0 = arith.cmpi eq, %arg0, %eq3A : i32
    %mul3A = arith.constant 160 : i32
    %mul3A_1 = arith.muli %arg1, %mul3A : i32
    %mul3A_2 = arith.constant 0 : i32
    %mul3A_3 = arith.muli %arg1, %mul3A_2 : i32
    %add3A = arith.constant 2560 : i32
    %add3A_4 = arith.addi %add3A, %mul3A_3 : i32
    %select_n3A = arith.select %eq3A_0, %mul3A_1, %add3A_4 : i32
    %eq3A_5 = arith.constant 0 : i32
    %eq3A_6 = arith.cmpi eq, %arg0, %eq3A_5 : i32
    %jit3A = arith.constant 80 : i32
    %jit3A_7 = arith.constant 0 : i32
    %select_n3A_8 = arith.select %eq3A_6, %jit3A, %jit3A_7 : i32
    %mul3A_9 = arith.constant 640 : i32
    %mul3A_10 = arith.muli %arg1, %mul3A_9 : i32
    "tpu.region"() ({
      %run_scoped3A = tpu.sem_alloc : memref<!tpu.dma_semaphore, #tpu.memory_space<semaphore_mem>>
      %dma_start3A = arith.constant 0 : i32
      %dma_start3A_28 = tpu.memref_slice %arg11[%mul3A_10, %dma_start3A] : memref<10240x128xf32, #tpu.memory_space<vmem_shared>> -> memref<640x128xf32, #tpu.memory_space<vmem_shared>>
      tpu.enqueue_dma source(%arg5 : memref<640x128xf32, #tpu.memory_space<hbm>>) target(%dma_start3A_28 : memref<640x128xf32, #tpu.memory_space<vmem_shared>>) target_semaphore(%run_scoped3A : memref<!tpu.dma_semaphore, #tpu.memory_space<semaphore_mem>>)
      %dma_wait3A = arith.constant 0 : i32
      %dma_wait3A_29 = tpu.memref_slice %arg11[%mul3A_10, %dma_wait3A] : memref<10240x128xf32, #tpu.memory_space<vmem_shared>> -> memref<640x128xf32, #tpu.memory_space<vmem_shared>>
      tpu.wait_dma2 semaphore(%run_scoped3A : memref<!tpu.dma_semaphore, #tpu.memory_space<semaphore_mem>>) src(%arg5 : memref<640x128xf32, #tpu.memory_space<hbm>>) dst(%dma_wait3A_29 : memref<640x128xf32, #tpu.memory_space<vmem_shared>>)
      tpu.yield
    }) : () -> ()
    %gt3A = arith.constant 0 : i32
    %gt3A_11 = arith.cmpi sgt, %select_n3A_8, %gt3A : i32
    %convert_element_type3A = arith.extui %gt3A_11 : i1 to i32
    %cond3A = arith.constant 0 : i32
    %cond3A_12 = arith.cmpi ne, %convert_element_type3A, %cond3A : i32
    scf.if %cond3A_12 {
      %run_scoped3A = arith.constant 0 : i32
      "tpu.region"() ({
        %run_scoped3A_74 = tpu.sem_alloc : memref<!tpu.dma_semaphore, #tpu.memory_space<semaphore_mem>>
        %dma_start3A_75 = arith.constant 0 : i32
        %dma_start3A_76 = arith.constant 0 : i32
        %dma_start3A_77 = tpu.memref_slice %arg7[%run_scoped3A, %dma_start3A_75, %dma_start3A_76] : memref<2x2x128xi32, #tpu.memory_space<vmem>> -> memref<1x2x128xi32, #tpu.memory_space<vmem>>
        %dma_start3A_78 = tpu.memref_squeeze %dma_start3A_77 : memref<1x2x128xi32, #tpu.memory_space<vmem>> -> memref<2x128xi32, #tpu.memory_space<vmem>>
        %dma_start3A_79 = arith.constant 0 : i32
        %dma_start3A_80 = tpu.memref_slice %arg3[%select_n3A, %dma_start3A_79] : memref<2560x128xi32, #tpu.memory_space<hbm>> -> memref<2x128xi32, #tpu.memory_space<hbm>>
        %dma_start3A_81 = arith.constant 0 : i32
        %dma_start3A_82 = arith.constant 0 : i32
        %dma_start3A_83 = tpu.memref_slice %arg7[%run_scoped3A, %dma_start3A_81, %dma_start3A_82] : memref<2x2x128xi32, #tpu.memory_space<vmem>> -> memref<1x2x128xi32, #tpu.memory_space<vmem>>
        %dma_start3A_84 = tpu.memref_squeeze %dma_start3A_83 : memref<1x2x128xi32, #tpu.memory_space<vmem>> -> memref<2x128xi32, #tpu.memory_space<vmem>>
        %dma_start3A_85 = arith.constant 0 : i32
        %dma_start3A_86 = tpu.memref_slice %arg3[%select_n3A, %dma_start3A_85] : memref<2560x128xi32, #tpu.memory_space<hbm>> -> memref<2x128xi32, #tpu.memory_space<hbm>>
        tpu.enqueue_dma source(%dma_start3A_86 : memref<2x128xi32, #tpu.memory_space<hbm>>) target(%dma_start3A_84 : memref<2x128xi32, #tpu.memory_space<vmem>>) target_semaphore(%run_scoped3A_74 : memref<!tpu.dma_semaphore, #tpu.memory_space<semaphore_mem>>)
        %dma_wait3A = arith.constant 0 : i32
        %dma_wait3A_87 = arith.constant 0 : i32
        %dma_wait3A_88 = tpu.memref_slice %arg7[%run_scoped3A, %dma_wait3A, %dma_wait3A_87] : memref<2x2x128xi32, #tpu.memory_space<vmem>> -> memref<1x2x128xi32, #tpu.memory_space<vmem>>
        %dma_wait3A_89 = tpu.memref_squeeze %dma_wait3A_88 : memref<1x2x128xi32, #tpu.memory_space<vmem>> -> memref<2x128xi32, #tpu.memory_space<vmem>>
        %dma_wait3A_90 = arith.constant 0 : i32
        %dma_wait3A_91 = tpu.memref_slice %arg3[%select_n3A, %dma_wait3A_90] : memref<2560x128xi32, #tpu.memory_space<hbm>> -> memref<2x128xi32, #tpu.memory_space<hbm>>
        %dma_wait3A_92 = arith.constant 0 : i32
        %dma_wait3A_93 = arith.constant 0 : i32
        %dma_wait3A_94 = tpu.memref_slice %arg7[%run_scoped3A, %dma_wait3A_92, %dma_wait3A_93] : memref<2x2x128xi32, #tpu.memory_space<vmem>> -> memref<1x2x128xi32, #tpu.memory_space<vmem>>
        %dma_wait3A_95 = tpu.memref_squeeze %dma_wait3A_94 : memref<1x2x128xi32, #tpu.memory_space<vmem>> -> memref<2x128xi32, #tpu.memory_space<vmem>>
        %dma_wait3A_96 = arith.constant 0 : i32
        %dma_wait3A_97 = tpu.memref_slice %arg3[%select_n3A, %dma_wait3A_96] : memref<2560x128xi32, #tpu.memory_space<hbm>> -> memref<2x128xi32, #tpu.memory_space<hbm>>
        tpu.wait_dma2 semaphore(%run_scoped3A_74 : memref<!tpu.dma_semaphore, #tpu.memory_space<semaphore_mem>>) src(%dma_wait3A_97 : memref<2x128xi32, #tpu.memory_space<hbm>>) dst(%dma_wait3A_95 : memref<2x128xi32, #tpu.memory_space<vmem>>)
        tpu.yield
      }) : () -> ()
      %run_scoped3A_28 = arith.constant 0 : i32
      "tpu.region"() ({
        %run_scoped3A_74 = tpu.sem_alloc : memref<!tpu.dma_semaphore, #tpu.memory_space<semaphore_mem>>
        %dma_start3A_75 = arith.constant 0 : i32
        %dma_start3A_76 = arith.constant 0 : i32
        %dma_start3A_77 = tpu.memref_slice %arg8[%run_scoped3A_28, %dma_start3A_75, %dma_start3A_76] : memref<2x2x128xi32, #tpu.memory_space<vmem>> -> memref<1x2x128xi32, #tpu.memory_space<vmem>>
        %dma_start3A_78 = tpu.memref_squeeze %dma_start3A_77 : memref<1x2x128xi32, #tpu.memory_space<vmem>> -> memref<2x128xi32, #tpu.memory_space<vmem>>
        %dma_start3A_79 = arith.constant 0 : i32
        %dma_start3A_80 = tpu.memref_slice %arg4[%select_n3A, %dma_start3A_79] : memref<2560x128xi32, #tpu.memory_space<hbm>> -> memref<2x128xi32, #tpu.memory_space<hbm>>
        %dma_start3A_81 = arith.constant 0 : i32
        %dma_start3A_82 = arith.constant 0 : i32
        %dma_start3A_83 = tpu.memref_slice %arg8[%run_scoped3A_28, %dma_start3A_81, %dma_start3A_82] : memref<2x2x128xi32, #tpu.memory_space<vmem>> -> memref<1x2x128xi32, #tpu.memory_space<vmem>>
        %dma_start3A_84 = tpu.memref_squeeze %dma_start3A_83 : memref<1x2x128xi32, #tpu.memory_space<vmem>> -> memref<2x128xi32, #tpu.memory_space<vmem>>
        %dma_start3A_85 = arith.constant 0 : i32
        %dma_start3A_86 = tpu.memref_slice %arg4[%select_n3A, %dma_start3A_85] : memref<2560x128xi32, #tpu.memory_space<hbm>> -> memref<2x128xi32, #tpu.memory_space<hbm>>
        tpu.enqueue_dma source(%dma_start3A_86 : memref<2x128xi32, #tpu.memory_space<hbm>>) target(%dma_start3A_84 : memref<2x128xi32, #tpu.memory_space<vmem>>) target_semaphore(%run_scoped3A_74 : memref<!tpu.dma_semaphore, #tpu.memory_space<semaphore_mem>>)
        %dma_wait3A = arith.constant 0 : i32
        %dma_wait3A_87 = arith.constant 0 : i32
        %dma_wait3A_88 = tpu.memref_slice %arg8[%run_scoped3A_28, %dma_wait3A, %dma_wait3A_87] : memref<2x2x128xi32, #tpu.memory_space<vmem>> -> memref<1x2x128xi32, #tpu.memory_space<vmem>>
        %dma_wait3A_89 = tpu.memref_squeeze %dma_wait3A_88 : memref<1x2x128xi32, #tpu.memory_space<vmem>> -> memref<2x128xi32, #tpu.memory_space<vmem>>
        %dma_wait3A_90 = arith.constant 0 : i32
        %dma_wait3A_91 = tpu.memref_slice %arg4[%select_n3A, %dma_wait3A_90] : memref<2560x128xi32, #tpu.memory_space<hbm>> -> memref<2x128xi32, #tpu.memory_space<hbm>>
        %dma_wait3A_92 = arith.constant 0 : i32
        %dma_wait3A_93 = arith.constant 0 : i32
        %dma_wait3A_94 = tpu.memref_slice %arg8[%run_scoped3A_28, %dma_wait3A_92, %dma_wait3A_93] : memref<2x2x128xi32, #tpu.memory_space<vmem>> -> memref<1x2x128xi32, #tpu.memory_space<vmem>>
        %dma_wait3A_95 = tpu.memref_squeeze %dma_wait3A_94 : memref<1x2x128xi32, #tpu.memory_space<vmem>> -> memref<2x128xi32, #tpu.memory_space<vmem>>
        %dma_wait3A_96 = arith.constant 0 : i32
        %dma_wait3A_97 = tpu.memref_slice %arg4[%select_n3A, %dma_wait3A_96] : memref<2560x128xi32, #tpu.memory_space<hbm>> -> memref<2x128xi32, #tpu.memory_space<hbm>>
        tpu.wait_dma2 semaphore(%run_scoped3A_74 : memref<!tpu.dma_semaphore, #tpu.memory_space<semaphore_mem>>) src(%dma_wait3A_97 : memref<2x128xi32, #tpu.memory_space<hbm>>) dst(%dma_wait3A_95 : memref<2x128xi32, #tpu.memory_space<vmem>>)
        tpu.yield
      }) : () -> ()
      %dma_start3A = arith.constant 0 : i32
      %dma_start3A_29 = arith.constant 0 : i32
      %dma_start3A_30 = arith.constant 0 : i32
      %dma_start3A_31 = tpu.memref_slice %arg7[%dma_start3A, %dma_start3A_29, %dma_start3A_30] : memref<2x2x128xi32, #tpu.memory_space<vmem>> -> memref<1x1x128xi32, #tpu.memory_space<vmem>>
      %dma_start3A_32 = tpu.memref_squeeze %dma_start3A_31 : memref<1x1x128xi32, #tpu.memory_space<vmem>> -> memref<128xi32, #tpu.memory_space<vmem>>
      %dma_start3A_33 = arith.constant 0 : i32
      %dma_start3A_34 = arith.constant 0 : i32
      %dma_start3A_35 = tpu.memref_slice %arg2[%dma_start3A_33, %dma_start3A_34] : memref<10240x128xf32, #tpu.memory_space<hbm>> -> memref<10240x128xf32, #tpu.memory_space<hbm>>
      tpu.enqueue_indirect_dma source(%dma_start3A_35 : memref<10240x128xf32, #tpu.memory_space<hbm>>) target(%arg9 : memref<128x128xf32, #tpu.memory_space<vmem>>) offsets(%dma_start3A_32 : memref<128xi32, #tpu.memory_space<vmem>>) semaphore(%arg12 : memref<!tpu.dma_semaphore, #tpu.memory_space<semaphore_mem>>)
      %dma_start3A_36 = arith.constant 0 : i32
      %dma_start3A_37 = arith.constant 1 : i32
      %dma_start3A_38 = arith.constant 0 : i32
      %dma_start3A_39 = tpu.memref_slice %arg7[%dma_start3A_36, %dma_start3A_37, %dma_start3A_38] : memref<2x2x128xi32, #tpu.memory_space<vmem>> -> memref<1x1x128xi32, #tpu.memory_space<vmem>>
      %dma_start3A_40 = tpu.memref_squeeze %dma_start3A_39 : memref<1x1x128xi32, #tpu.memory_space<vmem>> -> memref<128xi32, #tpu.memory_space<vmem>>
      %dma_start3A_41 = arith.constant 0 : i32
      %dma_start3A_42 = arith.constant 0 : i32
      %dma_start3A_43 = tpu.memref_slice %arg2[%dma_start3A_41, %dma_start3A_42] : memref<10240x128xf32, #tpu.memory_space<hbm>> -> memref<10240x128xf32, #tpu.memory_space<hbm>>
      tpu.enqueue_indirect_dma source(%dma_start3A_43 : memref<10240x128xf32, #tpu.memory_space<hbm>>) target(%arg10 : memref<128x128xf32, #tpu.memory_space<vmem>>) offsets(%dma_start3A_40 : memref<128xi32, #tpu.memory_space<vmem>>) semaphore(%arg13 : memref<!tpu.dma_semaphore, #tpu.memory_space<semaphore_mem>>)
      %add3A_44 = arith.constant 2 : i32
      %add3A_45 = arith.addi %select_n3A, %add3A_44 : i32
      %dma_start3A_46 = arith.constant 1 : i32
      %dma_start3A_47 = arith.constant 0 : i32
      %dma_start3A_48 = arith.constant 0 : i32
      %dma_start3A_49 = tpu.memref_slice %arg7[%dma_start3A_46, %dma_start3A_47, %dma_start3A_48] : memref<2x2x128xi32, #tpu.memory_space<vmem>> -> memref<1x2x128xi32, #tpu.memory_space<vmem>>
      %dma_start3A_50 = tpu.memref_squeeze %dma_start3A_49 : memref<1x2x128xi32, #tpu.memory_space<vmem>> -> memref<2x128xi32, #tpu.memory_space<vmem>>
      %dma_start3A_51 = arith.constant 0 : i32
      %dma_start3A_52 = tpu.memref_slice %arg3[%add3A_45, %dma_start3A_51] : memref<2560x128xi32, #tpu.memory_space<hbm>> -> memref<2x128xi32, #tpu.memory_space<hbm>>
      %dma_start3A_53 = arith.constant 0 : i32
      %dma_start3A_54 = arith.constant 0 : i32
      %dma_start3A_55 = tpu.memref_slice %arg7[%dma_start3A_46, %dma_start3A_53, %dma_start3A_54] : memref<2x2x128xi32, #tpu.memory_space<vmem>> -> memref<1x2x128xi32, #tpu.memory_space<vmem>>
      %dma_start3A_56 = tpu.memref_squeeze %dma_start3A_55 : memref<1x2x128xi32, #tpu.memory_space<vmem>> -> memref<2x128xi32, #tpu.memory_space<vmem>>
      %dma_start3A_57 = arith.constant 0 : i32
      %dma_start3A_58 = tpu.memref_slice %arg3[%add3A_45, %dma_start3A_57] : memref<2560x128xi32, #tpu.memory_space<hbm>> -> memref<2x128xi32, #tpu.memory_space<hbm>>
      tpu.enqueue_dma source(%dma_start3A_58 : memref<2x128xi32, #tpu.memory_space<hbm>>) target(%dma_start3A_56 : memref<2x128xi32, #tpu.memory_space<vmem>>) target_semaphore(%arg17 : memref<!tpu.dma_semaphore, #tpu.memory_space<semaphore_mem>>)
      %add3A_59 = arith.constant 2 : i32
      %add3A_60 = arith.addi %select_n3A, %add3A_59 : i32
      %dma_start3A_61 = arith.constant 1 : i32
      %dma_start3A_62 = arith.constant 0 : i32
      %dma_start3A_63 = arith.constant 0 : i32
      %dma_start3A_64 = tpu.memref_slice %arg8[%dma_start3A_61, %dma_start3A_62, %dma_start3A_63] : memref<2x2x128xi32, #tpu.memory_space<vmem>> -> memref<1x2x128xi32, #tpu.memory_space<vmem>>
      %dma_start3A_65 = tpu.memref_squeeze %dma_start3A_64 : memref<1x2x128xi32, #tpu.memory_space<vmem>> -> memref<2x128xi32, #tpu.memory_space<vmem>>
      %dma_start3A_66 = arith.constant 0 : i32
      %dma_start3A_67 = tpu.memref_slice %arg4[%add3A_60, %dma_start3A_66] : memref<2560x128xi32, #tpu.memory_space<hbm>> -> memref<2x128xi32, #tpu.memory_space<hbm>>
      %dma_start3A_68 = arith.constant 0 : i32
      %dma_start3A_69 = arith.constant 0 : i32
      %dma_start3A_70 = tpu.memref_slice %arg8[%dma_start3A_61, %dma_start3A_68, %dma_start3A_69] : memref<2x2x128xi32, #tpu.memory_space<vmem>> -> memref<1x2x128xi32, #tpu.memory_space<vmem>>
      %dma_start3A_71 = tpu.memref_squeeze %dma_start3A_70 : memref<1x2x128xi32, #tpu.memory_space<vmem>> -> memref<2x128xi32, #tpu.memory_space<vmem>>
      %dma_start3A_72 = arith.constant 0 : i32
      %dma_start3A_73 = tpu.memref_slice %arg4[%add3A_60, %dma_start3A_72] : memref<2560x128xi32, #tpu.memory_space<hbm>> -> memref<2x128xi32, #tpu.memory_space<hbm>>
      tpu.enqueue_dma source(%dma_start3A_73 : memref<2x128xi32, #tpu.memory_space<hbm>>) target(%dma_start3A_71 : memref<2x128xi32, #tpu.memory_space<vmem>>) target_semaphore(%arg19 : memref<!tpu.dma_semaphore, #tpu.memory_space<semaphore_mem>>)
    } else {
    }
    %barrier3A = arith.constant 0 : index
    tpu.barrier barrier_id(%barrier3A)
    %div3A = arith.constant 2 : i32
    %div3A_13 = arith.divsi %select_n3A_8, %div3A : i32
    %while3A = arith.constant 0 : i32
    %while3A_14 = arith.constant 0 : i32
    %while3A_15 = arith.subi %div3A_13, %while3A_14 : i32
    %while3A_16 = arith.addi %while3A_14, %while3A_15 : i32
    %while3A_17 = arith.constant 1 : i32
    %while3A_18 = arith.divsi %while3A_15, %while3A_17 : i32
    %while3A_19 = arith.muli %while3A_18, %while3A_17 : i32
    %while3A_20 = arith.addi %while3A_14, %while3A_19 : i32
    %while3A_21 = arith.constant 1 : i32
    scf.for %while3A_28 = %while3A_14 to %while3A_20 step %while3A_21  : i32 {
      %mul3A_29 = arith.constant 2 : i32
      %mul3A_30 = arith.muli %while3A_28, %mul3A_29 : i32
      %add3A_31 = arith.constant 0 : i32
      %add3A_32 = arith.addi %mul3A_30, %add3A_31 : i32
      %dma_wait3A = arith.constant 0 : i32
      %dma_wait3A_33 = arith.constant 0 : i32
      %dma_wait3A_34 = arith.constant 0 : i32
      %dma_wait3A_35 = tpu.memref_slice %arg7[%dma_wait3A, %dma_wait3A_33, %dma_wait3A_34] : memref<2x2x128xi32, #tpu.memory_space<vmem>> -> memref<1x1x128xi32, #tpu.memory_space<vmem>>
      %dma_wait3A_36 = tpu.memref_squeeze %dma_wait3A_35 : memref<1x1x128xi32, #tpu.memory_space<vmem>> -> memref<128xi32, #tpu.memory_space<vmem>>
      %dma_wait3A_37 = arith.constant 0 : i32
      %dma_wait3A_38 = arith.constant 0 : i32
      %dma_wait3A_39 = tpu.memref_slice %arg2[%dma_wait3A_37, %dma_wait3A_38] : memref<10240x128xf32, #tpu.memory_space<hbm>> -> memref<10240x128xf32, #tpu.memory_space<hbm>>
      tpu.wait_indirect_dma semaphore(%arg12 : memref<!tpu.dma_semaphore, #tpu.memory_space<semaphore_mem>>) src(%dma_wait3A_39 : memref<10240x128xf32, #tpu.memory_space<hbm>>) dst(%arg9 : memref<128x128xf32, #tpu.memory_space<vmem>>)
      %dma_start3A = arith.constant 0 : i32
      %dma_start3A_40 = arith.constant 0 : i32
      %dma_start3A_41 = arith.constant 0 : i32
      %dma_start3A_42 = tpu.memref_slice %arg8[%dma_start3A, %dma_start3A_40, %dma_start3A_41] : memref<2x2x128xi32, #tpu.memory_space<vmem>> -> memref<1x1x128xi32, #tpu.memory_space<vmem>>
      %dma_start3A_43 = tpu.memref_squeeze %dma_start3A_42 : memref<1x1x128xi32, #tpu.memory_space<vmem>> -> memref<128xi32, #tpu.memory_space<vmem>>
      %dma_start3A_44 = arith.constant 0 : i32
      %dma_start3A_45 = arith.constant 0 : i32
      %dma_start3A_46 = tpu.memref_slice %arg11[%dma_start3A_44, %dma_start3A_45] : memref<10240x128xf32, #tpu.memory_space<vmem_shared>> -> memref<10240x128xf32, #tpu.memory_space<vmem_shared>>
      tpu.enqueue_indirect_dma source(%arg9 : memref<128x128xf32, #tpu.memory_space<vmem>>) target(%dma_start3A_46 : memref<10240x128xf32, #tpu.memory_space<vmem_shared>>) offsets(%dma_start3A_43 : memref<128xi32, #tpu.memory_space<vmem>>) semaphore(%arg14 : memref<!tpu.dma_semaphore, #tpu.memory_space<semaphore_mem>>) {add = true}
      %dma_wait3A_47 = arith.constant 0 : i32
      %dma_wait3A_48 = arith.constant 0 : i32
      %dma_wait3A_49 = arith.constant 0 : i32
      %dma_wait3A_50 = tpu.memref_slice %arg8[%dma_wait3A_47, %dma_wait3A_48, %dma_wait3A_49] : memref<2x2x128xi32, #tpu.memory_space<vmem>> -> memref<1x1x128xi32, #tpu.memory_space<vmem>>
      %dma_wait3A_51 = tpu.memref_squeeze %dma_wait3A_50 : memref<1x1x128xi32, #tpu.memory_space<vmem>> -> memref<128xi32, #tpu.memory_space<vmem>>
      %dma_wait3A_52 = arith.constant 0 : i32
      %dma_wait3A_53 = arith.constant 0 : i32
      %dma_wait3A_54 = tpu.memref_slice %arg11[%dma_wait3A_52, %dma_wait3A_53] : memref<10240x128xf32, #tpu.memory_space<vmem_shared>> -> memref<10240x128xf32, #tpu.memory_space<vmem_shared>>
      tpu.wait_indirect_dma semaphore(%arg14 : memref<!tpu.dma_semaphore, #tpu.memory_space<semaphore_mem>>) src(%arg9 : memref<128x128xf32, #tpu.memory_space<vmem>>) dst(%dma_wait3A_54 : memref<10240x128xf32, #tpu.memory_space<vmem_shared>>)
      %add3A_55 = arith.constant 1 : i32
      %add3A_56 = arith.addi %add3A_32, %add3A_55 : i32
      %lt3A = arith.cmpi slt, %add3A_56, %select_n3A_8 : i32
      %convert_element_type3A_57 = arith.extui %lt3A : i1 to i32
      %cond3A_58 = arith.constant 0 : i32
      %cond3A_59 = arith.cmpi ne, %convert_element_type3A_57, %cond3A_58 : i32
      scf.if %cond3A_59 {
        %dma_wait3A_166 = arith.constant 1 : i32
        %dma_wait3A_167 = arith.constant 0 : i32
        %dma_wait3A_168 = arith.constant 0 : i32
        %dma_wait3A_169 = tpu.memref_slice %arg7[%dma_wait3A_166, %dma_wait3A_167, %dma_wait3A_168] : memref<2x2x128xi32, #tpu.memory_space<vmem>> -> memref<1x2x128xi32, #tpu.memory_space<vmem>>
        %dma_wait3A_170 = tpu.memref_squeeze %dma_wait3A_169 : memref<1x2x128xi32, #tpu.memory_space<vmem>> -> memref<2x128xi32, #tpu.memory_space<vmem>>
        %dma_wait3A_171 = arith.constant 0 : i32
        %dma_wait3A_172 = tpu.memref_slice %arg3[%select_n3A, %dma_wait3A_171] : memref<2560x128xi32, #tpu.memory_space<hbm>> -> memref<2x128xi32, #tpu.memory_space<hbm>>
        %dma_wait3A_173 = arith.constant 0 : i32
        %dma_wait3A_174 = arith.constant 0 : i32
        %dma_wait3A_175 = tpu.memref_slice %arg7[%dma_wait3A_166, %dma_wait3A_173, %dma_wait3A_174] : memref<2x2x128xi32, #tpu.memory_space<vmem>> -> memref<1x2x128xi32, #tpu.memory_space<vmem>>
        %dma_wait3A_176 = tpu.memref_squeeze %dma_wait3A_175 : memref<1x2x128xi32, #tpu.memory_space<vmem>> -> memref<2x128xi32, #tpu.memory_space<vmem>>
        %dma_wait3A_177 = arith.constant 0 : i32
        %dma_wait3A_178 = tpu.memref_slice %arg3[%select_n3A, %dma_wait3A_177] : memref<2560x128xi32, #tpu.memory_space<hbm>> -> memref<2x128xi32, #tpu.memory_space<hbm>>
        tpu.wait_dma2 semaphore(%arg17 : memref<!tpu.dma_semaphore, #tpu.memory_space<semaphore_mem>>) src(%dma_wait3A_178 : memref<2x128xi32, #tpu.memory_space<hbm>>) dst(%dma_wait3A_176 : memref<2x128xi32, #tpu.memory_space<vmem>>)
        %dma_wait3A_179 = arith.constant 1 : i32
        %dma_wait3A_180 = arith.constant 0 : i32
        %dma_wait3A_181 = arith.constant 0 : i32
        %dma_wait3A_182 = tpu.memref_slice %arg8[%dma_wait3A_179, %dma_wait3A_180, %dma_wait3A_181] : memref<2x2x128xi32, #tpu.memory_space<vmem>> -> memref<1x2x128xi32, #tpu.memory_space<vmem>>
        %dma_wait3A_183 = tpu.memref_squeeze %dma_wait3A_182 : memref<1x2x128xi32, #tpu.memory_space<vmem>> -> memref<2x128xi32, #tpu.memory_space<vmem>>
        %dma_wait3A_184 = arith.constant 0 : i32
        %dma_wait3A_185 = tpu.memref_slice %arg4[%select_n3A, %dma_wait3A_184] : memref<2560x128xi32, #tpu.memory_space<hbm>> -> memref<2x128xi32, #tpu.memory_space<hbm>>
        %dma_wait3A_186 = arith.constant 0 : i32
        %dma_wait3A_187 = arith.constant 0 : i32
        %dma_wait3A_188 = tpu.memref_slice %arg8[%dma_wait3A_179, %dma_wait3A_186, %dma_wait3A_187] : memref<2x2x128xi32, #tpu.memory_space<vmem>> -> memref<1x2x128xi32, #tpu.memory_space<vmem>>
        %dma_wait3A_189 = tpu.memref_squeeze %dma_wait3A_188 : memref<1x2x128xi32, #tpu.memory_space<vmem>> -> memref<2x128xi32, #tpu.memory_space<vmem>>
        %dma_wait3A_190 = arith.constant 0 : i32
        %dma_wait3A_191 = tpu.memref_slice %arg4[%select_n3A, %dma_wait3A_190] : memref<2560x128xi32, #tpu.memory_space<hbm>> -> memref<2x128xi32, #tpu.memory_space<hbm>>
        tpu.wait_dma2 semaphore(%arg19 : memref<!tpu.dma_semaphore, #tpu.memory_space<semaphore_mem>>) src(%dma_wait3A_191 : memref<2x128xi32, #tpu.memory_space<hbm>>) dst(%dma_wait3A_189 : memref<2x128xi32, #tpu.memory_space<vmem>>)
        %dma_start3A_192 = arith.constant 1 : i32
        %dma_start3A_193 = arith.constant 0 : i32
        %dma_start3A_194 = arith.constant 0 : i32
        %dma_start3A_195 = tpu.memref_slice %arg7[%dma_start3A_192, %dma_start3A_193, %dma_start3A_194] : memref<2x2x128xi32, #tpu.memory_space<vmem>> -> memref<1x1x128xi32, #tpu.memory_space<vmem>>
        %dma_start3A_196 = tpu.memref_squeeze %dma_start3A_195 : memref<1x1x128xi32, #tpu.memory_space<vmem>> -> memref<128xi32, #tpu.memory_space<vmem>>
        %dma_start3A_197 = arith.constant 0 : i32
        %dma_start3A_198 = arith.constant 0 : i32
        %dma_start3A_199 = tpu.memref_slice %arg2[%dma_start3A_197, %dma_start3A_198] : memref<10240x128xf32, #tpu.memory_space<hbm>> -> memref<10240x128xf32, #tpu.memory_space<hbm>>
        tpu.enqueue_indirect_dma source(%dma_start3A_199 : memref<10240x128xf32, #tpu.memory_space<hbm>>) target(%arg9 : memref<128x128xf32, #tpu.memory_space<vmem>>) offsets(%dma_start3A_196 : memref<128xi32, #tpu.memory_space<vmem>>) semaphore(%arg12 : memref<!tpu.dma_semaphore, #tpu.memory_space<semaphore_mem>>)
      } else {
      }
      %dma_wait3A_60 = arith.constant 0 : i32
      %dma_wait3A_61 = arith.constant 0 : i32
      %dma_wait3A_62 = arith.constant 0 : i32
      %dma_wait3A_63 = tpu.memref_slice %arg7[%dma_wait3A_60, %dma_wait3A_61, %dma_wait3A_62] : memref<2x2x128xi32, #tpu.memory_space<vmem>> -> memref<1x1x128xi32, #tpu.memory_space<vmem>>
      %dma_wait3A_64 = tpu.memref_squeeze %dma_wait3A_63 : memref<1x1x128xi32, #tpu.memory_space<vmem>> -> memref<128xi32, #tpu.memory_space<vmem>>
      %dma_wait3A_65 = arith.constant 0 : i32
      %dma_wait3A_66 = arith.constant 0 : i32
      %dma_wait3A_67 = tpu.memref_slice %arg2[%dma_wait3A_65, %dma_wait3A_66] : memref<10240x128xf32, #tpu.memory_space<hbm>> -> memref<10240x128xf32, #tpu.memory_space<hbm>>
      tpu.wait_indirect_dma semaphore(%arg13 : memref<!tpu.dma_semaphore, #tpu.memory_space<semaphore_mem>>) src(%dma_wait3A_67 : memref<10240x128xf32, #tpu.memory_space<hbm>>) dst(%arg10 : memref<128x128xf32, #tpu.memory_space<vmem>>)
      %dma_start3A_68 = arith.constant 0 : i32
      %dma_start3A_69 = arith.constant 1 : i32
      %dma_start3A_70 = arith.constant 0 : i32
      %dma_start3A_71 = tpu.memref_slice %arg8[%dma_start3A_68, %dma_start3A_69, %dma_start3A_70] : memref<2x2x128xi32, #tpu.memory_space<vmem>> -> memref<1x1x128xi32, #tpu.memory_space<vmem>>
      %dma_start3A_72 = tpu.memref_squeeze %dma_start3A_71 : memref<1x1x128xi32, #tpu.memory_space<vmem>> -> memref<128xi32, #tpu.memory_space<vmem>>
      %dma_start3A_73 = arith.constant 0 : i32
      %dma_start3A_74 = arith.constant 0 : i32
      %dma_start3A_75 = tpu.memref_slice %arg11[%dma_start3A_73, %dma_start3A_74] : memref<10240x128xf32, #tpu.memory_space<vmem_shared>> -> memref<10240x128xf32, #tpu.memory_space<vmem_shared>>
      tpu.enqueue_indirect_dma source(%arg10 : memref<128x128xf32, #tpu.memory_space<vmem>>) target(%dma_start3A_75 : memref<10240x128xf32, #tpu.memory_space<vmem_shared>>) offsets(%dma_start3A_72 : memref<128xi32, #tpu.memory_space<vmem>>) semaphore(%arg15 : memref<!tpu.dma_semaphore, #tpu.memory_space<semaphore_mem>>) {add = true}
      %dma_wait3A_76 = arith.constant 0 : i32
      %dma_wait3A_77 = arith.constant 0 : i32
      %dma_wait3A_78 = arith.constant 0 : i32
      %dma_wait3A_79 = tpu.memref_slice %arg8[%dma_wait3A_76, %dma_wait3A_77, %dma_wait3A_78] : memref<2x2x128xi32, #tpu.memory_space<vmem>> -> memref<1x1x128xi32, #tpu.memory_space<vmem>>
      %dma_wait3A_80 = tpu.memref_squeeze %dma_wait3A_79 : memref<1x1x128xi32, #tpu.memory_space<vmem>> -> memref<128xi32, #tpu.memory_space<vmem>>
      %dma_wait3A_81 = arith.constant 0 : i32
      %dma_wait3A_82 = arith.constant 0 : i32
      %dma_wait3A_83 = tpu.memref_slice %arg11[%dma_wait3A_81, %dma_wait3A_82] : memref<10240x128xf32, #tpu.memory_space<vmem_shared>> -> memref<10240x128xf32, #tpu.memory_space<vmem_shared>>
      tpu.wait_indirect_dma semaphore(%arg15 : memref<!tpu.dma_semaphore, #tpu.memory_space<semaphore_mem>>) src(%arg10 : memref<128x128xf32, #tpu.memory_space<vmem>>) dst(%dma_wait3A_83 : memref<10240x128xf32, #tpu.memory_space<vmem_shared>>)
      %add3A_84 = arith.constant 2 : i32
      %add3A_85 = arith.addi %add3A_32, %add3A_84 : i32
      %lt3A_86 = arith.cmpi slt, %add3A_85, %select_n3A_8 : i32
      %convert_element_type3A_87 = arith.extui %lt3A_86 : i1 to i32
      %cond3A_88 = arith.constant 0 : i32
      %cond3A_89 = arith.cmpi ne, %convert_element_type3A_87, %cond3A_88 : i32
      scf.if %cond3A_89 {
        %add3A_166 = arith.constant 2 : i32
        %add3A_167 = arith.addi %add3A_32, %add3A_166 : i32
        %mul3A_168 = arith.constant 2 : i32
        %mul3A_169 = arith.muli %add3A_167, %mul3A_168 : i32
        %add3A_170 = arith.addi %select_n3A, %mul3A_169 : i32
        %dma_start3A_171 = arith.constant 0 : i32
        %dma_start3A_172 = arith.constant 0 : i32
        %dma_start3A_173 = arith.constant 0 : i32
        %dma_start3A_174 = tpu.memref_slice %arg7[%dma_start3A_171, %dma_start3A_172, %dma_start3A_173] : memref<2x2x128xi32, #tpu.memory_space<vmem>> -> memref<1x2x128xi32, #tpu.memory_space<vmem>>
        %dma_start3A_175 = tpu.memref_squeeze %dma_start3A_174 : memref<1x2x128xi32, #tpu.memory_space<vmem>> -> memref<2x128xi32, #tpu.memory_space<vmem>>
        %dma_start3A_176 = arith.constant 0 : i32
        %dma_start3A_177 = tpu.memref_slice %arg3[%add3A_170, %dma_start3A_176] : memref<2560x128xi32, #tpu.memory_space<hbm>> -> memref<2x128xi32, #tpu.memory_space<hbm>>
        %dma_start3A_178 = arith.constant 0 : i32
        %dma_start3A_179 = arith.constant 0 : i32
        %dma_start3A_180 = tpu.memref_slice %arg7[%dma_start3A_171, %dma_start3A_178, %dma_start3A_179] : memref<2x2x128xi32, #tpu.memory_space<vmem>> -> memref<1x2x128xi32, #tpu.memory_space<vmem>>
        %dma_start3A_181 = tpu.memref_squeeze %dma_start3A_180 : memref<1x2x128xi32, #tpu.memory_space<vmem>> -> memref<2x128xi32, #tpu.memory_space<vmem>>
        %dma_start3A_182 = arith.constant 0 : i32
        %dma_start3A_183 = tpu.memref_slice %arg3[%add3A_170, %dma_start3A_182] : memref<2560x128xi32, #tpu.memory_space<hbm>> -> memref<2x128xi32, #tpu.memory_space<hbm>>
        tpu.enqueue_dma source(%dma_start3A_183 : memref<2x128xi32, #tpu.memory_space<hbm>>) target(%dma_start3A_181 : memref<2x128xi32, #tpu.memory_space<vmem>>) target_semaphore(%arg16 : memref<!tpu.dma_semaphore, #tpu.memory_space<semaphore_mem>>)
        %add3A_184 = arith.constant 2 : i32
        %add3A_185 = arith.addi %add3A_32, %add3A_184 : i32
        %mul3A_186 = arith.constant 2 : i32
        %mul3A_187 = arith.muli %add3A_185, %mul3A_186 : i32
        %add3A_188 = arith.addi %select_n3A, %mul3A_187 : i32
        %dma_start3A_189 = arith.constant 0 : i32
        %dma_start3A_190 = arith.constant 0 : i32
        %dma_start3A_191 = arith.constant 0 : i32
        %dma_start3A_192 = tpu.memref_slice %arg8[%dma_start3A_189, %dma_start3A_190, %dma_start3A_191] : memref<2x2x128xi32, #tpu.memory_space<vmem>> -> memref<1x2x128xi32, #tpu.memory_space<vmem>>
        %dma_start3A_193 = tpu.memref_squeeze %dma_start3A_192 : memref<1x2x128xi32, #tpu.memory_space<vmem>> -> memref<2x128xi32, #tpu.memory_space<vmem>>
        %dma_start3A_194 = arith.constant 0 : i32
        %dma_start3A_195 = tpu.memref_slice %arg4[%add3A_188, %dma_start3A_194] : memref<2560x128xi32, #tpu.memory_space<hbm>> -> memref<2x128xi32, #tpu.memory_space<hbm>>
        %dma_start3A_196 = arith.constant 0 : i32
        %dma_start3A_197 = arith.constant 0 : i32
        %dma_start3A_198 = tpu.memref_slice %arg8[%dma_start3A_189, %dma_start3A_196, %dma_start3A_197] : memref<2x2x128xi32, #tpu.memory_space<vmem>> -> memref<1x2x128xi32, #tpu.memory_space<vmem>>
        %dma_start3A_199 = tpu.memref_squeeze %dma_start3A_198 : memref<1x2x128xi32, #tpu.memory_space<vmem>> -> memref<2x128xi32, #tpu.memory_space<vmem>>
        %dma_start3A_200 = arith.constant 0 : i32
        %dma_start3A_201 = tpu.memref_slice %arg4[%add3A_188, %dma_start3A_200] : memref<2560x128xi32, #tpu.memory_space<hbm>> -> memref<2x128xi32, #tpu.memory_space<hbm>>
        tpu.enqueue_dma source(%dma_start3A_201 : memref<2x128xi32, #tpu.memory_space<hbm>>) target(%dma_start3A_199 : memref<2x128xi32, #tpu.memory_space<vmem>>) target_semaphore(%arg18 : memref<!tpu.dma_semaphore, #tpu.memory_space<semaphore_mem>>)
      } else {
      }
      %add3A_90 = arith.constant 1 : i32
      %add3A_91 = arith.addi %add3A_32, %add3A_90 : i32
      %lt3A_92 = arith.cmpi slt, %add3A_91, %select_n3A_8 : i32
      %convert_element_type3A_93 = arith.extui %lt3A_92 : i1 to i32
      %cond3A_94 = arith.constant 0 : i32
      %cond3A_95 = arith.cmpi ne, %convert_element_type3A_93, %cond3A_94 : i32
      scf.if %cond3A_95 {
        %dma_start3A_166 = arith.constant 1 : i32
        %dma_start3A_167 = arith.constant 1 : i32
        %dma_start3A_168 = arith.constant 0 : i32
        %dma_start3A_169 = tpu.memref_slice %arg7[%dma_start3A_166, %dma_start3A_167, %dma_start3A_168] : memref<2x2x128xi32, #tpu.memory_space<vmem>> -> memref<1x1x128xi32, #tpu.memory_space<vmem>>
        %dma_start3A_170 = tpu.memref_squeeze %dma_start3A_169 : memref<1x1x128xi32, #tpu.memory_space<vmem>> -> memref<128xi32, #tpu.memory_space<vmem>>
        %dma_start3A_171 = arith.constant 0 : i32
        %dma_start3A_172 = arith.constant 0 : i32
        %dma_start3A_173 = tpu.memref_slice %arg2[%dma_start3A_171, %dma_start3A_172] : memref<10240x128xf32, #tpu.memory_space<hbm>> -> memref<10240x128xf32, #tpu.memory_space<hbm>>
        tpu.enqueue_indirect_dma source(%dma_start3A_173 : memref<10240x128xf32, #tpu.memory_space<hbm>>) target(%arg10 : memref<128x128xf32, #tpu.memory_space<vmem>>) offsets(%dma_start3A_170 : memref<128xi32, #tpu.memory_space<vmem>>) semaphore(%arg13 : memref<!tpu.dma_semaphore, #tpu.memory_space<semaphore_mem>>)
      } else {
      }
      %mul3A_96 = arith.constant 2 : i32
      %mul3A_97 = arith.muli %while3A_28, %mul3A_96 : i32
      %add3A_98 = arith.constant 1 : i32
      %add3A_99 = arith.addi %mul3A_97, %add3A_98 : i32
      %dma_wait3A_100 = arith.constant 0 : i32
      %dma_wait3A_101 = arith.constant 0 : i32
      %dma_wait3A_102 = arith.constant 0 : i32
      %dma_wait3A_103 = tpu.memref_slice %arg7[%dma_wait3A_100, %dma_wait3A_101, %dma_wait3A_102] : memref<2x2x128xi32, #tpu.memory_space<vmem>> -> memref<1x1x128xi32, #tpu.memory_space<vmem>>
      %dma_wait3A_104 = tpu.memref_squeeze %dma_wait3A_103 : memref<1x1x128xi32, #tpu.memory_space<vmem>> -> memref<128xi32, #tpu.memory_space<vmem>>
      %dma_wait3A_105 = arith.constant 0 : i32
      %dma_wait3A_106 = arith.constant 0 : i32
      %dma_wait3A_107 = tpu.memref_slice %arg2[%dma_wait3A_105, %dma_wait3A_106] : memref<10240x128xf32, #tpu.memory_space<hbm>> -> memref<10240x128xf32, #tpu.memory_space<hbm>>
      tpu.wait_indirect_dma semaphore(%arg12 : memref<!tpu.dma_semaphore, #tpu.memory_space<semaphore_mem>>) src(%dma_wait3A_107 : memref<10240x128xf32, #tpu.memory_space<hbm>>) dst(%arg9 : memref<128x128xf32, #tpu.memory_space<vmem>>)
      %dma_start3A_108 = arith.constant 1 : i32
      %dma_start3A_109 = arith.constant 0 : i32
      %dma_start3A_110 = arith.constant 0 : i32
      %dma_start3A_111 = tpu.memref_slice %arg8[%dma_start3A_108, %dma_start3A_109, %dma_start3A_110] : memref<2x2x128xi32, #tpu.memory_space<vmem>> -> memref<1x1x128xi32, #tpu.memory_space<vmem>>
      %dma_start3A_112 = tpu.memref_squeeze %dma_start3A_111 : memref<1x1x128xi32, #tpu.memory_space<vmem>> -> memref<128xi32, #tpu.memory_space<vmem>>
      %dma_start3A_113 = arith.constant 0 : i32
      %dma_start3A_114 = arith.constant 0 : i32
      %dma_start3A_115 = tpu.memref_slice %arg11[%dma_start3A_113, %dma_start3A_114] : memref<10240x128xf32, #tpu.memory_space<vmem_shared>> -> memref<10240x128xf32, #tpu.memory_space<vmem_shared>>
      tpu.enqueue_indirect_dma source(%arg9 : memref<128x128xf32, #tpu.memory_space<vmem>>) target(%dma_start3A_115 : memref<10240x128xf32, #tpu.memory_space<vmem_shared>>) offsets(%dma_start3A_112 : memref<128xi32, #tpu.memory_space<vmem>>) semaphore(%arg14 : memref<!tpu.dma_semaphore, #tpu.memory_space<semaphore_mem>>) {add = true}
      %dma_wait3A_116 = arith.constant 0 : i32
      %dma_wait3A_117 = arith.constant 0 : i32
      %dma_wait3A_118 = arith.constant 0 : i32
      %dma_wait3A_119 = tpu.memref_slice %arg8[%dma_wait3A_116, %dma_wait3A_117, %dma_wait3A_118] : memref<2x2x128xi32, #tpu.memory_space<vmem>> -> memref<1x1x128xi32, #tpu.memory_space<vmem>>
      %dma_wait3A_120 = tpu.memref_squeeze %dma_wait3A_119 : memref<1x1x128xi32, #tpu.memory_space<vmem>> -> memref<128xi32, #tpu.memory_space<vmem>>
      %dma_wait3A_121 = arith.constant 0 : i32
      %dma_wait3A_122 = arith.constant 0 : i32
      %dma_wait3A_123 = tpu.memref_slice %arg11[%dma_wait3A_121, %dma_wait3A_122] : memref<10240x128xf32, #tpu.memory_space<vmem_shared>> -> memref<10240x128xf32, #tpu.memory_space<vmem_shared>>
      tpu.wait_indirect_dma semaphore(%arg14 : memref<!tpu.dma_semaphore, #tpu.memory_space<semaphore_mem>>) src(%arg9 : memref<128x128xf32, #tpu.memory_space<vmem>>) dst(%dma_wait3A_123 : memref<10240x128xf32, #tpu.memory_space<vmem_shared>>)
      %add3A_124 = arith.constant 1 : i32
      %add3A_125 = arith.addi %add3A_99, %add3A_124 : i32
      %lt3A_126 = arith.cmpi slt, %add3A_125, %select_n3A_8 : i32
      %convert_element_type3A_127 = arith.extui %lt3A_126 : i1 to i32
      %cond3A_128 = arith.constant 0 : i32
      %cond3A_129 = arith.cmpi ne, %convert_element_type3A_127, %cond3A_128 : i32
      scf.if %cond3A_129 {
        %dma_wait3A_166 = arith.constant 0 : i32
        %dma_wait3A_167 = arith.constant 0 : i32
        %dma_wait3A_168 = arith.constant 0 : i32
        %dma_wait3A_169 = tpu.memref_slice %arg7[%dma_wait3A_166, %dma_wait3A_167, %dma_wait3A_168] : memref<2x2x128xi32, #tpu.memory_space<vmem>> -> memref<1x2x128xi32, #tpu.memory_space<vmem>>
        %dma_wait3A_170 = tpu.memref_squeeze %dma_wait3A_169 : memref<1x2x128xi32, #tpu.memory_space<vmem>> -> memref<2x128xi32, #tpu.memory_space<vmem>>
        %dma_wait3A_171 = arith.constant 0 : i32
        %dma_wait3A_172 = tpu.memref_slice %arg3[%select_n3A, %dma_wait3A_171] : memref<2560x128xi32, #tpu.memory_space<hbm>> -> memref<2x128xi32, #tpu.memory_space<hbm>>
        %dma_wait3A_173 = arith.constant 0 : i32
        %dma_wait3A_174 = arith.constant 0 : i32
        %dma_wait3A_175 = tpu.memref_slice %arg7[%dma_wait3A_166, %dma_wait3A_173, %dma_wait3A_174] : memref<2x2x128xi32, #tpu.memory_space<vmem>> -> memref<1x2x128xi32, #tpu.memory_space<vmem>>
        %dma_wait3A_176 = tpu.memref_squeeze %dma_wait3A_175 : memref<1x2x128xi32, #tpu.memory_space<vmem>> -> memref<2x128xi32, #tpu.memory_space<vmem>>
        %dma_wait3A_177 = arith.constant 0 : i32
        %dma_wait3A_178 = tpu.memref_slice %arg3[%select_n3A, %dma_wait3A_177] : memref<2560x128xi32, #tpu.memory_space<hbm>> -> memref<2x128xi32, #tpu.memory_space<hbm>>
        tpu.wait_dma2 semaphore(%arg16 : memref<!tpu.dma_semaphore, #tpu.memory_space<semaphore_mem>>) src(%dma_wait3A_178 : memref<2x128xi32, #tpu.memory_space<hbm>>) dst(%dma_wait3A_176 : memref<2x128xi32, #tpu.memory_space<vmem>>)
        %dma_wait3A_179 = arith.constant 0 : i32
        %dma_wait3A_180 = arith.constant 0 : i32
        %dma_wait3A_181 = arith.constant 0 : i32
        %dma_wait3A_182 = tpu.memref_slice %arg8[%dma_wait3A_179, %dma_wait3A_180, %dma_wait3A_181] : memref<2x2x128xi32, #tpu.memory_space<vmem>> -> memref<1x2x128xi32, #tpu.memory_space<vmem>>
        %dma_wait3A_183 = tpu.memref_squeeze %dma_wait3A_182 : memref<1x2x128xi32, #tpu.memory_space<vmem>> -> memref<2x128xi32, #tpu.memory_space<vmem>>
        %dma_wait3A_184 = arith.constant 0 : i32
        %dma_wait3A_185 = tpu.memref_slice %arg4[%select_n3A, %dma_wait3A_184] : memref<2560x128xi32, #tpu.memory_space<hbm>> -> memref<2x128xi32, #tpu.memory_space<hbm>>
        %dma_wait3A_186 = arith.constant 0 : i32
        %dma_wait3A_187 = arith.constant 0 : i32
        %dma_wait3A_188 = tpu.memref_slice %arg8[%dma_wait3A_179, %dma_wait3A_186, %dma_wait3A_187] : memref<2x2x128xi32, #tpu.memory_space<vmem>> -> memref<1x2x128xi32, #tpu.memory_space<vmem>>
        %dma_wait3A_189 = tpu.memref_squeeze %dma_wait3A_188 : memref<1x2x128xi32, #tpu.memory_space<vmem>> -> memref<2x128xi32, #tpu.memory_space<vmem>>
        %dma_wait3A_190 = arith.constant 0 : i32
        %dma_wait3A_191 = tpu.memref_slice %arg4[%select_n3A, %dma_wait3A_190] : memref<2560x128xi32, #tpu.memory_space<hbm>> -> memref<2x128xi32, #tpu.memory_space<hbm>>
        tpu.wait_dma2 semaphore(%arg18 : memref<!tpu.dma_semaphore, #tpu.memory_space<semaphore_mem>>) src(%dma_wait3A_191 : memref<2x128xi32, #tpu.memory_space<hbm>>) dst(%dma_wait3A_189 : memref<2x128xi32, #tpu.memory_space<vmem>>)
        %dma_start3A_192 = arith.constant 0 : i32
        %dma_start3A_193 = arith.constant 0 : i32
        %dma_start3A_194 = arith.constant 0 : i32
        %dma_start3A_195 = tpu.memref_slice %arg7[%dma_start3A_192, %dma_start3A_193, %dma_start3A_194] : memref<2x2x128xi32, #tpu.memory_space<vmem>> -> memref<1x1x128xi32, #tpu.memory_space<vmem>>
        %dma_start3A_196 = tpu.memref_squeeze %dma_start3A_195 : memref<1x1x128xi32, #tpu.memory_space<vmem>> -> memref<128xi32, #tpu.memory_space<vmem>>
        %dma_start3A_197 = arith.constant 0 : i32
        %dma_start3A_198 = arith.constant 0 : i32
        %dma_start3A_199 = tpu.memref_slice %arg2[%dma_start3A_197, %dma_start3A_198] : memref<10240x128xf32, #tpu.memory_space<hbm>> -> memref<10240x128xf32, #tpu.memory_space<hbm>>
        tpu.enqueue_indirect_dma source(%dma_start3A_199 : memref<10240x128xf32, #tpu.memory_space<hbm>>) target(%arg9 : memref<128x128xf32, #tpu.memory_space<vmem>>) offsets(%dma_start3A_196 : memref<128xi32, #tpu.memory_space<vmem>>) semaphore(%arg12 : memref<!tpu.dma_semaphore, #tpu.memory_space<semaphore_mem>>)
      } else {
      }
      %dma_wait3A_130 = arith.constant 0 : i32
      %dma_wait3A_131 = arith.constant 0 : i32
      %dma_wait3A_132 = arith.constant 0 : i32
      %dma_wait3A_133 = tpu.memref_slice %arg7[%dma_wait3A_130, %dma_wait3A_131, %dma_wait3A_132] : memref<2x2x128xi32, #tpu.memory_space<vmem>> -> memref<1x1x128xi32, #tpu.memory_space<vmem>>
      %dma_wait3A_134 = tpu.memref_squeeze %dma_wait3A_133 : memref<1x1x128xi32, #tpu.memory_space<vmem>> -> memref<128xi32, #tpu.memory_space<vmem>>
      %dma_wait3A_135 = arith.constant 0 : i32
      %dma_wait3A_136 = arith.constant 0 : i32
      %dma_wait3A_137 = tpu.memref_slice %arg2[%dma_wait3A_135, %dma_wait3A_136] : memref<10240x128xf32, #tpu.memory_space<hbm>> -> memref<10240x128xf32, #tpu.memory_space<hbm>>
      tpu.wait_indirect_dma semaphore(%arg13 : memref<!tpu.dma_semaphore, #tpu.memory_space<semaphore_mem>>) src(%dma_wait3A_137 : memref<10240x128xf32, #tpu.memory_space<hbm>>) dst(%arg10 : memref<128x128xf32, #tpu.memory_space<vmem>>)
      %dma_start3A_138 = arith.constant 1 : i32
      %dma_start3A_139 = arith.constant 1 : i32
      %dma_start3A_140 = arith.constant 0 : i32
      %dma_start3A_141 = tpu.memref_slice %arg8[%dma_start3A_138, %dma_start3A_139, %dma_start3A_140] : memref<2x2x128xi32, #tpu.memory_space<vmem>> -> memref<1x1x128xi32, #tpu.memory_space<vmem>>
      %dma_start3A_142 = tpu.memref_squeeze %dma_start3A_141 : memref<1x1x128xi32, #tpu.memory_space<vmem>> -> memref<128xi32, #tpu.memory_space<vmem>>
      %dma_start3A_143 = arith.constant 0 : i32
      %dma_start3A_144 = arith.constant 0 : i32
      %dma_start3A_145 = tpu.memref_slice %arg11[%dma_start3A_143, %dma_start3A_144] : memref<10240x128xf32, #tpu.memory_space<vmem_shared>> -> memref<10240x128xf32, #tpu.memory_space<vmem_shared>>
      tpu.enqueue_indirect_dma source(%arg10 : memref<128x128xf32, #tpu.memory_space<vmem>>) target(%dma_start3A_145 : memref<10240x128xf32, #tpu.memory_space<vmem_shared>>) offsets(%dma_start3A_142 : memref<128xi32, #tpu.memory_space<vmem>>) semaphore(%arg15 : memref<!tpu.dma_semaphore, #tpu.memory_space<semaphore_mem>>) {add = true}
      %dma_wait3A_146 = arith.constant 0 : i32
      %dma_wait3A_147 = arith.constant 0 : i32
      %dma_wait3A_148 = arith.constant 0 : i32
      %dma_wait3A_149 = tpu.memref_slice %arg8[%dma_wait3A_146, %dma_wait3A_147, %dma_wait3A_148] : memref<2x2x128xi32, #tpu.memory_space<vmem>> -> memref<1x1x128xi32, #tpu.memory_space<vmem>>
      %dma_wait3A_150 = tpu.memref_squeeze %dma_wait3A_149 : memref<1x1x128xi32, #tpu.memory_space<vmem>> -> memref<128xi32, #tpu.memory_space<vmem>>
      %dma_wait3A_151 = arith.constant 0 : i32
      %dma_wait3A_152 = arith.constant 0 : i32
      %dma_wait3A_153 = tpu.memref_slice %arg11[%dma_wait3A_151, %dma_wait3A_152] : memref<10240x128xf32, #tpu.memory_space<vmem_shared>> -> memref<10240x128xf32, #tpu.memory_space<vmem_shared>>
      tpu.wait_indirect_dma semaphore(%arg15 : memref<!tpu.dma_semaphore, #tpu.memory_space<semaphore_mem>>) src(%arg10 : memref<128x128xf32, #tpu.memory_space<vmem>>) dst(%dma_wait3A_153 : memref<10240x128xf32, #tpu.memory_space<vmem_shared>>)
      %add3A_154 = arith.constant 2 : i32
      %add3A_155 = arith.addi %add3A_99, %add3A_154 : i32
      %lt3A_156 = arith.cmpi slt, %add3A_155, %select_n3A_8 : i32
      %convert_element_type3A_157 = arith.extui %lt3A_156 : i1 to i32
      %cond3A_158 = arith.constant 0 : i32
      %cond3A_159 = arith.cmpi ne, %convert_element_type3A_157, %cond3A_158 : i32
      scf.if %cond3A_159 {
        %add3A_166 = arith.constant 2 : i32
        %add3A_167 = arith.addi %add3A_99, %add3A_166 : i32
        %mul3A_168 = arith.constant 2 : i32
        %mul3A_169 = arith.muli %add3A_167, %mul3A_168 : i32
        %add3A_170 = arith.addi %select_n3A, %mul3A_169 : i32
        %dma_start3A_171 = arith.constant 1 : i32
        %dma_start3A_172 = arith.constant 0 : i32
        %dma_start3A_173 = arith.constant 0 : i32
        %dma_start3A_174 = tpu.memref_slice %arg7[%dma_start3A_171, %dma_start3A_172, %dma_start3A_173] : memref<2x2x128xi32, #tpu.memory_space<vmem>> -> memref<1x2x128xi32, #tpu.memory_space<vmem>>
        %dma_start3A_175 = tpu.memref_squeeze %dma_start3A_174 : memref<1x2x128xi32, #tpu.memory_space<vmem>> -> memref<2x128xi32, #tpu.memory_space<vmem>>
        %dma_start3A_176 = arith.constant 0 : i32
        %dma_start3A_177 = tpu.memref_slice %arg3[%add3A_170, %dma_start3A_176] : memref<2560x128xi32, #tpu.memory_space<hbm>> -> memref<2x128xi32, #tpu.memory_space<hbm>>
        %dma_start3A_178 = arith.constant 0 : i32
        %dma_start3A_179 = arith.constant 0 : i32
        %dma_start3A_180 = tpu.memref_slice %arg7[%dma_start3A_171, %dma_start3A_178, %dma_start3A_179] : memref<2x2x128xi32, #tpu.memory_space<vmem>> -> memref<1x2x128xi32, #tpu.memory_space<vmem>>
        %dma_start3A_181 = tpu.memref_squeeze %dma_start3A_180 : memref<1x2x128xi32, #tpu.memory_space<vmem>> -> memref<2x128xi32, #tpu.memory_space<vmem>>
        %dma_start3A_182 = arith.constant 0 : i32
        %dma_start3A_183 = tpu.memref_slice %arg3[%add3A_170, %dma_start3A_182] : memref<2560x128xi32, #tpu.memory_space<hbm>> -> memref<2x128xi32, #tpu.memory_space<hbm>>
        tpu.enqueue_dma source(%dma_start3A_183 : memref<2x128xi32, #tpu.memory_space<hbm>>) target(%dma_start3A_181 : memref<2x128xi32, #tpu.memory_space<vmem>>) target_semaphore(%arg17 : memref<!tpu.dma_semaphore, #tpu.memory_space<semaphore_mem>>)
        %add3A_184 = arith.constant 2 : i32
        %add3A_185 = arith.addi %add3A_99, %add3A_184 : i32
        %mul3A_186 = arith.constant 2 : i32
        %mul3A_187 = arith.muli %add3A_185, %mul3A_186 : i32
        %add3A_188 = arith.addi %select_n3A, %mul3A_187 : i32
        %dma_start3A_189 = arith.constant 1 : i32
        %dma_start3A_190 = arith.constant 0 : i32
        %dma_start3A_191 = arith.constant 0 : i32
        %dma_start3A_192 = tpu.memref_slice %arg8[%dma_start3A_189, %dma_start3A_190, %dma_start3A_191] : memref<2x2x128xi32, #tpu.memory_space<vmem>> -> memref<1x2x128xi32, #tpu.memory_space<vmem>>
        %dma_start3A_193 = tpu.memref_squeeze %dma_start3A_192 : memref<1x2x128xi32, #tpu.memory_space<vmem>> -> memref<2x128xi32, #tpu.memory_space<vmem>>
        %dma_start3A_194 = arith.constant 0 : i32
        %dma_start3A_195 = tpu.memref_slice %arg4[%add3A_188, %dma_start3A_194] : memref<2560x128xi32, #tpu.memory_space<hbm>> -> memref<2x128xi32, #tpu.memory_space<hbm>>
        %dma_start3A_196 = arith.constant 0 : i32
        %dma_start3A_197 = arith.constant 0 : i32
        %dma_start3A_198 = tpu.memref_slice %arg8[%dma_start3A_189, %dma_start3A_196, %dma_start3A_197] : memref<2x2x128xi32, #tpu.memory_space<vmem>> -> memref<1x2x128xi32, #tpu.memory_space<vmem>>
        %dma_start3A_199 = tpu.memref_squeeze %dma_start3A_198 : memref<1x2x128xi32, #tpu.memory_space<vmem>> -> memref<2x128xi32, #tpu.memory_space<vmem>>
        %dma_start3A_200 = arith.constant 0 : i32
        %dma_start3A_201 = tpu.memref_slice %arg4[%add3A_188, %dma_start3A_200] : memref<2560x128xi32, #tpu.memory_space<hbm>> -> memref<2x128xi32, #tpu.memory_space<hbm>>
        tpu.enqueue_dma source(%dma_start3A_201 : memref<2x128xi32, #tpu.memory_space<hbm>>) target(%dma_start3A_199 : memref<2x128xi32, #tpu.memory_space<vmem>>) target_semaphore(%arg19 : memref<!tpu.dma_semaphore, #tpu.memory_space<semaphore_mem>>)
      } else {
      }
      %add3A_160 = arith.constant 1 : i32
      %add3A_161 = arith.addi %add3A_99, %add3A_160 : i32
      %lt3A_162 = arith.cmpi slt, %add3A_161, %select_n3A_8 : i32
      %convert_element_type3A_163 = arith.extui %lt3A_162 : i1 to i32
      %cond3A_164 = arith.constant 0 : i32
      %cond3A_165 = arith.cmpi ne, %convert_element_type3A_163, %cond3A_164 : i32
      scf.if %cond3A_165 {
        %dma_start3A_166 = arith.constant 0 : i32
        %dma_start3A_167 = arith.constant 1 : i32
        %dma_start3A_168 = arith.constant 0 : i32
        %dma_start3A_169 = tpu.memref_slice %arg7[%dma_start3A_166, %dma_start3A_167, %dma_start3A_168] : memref<2x2x128xi32, #tpu.memory_space<vmem>> -> memref<1x1x128xi32, #tpu.memory_space<vmem>>
        %dma_start3A_170 = tpu.memref_squeeze %dma_start3A_169 : memref<1x1x128xi32, #tpu.memory_space<vmem>> -> memref<128xi32, #tpu.memory_space<vmem>>
        %dma_start3A_171 = arith.constant 0 : i32
        %dma_start3A_172 = arith.constant 0 : i32
        %dma_start3A_173 = tpu.memref_slice %arg2[%dma_start3A_171, %dma_start3A_172] : memref<10240x128xf32, #tpu.memory_space<hbm>> -> memref<10240x128xf32, #tpu.memory_space<hbm>>
        tpu.enqueue_indirect_dma source(%dma_start3A_173 : memref<10240x128xf32, #tpu.memory_space<hbm>>) target(%arg10 : memref<128x128xf32, #tpu.memory_space<vmem>>) offsets(%dma_start3A_170 : memref<128xi32, #tpu.memory_space<vmem>>) semaphore(%arg13 : memref<!tpu.dma_semaphore, #tpu.memory_space<semaphore_mem>>)
      } else {
      }
    }
    %while3A_22 = arith.constant 1 : i32
    scf.for %while3A_28 = %while3A_20 to %while3A_16 step %while3A_22  : i32 {
      %mul3A_29 = arith.constant 2 : i32
      %mul3A_30 = arith.muli %while3A_28, %mul3A_29 : i32
      %add3A_31 = arith.constant 0 : i32
      %add3A_32 = arith.addi %mul3A_30, %add3A_31 : i32
      %dma_wait3A = arith.constant 0 : i32
      %dma_wait3A_33 = arith.constant 0 : i32
      %dma_wait3A_34 = arith.constant 0 : i32
      %dma_wait3A_35 = tpu.memref_slice %arg7[%dma_wait3A, %dma_wait3A_33, %dma_wait3A_34] : memref<2x2x128xi32, #tpu.memory_space<vmem>> -> memref<1x1x128xi32, #tpu.memory_space<vmem>>
      %dma_wait3A_36 = tpu.memref_squeeze %dma_wait3A_35 : memref<1x1x128xi32, #tpu.memory_space<vmem>> -> memref<128xi32, #tpu.memory_space<vmem>>
      %dma_wait3A_37 = arith.constant 0 : i32
      %dma_wait3A_38 = arith.constant 0 : i32
      %dma_wait3A_39 = tpu.memref_slice %arg2[%dma_wait3A_37, %dma_wait3A_38] : memref<10240x128xf32, #tpu.memory_space<hbm>> -> memref<10240x128xf32, #tpu.memory_space<hbm>>
      tpu.wait_indirect_dma semaphore(%arg12 : memref<!tpu.dma_semaphore, #tpu.memory_space<semaphore_mem>>) src(%dma_wait3A_39 : memref<10240x128xf32, #tpu.memory_space<hbm>>) dst(%arg9 : memref<128x128xf32, #tpu.memory_space<vmem>>)
      %dma_start3A = arith.constant 0 : i32
      %dma_start3A_40 = arith.constant 0 : i32
      %dma_start3A_41 = arith.constant 0 : i32
      %dma_start3A_42 = tpu.memref_slice %arg8[%dma_start3A, %dma_start3A_40, %dma_start3A_41] : memref<2x2x128xi32, #tpu.memory_space<vmem>> -> memref<1x1x128xi32, #tpu.memory_space<vmem>>
      %dma_start3A_43 = tpu.memref_squeeze %dma_start3A_42 : memref<1x1x128xi32, #tpu.memory_space<vmem>> -> memref<128xi32, #tpu.memory_space<vmem>>
      %dma_start3A_44 = arith.constant 0 : i32
      %dma_start3A_45 = arith.constant 0 : i32
      %dma_start3A_46 = tpu.memref_slice %arg11[%dma_start3A_44, %dma_start3A_45] : memref<10240x128xf32, #tpu.memory_space<vmem_shared>> -> memref<10240x128xf32, #tpu.memory_space<vmem_shared>>
      tpu.enqueue_indirect_dma source(%arg9 : memref<128x128xf32, #tpu.memory_space<vmem>>) target(%dma_start3A_46 : memref<10240x128xf32, #tpu.memory_space<vmem_shared>>) offsets(%dma_start3A_43 : memref<128xi32, #tpu.memory_space<vmem>>) semaphore(%arg14 : memref<!tpu.dma_semaphore, #tpu.memory_space<semaphore_mem>>) {add = true}
      %dma_wait3A_47 = arith.constant 0 : i32
      %dma_wait3A_48 = arith.constant 0 : i32
      %dma_wait3A_49 = arith.constant 0 : i32
      %dma_wait3A_50 = tpu.memref_slice %arg8[%dma_wait3A_47, %dma_wait3A_48, %dma_wait3A_49] : memref<2x2x128xi32, #tpu.memory_space<vmem>> -> memref<1x1x128xi32, #tpu.memory_space<vmem>>
      %dma_wait3A_51 = tpu.memref_squeeze %dma_wait3A_50 : memref<1x1x128xi32, #tpu.memory_space<vmem>> -> memref<128xi32, #tpu.memory_space<vmem>>
      %dma_wait3A_52 = arith.constant 0 : i32
      %dma_wait3A_53 = arith.constant 0 : i32
      %dma_wait3A_54 = tpu.memref_slice %arg11[%dma_wait3A_52, %dma_wait3A_53] : memref<10240x128xf32, #tpu.memory_space<vmem_shared>> -> memref<10240x128xf32, #tpu.memory_space<vmem_shared>>
      tpu.wait_indirect_dma semaphore(%arg14 : memref<!tpu.dma_semaphore, #tpu.memory_space<semaphore_mem>>) src(%arg9 : memref<128x128xf32, #tpu.memory_space<vmem>>) dst(%dma_wait3A_54 : memref<10240x128xf32, #tpu.memory_space<vmem_shared>>)
      %add3A_55 = arith.constant 1 : i32
      %add3A_56 = arith.addi %add3A_32, %add3A_55 : i32
      %lt3A = arith.cmpi slt, %add3A_56, %select_n3A_8 : i32
      %convert_element_type3A_57 = arith.extui %lt3A : i1 to i32
      %cond3A_58 = arith.constant 0 : i32
      %cond3A_59 = arith.cmpi ne, %convert_element_type3A_57, %cond3A_58 : i32
      scf.if %cond3A_59 {
        %dma_wait3A_166 = arith.constant 1 : i32
        %dma_wait3A_167 = arith.constant 0 : i32
        %dma_wait3A_168 = arith.constant 0 : i32
        %dma_wait3A_169 = tpu.memref_slice %arg7[%dma_wait3A_166, %dma_wait3A_167, %dma_wait3A_168] : memref<2x2x128xi32, #tpu.memory_space<vmem>> -> memref<1x2x128xi32, #tpu.memory_space<vmem>>
        %dma_wait3A_170 = tpu.memref_squeeze %dma_wait3A_169 : memref<1x2x128xi32, #tpu.memory_space<vmem>> -> memref<2x128xi32, #tpu.memory_space<vmem>>
        %dma_wait3A_171 = arith.constant 0 : i32
        %dma_wait3A_172 = tpu.memref_slice %arg3[%select_n3A, %dma_wait3A_171] : memref<2560x128xi32, #tpu.memory_space<hbm>> -> memref<2x128xi32, #tpu.memory_space<hbm>>
        %dma_wait3A_173 = arith.constant 0 : i32
        %dma_wait3A_174 = arith.constant 0 : i32
        %dma_wait3A_175 = tpu.memref_slice %arg7[%dma_wait3A_166, %dma_wait3A_173, %dma_wait3A_174] : memref<2x2x128xi32, #tpu.memory_space<vmem>> -> memref<1x2x128xi32, #tpu.memory_space<vmem>>
        %dma_wait3A_176 = tpu.memref_squeeze %dma_wait3A_175 : memref<1x2x128xi32, #tpu.memory_space<vmem>> -> memref<2x128xi32, #tpu.memory_space<vmem>>
        %dma_wait3A_177 = arith.constant 0 : i32
        %dma_wait3A_178 = tpu.memref_slice %arg3[%select_n3A, %dma_wait3A_177] : memref<2560x128xi32, #tpu.memory_space<hbm>> -> memref<2x128xi32, #tpu.memory_space<hbm>>
        tpu.wait_dma2 semaphore(%arg17 : memref<!tpu.dma_semaphore, #tpu.memory_space<semaphore_mem>>) src(%dma_wait3A_178 : memref<2x128xi32, #tpu.memory_space<hbm>>) dst(%dma_wait3A_176 : memref<2x128xi32, #tpu.memory_space<vmem>>)
        %dma_wait3A_179 = arith.constant 1 : i32
        %dma_wait3A_180 = arith.constant 0 : i32
        %dma_wait3A_181 = arith.constant 0 : i32
        %dma_wait3A_182 = tpu.memref_slice %arg8[%dma_wait3A_179, %dma_wait3A_180, %dma_wait3A_181] : memref<2x2x128xi32, #tpu.memory_space<vmem>> -> memref<1x2x128xi32, #tpu.memory_space<vmem>>
        %dma_wait3A_183 = tpu.memref_squeeze %dma_wait3A_182 : memref<1x2x128xi32, #tpu.memory_space<vmem>> -> memref<2x128xi32, #tpu.memory_space<vmem>>
        %dma_wait3A_184 = arith.constant 0 : i32
        %dma_wait3A_185 = tpu.memref_slice %arg4[%select_n3A, %dma_wait3A_184] : memref<2560x128xi32, #tpu.memory_space<hbm>> -> memref<2x128xi32, #tpu.memory_space<hbm>>
        %dma_wait3A_186 = arith.constant 0 : i32
        %dma_wait3A_187 = arith.constant 0 : i32
        %dma_wait3A_188 = tpu.memref_slice %arg8[%dma_wait3A_179, %dma_wait3A_186, %dma_wait3A_187] : memref<2x2x128xi32, #tpu.memory_space<vmem>> -> memref<1x2x128xi32, #tpu.memory_space<vmem>>
        %dma_wait3A_189 = tpu.memref_squeeze %dma_wait3A_188 : memref<1x2x128xi32, #tpu.memory_space<vmem>> -> memref<2x128xi32, #tpu.memory_space<vmem>>
        %dma_wait3A_190 = arith.constant 0 : i32
        %dma_wait3A_191 = tpu.memref_slice %arg4[%select_n3A, %dma_wait3A_190] : memref<2560x128xi32, #tpu.memory_space<hbm>> -> memref<2x128xi32, #tpu.memory_space<hbm>>
        tpu.wait_dma2 semaphore(%arg19 : memref<!tpu.dma_semaphore, #tpu.memory_space<semaphore_mem>>) src(%dma_wait3A_191 : memref<2x128xi32, #tpu.memory_space<hbm>>) dst(%dma_wait3A_189 : memref<2x128xi32, #tpu.memory_space<vmem>>)
        %dma_start3A_192 = arith.constant 1 : i32
        %dma_start3A_193 = arith.constant 0 : i32
        %dma_start3A_194 = arith.constant 0 : i32
        %dma_start3A_195 = tpu.memref_slice %arg7[%dma_start3A_192, %dma_start3A_193, %dma_start3A_194] : memref<2x2x128xi32, #tpu.memory_space<vmem>> -> memref<1x1x128xi32, #tpu.memory_space<vmem>>
        %dma_start3A_196 = tpu.memref_squeeze %dma_start3A_195 : memref<1x1x128xi32, #tpu.memory_space<vmem>> -> memref<128xi32, #tpu.memory_space<vmem>>
        %dma_start3A_197 = arith.constant 0 : i32
        %dma_start3A_198 = arith.constant 0 : i32
        %dma_start3A_199 = tpu.memref_slice %arg2[%dma_start3A_197, %dma_start3A_198] : memref<10240x128xf32, #tpu.memory_space<hbm>> -> memref<10240x128xf32, #tpu.memory_space<hbm>>
        tpu.enqueue_indirect_dma source(%dma_start3A_199 : memref<10240x128xf32, #tpu.memory_space<hbm>>) target(%arg9 : memref<128x128xf32, #tpu.memory_space<vmem>>) offsets(%dma_start3A_196 : memref<128xi32, #tpu.memory_space<vmem>>) semaphore(%arg12 : memref<!tpu.dma_semaphore, #tpu.memory_space<semaphore_mem>>)
      } else {
      }
      %dma_wait3A_60 = arith.constant 0 : i32
      %dma_wait3A_61 = arith.constant 0 : i32
      %dma_wait3A_62 = arith.constant 0 : i32
      %dma_wait3A_63 = tpu.memref_slice %arg7[%dma_wait3A_60, %dma_wait3A_61, %dma_wait3A_62] : memref<2x2x128xi32, #tpu.memory_space<vmem>> -> memref<1x1x128xi32, #tpu.memory_space<vmem>>
      %dma_wait3A_64 = tpu.memref_squeeze %dma_wait3A_63 : memref<1x1x128xi32, #tpu.memory_space<vmem>> -> memref<128xi32, #tpu.memory_space<vmem>>
      %dma_wait3A_65 = arith.constant 0 : i32
      %dma_wait3A_66 = arith.constant 0 : i32
      %dma_wait3A_67 = tpu.memref_slice %arg2[%dma_wait3A_65, %dma_wait3A_66] : memref<10240x128xf32, #tpu.memory_space<hbm>> -> memref<10240x128xf32, #tpu.memory_space<hbm>>
      tpu.wait_indirect_dma semaphore(%arg13 : memref<!tpu.dma_semaphore, #tpu.memory_space<semaphore_mem>>) src(%dma_wait3A_67 : memref<10240x128xf32, #tpu.memory_space<hbm>>) dst(%arg10 : memref<128x128xf32, #tpu.memory_space<vmem>>)
      %dma_start3A_68 = arith.constant 0 : i32
      %dma_start3A_69 = arith.constant 1 : i32
      %dma_start3A_70 = arith.constant 0 : i32
      %dma_start3A_71 = tpu.memref_slice %arg8[%dma_start3A_68, %dma_start3A_69, %dma_start3A_70] : memref<2x2x128xi32, #tpu.memory_space<vmem>> -> memref<1x1x128xi32, #tpu.memory_space<vmem>>
      %dma_start3A_72 = tpu.memref_squeeze %dma_start3A_71 : memref<1x1x128xi32, #tpu.memory_space<vmem>> -> memref<128xi32, #tpu.memory_space<vmem>>
      %dma_start3A_73 = arith.constant 0 : i32
      %dma_start3A_74 = arith.constant 0 : i32
      %dma_start3A_75 = tpu.memref_slice %arg11[%dma_start3A_73, %dma_start3A_74] : memref<10240x128xf32, #tpu.memory_space<vmem_shared>> -> memref<10240x128xf32, #tpu.memory_space<vmem_shared>>
      tpu.enqueue_indirect_dma source(%arg10 : memref<128x128xf32, #tpu.memory_space<vmem>>) target(%dma_start3A_75 : memref<10240x128xf32, #tpu.memory_space<vmem_shared>>) offsets(%dma_start3A_72 : memref<128xi32, #tpu.memory_space<vmem>>) semaphore(%arg15 : memref<!tpu.dma_semaphore, #tpu.memory_space<semaphore_mem>>) {add = true}
      %dma_wait3A_76 = arith.constant 0 : i32
      %dma_wait3A_77 = arith.constant 0 : i32
      %dma_wait3A_78 = arith.constant 0 : i32
      %dma_wait3A_79 = tpu.memref_slice %arg8[%dma_wait3A_76, %dma_wait3A_77, %dma_wait3A_78] : memref<2x2x128xi32, #tpu.memory_space<vmem>> -> memref<1x1x128xi32, #tpu.memory_space<vmem>>
      %dma_wait3A_80 = tpu.memref_squeeze %dma_wait3A_79 : memref<1x1x128xi32, #tpu.memory_space<vmem>> -> memref<128xi32, #tpu.memory_space<vmem>>
      %dma_wait3A_81 = arith.constant 0 : i32
      %dma_wait3A_82 = arith.constant 0 : i32
      %dma_wait3A_83 = tpu.memref_slice %arg11[%dma_wait3A_81, %dma_wait3A_82] : memref<10240x128xf32, #tpu.memory_space<vmem_shared>> -> memref<10240x128xf32, #tpu.memory_space<vmem_shared>>
      tpu.wait_indirect_dma semaphore(%arg15 : memref<!tpu.dma_semaphore, #tpu.memory_space<semaphore_mem>>) src(%arg10 : memref<128x128xf32, #tpu.memory_space<vmem>>) dst(%dma_wait3A_83 : memref<10240x128xf32, #tpu.memory_space<vmem_shared>>)
      %add3A_84 = arith.constant 2 : i32
      %add3A_85 = arith.addi %add3A_32, %add3A_84 : i32
      %lt3A_86 = arith.cmpi slt, %add3A_85, %select_n3A_8 : i32
      %convert_element_type3A_87 = arith.extui %lt3A_86 : i1 to i32
      %cond3A_88 = arith.constant 0 : i32
      %cond3A_89 = arith.cmpi ne, %convert_element_type3A_87, %cond3A_88 : i32
      scf.if %cond3A_89 {
        %add3A_166 = arith.constant 2 : i32
        %add3A_167 = arith.addi %add3A_32, %add3A_166 : i32
        %mul3A_168 = arith.constant 2 : i32
        %mul3A_169 = arith.muli %add3A_167, %mul3A_168 : i32
        %add3A_170 = arith.addi %select_n3A, %mul3A_169 : i32
        %dma_start3A_171 = arith.constant 0 : i32
        %dma_start3A_172 = arith.constant 0 : i32
        %dma_start3A_173 = arith.constant 0 : i32
        %dma_start3A_174 = tpu.memref_slice %arg7[%dma_start3A_171, %dma_start3A_172, %dma_start3A_173] : memref<2x2x128xi32, #tpu.memory_space<vmem>> -> memref<1x2x128xi32, #tpu.memory_space<vmem>>
        %dma_start3A_175 = tpu.memref_squeeze %dma_start3A_174 : memref<1x2x128xi32, #tpu.memory_space<vmem>> -> memref<2x128xi32, #tpu.memory_space<vmem>>
        %dma_start3A_176 = arith.constant 0 : i32
        %dma_start3A_177 = tpu.memref_slice %arg3[%add3A_170, %dma_start3A_176] : memref<2560x128xi32, #tpu.memory_space<hbm>> -> memref<2x128xi32, #tpu.memory_space<hbm>>
        %dma_start3A_178 = arith.constant 0 : i32
        %dma_start3A_179 = arith.constant 0 : i32
        %dma_start3A_180 = tpu.memref_slice %arg7[%dma_start3A_171, %dma_start3A_178, %dma_start3A_179] : memref<2x2x128xi32, #tpu.memory_space<vmem>> -> memref<1x2x128xi32, #tpu.memory_space<vmem>>
        %dma_start3A_181 = tpu.memref_squeeze %dma_start3A_180 : memref<1x2x128xi32, #tpu.memory_space<vmem>> -> memref<2x128xi32, #tpu.memory_space<vmem>>
        %dma_start3A_182 = arith.constant 0 : i32
        %dma_start3A_183 = tpu.memref_slice %arg3[%add3A_170, %dma_start3A_182] : memref<2560x128xi32, #tpu.memory_space<hbm>> -> memref<2x128xi32, #tpu.memory_space<hbm>>
        tpu.enqueue_dma source(%dma_start3A_183 : memref<2x128xi32, #tpu.memory_space<hbm>>) target(%dma_start3A_181 : memref<2x128xi32, #tpu.memory_space<vmem>>) target_semaphore(%arg16 : memref<!tpu.dma_semaphore, #tpu.memory_space<semaphore_mem>>)
        %add3A_184 = arith.constant 2 : i32
        %add3A_185 = arith.addi %add3A_32, %add3A_184 : i32
        %mul3A_186 = arith.constant 2 : i32
        %mul3A_187 = arith.muli %add3A_185, %mul3A_186 : i32
        %add3A_188 = arith.addi %select_n3A, %mul3A_187 : i32
        %dma_start3A_189 = arith.constant 0 : i32
        %dma_start3A_190 = arith.constant 0 : i32
        %dma_start3A_191 = arith.constant 0 : i32
        %dma_start3A_192 = tpu.memref_slice %arg8[%dma_start3A_189, %dma_start3A_190, %dma_start3A_191] : memref<2x2x128xi32, #tpu.memory_space<vmem>> -> memref<1x2x128xi32, #tpu.memory_space<vmem>>
        %dma_start3A_193 = tpu.memref_squeeze %dma_start3A_192 : memref<1x2x128xi32, #tpu.memory_space<vmem>> -> memref<2x128xi32, #tpu.memory_space<vmem>>
        %dma_start3A_194 = arith.constant 0 : i32
        %dma_start3A_195 = tpu.memref_slice %arg4[%add3A_188, %dma_start3A_194] : memref<2560x128xi32, #tpu.memory_space<hbm>> -> memref<2x128xi32, #tpu.memory_space<hbm>>
        %dma_start3A_196 = arith.constant 0 : i32
        %dma_start3A_197 = arith.constant 0 : i32
        %dma_start3A_198 = tpu.memref_slice %arg8[%dma_start3A_189, %dma_start3A_196, %dma_start3A_197] : memref<2x2x128xi32, #tpu.memory_space<vmem>> -> memref<1x2x128xi32, #tpu.memory_space<vmem>>
        %dma_start3A_199 = tpu.memref_squeeze %dma_start3A_198 : memref<1x2x128xi32, #tpu.memory_space<vmem>> -> memref<2x128xi32, #tpu.memory_space<vmem>>
        %dma_start3A_200 = arith.constant 0 : i32
        %dma_start3A_201 = tpu.memref_slice %arg4[%add3A_188, %dma_start3A_200] : memref<2560x128xi32, #tpu.memory_space<hbm>> -> memref<2x128xi32, #tpu.memory_space<hbm>>
        tpu.enqueue_dma source(%dma_start3A_201 : memref<2x128xi32, #tpu.memory_space<hbm>>) target(%dma_start3A_199 : memref<2x128xi32, #tpu.memory_space<vmem>>) target_semaphore(%arg18 : memref<!tpu.dma_semaphore, #tpu.memory_space<semaphore_mem>>)
      } else {
      }
      %add3A_90 = arith.constant 1 : i32
      %add3A_91 = arith.addi %add3A_32, %add3A_90 : i32
      %lt3A_92 = arith.cmpi slt, %add3A_91, %select_n3A_8 : i32
      %convert_element_type3A_93 = arith.extui %lt3A_92 : i1 to i32
      %cond3A_94 = arith.constant 0 : i32
      %cond3A_95 = arith.cmpi ne, %convert_element_type3A_93, %cond3A_94 : i32
      scf.if %cond3A_95 {
        %dma_start3A_166 = arith.constant 1 : i32
        %dma_start3A_167 = arith.constant 1 : i32
        %dma_start3A_168 = arith.constant 0 : i32
        %dma_start3A_169 = tpu.memref_slice %arg7[%dma_start3A_166, %dma_start3A_167, %dma_start3A_168] : memref<2x2x128xi32, #tpu.memory_space<vmem>> -> memref<1x1x128xi32, #tpu.memory_space<vmem>>
        %dma_start3A_170 = tpu.memref_squeeze %dma_start3A_169 : memref<1x1x128xi32, #tpu.memory_space<vmem>> -> memref<128xi32, #tpu.memory_space<vmem>>
        %dma_start3A_171 = arith.constant 0 : i32
        %dma_start3A_172 = arith.constant 0 : i32
        %dma_start3A_173 = tpu.memref_slice %arg2[%dma_start3A_171, %dma_start3A_172] : memref<10240x128xf32, #tpu.memory_space<hbm>> -> memref<10240x128xf32, #tpu.memory_space<hbm>>
        tpu.enqueue_indirect_dma source(%dma_start3A_173 : memref<10240x128xf32, #tpu.memory_space<hbm>>) target(%arg10 : memref<128x128xf32, #tpu.memory_space<vmem>>) offsets(%dma_start3A_170 : memref<128xi32, #tpu.memory_space<vmem>>) semaphore(%arg13 : memref<!tpu.dma_semaphore, #tpu.memory_space<semaphore_mem>>)
      } else {
      }
      %mul3A_96 = arith.constant 2 : i32
      %mul3A_97 = arith.muli %while3A_28, %mul3A_96 : i32
      %add3A_98 = arith.constant 1 : i32
      %add3A_99 = arith.addi %mul3A_97, %add3A_98 : i32
      %dma_wait3A_100 = arith.constant 0 : i32
      %dma_wait3A_101 = arith.constant 0 : i32
      %dma_wait3A_102 = arith.constant 0 : i32
      %dma_wait3A_103 = tpu.memref_slice %arg7[%dma_wait3A_100, %dma_wait3A_101, %dma_wait3A_102] : memref<2x2x128xi32, #tpu.memory_space<vmem>> -> memref<1x1x128xi32, #tpu.memory_space<vmem>>
      %dma_wait3A_104 = tpu.memref_squeeze %dma_wait3A_103 : memref<1x1x128xi32, #tpu.memory_space<vmem>> -> memref<128xi32, #tpu.memory_space<vmem>>
      %dma_wait3A_105 = arith.constant 0 : i32
      %dma_wait3A_106 = arith.constant 0 : i32
      %dma_wait3A_107 = tpu.memref_slice %arg2[%dma_wait3A_105, %dma_wait3A_106] : memref<10240x128xf32, #tpu.memory_space<hbm>> -> memref<10240x128xf32, #tpu.memory_space<hbm>>
      tpu.wait_indirect_dma semaphore(%arg12 : memref<!tpu.dma_semaphore, #tpu.memory_space<semaphore_mem>>) src(%dma_wait3A_107 : memref<10240x128xf32, #tpu.memory_space<hbm>>) dst(%arg9 : memref<128x128xf32, #tpu.memory_space<vmem>>)
      %dma_start3A_108 = arith.constant 1 : i32
      %dma_start3A_109 = arith.constant 0 : i32
      %dma_start3A_110 = arith.constant 0 : i32
      %dma_start3A_111 = tpu.memref_slice %arg8[%dma_start3A_108, %dma_start3A_109, %dma_start3A_110] : memref<2x2x128xi32, #tpu.memory_space<vmem>> -> memref<1x1x128xi32, #tpu.memory_space<vmem>>
      %dma_start3A_112 = tpu.memref_squeeze %dma_start3A_111 : memref<1x1x128xi32, #tpu.memory_space<vmem>> -> memref<128xi32, #tpu.memory_space<vmem>>
      %dma_start3A_113 = arith.constant 0 : i32
      %dma_start3A_114 = arith.constant 0 : i32
      %dma_start3A_115 = tpu.memref_slice %arg11[%dma_start3A_113, %dma_start3A_114] : memref<10240x128xf32, #tpu.memory_space<vmem_shared>> -> memref<10240x128xf32, #tpu.memory_space<vmem_shared>>
      tpu.enqueue_indirect_dma source(%arg9 : memref<128x128xf32, #tpu.memory_space<vmem>>) target(%dma_start3A_115 : memref<10240x128xf32, #tpu.memory_space<vmem_shared>>) offsets(%dma_start3A_112 : memref<128xi32, #tpu.memory_space<vmem>>) semaphore(%arg14 : memref<!tpu.dma_semaphore, #tpu.memory_space<semaphore_mem>>) {add = true}
      %dma_wait3A_116 = arith.constant 0 : i32
      %dma_wait3A_117 = arith.constant 0 : i32
      %dma_wait3A_118 = arith.constant 0 : i32
      %dma_wait3A_119 = tpu.memref_slice %arg8[%dma_wait3A_116, %dma_wait3A_117, %dma_wait3A_118] : memref<2x2x128xi32, #tpu.memory_space<vmem>> -> memref<1x1x128xi32, #tpu.memory_space<vmem>>
      %dma_wait3A_120 = tpu.memref_squeeze %dma_wait3A_119 : memref<1x1x128xi32, #tpu.memory_space<vmem>> -> memref<128xi32, #tpu.memory_space<vmem>>
      %dma_wait3A_121 = arith.constant 0 : i32
      %dma_wait3A_122 = arith.constant 0 : i32
      %dma_wait3A_123 = tpu.memref_slice %arg11[%dma_wait3A_121, %dma_wait3A_122] : memref<10240x128xf32, #tpu.memory_space<vmem_shared>> -> memref<10240x128xf32, #tpu.memory_space<vmem_shared>>
      tpu.wait_indirect_dma semaphore(%arg14 : memref<!tpu.dma_semaphore, #tpu.memory_space<semaphore_mem>>) src(%arg9 : memref<128x128xf32, #tpu.memory_space<vmem>>) dst(%dma_wait3A_123 : memref<10240x128xf32, #tpu.memory_space<vmem_shared>>)
      %add3A_124 = arith.constant 1 : i32
      %add3A_125 = arith.addi %add3A_99, %add3A_124 : i32
      %lt3A_126 = arith.cmpi slt, %add3A_125, %select_n3A_8 : i32
      %convert_element_type3A_127 = arith.extui %lt3A_126 : i1 to i32
      %cond3A_128 = arith.constant 0 : i32
      %cond3A_129 = arith.cmpi ne, %convert_element_type3A_127, %cond3A_128 : i32
      scf.if %cond3A_129 {
        %dma_wait3A_166 = arith.constant 0 : i32
        %dma_wait3A_167 = arith.constant 0 : i32
        %dma_wait3A_168 = arith.constant 0 : i32
        %dma_wait3A_169 = tpu.memref_slice %arg7[%dma_wait3A_166, %dma_wait3A_167, %dma_wait3A_168] : memref<2x2x128xi32, #tpu.memory_space<vmem>> -> memref<1x2x128xi32, #tpu.memory_space<vmem>>
        %dma_wait3A_170 = tpu.memref_squeeze %dma_wait3A_169 : memref<1x2x128xi32, #tpu.memory_space<vmem>> -> memref<2x128xi32, #tpu.memory_space<vmem>>
        %dma_wait3A_171 = arith.constant 0 : i32
        %dma_wait3A_172 = tpu.memref_slice %arg3[%select_n3A, %dma_wait3A_171] : memref<2560x128xi32, #tpu.memory_space<hbm>> -> memref<2x128xi32, #tpu.memory_space<hbm>>
        %dma_wait3A_173 = arith.constant 0 : i32
        %dma_wait3A_174 = arith.constant 0 : i32
        %dma_wait3A_175 = tpu.memref_slice %arg7[%dma_wait3A_166, %dma_wait3A_173, %dma_wait3A_174] : memref<2x2x128xi32, #tpu.memory_space<vmem>> -> memref<1x2x128xi32, #tpu.memory_space<vmem>>
        %dma_wait3A_176 = tpu.memref_squeeze %dma_wait3A_175 : memref<1x2x128xi32, #tpu.memory_space<vmem>> -> memref<2x128xi32, #tpu.memory_space<vmem>>
        %dma_wait3A_177 = arith.constant 0 : i32
        %dma_wait3A_178 = tpu.memref_slice %arg3[%select_n3A, %dma_wait3A_177] : memref<2560x128xi32, #tpu.memory_space<hbm>> -> memref<2x128xi32, #tpu.memory_space<hbm>>
        tpu.wait_dma2 semaphore(%arg16 : memref<!tpu.dma_semaphore, #tpu.memory_space<semaphore_mem>>) src(%dma_wait3A_178 : memref<2x128xi32, #tpu.memory_space<hbm>>) dst(%dma_wait3A_176 : memref<2x128xi32, #tpu.memory_space<vmem>>)
        %dma_wait3A_179 = arith.constant 0 : i32
        %dma_wait3A_180 = arith.constant 0 : i32
        %dma_wait3A_181 = arith.constant 0 : i32
        %dma_wait3A_182 = tpu.memref_slice %arg8[%dma_wait3A_179, %dma_wait3A_180, %dma_wait3A_181] : memref<2x2x128xi32, #tpu.memory_space<vmem>> -> memref<1x2x128xi32, #tpu.memory_space<vmem>>
        %dma_wait3A_183 = tpu.memref_squeeze %dma_wait3A_182 : memref<1x2x128xi32, #tpu.memory_space<vmem>> -> memref<2x128xi32, #tpu.memory_space<vmem>>
        %dma_wait3A_184 = arith.constant 0 : i32
        %dma_wait3A_185 = tpu.memref_slice %arg4[%select_n3A, %dma_wait3A_184] : memref<2560x128xi32, #tpu.memory_space<hbm>> -> memref<2x128xi32, #tpu.memory_space<hbm>>
        %dma_wait3A_186 = arith.constant 0 : i32
        %dma_wait3A_187 = arith.constant 0 : i32
        %dma_wait3A_188 = tpu.memref_slice %arg8[%dma_wait3A_179, %dma_wait3A_186, %dma_wait3A_187] : memref<2x2x128xi32, #tpu.memory_space<vmem>> -> memref<1x2x128xi32, #tpu.memory_space<vmem>>
        %dma_wait3A_189 = tpu.memref_squeeze %dma_wait3A_188 : memref<1x2x128xi32, #tpu.memory_space<vmem>> -> memref<2x128xi32, #tpu.memory_space<vmem>>
        %dma_wait3A_190 = arith.constant 0 : i32
        %dma_wait3A_191 = tpu.memref_slice %arg4[%select_n3A, %dma_wait3A_190] : memref<2560x128xi32, #tpu.memory_space<hbm>> -> memref<2x128xi32, #tpu.memory_space<hbm>>
        tpu.wait_dma2 semaphore(%arg18 : memref<!tpu.dma_semaphore, #tpu.memory_space<semaphore_mem>>) src(%dma_wait3A_191 : memref<2x128xi32, #tpu.memory_space<hbm>>) dst(%dma_wait3A_189 : memref<2x128xi32, #tpu.memory_space<vmem>>)
        %dma_start3A_192 = arith.constant 0 : i32
        %dma_start3A_193 = arith.constant 0 : i32
        %dma_start3A_194 = arith.constant 0 : i32
        %dma_start3A_195 = tpu.memref_slice %arg7[%dma_start3A_192, %dma_start3A_193, %dma_start3A_194] : memref<2x2x128xi32, #tpu.memory_space<vmem>> -> memref<1x1x128xi32, #tpu.memory_space<vmem>>
        %dma_start3A_196 = tpu.memref_squeeze %dma_start3A_195 : memref<1x1x128xi32, #tpu.memory_space<vmem>> -> memref<128xi32, #tpu.memory_space<vmem>>
        %dma_start3A_197 = arith.constant 0 : i32
        %dma_start3A_198 = arith.constant 0 : i32
        %dma_start3A_199 = tpu.memref_slice %arg2[%dma_start3A_197, %dma_start3A_198] : memref<10240x128xf32, #tpu.memory_space<hbm>> -> memref<10240x128xf32, #tpu.memory_space<hbm>>
        tpu.enqueue_indirect_dma source(%dma_start3A_199 : memref<10240x128xf32, #tpu.memory_space<hbm>>) target(%arg9 : memref<128x128xf32, #tpu.memory_space<vmem>>) offsets(%dma_start3A_196 : memref<128xi32, #tpu.memory_space<vmem>>) semaphore(%arg12 : memref<!tpu.dma_semaphore, #tpu.memory_space<semaphore_mem>>)
      } else {
      }
      %dma_wait3A_130 = arith.constant 0 : i32
      %dma_wait3A_131 = arith.constant 0 : i32
      %dma_wait3A_132 = arith.constant 0 : i32
      %dma_wait3A_133 = tpu.memref_slice %arg7[%dma_wait3A_130, %dma_wait3A_131, %dma_wait3A_132] : memref<2x2x128xi32, #tpu.memory_space<vmem>> -> memref<1x1x128xi32, #tpu.memory_space<vmem>>
      %dma_wait3A_134 = tpu.memref_squeeze %dma_wait3A_133 : memref<1x1x128xi32, #tpu.memory_space<vmem>> -> memref<128xi32, #tpu.memory_space<vmem>>
      %dma_wait3A_135 = arith.constant 0 : i32
      %dma_wait3A_136 = arith.constant 0 : i32
      %dma_wait3A_137 = tpu.memref_slice %arg2[%dma_wait3A_135, %dma_wait3A_136] : memref<10240x128xf32, #tpu.memory_space<hbm>> -> memref<10240x128xf32, #tpu.memory_space<hbm>>
      tpu.wait_indirect_dma semaphore(%arg13 : memref<!tpu.dma_semaphore, #tpu.memory_space<semaphore_mem>>) src(%dma_wait3A_137 : memref<10240x128xf32, #tpu.memory_space<hbm>>) dst(%arg10 : memref<128x128xf32, #tpu.memory_space<vmem>>)
      %dma_start3A_138 = arith.constant 1 : i32
      %dma_start3A_139 = arith.constant 1 : i32
      %dma_start3A_140 = arith.constant 0 : i32
      %dma_start3A_141 = tpu.memref_slice %arg8[%dma_start3A_138, %dma_start3A_139, %dma_start3A_140] : memref<2x2x128xi32, #tpu.memory_space<vmem>> -> memref<1x1x128xi32, #tpu.memory_space<vmem>>
      %dma_start3A_142 = tpu.memref_squeeze %dma_start3A_141 : memref<1x1x128xi32, #tpu.memory_space<vmem>> -> memref<128xi32, #tpu.memory_space<vmem>>
      %dma_start3A_143 = arith.constant 0 : i32
      %dma_start3A_144 = arith.constant 0 : i32
      %dma_start3A_145 = tpu.memref_slice %arg11[%dma_start3A_143, %dma_start3A_144] : memref<10240x128xf32, #tpu.memory_space<vmem_shared>> -> memref<10240x128xf32, #tpu.memory_space<vmem_shared>>
      tpu.enqueue_indirect_dma source(%arg10 : memref<128x128xf32, #tpu.memory_space<vmem>>) target(%dma_start3A_145 : memref<10240x128xf32, #tpu.memory_space<vmem_shared>>) offsets(%dma_start3A_142 : memref<128xi32, #tpu.memory_space<vmem>>) semaphore(%arg15 : memref<!tpu.dma_semaphore, #tpu.memory_space<semaphore_mem>>) {add = true}
      %dma_wait3A_146 = arith.constant 0 : i32
      %dma_wait3A_147 = arith.constant 0 : i32
      %dma_wait3A_148 = arith.constant 0 : i32
      %dma_wait3A_149 = tpu.memref_slice %arg8[%dma_wait3A_146, %dma_wait3A_147, %dma_wait3A_148] : memref<2x2x128xi32, #tpu.memory_space<vmem>> -> memref<1x1x128xi32, #tpu.memory_space<vmem>>
      %dma_wait3A_150 = tpu.memref_squeeze %dma_wait3A_149 : memref<1x1x128xi32, #tpu.memory_space<vmem>> -> memref<128xi32, #tpu.memory_space<vmem>>
      %dma_wait3A_151 = arith.constant 0 : i32
      %dma_wait3A_152 = arith.constant 0 : i32
      %dma_wait3A_153 = tpu.memref_slice %arg11[%dma_wait3A_151, %dma_wait3A_152] : memref<10240x128xf32, #tpu.memory_space<vmem_shared>> -> memref<10240x128xf32, #tpu.memory_space<vmem_shared>>
      tpu.wait_indirect_dma semaphore(%arg15 : memref<!tpu.dma_semaphore, #tpu.memory_space<semaphore_mem>>) src(%arg10 : memref<128x128xf32, #tpu.memory_space<vmem>>) dst(%dma_wait3A_153 : memref<10240x128xf32, #tpu.memory_space<vmem_shared>>)
      %add3A_154 = arith.constant 2 : i32
      %add3A_155 = arith.addi %add3A_99, %add3A_154 : i32
      %lt3A_156 = arith.cmpi slt, %add3A_155, %select_n3A_8 : i32
      %convert_element_type3A_157 = arith.extui %lt3A_156 : i1 to i32
      %cond3A_158 = arith.constant 0 : i32
      %cond3A_159 = arith.cmpi ne, %convert_element_type3A_157, %cond3A_158 : i32
      scf.if %cond3A_159 {
        %add3A_166 = arith.constant 2 : i32
        %add3A_167 = arith.addi %add3A_99, %add3A_166 : i32
        %mul3A_168 = arith.constant 2 : i32
        %mul3A_169 = arith.muli %add3A_167, %mul3A_168 : i32
        %add3A_170 = arith.addi %select_n3A, %mul3A_169 : i32
        %dma_start3A_171 = arith.constant 1 : i32
        %dma_start3A_172 = arith.constant 0 : i32
        %dma_start3A_173 = arith.constant 0 : i32
        %dma_start3A_174 = tpu.memref_slice %arg7[%dma_start3A_171, %dma_start3A_172, %dma_start3A_173] : memref<2x2x128xi32, #tpu.memory_space<vmem>> -> memref<1x2x128xi32, #tpu.memory_space<vmem>>
        %dma_start3A_175 = tpu.memref_squeeze %dma_start3A_174 : memref<1x2x128xi32, #tpu.memory_space<vmem>> -> memref<2x128xi32, #tpu.memory_space<vmem>>
        %dma_start3A_176 = arith.constant 0 : i32
        %dma_start3A_177 = tpu.memref_slice %arg3[%add3A_170, %dma_start3A_176] : memref<2560x128xi32, #tpu.memory_space<hbm>> -> memref<2x128xi32, #tpu.memory_space<hbm>>
        %dma_start3A_178 = arith.constant 0 : i32
        %dma_start3A_179 = arith.constant 0 : i32
        %dma_start3A_180 = tpu.memref_slice %arg7[%dma_start3A_171, %dma_start3A_178, %dma_start3A_179] : memref<2x2x128xi32, #tpu.memory_space<vmem>> -> memref<1x2x128xi32, #tpu.memory_space<vmem>>
        %dma_start3A_181 = tpu.memref_squeeze %dma_start3A_180 : memref<1x2x128xi32, #tpu.memory_space<vmem>> -> memref<2x128xi32, #tpu.memory_space<vmem>>
        %dma_start3A_182 = arith.constant 0 : i32
        %dma_start3A_183 = tpu.memref_slice %arg3[%add3A_170, %dma_start3A_182] : memref<2560x128xi32, #tpu.memory_space<hbm>> -> memref<2x128xi32, #tpu.memory_space<hbm>>
        tpu.enqueue_dma source(%dma_start3A_183 : memref<2x128xi32, #tpu.memory_space<hbm>>) target(%dma_start3A_181 : memref<2x128xi32, #tpu.memory_space<vmem>>) target_semaphore(%arg17 : memref<!tpu.dma_semaphore, #tpu.memory_space<semaphore_mem>>)
        %add3A_184 = arith.constant 2 : i32
        %add3A_185 = arith.addi %add3A_99, %add3A_184 : i32
        %mul3A_186 = arith.constant 2 : i32
        %mul3A_187 = arith.muli %add3A_185, %mul3A_186 : i32
        %add3A_188 = arith.addi %select_n3A, %mul3A_187 : i32
        %dma_start3A_189 = arith.constant 1 : i32
        %dma_start3A_190 = arith.constant 0 : i32
        %dma_start3A_191 = arith.constant 0 : i32
        %dma_start3A_192 = tpu.memref_slice %arg8[%dma_start3A_189, %dma_start3A_190, %dma_start3A_191] : memref<2x2x128xi32, #tpu.memory_space<vmem>> -> memref<1x2x128xi32, #tpu.memory_space<vmem>>
        %dma_start3A_193 = tpu.memref_squeeze %dma_start3A_192 : memref<1x2x128xi32, #tpu.memory_space<vmem>> -> memref<2x128xi32, #tpu.memory_space<vmem>>
        %dma_start3A_194 = arith.constant 0 : i32
        %dma_start3A_195 = tpu.memref_slice %arg4[%add3A_188, %dma_start3A_194] : memref<2560x128xi32, #tpu.memory_space<hbm>> -> memref<2x128xi32, #tpu.memory_space<hbm>>
        %dma_start3A_196 = arith.constant 0 : i32
        %dma_start3A_197 = arith.constant 0 : i32
        %dma_start3A_198 = tpu.memref_slice %arg8[%dma_start3A_189, %dma_start3A_196, %dma_start3A_197] : memref<2x2x128xi32, #tpu.memory_space<vmem>> -> memref<1x2x128xi32, #tpu.memory_space<vmem>>
        %dma_start3A_199 = tpu.memref_squeeze %dma_start3A_198 : memref<1x2x128xi32, #tpu.memory_space<vmem>> -> memref<2x128xi32, #tpu.memory_space<vmem>>
        %dma_start3A_200 = arith.constant 0 : i32
        %dma_start3A_201 = tpu.memref_slice %arg4[%add3A_188, %dma_start3A_200] : memref<2560x128xi32, #tpu.memory_space<hbm>> -> memref<2x128xi32, #tpu.memory_space<hbm>>
        tpu.enqueue_dma source(%dma_start3A_201 : memref<2x128xi32, #tpu.memory_space<hbm>>) target(%dma_start3A_199 : memref<2x128xi32, #tpu.memory_space<vmem>>) target_semaphore(%arg19 : memref<!tpu.dma_semaphore, #tpu.memory_space<semaphore_mem>>)
      } else {
      }
      %add3A_160 = arith.constant 1 : i32
      %add3A_161 = arith.addi %add3A_99, %add3A_160 : i32
      %lt3A_162 = arith.cmpi slt, %add3A_161, %select_n3A_8 : i32
      %convert_element_type3A_163 = arith.extui %lt3A_162 : i1 to i32
      %cond3A_164 = arith.constant 0 : i32
      %cond3A_165 = arith.cmpi ne, %convert_element_type3A_163, %cond3A_164 : i32
      scf.if %cond3A_165 {
        %dma_start3A_166 = arith.constant 0 : i32
        %dma_start3A_167 = arith.constant 1 : i32
        %dma_start3A_168 = arith.constant 0 : i32
        %dma_start3A_169 = tpu.memref_slice %arg7[%dma_start3A_166, %dma_start3A_167, %dma_start3A_168] : memref<2x2x128xi32, #tpu.memory_space<vmem>> -> memref<1x1x128xi32, #tpu.memory_space<vmem>>
        %dma_start3A_170 = tpu.memref_squeeze %dma_start3A_169 : memref<1x1x128xi32, #tpu.memory_space<vmem>> -> memref<128xi32, #tpu.memory_space<vmem>>
        %dma_start3A_171 = arith.constant 0 : i32
        %dma_start3A_172 = arith.constant 0 : i32
        %dma_start3A_173 = tpu.memref_slice %arg2[%dma_start3A_171, %dma_start3A_172] : memref<10240x128xf32, #tpu.memory_space<hbm>> -> memref<10240x128xf32, #tpu.memory_space<hbm>>
        tpu.enqueue_indirect_dma source(%dma_start3A_173 : memref<10240x128xf32, #tpu.memory_space<hbm>>) target(%arg10 : memref<128x128xf32, #tpu.memory_space<vmem>>) offsets(%dma_start3A_170 : memref<128xi32, #tpu.memory_space<vmem>>) semaphore(%arg13 : memref<!tpu.dma_semaphore, #tpu.memory_space<semaphore_mem>>)
      } else {
      }
    }
    %barrier3A_23 = arith.constant 0 : index
    tpu.barrier barrier_id(%barrier3A_23)
    %mul3A_24 = arith.constant 640 : i32
    %mul3A_25 = arith.muli %arg1, %mul3A_24 : i32
    %mul3A_26 = arith.constant 640 : i32
    %mul3A_27 = arith.muli %arg1, %mul3A_26 : i32
    "tpu.region"() ({
      %run_scoped3A = tpu.sem_alloc : memref<!tpu.dma_semaphore, #tpu.memory_space<semaphore_mem>>
      %dma_start3A = arith.constant 0 : i32
      %dma_start3A_28 = tpu.memref_slice %arg6[%arg0, %mul3A_27, %dma_start3A] : memref<2x10240x128xf32, #tpu.memory_space<hbm>> -> memref<1x640x128xf32, #tpu.memory_space<hbm>>
      %dma_start3A_29 = tpu.memref_squeeze %dma_start3A_28 : memref<1x640x128xf32, #tpu.memory_space<hbm>> -> memref<640x128xf32, #tpu.memory_space<hbm>>
      %dma_start3A_30 = arith.constant 0 : i32
      %dma_start3A_31 = tpu.memref_slice %arg11[%mul3A_25, %dma_start3A_30] : memref<10240x128xf32, #tpu.memory_space<vmem_shared>> -> memref<640x128xf32, #tpu.memory_space<vmem_shared>>
      tpu.enqueue_dma source(%dma_start3A_31 : memref<640x128xf32, #tpu.memory_space<vmem_shared>>) target(%dma_start3A_29 : memref<640x128xf32, #tpu.memory_space<hbm>>) target_semaphore(%run_scoped3A : memref<!tpu.dma_semaphore, #tpu.memory_space<semaphore_mem>>)
      %dma_wait3A = arith.constant 0 : i32
      %dma_wait3A_32 = tpu.memref_slice %arg6[%arg0, %mul3A_27, %dma_wait3A] : memref<2x10240x128xf32, #tpu.memory_space<hbm>> -> memref<1x640x128xf32, #tpu.memory_space<hbm>>
      %dma_wait3A_33 = tpu.memref_squeeze %dma_wait3A_32 : memref<1x640x128xf32, #tpu.memory_space<hbm>> -> memref<640x128xf32, #tpu.memory_space<hbm>>
      %dma_wait3A_34 = arith.constant 0 : i32
      %dma_wait3A_35 = tpu.memref_slice %arg11[%mul3A_25, %dma_wait3A_34] : memref<10240x128xf32, #tpu.memory_space<vmem_shared>> -> memref<640x128xf32, #tpu.memory_space<vmem_shared>>
      tpu.wait_dma2 semaphore(%run_scoped3A : memref<!tpu.dma_semaphore, #tpu.memory_space<semaphore_mem>>) src(%dma_wait3A_35 : memref<640x128xf32, #tpu.memory_space<vmem_shared>>) dst(%dma_wait3A_33 : memref<640x128xf32, #tpu.memory_space<hbm>>)
      tpu.yield
    }) : () -> ()
    return
  }
}

#map = affine_map<(d0, d1) -> (0, 0)>
#map1 = affine_map<(d0, d1) -> (0, 0, 0)>
module attributes {stable_mosaic.version = 14 : i64} {
  func.func @scat(%arg0: i32, %arg1: i32, %arg2: memref<10240x128xf32, #tpu.memory_space<hbm>>, %arg3: memref<2560x128xi32, #tpu.memory_space<hbm>>, %arg4: memref<2560x128xi32, #tpu.memory_space<hbm>>, %arg5: memref<640x128xf32, #tpu.memory_space<hbm>>, %arg6: memref<2x10240x128xf32, #tpu.memory_space<hbm>>, %arg7: memref<2x2x128xi32, #tpu.memory_space<vmem>>, %arg8: memref<2x2x128xi32, #tpu.memory_space<vmem>>, %arg9: memref<128x128xf32, #tpu.memory_space<vmem>>, %arg10: memref<128x128xf32, #tpu.memory_space<vmem>>, %arg11: memref<10240x128xf32, #tpu.memory_space<vmem_shared>>, %arg12: memref<!tpu.dma_semaphore, #tpu.memory_space<semaphore_mem>>, %arg13: memref<!tpu.dma_semaphore, #tpu.memory_space<semaphore_mem>>, %arg14: memref<!tpu.dma_semaphore, #tpu.memory_space<semaphore_mem>>, %arg15: memref<!tpu.dma_semaphore, #tpu.memory_space<semaphore_mem>>, %arg16: memref<!tpu.dma_semaphore, #tpu.memory_space<semaphore_mem>>, %arg17: memref<!tpu.dma_semaphore, #tpu.memory_space<semaphore_mem>>, %arg18: memref<!tpu.dma_semaphore, #tpu.memory_space<semaphore_mem>>, %arg19: memref<!tpu.dma_semaphore, #tpu.memory_space<semaphore_mem>>) attributes {dimension_semantics = [#tpu.dimension_semantics<core_parallel>, #tpu.dimension_semantics<subcore_parallel>], iteration_bounds = array<i64: 2, 16>, scalar_prefetch = 0 : i64, scratch_operands = 13 : i64, tpu.core_type = #tpu.core_type<sc_vector_subcore>, window_params = [{transform_indices = #map}, {transform_indices = #map}, {transform_indices = #map}, {transform_indices = #map}, {transform_indices = #map1}]} {
    %eq3A = arith.constant 0 : i32
    %eq3A_0 = arith.cmpi eq, %arg0, %eq3A : i32
    %mul3A = arith.constant 160 : i32
    %mul3A_1 = arith.muli %arg1, %mul3A : i32
    %mul3A_2 = arith.constant 0 : i32
    %mul3A_3 = arith.muli %arg1, %mul3A_2 : i32
    %add3A = arith.constant 2560 : i32
    %add3A_4 = arith.addi %add3A, %mul3A_3 : i32
    %select_n3A = arith.select %eq3A_0, %mul3A_1, %add3A_4 : i32
    %eq3A_5 = arith.constant 0 : i32
    %eq3A_6 = arith.cmpi eq, %arg0, %eq3A_5 : i32
    %jit3A = arith.constant 80 : i32
    %jit3A_7 = arith.constant 0 : i32
    %select_n3A_8 = arith.select %eq3A_6, %jit3A, %jit3A_7 : i32
    %mul3A_9 = arith.constant 640 : i32
    %mul3A_10 = arith.muli %arg1, %mul3A_9 : i32
    "tpu.region"() ({
      %run_scoped3A = tpu.sem_alloc : memref<!tpu.dma_semaphore, #tpu.memory_space<semaphore_mem>>
      %dma_start3A = arith.constant 0 : i32
      %dma_start3A_28 = tpu.memref_slice %arg11[%mul3A_10, %dma_start3A] : memref<10240x128xf32, #tpu.memory_space<vmem_shared>> -> memref<640x128xf32, #tpu.memory_space<vmem_shared>>
      tpu.enqueue_dma source(%arg5 : memref<640x128xf32, #tpu.memory_space<hbm>>) target(%dma_start3A_28 : memref<640x128xf32, #tpu.memory_space<vmem_shared>>) target_semaphore(%run_scoped3A : memref<!tpu.dma_semaphore, #tpu.memory_space<semaphore_mem>>)
      %dma_wait3A = arith.constant 0 : i32
      %dma_wait3A_29 = tpu.memref_slice %arg11[%mul3A_10, %dma_wait3A] : memref<10240x128xf32, #tpu.memory_space<vmem_shared>> -> memref<640x128xf32, #tpu.memory_space<vmem_shared>>
      tpu.wait_dma2 semaphore(%run_scoped3A : memref<!tpu.dma_semaphore, #tpu.memory_space<semaphore_mem>>) src(%arg5 : memref<640x128xf32, #tpu.memory_space<hbm>>) dst(%dma_wait3A_29 : memref<640x128xf32, #tpu.memory_space<vmem_shared>>)
      tpu.yield
    }) : () -> ()
    %gt3A = arith.constant 0 : i32
    %gt3A_11 = arith.cmpi sgt, %select_n3A_8, %gt3A : i32
    %convert_element_type3A = arith.extui %gt3A_11 : i1 to i32
    %cond3A = arith.constant 0 : i32
    %cond3A_12 = arith.cmpi ne, %convert_element_type3A, %cond3A : i32
    scf.if %cond3A_12 {
      %run_scoped3A = arith.constant 0 : i32
      "tpu.region"() ({
        %run_scoped3A_74 = tpu.sem_alloc : memref<!tpu.dma_semaphore, #tpu.memory_space<semaphore_mem>>
        %dma_start3A_75 = arith.constant 0 : i32
        %dma_start3A_76 = arith.constant 0 : i32
        %dma_start3A_77 = tpu.memref_slice %arg7[%run_scoped3A, %dma_start3A_75, %dma_start3A_76] : memref<2x2x128xi32, #tpu.memory_space<vmem>> -> memref<1x2x128xi32, #tpu.memory_space<vmem>>
        %dma_start3A_78 = tpu.memref_squeeze %dma_start3A_77 : memref<1x2x128xi32, #tpu.memory_space<vmem>> -> memref<2x128xi32, #tpu.memory_space<vmem>>
        %dma_start3A_79 = arith.constant 0 : i32
        %dma_start3A_80 = tpu.memref_slice %arg3[%select_n3A, %dma_start3A_79] : memref<2560x128xi32, #tpu.memory_space<hbm>> -> memref<2x128xi32, #tpu.memory_space<hbm>>
        %dma_start3A_81 = arith.constant 0 : i32
        %dma_start3A_82 = arith.constant 0 : i32
        %dma_start3A_83 = tpu.memref_slice %arg7[%run_scoped3A, %dma_start3A_81, %dma_start3A_82] : memref<2x2x128xi32, #tpu.memory_space<vmem>> -> memref<1x2x128xi32, #tpu.memory_space<vmem>>
        %dma_start3A_84 = tpu.memref_squeeze %dma_start3A_83 : memref<1x2x128xi32, #tpu.memory_space<vmem>> -> memref<2x128xi32, #tpu.memory_space<vmem>>
        %dma_start3A_85 = arith.constant 0 : i32
        %dma_start3A_86 = tpu.memref_slice %arg3[%select_n3A, %dma_start3A_85] : memref<2560x128xi32, #tpu.memory_space<hbm>> -> memref<2x128xi32, #tpu.memory_space<hbm>>
        tpu.enqueue_dma source(%dma_start3A_86 : memref<2x128xi32, #tpu.memory_space<hbm>>) target(%dma_start3A_84 : memref<2x128xi32, #tpu.memory_space<vmem>>) target_semaphore(%run_scoped3A_74 : memref<!tpu.dma_semaphore, #tpu.memory_space<semaphore_mem>>)
        %dma_wait3A = arith.constant 0 : i32
        %dma_wait3A_87 = arith.constant 0 : i32
        %dma_wait3A_88 = tpu.memref_slice %arg7[%run_scoped3A, %dma_wait3A, %dma_wait3A_87] : memref<2x2x128xi32, #tpu.memory_space<vmem>> -> memref<1x2x128xi32, #tpu.memory_space<vmem>>
        %dma_wait3A_89 = tpu.memref_squeeze %dma_wait3A_88 : memref<1x2x128xi32, #tpu.memory_space<vmem>> -> memref<2x128xi32, #tpu.memory_space<vmem>>
        %dma_wait3A_90 = arith.constant 0 : i32
        %dma_wait3A_91 = tpu.memref_slice %arg3[%select_n3A, %dma_wait3A_90] : memref<2560x128xi32, #tpu.memory_space<hbm>> -> memref<2x128xi32, #tpu.memory_space<hbm>>
        %dma_wait3A_92 = arith.constant 0 : i32
        %dma_wait3A_93 = arith.constant 0 : i32
        %dma_wait3A_94 = tpu.memref_slice %arg7[%run_scoped3A, %dma_wait3A_92, %dma_wait3A_93] : memref<2x2x128xi32, #tpu.memory_space<vmem>> -> memref<1x2x128xi32, #tpu.memory_space<vmem>>
        %dma_wait3A_95 = tpu.memref_squeeze %dma_wait3A_94 : memref<1x2x128xi32, #tpu.memory_space<vmem>> -> memref<2x128xi32, #tpu.memory_space<vmem>>
        %dma_wait3A_96 = arith.constant 0 : i32
        %dma_wait3A_97 = tpu.memref_slice %arg3[%select_n3A, %dma_wait3A_96] : memref<2560x128xi32, #tpu.memory_space<hbm>> -> memref<2x128xi32, #tpu.memory_space<hbm>>
        tpu.wait_dma2 semaphore(%run_scoped3A_74 : memref<!tpu.dma_semaphore, #tpu.memory_space<semaphore_mem>>) src(%dma_wait3A_97 : memref<2x128xi32, #tpu.memory_space<hbm>>) dst(%dma_wait3A_95 : memref<2x128xi32, #tpu.memory_space<vmem>>)
        tpu.yield
      }) : () -> ()
      %run_scoped3A_28 = arith.constant 0 : i32
      "tpu.region"() ({
        %run_scoped3A_74 = tpu.sem_alloc : memref<!tpu.dma_semaphore, #tpu.memory_space<semaphore_mem>>
        %dma_start3A_75 = arith.constant 0 : i32
        %dma_start3A_76 = arith.constant 0 : i32
        %dma_start3A_77 = tpu.memref_slice %arg8[%run_scoped3A_28, %dma_start3A_75, %dma_start3A_76] : memref<2x2x128xi32, #tpu.memory_space<vmem>> -> memref<1x2x128xi32, #tpu.memory_space<vmem>>
        %dma_start3A_78 = tpu.memref_squeeze %dma_start3A_77 : memref<1x2x128xi32, #tpu.memory_space<vmem>> -> memref<2x128xi32, #tpu.memory_space<vmem>>
        %dma_start3A_79 = arith.constant 0 : i32
        %dma_start3A_80 = tpu.memref_slice %arg4[%select_n3A, %dma_start3A_79] : memref<2560x128xi32, #tpu.memory_space<hbm>> -> memref<2x128xi32, #tpu.memory_space<hbm>>
        %dma_start3A_81 = arith.constant 0 : i32
        %dma_start3A_82 = arith.constant 0 : i32
        %dma_start3A_83 = tpu.memref_slice %arg8[%run_scoped3A_28, %dma_start3A_81, %dma_start3A_82] : memref<2x2x128xi32, #tpu.memory_space<vmem>> -> memref<1x2x128xi32, #tpu.memory_space<vmem>>
        %dma_start3A_84 = tpu.memref_squeeze %dma_start3A_83 : memref<1x2x128xi32, #tpu.memory_space<vmem>> -> memref<2x128xi32, #tpu.memory_space<vmem>>
        %dma_start3A_85 = arith.constant 0 : i32
        %dma_start3A_86 = tpu.memref_slice %arg4[%select_n3A, %dma_start3A_85] : memref<2560x128xi32, #tpu.memory_space<hbm>> -> memref<2x128xi32, #tpu.memory_space<hbm>>
        tpu.enqueue_dma source(%dma_start3A_86 : memref<2x128xi32, #tpu.memory_space<hbm>>) target(%dma_start3A_84 : memref<2x128xi32, #tpu.memory_space<vmem>>) target_semaphore(%run_scoped3A_74 : memref<!tpu.dma_semaphore, #tpu.memory_space<semaphore_mem>>)
        %dma_wait3A = arith.constant 0 : i32
        %dma_wait3A_87 = arith.constant 0 : i32
        %dma_wait3A_88 = tpu.memref_slice %arg8[%run_scoped3A_28, %dma_wait3A, %dma_wait3A_87] : memref<2x2x128xi32, #tpu.memory_space<vmem>> -> memref<1x2x128xi32, #tpu.memory_space<vmem>>
        %dma_wait3A_89 = tpu.memref_squeeze %dma_wait3A_88 : memref<1x2x128xi32, #tpu.memory_space<vmem>> -> memref<2x128xi32, #tpu.memory_space<vmem>>
        %dma_wait3A_90 = arith.constant 0 : i32
        %dma_wait3A_91 = tpu.memref_slice %arg4[%select_n3A, %dma_wait3A_90] : memref<2560x128xi32, #tpu.memory_space<hbm>> -> memref<2x128xi32, #tpu.memory_space<hbm>>
        %dma_wait3A_92 = arith.constant 0 : i32
        %dma_wait3A_93 = arith.constant 0 : i32
        %dma_wait3A_94 = tpu.memref_slice %arg8[%run_scoped3A_28, %dma_wait3A_92, %dma_wait3A_93] : memref<2x2x128xi32, #tpu.memory_space<vmem>> -> memref<1x2x128xi32, #tpu.memory_space<vmem>>
        %dma_wait3A_95 = tpu.memref_squeeze %dma_wait3A_94 : memref<1x2x128xi32, #tpu.memory_space<vmem>> -> memref<2x128xi32, #tpu.memory_space<vmem>>
        %dma_wait3A_96 = arith.constant 0 : i32
        %dma_wait3A_97 = tpu.memref_slice %arg4[%select_n3A, %dma_wait3A_96] : memref<2560x128xi32, #tpu.memory_space<hbm>> -> memref<2x128xi32, #tpu.memory_space<hbm>>
        tpu.wait_dma2 semaphore(%run_scoped3A_74 : memref<!tpu.dma_semaphore, #tpu.memory_space<semaphore_mem>>) src(%dma_wait3A_97 : memref<2x128xi32, #tpu.memory_space<hbm>>) dst(%dma_wait3A_95 : memref<2x128xi32, #tpu.memory_space<vmem>>)
        tpu.yield
      }) : () -> ()
      %dma_start3A = arith.constant 0 : i32
      %dma_start3A_29 = arith.constant 0 : i32
      %dma_start3A_30 = arith.constant 0 : i32
      %dma_start3A_31 = tpu.memref_slice %arg7[%dma_start3A, %dma_start3A_29, %dma_start3A_30] : memref<2x2x128xi32, #tpu.memory_space<vmem>> -> memref<1x1x128xi32, #tpu.memory_space<vmem>>
      %dma_start3A_32 = tpu.memref_squeeze %dma_start3A_31 : memref<1x1x128xi32, #tpu.memory_space<vmem>> -> memref<128xi32, #tpu.memory_space<vmem>>
      %dma_start3A_33 = arith.constant 0 : i32
      %dma_start3A_34 = arith.constant 0 : i32
      %dma_start3A_35 = tpu.memref_slice %arg2[%dma_start3A_33, %dma_start3A_34] : memref<10240x128xf32, #tpu.memory_space<hbm>> -> memref<10240x128xf32, #tpu.memory_space<hbm>>
      tpu.enqueue_indirect_dma source(%dma_start3A_35 : memref<10240x128xf32, #tpu.memory_space<hbm>>) target(%arg9 : memref<128x128xf32, #tpu.memory_space<vmem>>) offsets(%dma_start3A_32 : memref<128xi32, #tpu.memory_space<vmem>>) semaphore(%arg12 : memref<!tpu.dma_semaphore, #tpu.memory_space<semaphore_mem>>)
      %dma_start3A_36 = arith.constant 0 : i32
      %dma_start3A_37 = arith.constant 1 : i32
      %dma_start3A_38 = arith.constant 0 : i32
      %dma_start3A_39 = tpu.memref_slice %arg7[%dma_start3A_36, %dma_start3A_37, %dma_start3A_38] : memref<2x2x128xi32, #tpu.memory_space<vmem>> -> memref<1x1x128xi32, #tpu.memory_space<vmem>>
      %dma_start3A_40 = tpu.memref_squeeze %dma_start3A_39 : memref<1x1x128xi32, #tpu.memory_space<vmem>> -> memref<128xi32, #tpu.memory_space<vmem>>
      %dma_start3A_41 = arith.constant 0 : i32
      %dma_start3A_42 = arith.constant 0 : i32
      %dma_start3A_43 = tpu.memref_slice %arg2[%dma_start3A_41, %dma_start3A_42] : memref<10240x128xf32, #tpu.memory_space<hbm>> -> memref<10240x128xf32, #tpu.memory_space<hbm>>
      tpu.enqueue_indirect_dma source(%dma_start3A_43 : memref<10240x128xf32, #tpu.memory_space<hbm>>) target(%arg10 : memref<128x128xf32, #tpu.memory_space<vmem>>) offsets(%dma_start3A_40 : memref<128xi32, #tpu.memory_space<vmem>>) semaphore(%arg13 : memref<!tpu.dma_semaphore, #tpu.memory_space<semaphore_mem>>)
      %add3A_44 = arith.constant 2 : i32
      %add3A_45 = arith.addi %select_n3A, %add3A_44 : i32
      %dma_start3A_46 = arith.constant 1 : i32
      %dma_start3A_47 = arith.constant 0 : i32
      %dma_start3A_48 = arith.constant 0 : i32
      %dma_start3A_49 = tpu.memref_slice %arg7[%dma_start3A_46, %dma_start3A_47, %dma_start3A_48] : memref<2x2x128xi32, #tpu.memory_space<vmem>> -> memref<1x2x128xi32, #tpu.memory_space<vmem>>
      %dma_start3A_50 = tpu.memref_squeeze %dma_start3A_49 : memref<1x2x128xi32, #tpu.memory_space<vmem>> -> memref<2x128xi32, #tpu.memory_space<vmem>>
      %dma_start3A_51 = arith.constant 0 : i32
      %dma_start3A_52 = tpu.memref_slice %arg3[%add3A_45, %dma_start3A_51] : memref<2560x128xi32, #tpu.memory_space<hbm>> -> memref<2x128xi32, #tpu.memory_space<hbm>>
      %dma_start3A_53 = arith.constant 0 : i32
      %dma_start3A_54 = arith.constant 0 : i32
      %dma_start3A_55 = tpu.memref_slice %arg7[%dma_start3A_46, %dma_start3A_53, %dma_start3A_54] : memref<2x2x128xi32, #tpu.memory_space<vmem>> -> memref<1x2x128xi32, #tpu.memory_space<vmem>>
      %dma_start3A_56 = tpu.memref_squeeze %dma_start3A_55 : memref<1x2x128xi32, #tpu.memory_space<vmem>> -> memref<2x128xi32, #tpu.memory_space<vmem>>
      %dma_start3A_57 = arith.constant 0 : i32
      %dma_start3A_58 = tpu.memref_slice %arg3[%add3A_45, %dma_start3A_57] : memref<2560x128xi32, #tpu.memory_space<hbm>> -> memref<2x128xi32, #tpu.memory_space<hbm>>
      tpu.enqueue_dma source(%dma_start3A_58 : memref<2x128xi32, #tpu.memory_space<hbm>>) target(%dma_start3A_56 : memref<2x128xi32, #tpu.memory_space<vmem>>) target_semaphore(%arg17 : memref<!tpu.dma_semaphore, #tpu.memory_space<semaphore_mem>>)
      %add3A_59 = arith.constant 2 : i32
      %add3A_60 = arith.addi %select_n3A, %add3A_59 : i32
      %dma_start3A_61 = arith.constant 1 : i32
      %dma_start3A_62 = arith.constant 0 : i32
      %dma_start3A_63 = arith.constant 0 : i32
      %dma_start3A_64 = tpu.memref_slice %arg8[%dma_start3A_61, %dma_start3A_62, %dma_start3A_63] : memref<2x2x128xi32, #tpu.memory_space<vmem>> -> memref<1x2x128xi32, #tpu.memory_space<vmem>>
      %dma_start3A_65 = tpu.memref_squeeze %dma_start3A_64 : memref<1x2x128xi32, #tpu.memory_space<vmem>> -> memref<2x128xi32, #tpu.memory_space<vmem>>
      %dma_start3A_66 = arith.constant 0 : i32
      %dma_start3A_67 = tpu.memref_slice %arg4[%add3A_60, %dma_start3A_66] : memref<2560x128xi32, #tpu.memory_space<hbm>> -> memref<2x128xi32, #tpu.memory_space<hbm>>
      %dma_start3A_68 = arith.constant 0 : i32
      %dma_start3A_69 = arith.constant 0 : i32
      %dma_start3A_70 = tpu.memref_slice %arg8[%dma_start3A_61, %dma_start3A_68, %dma_start3A_69] : memref<2x2x128xi32, #tpu.memory_space<vmem>> -> memref<1x2x128xi32, #tpu.memory_space<vmem>>
      %dma_start3A_71 = tpu.memref_squeeze %dma_start3A_70 : memref<1x2x128xi32, #tpu.memory_space<vmem>> -> memref<2x128xi32, #tpu.memory_space<vmem>>
      %dma_start3A_72 = arith.constant 0 : i32
      %dma_start3A_73 = tpu.memref_slice %arg4[%add3A_60, %dma_start3A_72] : memref<2560x128xi32, #tpu.memory_space<hbm>> -> memref<2x128xi32, #tpu.memory_space<hbm>>
      tpu.enqueue_dma source(%dma_start3A_73 : memref<2x128xi32, #tpu.memory_space<hbm>>) target(%dma_start3A_71 : memref<2x128xi32, #tpu.memory_space<vmem>>) target_semaphore(%arg19 : memref<!tpu.dma_semaphore, #tpu.memory_space<semaphore_mem>>)
    } else {
    }
    %barrier3A = arith.constant 0 : index
    tpu.barrier barrier_id(%barrier3A)
    %div3A = arith.constant 2 : i32
    %div3A_13 = arith.divsi %select_n3A_8, %div3A : i32
    %while3A = arith.constant 0 : i32
    %while3A_14 = arith.constant 0 : i32
    %while3A_15 = arith.subi %div3A_13, %while3A_14 : i32
    %while3A_16 = arith.addi %while3A_14, %while3A_15 : i32
    %while3A_17 = arith.constant 1 : i32
    %while3A_18 = arith.divsi %while3A_15, %while3A_17 : i32
    %while3A_19 = arith.muli %while3A_18, %while3A_17 : i32
    %while3A_20 = arith.addi %while3A_14, %while3A_19 : i32
    %while3A_21 = arith.constant 1 : i32
    scf.for %while3A_28 = %while3A_14 to %while3A_20 step %while3A_21  : i32 {
      %mul3A_29 = arith.constant 2 : i32
      %mul3A_30 = arith.muli %while3A_28, %mul3A_29 : i32
      %add3A_31 = arith.constant 0 : i32
      %add3A_32 = arith.addi %mul3A_30, %add3A_31 : i32
      %dma_wait3A = arith.constant 0 : i32
      %dma_wait3A_33 = arith.constant 0 : i32
      %dma_wait3A_34 = arith.constant 0 : i32
      %dma_wait3A_35 = tpu.memref_slice %arg7[%dma_wait3A, %dma_wait3A_33, %dma_wait3A_34] : memref<2x2x128xi32, #tpu.memory_space<vmem>> -> memref<1x1x128xi32, #tpu.memory_space<vmem>>
      %dma_wait3A_36 = tpu.memref_squeeze %dma_wait3A_35 : memref<1x1x128xi32, #tpu.memory_space<vmem>> -> memref<128xi32, #tpu.memory_space<vmem>>
      %dma_wait3A_37 = arith.constant 0 : i32
      %dma_wait3A_38 = arith.constant 0 : i32
      %dma_wait3A_39 = tpu.memref_slice %arg2[%dma_wait3A_37, %dma_wait3A_38] : memref<10240x128xf32, #tpu.memory_space<hbm>> -> memref<10240x128xf32, #tpu.memory_space<hbm>>
      tpu.wait_indirect_dma semaphore(%arg12 : memref<!tpu.dma_semaphore, #tpu.memory_space<semaphore_mem>>) src(%dma_wait3A_39 : memref<10240x128xf32, #tpu.memory_space<hbm>>) dst(%arg9 : memref<128x128xf32, #tpu.memory_space<vmem>>)
      %dma_start3A = arith.constant 0 : i32
      %dma_start3A_40 = arith.constant 0 : i32
      %dma_start3A_41 = arith.constant 0 : i32
      %dma_start3A_42 = tpu.memref_slice %arg8[%dma_start3A, %dma_start3A_40, %dma_start3A_41] : memref<2x2x128xi32, #tpu.memory_space<vmem>> -> memref<1x1x128xi32, #tpu.memory_space<vmem>>
      %dma_start3A_43 = tpu.memref_squeeze %dma_start3A_42 : memref<1x1x128xi32, #tpu.memory_space<vmem>> -> memref<128xi32, #tpu.memory_space<vmem>>
      %dma_start3A_44 = arith.constant 0 : i32
      %dma_start3A_45 = arith.constant 0 : i32
      %dma_start3A_46 = tpu.memref_slice %arg11[%dma_start3A_44, %dma_start3A_45] : memref<10240x128xf32, #tpu.memory_space<vmem_shared>> -> memref<10240x128xf32, #tpu.memory_space<vmem_shared>>
      tpu.enqueue_indirect_dma source(%arg9 : memref<128x128xf32, #tpu.memory_space<vmem>>) target(%dma_start3A_46 : memref<10240x128xf32, #tpu.memory_space<vmem_shared>>) offsets(%dma_start3A_43 : memref<128xi32, #tpu.memory_space<vmem>>) semaphore(%arg14 : memref<!tpu.dma_semaphore, #tpu.memory_space<semaphore_mem>>) {add = true}
      %dma_wait3A_47 = arith.constant 0 : i32
      %dma_wait3A_48 = arith.constant 0 : i32
      %dma_wait3A_49 = arith.constant 0 : i32
      %dma_wait3A_50 = tpu.memref_slice %arg8[%dma_wait3A_47, %dma_wait3A_48, %dma_wait3A_49] : memref<2x2x128xi32, #tpu.memory_space<vmem>> -> memref<1x1x128xi32, #tpu.memory_space<vmem>>
      %dma_wait3A_51 = tpu.memref_squeeze %dma_wait3A_50 : memref<1x1x128xi32, #tpu.memory_space<vmem>> -> memref<128xi32, #tpu.memory_space<vmem>>
      %dma_wait3A_52 = arith.constant 0 : i32
      %dma_wait3A_53 = arith.constant 0 : i32
      %dma_wait3A_54 = tpu.memref_slice %arg11[%dma_wait3A_52, %dma_wait3A_53] : memref<10240x128xf32, #tpu.memory_space<vmem_shared>> -> memref<10240x128xf32, #tpu.memory_space<vmem_shared>>
      tpu.wait_indirect_dma semaphore(%arg14 : memref<!tpu.dma_semaphore, #tpu.memory_space<semaphore_mem>>) src(%arg9 : memref<128x128xf32, #tpu.memory_space<vmem>>) dst(%dma_wait3A_54 : memref<10240x128xf32, #tpu.memory_space<vmem_shared>>)
      %add3A_55 = arith.constant 1 : i32
      %add3A_56 = arith.addi %add3A_32, %add3A_55 : i32
      %lt3A = arith.cmpi slt, %add3A_56, %select_n3A_8 : i32
      %convert_element_type3A_57 = arith.extui %lt3A : i1 to i32
      %cond3A_58 = arith.constant 0 : i32
      %cond3A_59 = arith.cmpi ne, %convert_element_type3A_57, %cond3A_58 : i32
      scf.if %cond3A_59 {
        %dma_wait3A_166 = arith.constant 1 : i32
        %dma_wait3A_167 = arith.constant 0 : i32
        %dma_wait3A_168 = arith.constant 0 : i32
        %dma_wait3A_169 = tpu.memref_slice %arg7[%dma_wait3A_166, %dma_wait3A_167, %dma_wait3A_168] : memref<2x2x128xi32, #tpu.memory_space<vmem>> -> memref<1x2x128xi32, #tpu.memory_space<vmem>>
        %dma_wait3A_170 = tpu.memref_squeeze %dma_wait3A_169 : memref<1x2x128xi32, #tpu.memory_space<vmem>> -> memref<2x128xi32, #tpu.memory_space<vmem>>
        %dma_wait3A_171 = arith.constant 0 : i32
        %dma_wait3A_172 = tpu.memref_slice %arg3[%select_n3A, %dma_wait3A_171] : memref<2560x128xi32, #tpu.memory_space<hbm>> -> memref<2x128xi32, #tpu.memory_space<hbm>>
        %dma_wait3A_173 = arith.constant 0 : i32
        %dma_wait3A_174 = arith.constant 0 : i32
        %dma_wait3A_175 = tpu.memref_slice %arg7[%dma_wait3A_166, %dma_wait3A_173, %dma_wait3A_174] : memref<2x2x128xi32, #tpu.memory_space<vmem>> -> memref<1x2x128xi32, #tpu.memory_space<vmem>>
        %dma_wait3A_176 = tpu.memref_squeeze %dma_wait3A_175 : memref<1x2x128xi32, #tpu.memory_space<vmem>> -> memref<2x128xi32, #tpu.memory_space<vmem>>
        %dma_wait3A_177 = arith.constant 0 : i32
        %dma_wait3A_178 = tpu.memref_slice %arg3[%select_n3A, %dma_wait3A_177] : memref<2560x128xi32, #tpu.memory_space<hbm>> -> memref<2x128xi32, #tpu.memory_space<hbm>>
        tpu.wait_dma2 semaphore(%arg17 : memref<!tpu.dma_semaphore, #tpu.memory_space<semaphore_mem>>) src(%dma_wait3A_178 : memref<2x128xi32, #tpu.memory_space<hbm>>) dst(%dma_wait3A_176 : memref<2x128xi32, #tpu.memory_space<vmem>>)
        %dma_wait3A_179 = arith.constant 1 : i32
        %dma_wait3A_180 = arith.constant 0 : i32
        %dma_wait3A_181 = arith.constant 0 : i32
        %dma_wait3A_182 = tpu.memref_slice %arg8[%dma_wait3A_179, %dma_wait3A_180, %dma_wait3A_181] : memref<2x2x128xi32, #tpu.memory_space<vmem>> -> memref<1x2x128xi32, #tpu.memory_space<vmem>>
        %dma_wait3A_183 = tpu.memref_squeeze %dma_wait3A_182 : memref<1x2x128xi32, #tpu.memory_space<vmem>> -> memref<2x128xi32, #tpu.memory_space<vmem>>
        %dma_wait3A_184 = arith.constant 0 : i32
        %dma_wait3A_185 = tpu.memref_slice %arg4[%select_n3A, %dma_wait3A_184] : memref<2560x128xi32, #tpu.memory_space<hbm>> -> memref<2x128xi32, #tpu.memory_space<hbm>>
        %dma_wait3A_186 = arith.constant 0 : i32
        %dma_wait3A_187 = arith.constant 0 : i32
        %dma_wait3A_188 = tpu.memref_slice %arg8[%dma_wait3A_179, %dma_wait3A_186, %dma_wait3A_187] : memref<2x2x128xi32, #tpu.memory_space<vmem>> -> memref<1x2x128xi32, #tpu.memory_space<vmem>>
        %dma_wait3A_189 = tpu.memref_squeeze %dma_wait3A_188 : memref<1x2x128xi32, #tpu.memory_space<vmem>> -> memref<2x128xi32, #tpu.memory_space<vmem>>
        %dma_wait3A_190 = arith.constant 0 : i32
        %dma_wait3A_191 = tpu.memref_slice %arg4[%select_n3A, %dma_wait3A_190] : memref<2560x128xi32, #tpu.memory_space<hbm>> -> memref<2x128xi32, #tpu.memory_space<hbm>>
        tpu.wait_dma2 semaphore(%arg19 : memref<!tpu.dma_semaphore, #tpu.memory_space<semaphore_mem>>) src(%dma_wait3A_191 : memref<2x128xi32, #tpu.memory_space<hbm>>) dst(%dma_wait3A_189 : memref<2x128xi32, #tpu.memory_space<vmem>>)
        %dma_start3A_192 = arith.constant 1 : i32
        %dma_start3A_193 = arith.constant 0 : i32
        %dma_start3A_194 = arith.constant 0 : i32
        %dma_start3A_195 = tpu.memref_slice %arg7[%dma_start3A_192, %dma_start3A_193, %dma_start3A_194] : memref<2x2x128xi32, #tpu.memory_space<vmem>> -> memref<1x1x128xi32, #tpu.memory_space<vmem>>
        %dma_start3A_196 = tpu.memref_squeeze %dma_start3A_195 : memref<1x1x128xi32, #tpu.memory_space<vmem>> -> memref<128xi32, #tpu.memory_space<vmem>>
        %dma_start3A_197 = arith.constant 0 : i32
        %dma_start3A_198 = arith.constant 0 : i32
        %dma_start3A_199 = tpu.memref_slice %arg2[%dma_start3A_197, %dma_start3A_198] : memref<10240x128xf32, #tpu.memory_space<hbm>> -> memref<10240x128xf32, #tpu.memory_space<hbm>>
        tpu.enqueue_indirect_dma source(%dma_start3A_199 : memref<10240x128xf32, #tpu.memory_space<hbm>>) target(%arg9 : memref<128x128xf32, #tpu.memory_space<vmem>>) offsets(%dma_start3A_196 : memref<128xi32, #tpu.memory_space<vmem>>) semaphore(%arg12 : memref<!tpu.dma_semaphore, #tpu.memory_space<semaphore_mem>>)
      } else {
      }
      %dma_wait3A_60 = arith.constant 0 : i32
      %dma_wait3A_61 = arith.constant 0 : i32
      %dma_wait3A_62 = arith.constant 0 : i32
      %dma_wait3A_63 = tpu.memref_slice %arg7[%dma_wait3A_60, %dma_wait3A_61, %dma_wait3A_62] : memref<2x2x128xi32, #tpu.memory_space<vmem>> -> memref<1x1x128xi32, #tpu.memory_space<vmem>>
      %dma_wait3A_64 = tpu.memref_squeeze %dma_wait3A_63 : memref<1x1x128xi32, #tpu.memory_space<vmem>> -> memref<128xi32, #tpu.memory_space<vmem>>
      %dma_wait3A_65 = arith.constant 0 : i32
      %dma_wait3A_66 = arith.constant 0 : i32
      %dma_wait3A_67 = tpu.memref_slice %arg2[%dma_wait3A_65, %dma_wait3A_66] : memref<10240x128xf32, #tpu.memory_space<hbm>> -> memref<10240x128xf32, #tpu.memory_space<hbm>>
      tpu.wait_indirect_dma semaphore(%arg13 : memref<!tpu.dma_semaphore, #tpu.memory_space<semaphore_mem>>) src(%dma_wait3A_67 : memref<10240x128xf32, #tpu.memory_space<hbm>>) dst(%arg10 : memref<128x128xf32, #tpu.memory_space<vmem>>)
      %dma_start3A_68 = arith.constant 0 : i32
      %dma_start3A_69 = arith.constant 1 : i32
      %dma_start3A_70 = arith.constant 0 : i32
      %dma_start3A_71 = tpu.memref_slice %arg8[%dma_start3A_68, %dma_start3A_69, %dma_start3A_70] : memref<2x2x128xi32, #tpu.memory_space<vmem>> -> memref<1x1x128xi32, #tpu.memory_space<vmem>>
      %dma_start3A_72 = tpu.memref_squeeze %dma_start3A_71 : memref<1x1x128xi32, #tpu.memory_space<vmem>> -> memref<128xi32, #tpu.memory_space<vmem>>
      %dma_start3A_73 = arith.constant 0 : i32
      %dma_start3A_74 = arith.constant 0 : i32
      %dma_start3A_75 = tpu.memref_slice %arg11[%dma_start3A_73, %dma_start3A_74] : memref<10240x128xf32, #tpu.memory_space<vmem_shared>> -> memref<10240x128xf32, #tpu.memory_space<vmem_shared>>
      tpu.enqueue_indirect_dma source(%arg10 : memref<128x128xf32, #tpu.memory_space<vmem>>) target(%dma_start3A_75 : memref<10240x128xf32, #tpu.memory_space<vmem_shared>>) offsets(%dma_start3A_72 : memref<128xi32, #tpu.memory_space<vmem>>) semaphore(%arg15 : memref<!tpu.dma_semaphore, #tpu.memory_space<semaphore_mem>>) {add = true}
      %dma_wait3A_76 = arith.constant 0 : i32
      %dma_wait3A_77 = arith.constant 0 : i32
      %dma_wait3A_78 = arith.constant 0 : i32
      %dma_wait3A_79 = tpu.memref_slice %arg8[%dma_wait3A_76, %dma_wait3A_77, %dma_wait3A_78] : memref<2x2x128xi32, #tpu.memory_space<vmem>> -> memref<1x1x128xi32, #tpu.memory_space<vmem>>
      %dma_wait3A_80 = tpu.memref_squeeze %dma_wait3A_79 : memref<1x1x128xi32, #tpu.memory_space<vmem>> -> memref<128xi32, #tpu.memory_space<vmem>>
      %dma_wait3A_81 = arith.constant 0 : i32
      %dma_wait3A_82 = arith.constant 0 : i32
      %dma_wait3A_83 = tpu.memref_slice %arg11[%dma_wait3A_81, %dma_wait3A_82] : memref<10240x128xf32, #tpu.memory_space<vmem_shared>> -> memref<10240x128xf32, #tpu.memory_space<vmem_shared>>
      tpu.wait_indirect_dma semaphore(%arg15 : memref<!tpu.dma_semaphore, #tpu.memory_space<semaphore_mem>>) src(%arg10 : memref<128x128xf32, #tpu.memory_space<vmem>>) dst(%dma_wait3A_83 : memref<10240x128xf32, #tpu.memory_space<vmem_shared>>)
      %add3A_84 = arith.constant 2 : i32
      %add3A_85 = arith.addi %add3A_32, %add3A_84 : i32
      %lt3A_86 = arith.cmpi slt, %add3A_85, %select_n3A_8 : i32
      %convert_element_type3A_87 = arith.extui %lt3A_86 : i1 to i32
      %cond3A_88 = arith.constant 0 : i32
      %cond3A_89 = arith.cmpi ne, %convert_element_type3A_87, %cond3A_88 : i32
      scf.if %cond3A_89 {
        %add3A_166 = arith.constant 2 : i32
        %add3A_167 = arith.addi %add3A_32, %add3A_166 : i32
        %mul3A_168 = arith.constant 2 : i32
        %mul3A_169 = arith.muli %add3A_167, %mul3A_168 : i32
        %add3A_170 = arith.addi %select_n3A, %mul3A_169 : i32
        %dma_start3A_171 = arith.constant 0 : i32
        %dma_start3A_172 = arith.constant 0 : i32
        %dma_start3A_173 = arith.constant 0 : i32
        %dma_start3A_174 = tpu.memref_slice %arg7[%dma_start3A_171, %dma_start3A_172, %dma_start3A_173] : memref<2x2x128xi32, #tpu.memory_space<vmem>> -> memref<1x2x128xi32, #tpu.memory_space<vmem>>
        %dma_start3A_175 = tpu.memref_squeeze %dma_start3A_174 : memref<1x2x128xi32, #tpu.memory_space<vmem>> -> memref<2x128xi32, #tpu.memory_space<vmem>>
        %dma_start3A_176 = arith.constant 0 : i32
        %dma_start3A_177 = tpu.memref_slice %arg3[%add3A_170, %dma_start3A_176] : memref<2560x128xi32, #tpu.memory_space<hbm>> -> memref<2x128xi32, #tpu.memory_space<hbm>>
        %dma_start3A_178 = arith.constant 0 : i32
        %dma_start3A_179 = arith.constant 0 : i32
        %dma_start3A_180 = tpu.memref_slice %arg7[%dma_start3A_171, %dma_start3A_178, %dma_start3A_179] : memref<2x2x128xi32, #tpu.memory_space<vmem>> -> memref<1x2x128xi32, #tpu.memory_space<vmem>>
        %dma_start3A_181 = tpu.memref_squeeze %dma_start3A_180 : memref<1x2x128xi32, #tpu.memory_space<vmem>> -> memref<2x128xi32, #tpu.memory_space<vmem>>
        %dma_start3A_182 = arith.constant 0 : i32
        %dma_start3A_183 = tpu.memref_slice %arg3[%add3A_170, %dma_start3A_182] : memref<2560x128xi32, #tpu.memory_space<hbm>> -> memref<2x128xi32, #tpu.memory_space<hbm>>
        tpu.enqueue_dma source(%dma_start3A_183 : memref<2x128xi32, #tpu.memory_space<hbm>>) target(%dma_start3A_181 : memref<2x128xi32, #tpu.memory_space<vmem>>) target_semaphore(%arg16 : memref<!tpu.dma_semaphore, #tpu.memory_space<semaphore_mem>>)
        %add3A_184 = arith.constant 2 : i32
        %add3A_185 = arith.addi %add3A_32, %add3A_184 : i32
        %mul3A_186 = arith.constant 2 : i32
        %mul3A_187 = arith.muli %add3A_185, %mul3A_186 : i32
        %add3A_188 = arith.addi %select_n3A, %mul3A_187 : i32
        %dma_start3A_189 = arith.constant 0 : i32
        %dma_start3A_190 = arith.constant 0 : i32
        %dma_start3A_191 = arith.constant 0 : i32
        %dma_start3A_192 = tpu.memref_slice %arg8[%dma_start3A_189, %dma_start3A_190, %dma_start3A_191] : memref<2x2x128xi32, #tpu.memory_space<vmem>> -> memref<1x2x128xi32, #tpu.memory_space<vmem>>
        %dma_start3A_193 = tpu.memref_squeeze %dma_start3A_192 : memref<1x2x128xi32, #tpu.memory_space<vmem>> -> memref<2x128xi32, #tpu.memory_space<vmem>>
        %dma_start3A_194 = arith.constant 0 : i32
        %dma_start3A_195 = tpu.memref_slice %arg4[%add3A_188, %dma_start3A_194] : memref<2560x128xi32, #tpu.memory_space<hbm>> -> memref<2x128xi32, #tpu.memory_space<hbm>>
        %dma_start3A_196 = arith.constant 0 : i32
        %dma_start3A_197 = arith.constant 0 : i32
        %dma_start3A_198 = tpu.memref_slice %arg8[%dma_start3A_189, %dma_start3A_196, %dma_start3A_197] : memref<2x2x128xi32, #tpu.memory_space<vmem>> -> memref<1x2x128xi32, #tpu.memory_space<vmem>>
        %dma_start3A_199 = tpu.memref_squeeze %dma_start3A_198 : memref<1x2x128xi32, #tpu.memory_space<vmem>> -> memref<2x128xi32, #tpu.memory_space<vmem>>
        %dma_start3A_200 = arith.constant 0 : i32
        %dma_start3A_201 = tpu.memref_slice %arg4[%add3A_188, %dma_start3A_200] : memref<2560x128xi32, #tpu.memory_space<hbm>> -> memref<2x128xi32, #tpu.memory_space<hbm>>
        tpu.enqueue_dma source(%dma_start3A_201 : memref<2x128xi32, #tpu.memory_space<hbm>>) target(%dma_start3A_199 : memref<2x128xi32, #tpu.memory_space<vmem>>) target_semaphore(%arg18 : memref<!tpu.dma_semaphore, #tpu.memory_space<semaphore_mem>>)
      } else {
      }
      %add3A_90 = arith.constant 1 : i32
      %add3A_91 = arith.addi %add3A_32, %add3A_90 : i32
      %lt3A_92 = arith.cmpi slt, %add3A_91, %select_n3A_8 : i32
      %convert_element_type3A_93 = arith.extui %lt3A_92 : i1 to i32
      %cond3A_94 = arith.constant 0 : i32
      %cond3A_95 = arith.cmpi ne, %convert_element_type3A_93, %cond3A_94 : i32
      scf.if %cond3A_95 {
        %dma_start3A_166 = arith.constant 1 : i32
        %dma_start3A_167 = arith.constant 1 : i32
        %dma_start3A_168 = arith.constant 0 : i32
        %dma_start3A_169 = tpu.memref_slice %arg7[%dma_start3A_166, %dma_start3A_167, %dma_start3A_168] : memref<2x2x128xi32, #tpu.memory_space<vmem>> -> memref<1x1x128xi32, #tpu.memory_space<vmem>>
        %dma_start3A_170 = tpu.memref_squeeze %dma_start3A_169 : memref<1x1x128xi32, #tpu.memory_space<vmem>> -> memref<128xi32, #tpu.memory_space<vmem>>
        %dma_start3A_171 = arith.constant 0 : i32
        %dma_start3A_172 = arith.constant 0 : i32
        %dma_start3A_173 = tpu.memref_slice %arg2[%dma_start3A_171, %dma_start3A_172] : memref<10240x128xf32, #tpu.memory_space<hbm>> -> memref<10240x128xf32, #tpu.memory_space<hbm>>
        tpu.enqueue_indirect_dma source(%dma_start3A_173 : memref<10240x128xf32, #tpu.memory_space<hbm>>) target(%arg10 : memref<128x128xf32, #tpu.memory_space<vmem>>) offsets(%dma_start3A_170 : memref<128xi32, #tpu.memory_space<vmem>>) semaphore(%arg13 : memref<!tpu.dma_semaphore, #tpu.memory_space<semaphore_mem>>)
      } else {
      }
      %mul3A_96 = arith.constant 2 : i32
      %mul3A_97 = arith.muli %while3A_28, %mul3A_96 : i32
      %add3A_98 = arith.constant 1 : i32
      %add3A_99 = arith.addi %mul3A_97, %add3A_98 : i32
      %dma_wait3A_100 = arith.constant 0 : i32
      %dma_wait3A_101 = arith.constant 0 : i32
      %dma_wait3A_102 = arith.constant 0 : i32
      %dma_wait3A_103 = tpu.memref_slice %arg7[%dma_wait3A_100, %dma_wait3A_101, %dma_wait3A_102] : memref<2x2x128xi32, #tpu.memory_space<vmem>> -> memref<1x1x128xi32, #tpu.memory_space<vmem>>
      %dma_wait3A_104 = tpu.memref_squeeze %dma_wait3A_103 : memref<1x1x128xi32, #tpu.memory_space<vmem>> -> memref<128xi32, #tpu.memory_space<vmem>>
      %dma_wait3A_105 = arith.constant 0 : i32
      %dma_wait3A_106 = arith.constant 0 : i32
      %dma_wait3A_107 = tpu.memref_slice %arg2[%dma_wait3A_105, %dma_wait3A_106] : memref<10240x128xf32, #tpu.memory_space<hbm>> -> memref<10240x128xf32, #tpu.memory_space<hbm>>
      tpu.wait_indirect_dma semaphore(%arg12 : memref<!tpu.dma_semaphore, #tpu.memory_space<semaphore_mem>>) src(%dma_wait3A_107 : memref<10240x128xf32, #tpu.memory_space<hbm>>) dst(%arg9 : memref<128x128xf32, #tpu.memory_space<vmem>>)
      %dma_start3A_108 = arith.constant 1 : i32
      %dma_start3A_109 = arith.constant 0 : i32
      %dma_start3A_110 = arith.constant 0 : i32
      %dma_start3A_111 = tpu.memref_slice %arg8[%dma_start3A_108, %dma_start3A_109, %dma_start3A_110] : memref<2x2x128xi32, #tpu.memory_space<vmem>> -> memref<1x1x128xi32, #tpu.memory_space<vmem>>
      %dma_start3A_112 = tpu.memref_squeeze %dma_start3A_111 : memref<1x1x128xi32, #tpu.memory_space<vmem>> -> memref<128xi32, #tpu.memory_space<vmem>>
      %dma_start3A_113 = arith.constant 0 : i32
      %dma_start3A_114 = arith.constant 0 : i32
      %dma_start3A_115 = tpu.memref_slice %arg11[%dma_start3A_113, %dma_start3A_114] : memref<10240x128xf32, #tpu.memory_space<vmem_shared>> -> memref<10240x128xf32, #tpu.memory_space<vmem_shared>>
      tpu.enqueue_indirect_dma source(%arg9 : memref<128x128xf32, #tpu.memory_space<vmem>>) target(%dma_start3A_115 : memref<10240x128xf32, #tpu.memory_space<vmem_shared>>) offsets(%dma_start3A_112 : memref<128xi32, #tpu.memory_space<vmem>>) semaphore(%arg14 : memref<!tpu.dma_semaphore, #tpu.memory_space<semaphore_mem>>) {add = true}
      %dma_wait3A_116 = arith.constant 0 : i32
      %dma_wait3A_117 = arith.constant 0 : i32
      %dma_wait3A_118 = arith.constant 0 : i32
      %dma_wait3A_119 = tpu.memref_slice %arg8[%dma_wait3A_116, %dma_wait3A_117, %dma_wait3A_118] : memref<2x2x128xi32, #tpu.memory_space<vmem>> -> memref<1x1x128xi32, #tpu.memory_space<vmem>>
      %dma_wait3A_120 = tpu.memref_squeeze %dma_wait3A_119 : memref<1x1x128xi32, #tpu.memory_space<vmem>> -> memref<128xi32, #tpu.memory_space<vmem>>
      %dma_wait3A_121 = arith.constant 0 : i32
      %dma_wait3A_122 = arith.constant 0 : i32
      %dma_wait3A_123 = tpu.memref_slice %arg11[%dma_wait3A_121, %dma_wait3A_122] : memref<10240x128xf32, #tpu.memory_space<vmem_shared>> -> memref<10240x128xf32, #tpu.memory_space<vmem_shared>>
      tpu.wait_indirect_dma semaphore(%arg14 : memref<!tpu.dma_semaphore, #tpu.memory_space<semaphore_mem>>) src(%arg9 : memref<128x128xf32, #tpu.memory_space<vmem>>) dst(%dma_wait3A_123 : memref<10240x128xf32, #tpu.memory_space<vmem_shared>>)
      %add3A_124 = arith.constant 1 : i32
      %add3A_125 = arith.addi %add3A_99, %add3A_124 : i32
      %lt3A_126 = arith.cmpi slt, %add3A_125, %select_n3A_8 : i32
      %convert_element_type3A_127 = arith.extui %lt3A_126 : i1 to i32
      %cond3A_128 = arith.constant 0 : i32
      %cond3A_129 = arith.cmpi ne, %convert_element_type3A_127, %cond3A_128 : i32
      scf.if %cond3A_129 {
        %dma_wait3A_166 = arith.constant 0 : i32
        %dma_wait3A_167 = arith.constant 0 : i32
        %dma_wait3A_168 = arith.constant 0 : i32
        %dma_wait3A_169 = tpu.memref_slice %arg7[%dma_wait3A_166, %dma_wait3A_167, %dma_wait3A_168] : memref<2x2x128xi32, #tpu.memory_space<vmem>> -> memref<1x2x128xi32, #tpu.memory_space<vmem>>
        %dma_wait3A_170 = tpu.memref_squeeze %dma_wait3A_169 : memref<1x2x128xi32, #tpu.memory_space<vmem>> -> memref<2x128xi32, #tpu.memory_space<vmem>>
        %dma_wait3A_171 = arith.constant 0 : i32
        %dma_wait3A_172 = tpu.memref_slice %arg3[%select_n3A, %dma_wait3A_171] : memref<2560x128xi32, #tpu.memory_space<hbm>> -> memref<2x128xi32, #tpu.memory_space<hbm>>
        %dma_wait3A_173 = arith.constant 0 : i32
        %dma_wait3A_174 = arith.constant 0 : i32
        %dma_wait3A_175 = tpu.memref_slice %arg7[%dma_wait3A_166, %dma_wait3A_173, %dma_wait3A_174] : memref<2x2x128xi32, #tpu.memory_space<vmem>> -> memref<1x2x128xi32, #tpu.memory_space<vmem>>
        %dma_wait3A_176 = tpu.memref_squeeze %dma_wait3A_175 : memref<1x2x128xi32, #tpu.memory_space<vmem>> -> memref<2x128xi32, #tpu.memory_space<vmem>>
        %dma_wait3A_177 = arith.constant 0 : i32
        %dma_wait3A_178 = tpu.memref_slice %arg3[%select_n3A, %dma_wait3A_177] : memref<2560x128xi32, #tpu.memory_space<hbm>> -> memref<2x128xi32, #tpu.memory_space<hbm>>
        tpu.wait_dma2 semaphore(%arg16 : memref<!tpu.dma_semaphore, #tpu.memory_space<semaphore_mem>>) src(%dma_wait3A_178 : memref<2x128xi32, #tpu.memory_space<hbm>>) dst(%dma_wait3A_176 : memref<2x128xi32, #tpu.memory_space<vmem>>)
        %dma_wait3A_179 = arith.constant 0 : i32
        %dma_wait3A_180 = arith.constant 0 : i32
        %dma_wait3A_181 = arith.constant 0 : i32
        %dma_wait3A_182 = tpu.memref_slice %arg8[%dma_wait3A_179, %dma_wait3A_180, %dma_wait3A_181] : memref<2x2x128xi32, #tpu.memory_space<vmem>> -> memref<1x2x128xi32, #tpu.memory_space<vmem>>
        %dma_wait3A_183 = tpu.memref_squeeze %dma_wait3A_182 : memref<1x2x128xi32, #tpu.memory_space<vmem>> -> memref<2x128xi32, #tpu.memory_space<vmem>>
        %dma_wait3A_184 = arith.constant 0 : i32
        %dma_wait3A_185 = tpu.memref_slice %arg4[%select_n3A, %dma_wait3A_184] : memref<2560x128xi32, #tpu.memory_space<hbm>> -> memref<2x128xi32, #tpu.memory_space<hbm>>
        %dma_wait3A_186 = arith.constant 0 : i32
        %dma_wait3A_187 = arith.constant 0 : i32
        %dma_wait3A_188 = tpu.memref_slice %arg8[%dma_wait3A_179, %dma_wait3A_186, %dma_wait3A_187] : memref<2x2x128xi32, #tpu.memory_space<vmem>> -> memref<1x2x128xi32, #tpu.memory_space<vmem>>
        %dma_wait3A_189 = tpu.memref_squeeze %dma_wait3A_188 : memref<1x2x128xi32, #tpu.memory_space<vmem>> -> memref<2x128xi32, #tpu.memory_space<vmem>>
        %dma_wait3A_190 = arith.constant 0 : i32
        %dma_wait3A_191 = tpu.memref_slice %arg4[%select_n3A, %dma_wait3A_190] : memref<2560x128xi32, #tpu.memory_space<hbm>> -> memref<2x128xi32, #tpu.memory_space<hbm>>
        tpu.wait_dma2 semaphore(%arg18 : memref<!tpu.dma_semaphore, #tpu.memory_space<semaphore_mem>>) src(%dma_wait3A_191 : memref<2x128xi32, #tpu.memory_space<hbm>>) dst(%dma_wait3A_189 : memref<2x128xi32, #tpu.memory_space<vmem>>)
        %dma_start3A_192 = arith.constant 0 : i32
        %dma_start3A_193 = arith.constant 0 : i32
        %dma_start3A_194 = arith.constant 0 : i32
        %dma_start3A_195 = tpu.memref_slice %arg7[%dma_start3A_192, %dma_start3A_193, %dma_start3A_194] : memref<2x2x128xi32, #tpu.memory_space<vmem>> -> memref<1x1x128xi32, #tpu.memory_space<vmem>>
        %dma_start3A_196 = tpu.memref_squeeze %dma_start3A_195 : memref<1x1x128xi32, #tpu.memory_space<vmem>> -> memref<128xi32, #tpu.memory_space<vmem>>
        %dma_start3A_197 = arith.constant 0 : i32
        %dma_start3A_198 = arith.constant 0 : i32
        %dma_start3A_199 = tpu.memref_slice %arg2[%dma_start3A_197, %dma_start3A_198] : memref<10240x128xf32, #tpu.memory_space<hbm>> -> memref<10240x128xf32, #tpu.memory_space<hbm>>
        tpu.enqueue_indirect_dma source(%dma_start3A_199 : memref<10240x128xf32, #tpu.memory_space<hbm>>) target(%arg9 : memref<128x128xf32, #tpu.memory_space<vmem>>) offsets(%dma_start3A_196 : memref<128xi32, #tpu.memory_space<vmem>>) semaphore(%arg12 : memref<!tpu.dma_semaphore, #tpu.memory_space<semaphore_mem>>)
      } else {
      }
      %dma_wait3A_130 = arith.constant 0 : i32
      %dma_wait3A_131 = arith.constant 0 : i32
      %dma_wait3A_132 = arith.constant 0 : i32
      %dma_wait3A_133 = tpu.memref_slice %arg7[%dma_wait3A_130, %dma_wait3A_131, %dma_wait3A_132] : memref<2x2x128xi32, #tpu.memory_space<vmem>> -> memref<1x1x128xi32, #tpu.memory_space<vmem>>
      %dma_wait3A_134 = tpu.memref_squeeze %dma_wait3A_133 : memref<1x1x128xi32, #tpu.memory_space<vmem>> -> memref<128xi32, #tpu.memory_space<vmem>>
      %dma_wait3A_135 = arith.constant 0 : i32
      %dma_wait3A_136 = arith.constant 0 : i32
      %dma_wait3A_137 = tpu.memref_slice %arg2[%dma_wait3A_135, %dma_wait3A_136] : memref<10240x128xf32, #tpu.memory_space<hbm>> -> memref<10240x128xf32, #tpu.memory_space<hbm>>
      tpu.wait_indirect_dma semaphore(%arg13 : memref<!tpu.dma_semaphore, #tpu.memory_space<semaphore_mem>>) src(%dma_wait3A_137 : memref<10240x128xf32, #tpu.memory_space<hbm>>) dst(%arg10 : memref<128x128xf32, #tpu.memory_space<vmem>>)
      %dma_start3A_138 = arith.constant 1 : i32
      %dma_start3A_139 = arith.constant 1 : i32
      %dma_start3A_140 = arith.constant 0 : i32
      %dma_start3A_141 = tpu.memref_slice %arg8[%dma_start3A_138, %dma_start3A_139, %dma_start3A_140] : memref<2x2x128xi32, #tpu.memory_space<vmem>> -> memref<1x1x128xi32, #tpu.memory_space<vmem>>
      %dma_start3A_142 = tpu.memref_squeeze %dma_start3A_141 : memref<1x1x128xi32, #tpu.memory_space<vmem>> -> memref<128xi32, #tpu.memory_space<vmem>>
      %dma_start3A_143 = arith.constant 0 : i32
      %dma_start3A_144 = arith.constant 0 : i32
      %dma_start3A_145 = tpu.memref_slice %arg11[%dma_start3A_143, %dma_start3A_144] : memref<10240x128xf32, #tpu.memory_space<vmem_shared>> -> memref<10240x128xf32, #tpu.memory_space<vmem_shared>>
      tpu.enqueue_indirect_dma source(%arg10 : memref<128x128xf32, #tpu.memory_space<vmem>>) target(%dma_start3A_145 : memref<10240x128xf32, #tpu.memory_space<vmem_shared>>) offsets(%dma_start3A_142 : memref<128xi32, #tpu.memory_space<vmem>>) semaphore(%arg15 : memref<!tpu.dma_semaphore, #tpu.memory_space<semaphore_mem>>) {add = true}
      %dma_wait3A_146 = arith.constant 0 : i32
      %dma_wait3A_147 = arith.constant 0 : i32
      %dma_wait3A_148 = arith.constant 0 : i32
      %dma_wait3A_149 = tpu.memref_slice %arg8[%dma_wait3A_146, %dma_wait3A_147, %dma_wait3A_148] : memref<2x2x128xi32, #tpu.memory_space<vmem>> -> memref<1x1x128xi32, #tpu.memory_space<vmem>>
      %dma_wait3A_150 = tpu.memref_squeeze %dma_wait3A_149 : memref<1x1x128xi32, #tpu.memory_space<vmem>> -> memref<128xi32, #tpu.memory_space<vmem>>
      %dma_wait3A_151 = arith.constant 0 : i32
      %dma_wait3A_152 = arith.constant 0 : i32
      %dma_wait3A_153 = tpu.memref_slice %arg11[%dma_wait3A_151, %dma_wait3A_152] : memref<10240x128xf32, #tpu.memory_space<vmem_shared>> -> memref<10240x128xf32, #tpu.memory_space<vmem_shared>>
      tpu.wait_indirect_dma semaphore(%arg15 : memref<!tpu.dma_semaphore, #tpu.memory_space<semaphore_mem>>) src(%arg10 : memref<128x128xf32, #tpu.memory_space<vmem>>) dst(%dma_wait3A_153 : memref<10240x128xf32, #tpu.memory_space<vmem_shared>>)
      %add3A_154 = arith.constant 2 : i32
      %add3A_155 = arith.addi %add3A_99, %add3A_154 : i32
      %lt3A_156 = arith.cmpi slt, %add3A_155, %select_n3A_8 : i32
      %convert_element_type3A_157 = arith.extui %lt3A_156 : i1 to i32
      %cond3A_158 = arith.constant 0 : i32
      %cond3A_159 = arith.cmpi ne, %convert_element_type3A_157, %cond3A_158 : i32
      scf.if %cond3A_159 {
        %add3A_166 = arith.constant 2 : i32
        %add3A_167 = arith.addi %add3A_99, %add3A_166 : i32
        %mul3A_168 = arith.constant 2 : i32
        %mul3A_169 = arith.muli %add3A_167, %mul3A_168 : i32
        %add3A_170 = arith.addi %select_n3A, %mul3A_169 : i32
        %dma_start3A_171 = arith.constant 1 : i32
        %dma_start3A_172 = arith.constant 0 : i32
        %dma_start3A_173 = arith.constant 0 : i32
        %dma_start3A_174 = tpu.memref_slice %arg7[%dma_start3A_171, %dma_start3A_172, %dma_start3A_173] : memref<2x2x128xi32, #tpu.memory_space<vmem>> -> memref<1x2x128xi32, #tpu.memory_space<vmem>>
        %dma_start3A_175 = tpu.memref_squeeze %dma_start3A_174 : memref<1x2x128xi32, #tpu.memory_space<vmem>> -> memref<2x128xi32, #tpu.memory_space<vmem>>
        %dma_start3A_176 = arith.constant 0 : i32
        %dma_start3A_177 = tpu.memref_slice %arg3[%add3A_170, %dma_start3A_176] : memref<2560x128xi32, #tpu.memory_space<hbm>> -> memref<2x128xi32, #tpu.memory_space<hbm>>
        %dma_start3A_178 = arith.constant 0 : i32
        %dma_start3A_179 = arith.constant 0 : i32
        %dma_start3A_180 = tpu.memref_slice %arg7[%dma_start3A_171, %dma_start3A_178, %dma_start3A_179] : memref<2x2x128xi32, #tpu.memory_space<vmem>> -> memref<1x2x128xi32, #tpu.memory_space<vmem>>
        %dma_start3A_181 = tpu.memref_squeeze %dma_start3A_180 : memref<1x2x128xi32, #tpu.memory_space<vmem>> -> memref<2x128xi32, #tpu.memory_space<vmem>>
        %dma_start3A_182 = arith.constant 0 : i32
        %dma_start3A_183 = tpu.memref_slice %arg3[%add3A_170, %dma_start3A_182] : memref<2560x128xi32, #tpu.memory_space<hbm>> -> memref<2x128xi32, #tpu.memory_space<hbm>>
        tpu.enqueue_dma source(%dma_start3A_183 : memref<2x128xi32, #tpu.memory_space<hbm>>) target(%dma_start3A_181 : memref<2x128xi32, #tpu.memory_space<vmem>>) target_semaphore(%arg17 : memref<!tpu.dma_semaphore, #tpu.memory_space<semaphore_mem>>)
        %add3A_184 = arith.constant 2 : i32
        %add3A_185 = arith.addi %add3A_99, %add3A_184 : i32
        %mul3A_186 = arith.constant 2 : i32
        %mul3A_187 = arith.muli %add3A_185, %mul3A_186 : i32
        %add3A_188 = arith.addi %select_n3A, %mul3A_187 : i32
        %dma_start3A_189 = arith.constant 1 : i32
        %dma_start3A_190 = arith.constant 0 : i32
        %dma_start3A_191 = arith.constant 0 : i32
        %dma_start3A_192 = tpu.memref_slice %arg8[%dma_start3A_189, %dma_start3A_190, %dma_start3A_191] : memref<2x2x128xi32, #tpu.memory_space<vmem>> -> memref<1x2x128xi32, #tpu.memory_space<vmem>>
        %dma_start3A_193 = tpu.memref_squeeze %dma_start3A_192 : memref<1x2x128xi32, #tpu.memory_space<vmem>> -> memref<2x128xi32, #tpu.memory_space<vmem>>
        %dma_start3A_194 = arith.constant 0 : i32
        %dma_start3A_195 = tpu.memref_slice %arg4[%add3A_188, %dma_start3A_194] : memref<2560x128xi32, #tpu.memory_space<hbm>> -> memref<2x128xi32, #tpu.memory_space<hbm>>
        %dma_start3A_196 = arith.constant 0 : i32
        %dma_start3A_197 = arith.constant 0 : i32
        %dma_start3A_198 = tpu.memref_slice %arg8[%dma_start3A_189, %dma_start3A_196, %dma_start3A_197] : memref<2x2x128xi32, #tpu.memory_space<vmem>> -> memref<1x2x128xi32, #tpu.memory_space<vmem>>
        %dma_start3A_199 = tpu.memref_squeeze %dma_start3A_198 : memref<1x2x128xi32, #tpu.memory_space<vmem>> -> memref<2x128xi32, #tpu.memory_space<vmem>>
        %dma_start3A_200 = arith.constant 0 : i32
        %dma_start3A_201 = tpu.memref_slice %arg4[%add3A_188, %dma_start3A_200] : memref<2560x128xi32, #tpu.memory_space<hbm>> -> memref<2x128xi32, #tpu.memory_space<hbm>>
        tpu.enqueue_dma source(%dma_start3A_201 : memref<2x128xi32, #tpu.memory_space<hbm>>) target(%dma_start3A_199 : memref<2x128xi32, #tpu.memory_space<vmem>>) target_semaphore(%arg19 : memref<!tpu.dma_semaphore, #tpu.memory_space<semaphore_mem>>)
      } else {
      }
      %add3A_160 = arith.constant 1 : i32
      %add3A_161 = arith.addi %add3A_99, %add3A_160 : i32
      %lt3A_162 = arith.cmpi slt, %add3A_161, %select_n3A_8 : i32
      %convert_element_type3A_163 = arith.extui %lt3A_162 : i1 to i32
      %cond3A_164 = arith.constant 0 : i32
      %cond3A_165 = arith.cmpi ne, %convert_element_type3A_163, %cond3A_164 : i32
      scf.if %cond3A_165 {
        %dma_start3A_166 = arith.constant 0 : i32
        %dma_start3A_167 = arith.constant 1 : i32
        %dma_start3A_168 = arith.constant 0 : i32
        %dma_start3A_169 = tpu.memref_slice %arg7[%dma_start3A_166, %dma_start3A_167, %dma_start3A_168] : memref<2x2x128xi32, #tpu.memory_space<vmem>> -> memref<1x1x128xi32, #tpu.memory_space<vmem>>
        %dma_start3A_170 = tpu.memref_squeeze %dma_start3A_169 : memref<1x1x128xi32, #tpu.memory_space<vmem>> -> memref<128xi32, #tpu.memory_space<vmem>>
        %dma_start3A_171 = arith.constant 0 : i32
        %dma_start3A_172 = arith.constant 0 : i32
        %dma_start3A_173 = tpu.memref_slice %arg2[%dma_start3A_171, %dma_start3A_172] : memref<10240x128xf32, #tpu.memory_space<hbm>> -> memref<10240x128xf32, #tpu.memory_space<hbm>>
        tpu.enqueue_indirect_dma source(%dma_start3A_173 : memref<10240x128xf32, #tpu.memory_space<hbm>>) target(%arg10 : memref<128x128xf32, #tpu.memory_space<vmem>>) offsets(%dma_start3A_170 : memref<128xi32, #tpu.memory_space<vmem>>) semaphore(%arg13 : memref<!tpu.dma_semaphore, #tpu.memory_space<semaphore_mem>>)
      } else {
      }
    }
    %while3A_22 = arith.constant 1 : i32
    scf.for %while3A_28 = %while3A_20 to %while3A_16 step %while3A_22  : i32 {
      %mul3A_29 = arith.constant 2 : i32
      %mul3A_30 = arith.muli %while3A_28, %mul3A_29 : i32
      %add3A_31 = arith.constant 0 : i32
      %add3A_32 = arith.addi %mul3A_30, %add3A_31 : i32
      %dma_wait3A = arith.constant 0 : i32
      %dma_wait3A_33 = arith.constant 0 : i32
      %dma_wait3A_34 = arith.constant 0 : i32
      %dma_wait3A_35 = tpu.memref_slice %arg7[%dma_wait3A, %dma_wait3A_33, %dma_wait3A_34] : memref<2x2x128xi32, #tpu.memory_space<vmem>> -> memref<1x1x128xi32, #tpu.memory_space<vmem>>
      %dma_wait3A_36 = tpu.memref_squeeze %dma_wait3A_35 : memref<1x1x128xi32, #tpu.memory_space<vmem>> -> memref<128xi32, #tpu.memory_space<vmem>>
      %dma_wait3A_37 = arith.constant 0 : i32
      %dma_wait3A_38 = arith.constant 0 : i32
      %dma_wait3A_39 = tpu.memref_slice %arg2[%dma_wait3A_37, %dma_wait3A_38] : memref<10240x128xf32, #tpu.memory_space<hbm>> -> memref<10240x128xf32, #tpu.memory_space<hbm>>
      tpu.wait_indirect_dma semaphore(%arg12 : memref<!tpu.dma_semaphore, #tpu.memory_space<semaphore_mem>>) src(%dma_wait3A_39 : memref<10240x128xf32, #tpu.memory_space<hbm>>) dst(%arg9 : memref<128x128xf32, #tpu.memory_space<vmem>>)
      %dma_start3A = arith.constant 0 : i32
      %dma_start3A_40 = arith.constant 0 : i32
      %dma_start3A_41 = arith.constant 0 : i32
      %dma_start3A_42 = tpu.memref_slice %arg8[%dma_start3A, %dma_start3A_40, %dma_start3A_41] : memref<2x2x128xi32, #tpu.memory_space<vmem>> -> memref<1x1x128xi32, #tpu.memory_space<vmem>>
      %dma_start3A_43 = tpu.memref_squeeze %dma_start3A_42 : memref<1x1x128xi32, #tpu.memory_space<vmem>> -> memref<128xi32, #tpu.memory_space<vmem>>
      %dma_start3A_44 = arith.constant 0 : i32
      %dma_start3A_45 = arith.constant 0 : i32
      %dma_start3A_46 = tpu.memref_slice %arg11[%dma_start3A_44, %dma_start3A_45] : memref<10240x128xf32, #tpu.memory_space<vmem_shared>> -> memref<10240x128xf32, #tpu.memory_space<vmem_shared>>
      tpu.enqueue_indirect_dma source(%arg9 : memref<128x128xf32, #tpu.memory_space<vmem>>) target(%dma_start3A_46 : memref<10240x128xf32, #tpu.memory_space<vmem_shared>>) offsets(%dma_start3A_43 : memref<128xi32, #tpu.memory_space<vmem>>) semaphore(%arg14 : memref<!tpu.dma_semaphore, #tpu.memory_space<semaphore_mem>>) {add = true}
      %dma_wait3A_47 = arith.constant 0 : i32
      %dma_wait3A_48 = arith.constant 0 : i32
      %dma_wait3A_49 = arith.constant 0 : i32
      %dma_wait3A_50 = tpu.memref_slice %arg8[%dma_wait3A_47, %dma_wait3A_48, %dma_wait3A_49] : memref<2x2x128xi32, #tpu.memory_space<vmem>> -> memref<1x1x128xi32, #tpu.memory_space<vmem>>
      %dma_wait3A_51 = tpu.memref_squeeze %dma_wait3A_50 : memref<1x1x128xi32, #tpu.memory_space<vmem>> -> memref<128xi32, #tpu.memory_space<vmem>>
      %dma_wait3A_52 = arith.constant 0 : i32
      %dma_wait3A_53 = arith.constant 0 : i32
      %dma_wait3A_54 = tpu.memref_slice %arg11[%dma_wait3A_52, %dma_wait3A_53] : memref<10240x128xf32, #tpu.memory_space<vmem_shared>> -> memref<10240x128xf32, #tpu.memory_space<vmem_shared>>
      tpu.wait_indirect_dma semaphore(%arg14 : memref<!tpu.dma_semaphore, #tpu.memory_space<semaphore_mem>>) src(%arg9 : memref<128x128xf32, #tpu.memory_space<vmem>>) dst(%dma_wait3A_54 : memref<10240x128xf32, #tpu.memory_space<vmem_shared>>)
      %add3A_55 = arith.constant 1 : i32
      %add3A_56 = arith.addi %add3A_32, %add3A_55 : i32
      %lt3A = arith.cmpi slt, %add3A_56, %select_n3A_8 : i32
      %convert_element_type3A_57 = arith.extui %lt3A : i1 to i32
      %cond3A_58 = arith.constant 0 : i32
      %cond3A_59 = arith.cmpi ne, %convert_element_type3A_57, %cond3A_58 : i32
      scf.if %cond3A_59 {
        %dma_wait3A_166 = arith.constant 1 : i32
        %dma_wait3A_167 = arith.constant 0 : i32
        %dma_wait3A_168 = arith.constant 0 : i32
        %dma_wait3A_169 = tpu.memref_slice %arg7[%dma_wait3A_166, %dma_wait3A_167, %dma_wait3A_168] : memref<2x2x128xi32, #tpu.memory_space<vmem>> -> memref<1x2x128xi32, #tpu.memory_space<vmem>>
        %dma_wait3A_170 = tpu.memref_squeeze %dma_wait3A_169 : memref<1x2x128xi32, #tpu.memory_space<vmem>> -> memref<2x128xi32, #tpu.memory_space<vmem>>
        %dma_wait3A_171 = arith.constant 0 : i32
        %dma_wait3A_172 = tpu.memref_slice %arg3[%select_n3A, %dma_wait3A_171] : memref<2560x128xi32, #tpu.memory_space<hbm>> -> memref<2x128xi32, #tpu.memory_space<hbm>>
        %dma_wait3A_173 = arith.constant 0 : i32
        %dma_wait3A_174 = arith.constant 0 : i32
        %dma_wait3A_175 = tpu.memref_slice %arg7[%dma_wait3A_166, %dma_wait3A_173, %dma_wait3A_174] : memref<2x2x128xi32, #tpu.memory_space<vmem>> -> memref<1x2x128xi32, #tpu.memory_space<vmem>>
        %dma_wait3A_176 = tpu.memref_squeeze %dma_wait3A_175 : memref<1x2x128xi32, #tpu.memory_space<vmem>> -> memref<2x128xi32, #tpu.memory_space<vmem>>
        %dma_wait3A_177 = arith.constant 0 : i32
        %dma_wait3A_178 = tpu.memref_slice %arg3[%select_n3A, %dma_wait3A_177] : memref<2560x128xi32, #tpu.memory_space<hbm>> -> memref<2x128xi32, #tpu.memory_space<hbm>>
        tpu.wait_dma2 semaphore(%arg17 : memref<!tpu.dma_semaphore, #tpu.memory_space<semaphore_mem>>) src(%dma_wait3A_178 : memref<2x128xi32, #tpu.memory_space<hbm>>) dst(%dma_wait3A_176 : memref<2x128xi32, #tpu.memory_space<vmem>>)
        %dma_wait3A_179 = arith.constant 1 : i32
        %dma_wait3A_180 = arith.constant 0 : i32
        %dma_wait3A_181 = arith.constant 0 : i32
        %dma_wait3A_182 = tpu.memref_slice %arg8[%dma_wait3A_179, %dma_wait3A_180, %dma_wait3A_181] : memref<2x2x128xi32, #tpu.memory_space<vmem>> -> memref<1x2x128xi32, #tpu.memory_space<vmem>>
        %dma_wait3A_183 = tpu.memref_squeeze %dma_wait3A_182 : memref<1x2x128xi32, #tpu.memory_space<vmem>> -> memref<2x128xi32, #tpu.memory_space<vmem>>
        %dma_wait3A_184 = arith.constant 0 : i32
        %dma_wait3A_185 = tpu.memref_slice %arg4[%select_n3A, %dma_wait3A_184] : memref<2560x128xi32, #tpu.memory_space<hbm>> -> memref<2x128xi32, #tpu.memory_space<hbm>>
        %dma_wait3A_186 = arith.constant 0 : i32
        %dma_wait3A_187 = arith.constant 0 : i32
        %dma_wait3A_188 = tpu.memref_slice %arg8[%dma_wait3A_179, %dma_wait3A_186, %dma_wait3A_187] : memref<2x2x128xi32, #tpu.memory_space<vmem>> -> memref<1x2x128xi32, #tpu.memory_space<vmem>>
        %dma_wait3A_189 = tpu.memref_squeeze %dma_wait3A_188 : memref<1x2x128xi32, #tpu.memory_space<vmem>> -> memref<2x128xi32, #tpu.memory_space<vmem>>
        %dma_wait3A_190 = arith.constant 0 : i32
        %dma_wait3A_191 = tpu.memref_slice %arg4[%select_n3A, %dma_wait3A_190] : memref<2560x128xi32, #tpu.memory_space<hbm>> -> memref<2x128xi32, #tpu.memory_space<hbm>>
        tpu.wait_dma2 semaphore(%arg19 : memref<!tpu.dma_semaphore, #tpu.memory_space<semaphore_mem>>) src(%dma_wait3A_191 : memref<2x128xi32, #tpu.memory_space<hbm>>) dst(%dma_wait3A_189 : memref<2x128xi32, #tpu.memory_space<vmem>>)
        %dma_start3A_192 = arith.constant 1 : i32
        %dma_start3A_193 = arith.constant 0 : i32
        %dma_start3A_194 = arith.constant 0 : i32
        %dma_start3A_195 = tpu.memref_slice %arg7[%dma_start3A_192, %dma_start3A_193, %dma_start3A_194] : memref<2x2x128xi32, #tpu.memory_space<vmem>> -> memref<1x1x128xi32, #tpu.memory_space<vmem>>
        %dma_start3A_196 = tpu.memref_squeeze %dma_start3A_195 : memref<1x1x128xi32, #tpu.memory_space<vmem>> -> memref<128xi32, #tpu.memory_space<vmem>>
        %dma_start3A_197 = arith.constant 0 : i32
        %dma_start3A_198 = arith.constant 0 : i32
        %dma_start3A_199 = tpu.memref_slice %arg2[%dma_start3A_197, %dma_start3A_198] : memref<10240x128xf32, #tpu.memory_space<hbm>> -> memref<10240x128xf32, #tpu.memory_space<hbm>>
        tpu.enqueue_indirect_dma source(%dma_start3A_199 : memref<10240x128xf32, #tpu.memory_space<hbm>>) target(%arg9 : memref<128x128xf32, #tpu.memory_space<vmem>>) offsets(%dma_start3A_196 : memref<128xi32, #tpu.memory_space<vmem>>) semaphore(%arg12 : memref<!tpu.dma_semaphore, #tpu.memory_space<semaphore_mem>>)
      } else {
      }
      %dma_wait3A_60 = arith.constant 0 : i32
      %dma_wait3A_61 = arith.constant 0 : i32
      %dma_wait3A_62 = arith.constant 0 : i32
      %dma_wait3A_63 = tpu.memref_slice %arg7[%dma_wait3A_60, %dma_wait3A_61, %dma_wait3A_62] : memref<2x2x128xi32, #tpu.memory_space<vmem>> -> memref<1x1x128xi32, #tpu.memory_space<vmem>>
      %dma_wait3A_64 = tpu.memref_squeeze %dma_wait3A_63 : memref<1x1x128xi32, #tpu.memory_space<vmem>> -> memref<128xi32, #tpu.memory_space<vmem>>
      %dma_wait3A_65 = arith.constant 0 : i32
      %dma_wait3A_66 = arith.constant 0 : i32
      %dma_wait3A_67 = tpu.memref_slice %arg2[%dma_wait3A_65, %dma_wait3A_66] : memref<10240x128xf32, #tpu.memory_space<hbm>> -> memref<10240x128xf32, #tpu.memory_space<hbm>>
      tpu.wait_indirect_dma semaphore(%arg13 : memref<!tpu.dma_semaphore, #tpu.memory_space<semaphore_mem>>) src(%dma_wait3A_67 : memref<10240x128xf32, #tpu.memory_space<hbm>>) dst(%arg10 : memref<128x128xf32, #tpu.memory_space<vmem>>)
      %dma_start3A_68 = arith.constant 0 : i32
      %dma_start3A_69 = arith.constant 1 : i32
      %dma_start3A_70 = arith.constant 0 : i32
      %dma_start3A_71 = tpu.memref_slice %arg8[%dma_start3A_68, %dma_start3A_69, %dma_start3A_70] : memref<2x2x128xi32, #tpu.memory_space<vmem>> -> memref<1x1x128xi32, #tpu.memory_space<vmem>>
      %dma_start3A_72 = tpu.memref_squeeze %dma_start3A_71 : memref<1x1x128xi32, #tpu.memory_space<vmem>> -> memref<128xi32, #tpu.memory_space<vmem>>
      %dma_start3A_73 = arith.constant 0 : i32
      %dma_start3A_74 = arith.constant 0 : i32
      %dma_start3A_75 = tpu.memref_slice %arg11[%dma_start3A_73, %dma_start3A_74] : memref<10240x128xf32, #tpu.memory_space<vmem_shared>> -> memref<10240x128xf32, #tpu.memory_space<vmem_shared>>
      tpu.enqueue_indirect_dma source(%arg10 : memref<128x128xf32, #tpu.memory_space<vmem>>) target(%dma_start3A_75 : memref<10240x128xf32, #tpu.memory_space<vmem_shared>>) offsets(%dma_start3A_72 : memref<128xi32, #tpu.memory_space<vmem>>) semaphore(%arg15 : memref<!tpu.dma_semaphore, #tpu.memory_space<semaphore_mem>>) {add = true}
      %dma_wait3A_76 = arith.constant 0 : i32
      %dma_wait3A_77 = arith.constant 0 : i32
      %dma_wait3A_78 = arith.constant 0 : i32
      %dma_wait3A_79 = tpu.memref_slice %arg8[%dma_wait3A_76, %dma_wait3A_77, %dma_wait3A_78] : memref<2x2x128xi32, #tpu.memory_space<vmem>> -> memref<1x1x128xi32, #tpu.memory_space<vmem>>
      %dma_wait3A_80 = tpu.memref_squeeze %dma_wait3A_79 : memref<1x1x128xi32, #tpu.memory_space<vmem>> -> memref<128xi32, #tpu.memory_space<vmem>>
      %dma_wait3A_81 = arith.constant 0 : i32
      %dma_wait3A_82 = arith.constant 0 : i32
      %dma_wait3A_83 = tpu.memref_slice %arg11[%dma_wait3A_81, %dma_wait3A_82] : memref<10240x128xf32, #tpu.memory_space<vmem_shared>> -> memref<10240x128xf32, #tpu.memory_space<vmem_shared>>
      tpu.wait_indirect_dma semaphore(%arg15 : memref<!tpu.dma_semaphore, #tpu.memory_space<semaphore_mem>>) src(%arg10 : memref<128x128xf32, #tpu.memory_space<vmem>>) dst(%dma_wait3A_83 : memref<10240x128xf32, #tpu.memory_space<vmem_shared>>)
      %add3A_84 = arith.constant 2 : i32
      %add3A_85 = arith.addi %add3A_32, %add3A_84 : i32
      %lt3A_86 = arith.cmpi slt, %add3A_85, %select_n3A_8 : i32
      %convert_element_type3A_87 = arith.extui %lt3A_86 : i1 to i32
      %cond3A_88 = arith.constant 0 : i32
      %cond3A_89 = arith.cmpi ne, %convert_element_type3A_87, %cond3A_88 : i32
      scf.if %cond3A_89 {
        %add3A_166 = arith.constant 2 : i32
        %add3A_167 = arith.addi %add3A_32, %add3A_166 : i32
        %mul3A_168 = arith.constant 2 : i32
        %mul3A_169 = arith.muli %add3A_167, %mul3A_168 : i32
        %add3A_170 = arith.addi %select_n3A, %mul3A_169 : i32
        %dma_start3A_171 = arith.constant 0 : i32
        %dma_start3A_172 = arith.constant 0 : i32
        %dma_start3A_173 = arith.constant 0 : i32
        %dma_start3A_174 = tpu.memref_slice %arg7[%dma_start3A_171, %dma_start3A_172, %dma_start3A_173] : memref<2x2x128xi32, #tpu.memory_space<vmem>> -> memref<1x2x128xi32, #tpu.memory_space<vmem>>
        %dma_start3A_175 = tpu.memref_squeeze %dma_start3A_174 : memref<1x2x128xi32, #tpu.memory_space<vmem>> -> memref<2x128xi32, #tpu.memory_space<vmem>>
        %dma_start3A_176 = arith.constant 0 : i32
        %dma_start3A_177 = tpu.memref_slice %arg3[%add3A_170, %dma_start3A_176] : memref<2560x128xi32, #tpu.memory_space<hbm>> -> memref<2x128xi32, #tpu.memory_space<hbm>>
        %dma_start3A_178 = arith.constant 0 : i32
        %dma_start3A_179 = arith.constant 0 : i32
        %dma_start3A_180 = tpu.memref_slice %arg7[%dma_start3A_171, %dma_start3A_178, %dma_start3A_179] : memref<2x2x128xi32, #tpu.memory_space<vmem>> -> memref<1x2x128xi32, #tpu.memory_space<vmem>>
        %dma_start3A_181 = tpu.memref_squeeze %dma_start3A_180 : memref<1x2x128xi32, #tpu.memory_space<vmem>> -> memref<2x128xi32, #tpu.memory_space<vmem>>
        %dma_start3A_182 = arith.constant 0 : i32
        %dma_start3A_183 = tpu.memref_slice %arg3[%add3A_170, %dma_start3A_182] : memref<2560x128xi32, #tpu.memory_space<hbm>> -> memref<2x128xi32, #tpu.memory_space<hbm>>
        tpu.enqueue_dma source(%dma_start3A_183 : memref<2x128xi32, #tpu.memory_space<hbm>>) target(%dma_start3A_181 : memref<2x128xi32, #tpu.memory_space<vmem>>) target_semaphore(%arg16 : memref<!tpu.dma_semaphore, #tpu.memory_space<semaphore_mem>>)
        %add3A_184 = arith.constant 2 : i32
        %add3A_185 = arith.addi %add3A_32, %add3A_184 : i32
        %mul3A_186 = arith.constant 2 : i32
        %mul3A_187 = arith.muli %add3A_185, %mul3A_186 : i32
        %add3A_188 = arith.addi %select_n3A, %mul3A_187 : i32
        %dma_start3A_189 = arith.constant 0 : i32
        %dma_start3A_190 = arith.constant 0 : i32
        %dma_start3A_191 = arith.constant 0 : i32
        %dma_start3A_192 = tpu.memref_slice %arg8[%dma_start3A_189, %dma_start3A_190, %dma_start3A_191] : memref<2x2x128xi32, #tpu.memory_space<vmem>> -> memref<1x2x128xi32, #tpu.memory_space<vmem>>
        %dma_start3A_193 = tpu.memref_squeeze %dma_start3A_192 : memref<1x2x128xi32, #tpu.memory_space<vmem>> -> memref<2x128xi32, #tpu.memory_space<vmem>>
        %dma_start3A_194 = arith.constant 0 : i32
        %dma_start3A_195 = tpu.memref_slice %arg4[%add3A_188, %dma_start3A_194] : memref<2560x128xi32, #tpu.memory_space<hbm>> -> memref<2x128xi32, #tpu.memory_space<hbm>>
        %dma_start3A_196 = arith.constant 0 : i32
        %dma_start3A_197 = arith.constant 0 : i32
        %dma_start3A_198 = tpu.memref_slice %arg8[%dma_start3A_189, %dma_start3A_196, %dma_start3A_197] : memref<2x2x128xi32, #tpu.memory_space<vmem>> -> memref<1x2x128xi32, #tpu.memory_space<vmem>>
        %dma_start3A_199 = tpu.memref_squeeze %dma_start3A_198 : memref<1x2x128xi32, #tpu.memory_space<vmem>> -> memref<2x128xi32, #tpu.memory_space<vmem>>
        %dma_start3A_200 = arith.constant 0 : i32
        %dma_start3A_201 = tpu.memref_slice %arg4[%add3A_188, %dma_start3A_200] : memref<2560x128xi32, #tpu.memory_space<hbm>> -> memref<2x128xi32, #tpu.memory_space<hbm>>
        tpu.enqueue_dma source(%dma_start3A_201 : memref<2x128xi32, #tpu.memory_space<hbm>>) target(%dma_start3A_199 : memref<2x128xi32, #tpu.memory_space<vmem>>) target_semaphore(%arg18 : memref<!tpu.dma_semaphore, #tpu.memory_space<semaphore_mem>>)
      } else {
      }
      %add3A_90 = arith.constant 1 : i32
      %add3A_91 = arith.addi %add3A_32, %add3A_90 : i32
      %lt3A_92 = arith.cmpi slt, %add3A_91, %select_n3A_8 : i32
      %convert_element_type3A_93 = arith.extui %lt3A_92 : i1 to i32
      %cond3A_94 = arith.constant 0 : i32
      %cond3A_95 = arith.cmpi ne, %convert_element_type3A_93, %cond3A_94 : i32
      scf.if %cond3A_95 {
        %dma_start3A_166 = arith.constant 1 : i32
        %dma_start3A_167 = arith.constant 1 : i32
        %dma_start3A_168 = arith.constant 0 : i32
        %dma_start3A_169 = tpu.memref_slice %arg7[%dma_start3A_166, %dma_start3A_167, %dma_start3A_168] : memref<2x2x128xi32, #tpu.memory_space<vmem>> -> memref<1x1x128xi32, #tpu.memory_space<vmem>>
        %dma_start3A_170 = tpu.memref_squeeze %dma_start3A_169 : memref<1x1x128xi32, #tpu.memory_space<vmem>> -> memref<128xi32, #tpu.memory_space<vmem>>
        %dma_start3A_171 = arith.constant 0 : i32
        %dma_start3A_172 = arith.constant 0 : i32
        %dma_start3A_173 = tpu.memref_slice %arg2[%dma_start3A_171, %dma_start3A_172] : memref<10240x128xf32, #tpu.memory_space<hbm>> -> memref<10240x128xf32, #tpu.memory_space<hbm>>
        tpu.enqueue_indirect_dma source(%dma_start3A_173 : memref<10240x128xf32, #tpu.memory_space<hbm>>) target(%arg10 : memref<128x128xf32, #tpu.memory_space<vmem>>) offsets(%dma_start3A_170 : memref<128xi32, #tpu.memory_space<vmem>>) semaphore(%arg13 : memref<!tpu.dma_semaphore, #tpu.memory_space<semaphore_mem>>)
      } else {
      }
      %mul3A_96 = arith.constant 2 : i32
      %mul3A_97 = arith.muli %while3A_28, %mul3A_96 : i32
      %add3A_98 = arith.constant 1 : i32
      %add3A_99 = arith.addi %mul3A_97, %add3A_98 : i32
      %dma_wait3A_100 = arith.constant 0 : i32
      %dma_wait3A_101 = arith.constant 0 : i32
      %dma_wait3A_102 = arith.constant 0 : i32
      %dma_wait3A_103 = tpu.memref_slice %arg7[%dma_wait3A_100, %dma_wait3A_101, %dma_wait3A_102] : memref<2x2x128xi32, #tpu.memory_space<vmem>> -> memref<1x1x128xi32, #tpu.memory_space<vmem>>
      %dma_wait3A_104 = tpu.memref_squeeze %dma_wait3A_103 : memref<1x1x128xi32, #tpu.memory_space<vmem>> -> memref<128xi32, #tpu.memory_space<vmem>>
      %dma_wait3A_105 = arith.constant 0 : i32
      %dma_wait3A_106 = arith.constant 0 : i32
      %dma_wait3A_107 = tpu.memref_slice %arg2[%dma_wait3A_105, %dma_wait3A_106] : memref<10240x128xf32, #tpu.memory_space<hbm>> -> memref<10240x128xf32, #tpu.memory_space<hbm>>
      tpu.wait_indirect_dma semaphore(%arg12 : memref<!tpu.dma_semaphore, #tpu.memory_space<semaphore_mem>>) src(%dma_wait3A_107 : memref<10240x128xf32, #tpu.memory_space<hbm>>) dst(%arg9 : memref<128x128xf32, #tpu.memory_space<vmem>>)
      %dma_start3A_108 = arith.constant 1 : i32
      %dma_start3A_109 = arith.constant 0 : i32
      %dma_start3A_110 = arith.constant 0 : i32
      %dma_start3A_111 = tpu.memref_slice %arg8[%dma_start3A_108, %dma_start3A_109, %dma_start3A_110] : memref<2x2x128xi32, #tpu.memory_space<vmem>> -> memref<1x1x128xi32, #tpu.memory_space<vmem>>
      %dma_start3A_112 = tpu.memref_squeeze %dma_start3A_111 : memref<1x1x128xi32, #tpu.memory_space<vmem>> -> memref<128xi32, #tpu.memory_space<vmem>>
      %dma_start3A_113 = arith.constant 0 : i32
      %dma_start3A_114 = arith.constant 0 : i32
      %dma_start3A_115 = tpu.memref_slice %arg11[%dma_start3A_113, %dma_start3A_114] : memref<10240x128xf32, #tpu.memory_space<vmem_shared>> -> memref<10240x128xf32, #tpu.memory_space<vmem_shared>>
      tpu.enqueue_indirect_dma source(%arg9 : memref<128x128xf32, #tpu.memory_space<vmem>>) target(%dma_start3A_115 : memref<10240x128xf32, #tpu.memory_space<vmem_shared>>) offsets(%dma_start3A_112 : memref<128xi32, #tpu.memory_space<vmem>>) semaphore(%arg14 : memref<!tpu.dma_semaphore, #tpu.memory_space<semaphore_mem>>) {add = true}
      %dma_wait3A_116 = arith.constant 0 : i32
      %dma_wait3A_117 = arith.constant 0 : i32
      %dma_wait3A_118 = arith.constant 0 : i32
      %dma_wait3A_119 = tpu.memref_slice %arg8[%dma_wait3A_116, %dma_wait3A_117, %dma_wait3A_118] : memref<2x2x128xi32, #tpu.memory_space<vmem>> -> memref<1x1x128xi32, #tpu.memory_space<vmem>>
      %dma_wait3A_120 = tpu.memref_squeeze %dma_wait3A_119 : memref<1x1x128xi32, #tpu.memory_space<vmem>> -> memref<128xi32, #tpu.memory_space<vmem>>
      %dma_wait3A_121 = arith.constant 0 : i32
      %dma_wait3A_122 = arith.constant 0 : i32
      %dma_wait3A_123 = tpu.memref_slice %arg11[%dma_wait3A_121, %dma_wait3A_122] : memref<10240x128xf32, #tpu.memory_space<vmem_shared>> -> memref<10240x128xf32, #tpu.memory_space<vmem_shared>>
      tpu.wait_indirect_dma semaphore(%arg14 : memref<!tpu.dma_semaphore, #tpu.memory_space<semaphore_mem>>) src(%arg9 : memref<128x128xf32, #tpu.memory_space<vmem>>) dst(%dma_wait3A_123 : memref<10240x128xf32, #tpu.memory_space<vmem_shared>>)
      %add3A_124 = arith.constant 1 : i32
      %add3A_125 = arith.addi %add3A_99, %add3A_124 : i32
      %lt3A_126 = arith.cmpi slt, %add3A_125, %select_n3A_8 : i32
      %convert_element_type3A_127 = arith.extui %lt3A_126 : i1 to i32
      %cond3A_128 = arith.constant 0 : i32
      %cond3A_129 = arith.cmpi ne, %convert_element_type3A_127, %cond3A_128 : i32
      scf.if %cond3A_129 {
        %dma_wait3A_166 = arith.constant 0 : i32
        %dma_wait3A_167 = arith.constant 0 : i32
        %dma_wait3A_168 = arith.constant 0 : i32
        %dma_wait3A_169 = tpu.memref_slice %arg7[%dma_wait3A_166, %dma_wait3A_167, %dma_wait3A_168] : memref<2x2x128xi32, #tpu.memory_space<vmem>> -> memref<1x2x128xi32, #tpu.memory_space<vmem>>
        %dma_wait3A_170 = tpu.memref_squeeze %dma_wait3A_169 : memref<1x2x128xi32, #tpu.memory_space<vmem>> -> memref<2x128xi32, #tpu.memory_space<vmem>>
        %dma_wait3A_171 = arith.constant 0 : i32
        %dma_wait3A_172 = tpu.memref_slice %arg3[%select_n3A, %dma_wait3A_171] : memref<2560x128xi32, #tpu.memory_space<hbm>> -> memref<2x128xi32, #tpu.memory_space<hbm>>
        %dma_wait3A_173 = arith.constant 0 : i32
        %dma_wait3A_174 = arith.constant 0 : i32
        %dma_wait3A_175 = tpu.memref_slice %arg7[%dma_wait3A_166, %dma_wait3A_173, %dma_wait3A_174] : memref<2x2x128xi32, #tpu.memory_space<vmem>> -> memref<1x2x128xi32, #tpu.memory_space<vmem>>
        %dma_wait3A_176 = tpu.memref_squeeze %dma_wait3A_175 : memref<1x2x128xi32, #tpu.memory_space<vmem>> -> memref<2x128xi32, #tpu.memory_space<vmem>>
        %dma_wait3A_177 = arith.constant 0 : i32
        %dma_wait3A_178 = tpu.memref_slice %arg3[%select_n3A, %dma_wait3A_177] : memref<2560x128xi32, #tpu.memory_space<hbm>> -> memref<2x128xi32, #tpu.memory_space<hbm>>
        tpu.wait_dma2 semaphore(%arg16 : memref<!tpu.dma_semaphore, #tpu.memory_space<semaphore_mem>>) src(%dma_wait3A_178 : memref<2x128xi32, #tpu.memory_space<hbm>>) dst(%dma_wait3A_176 : memref<2x128xi32, #tpu.memory_space<vmem>>)
        %dma_wait3A_179 = arith.constant 0 : i32
        %dma_wait3A_180 = arith.constant 0 : i32
        %dma_wait3A_181 = arith.constant 0 : i32
        %dma_wait3A_182 = tpu.memref_slice %arg8[%dma_wait3A_179, %dma_wait3A_180, %dma_wait3A_181] : memref<2x2x128xi32, #tpu.memory_space<vmem>> -> memref<1x2x128xi32, #tpu.memory_space<vmem>>
        %dma_wait3A_183 = tpu.memref_squeeze %dma_wait3A_182 : memref<1x2x128xi32, #tpu.memory_space<vmem>> -> memref<2x128xi32, #tpu.memory_space<vmem>>
        %dma_wait3A_184 = arith.constant 0 : i32
        %dma_wait3A_185 = tpu.memref_slice %arg4[%select_n3A, %dma_wait3A_184] : memref<2560x128xi32, #tpu.memory_space<hbm>> -> memref<2x128xi32, #tpu.memory_space<hbm>>
        %dma_wait3A_186 = arith.constant 0 : i32
        %dma_wait3A_187 = arith.constant 0 : i32
        %dma_wait3A_188 = tpu.memref_slice %arg8[%dma_wait3A_179, %dma_wait3A_186, %dma_wait3A_187] : memref<2x2x128xi32, #tpu.memory_space<vmem>> -> memref<1x2x128xi32, #tpu.memory_space<vmem>>
        %dma_wait3A_189 = tpu.memref_squeeze %dma_wait3A_188 : memref<1x2x128xi32, #tpu.memory_space<vmem>> -> memref<2x128xi32, #tpu.memory_space<vmem>>
        %dma_wait3A_190 = arith.constant 0 : i32
        %dma_wait3A_191 = tpu.memref_slice %arg4[%select_n3A, %dma_wait3A_190] : memref<2560x128xi32, #tpu.memory_space<hbm>> -> memref<2x128xi32, #tpu.memory_space<hbm>>
        tpu.wait_dma2 semaphore(%arg18 : memref<!tpu.dma_semaphore, #tpu.memory_space<semaphore_mem>>) src(%dma_wait3A_191 : memref<2x128xi32, #tpu.memory_space<hbm>>) dst(%dma_wait3A_189 : memref<2x128xi32, #tpu.memory_space<vmem>>)
        %dma_start3A_192 = arith.constant 0 : i32
        %dma_start3A_193 = arith.constant 0 : i32
        %dma_start3A_194 = arith.constant 0 : i32
        %dma_start3A_195 = tpu.memref_slice %arg7[%dma_start3A_192, %dma_start3A_193, %dma_start3A_194] : memref<2x2x128xi32, #tpu.memory_space<vmem>> -> memref<1x1x128xi32, #tpu.memory_space<vmem>>
        %dma_start3A_196 = tpu.memref_squeeze %dma_start3A_195 : memref<1x1x128xi32, #tpu.memory_space<vmem>> -> memref<128xi32, #tpu.memory_space<vmem>>
        %dma_start3A_197 = arith.constant 0 : i32
        %dma_start3A_198 = arith.constant 0 : i32
        %dma_start3A_199 = tpu.memref_slice %arg2[%dma_start3A_197, %dma_start3A_198] : memref<10240x128xf32, #tpu.memory_space<hbm>> -> memref<10240x128xf32, #tpu.memory_space<hbm>>
        tpu.enqueue_indirect_dma source(%dma_start3A_199 : memref<10240x128xf32, #tpu.memory_space<hbm>>) target(%arg9 : memref<128x128xf32, #tpu.memory_space<vmem>>) offsets(%dma_start3A_196 : memref<128xi32, #tpu.memory_space<vmem>>) semaphore(%arg12 : memref<!tpu.dma_semaphore, #tpu.memory_space<semaphore_mem>>)
      } else {
      }
      %dma_wait3A_130 = arith.constant 0 : i32
      %dma_wait3A_131 = arith.constant 0 : i32
      %dma_wait3A_132 = arith.constant 0 : i32
      %dma_wait3A_133 = tpu.memref_slice %arg7[%dma_wait3A_130, %dma_wait3A_131, %dma_wait3A_132] : memref<2x2x128xi32, #tpu.memory_space<vmem>> -> memref<1x1x128xi32, #tpu.memory_space<vmem>>
      %dma_wait3A_134 = tpu.memref_squeeze %dma_wait3A_133 : memref<1x1x128xi32, #tpu.memory_space<vmem>> -> memref<128xi32, #tpu.memory_space<vmem>>
      %dma_wait3A_135 = arith.constant 0 : i32
      %dma_wait3A_136 = arith.constant 0 : i32
      %dma_wait3A_137 = tpu.memref_slice %arg2[%dma_wait3A_135, %dma_wait3A_136] : memref<10240x128xf32, #tpu.memory_space<hbm>> -> memref<10240x128xf32, #tpu.memory_space<hbm>>
      tpu.wait_indirect_dma semaphore(%arg13 : memref<!tpu.dma_semaphore, #tpu.memory_space<semaphore_mem>>) src(%dma_wait3A_137 : memref<10240x128xf32, #tpu.memory_space<hbm>>) dst(%arg10 : memref<128x128xf32, #tpu.memory_space<vmem>>)
      %dma_start3A_138 = arith.constant 1 : i32
      %dma_start3A_139 = arith.constant 1 : i32
      %dma_start3A_140 = arith.constant 0 : i32
      %dma_start3A_141 = tpu.memref_slice %arg8[%dma_start3A_138, %dma_start3A_139, %dma_start3A_140] : memref<2x2x128xi32, #tpu.memory_space<vmem>> -> memref<1x1x128xi32, #tpu.memory_space<vmem>>
      %dma_start3A_142 = tpu.memref_squeeze %dma_start3A_141 : memref<1x1x128xi32, #tpu.memory_space<vmem>> -> memref<128xi32, #tpu.memory_space<vmem>>
      %dma_start3A_143 = arith.constant 0 : i32
      %dma_start3A_144 = arith.constant 0 : i32
      %dma_start3A_145 = tpu.memref_slice %arg11[%dma_start3A_143, %dma_start3A_144] : memref<10240x128xf32, #tpu.memory_space<vmem_shared>> -> memref<10240x128xf32, #tpu.memory_space<vmem_shared>>
      tpu.enqueue_indirect_dma source(%arg10 : memref<128x128xf32, #tpu.memory_space<vmem>>) target(%dma_start3A_145 : memref<10240x128xf32, #tpu.memory_space<vmem_shared>>) offsets(%dma_start3A_142 : memref<128xi32, #tpu.memory_space<vmem>>) semaphore(%arg15 : memref<!tpu.dma_semaphore, #tpu.memory_space<semaphore_mem>>) {add = true}
      %dma_wait3A_146 = arith.constant 0 : i32
      %dma_wait3A_147 = arith.constant 0 : i32
      %dma_wait3A_148 = arith.constant 0 : i32
      %dma_wait3A_149 = tpu.memref_slice %arg8[%dma_wait3A_146, %dma_wait3A_147, %dma_wait3A_148] : memref<2x2x128xi32, #tpu.memory_space<vmem>> -> memref<1x1x128xi32, #tpu.memory_space<vmem>>
      %dma_wait3A_150 = tpu.memref_squeeze %dma_wait3A_149 : memref<1x1x128xi32, #tpu.memory_space<vmem>> -> memref<128xi32, #tpu.memory_space<vmem>>
      %dma_wait3A_151 = arith.constant 0 : i32
      %dma_wait3A_152 = arith.constant 0 : i32
      %dma_wait3A_153 = tpu.memref_slice %arg11[%dma_wait3A_151, %dma_wait3A_152] : memref<10240x128xf32, #tpu.memory_space<vmem_shared>> -> memref<10240x128xf32, #tpu.memory_space<vmem_shared>>
      tpu.wait_indirect_dma semaphore(%arg15 : memref<!tpu.dma_semaphore, #tpu.memory_space<semaphore_mem>>) src(%arg10 : memref<128x128xf32, #tpu.memory_space<vmem>>) dst(%dma_wait3A_153 : memref<10240x128xf32, #tpu.memory_space<vmem_shared>>)
      %add3A_154 = arith.constant 2 : i32
      %add3A_155 = arith.addi %add3A_99, %add3A_154 : i32
      %lt3A_156 = arith.cmpi slt, %add3A_155, %select_n3A_8 : i32
      %convert_element_type3A_157 = arith.extui %lt3A_156 : i1 to i32
      %cond3A_158 = arith.constant 0 : i32
      %cond3A_159 = arith.cmpi ne, %convert_element_type3A_157, %cond3A_158 : i32
      scf.if %cond3A_159 {
        %add3A_166 = arith.constant 2 : i32
        %add3A_167 = arith.addi %add3A_99, %add3A_166 : i32
        %mul3A_168 = arith.constant 2 : i32
        %mul3A_169 = arith.muli %add3A_167, %mul3A_168 : i32
        %add3A_170 = arith.addi %select_n3A, %mul3A_169 : i32
        %dma_start3A_171 = arith.constant 1 : i32
        %dma_start3A_172 = arith.constant 0 : i32
        %dma_start3A_173 = arith.constant 0 : i32
        %dma_start3A_174 = tpu.memref_slice %arg7[%dma_start3A_171, %dma_start3A_172, %dma_start3A_173] : memref<2x2x128xi32, #tpu.memory_space<vmem>> -> memref<1x2x128xi32, #tpu.memory_space<vmem>>
        %dma_start3A_175 = tpu.memref_squeeze %dma_start3A_174 : memref<1x2x128xi32, #tpu.memory_space<vmem>> -> memref<2x128xi32, #tpu.memory_space<vmem>>
        %dma_start3A_176 = arith.constant 0 : i32
        %dma_start3A_177 = tpu.memref_slice %arg3[%add3A_170, %dma_start3A_176] : memref<2560x128xi32, #tpu.memory_space<hbm>> -> memref<2x128xi32, #tpu.memory_space<hbm>>
        %dma_start3A_178 = arith.constant 0 : i32
        %dma_start3A_179 = arith.constant 0 : i32
        %dma_start3A_180 = tpu.memref_slice %arg7[%dma_start3A_171, %dma_start3A_178, %dma_start3A_179] : memref<2x2x128xi32, #tpu.memory_space<vmem>> -> memref<1x2x128xi32, #tpu.memory_space<vmem>>
        %dma_start3A_181 = tpu.memref_squeeze %dma_start3A_180 : memref<1x2x128xi32, #tpu.memory_space<vmem>> -> memref<2x128xi32, #tpu.memory_space<vmem>>
        %dma_start3A_182 = arith.constant 0 : i32
        %dma_start3A_183 = tpu.memref_slice %arg3[%add3A_170, %dma_start3A_182] : memref<2560x128xi32, #tpu.memory_space<hbm>> -> memref<2x128xi32, #tpu.memory_space<hbm>>
        tpu.enqueue_dma source(%dma_start3A_183 : memref<2x128xi32, #tpu.memory_space<hbm>>) target(%dma_start3A_181 : memref<2x128xi32, #tpu.memory_space<vmem>>) target_semaphore(%arg17 : memref<!tpu.dma_semaphore, #tpu.memory_space<semaphore_mem>>)
        %add3A_184 = arith.constant 2 : i32
        %add3A_185 = arith.addi %add3A_99, %add3A_184 : i32
        %mul3A_186 = arith.constant 2 : i32
        %mul3A_187 = arith.muli %add3A_185, %mul3A_186 : i32
        %add3A_188 = arith.addi %select_n3A, %mul3A_187 : i32
        %dma_start3A_189 = arith.constant 1 : i32
        %dma_start3A_190 = arith.constant 0 : i32
        %dma_start3A_191 = arith.constant 0 : i32
        %dma_start3A_192 = tpu.memref_slice %arg8[%dma_start3A_189, %dma_start3A_190, %dma_start3A_191] : memref<2x2x128xi32, #tpu.memory_space<vmem>> -> memref<1x2x128xi32, #tpu.memory_space<vmem>>
        %dma_start3A_193 = tpu.memref_squeeze %dma_start3A_192 : memref<1x2x128xi32, #tpu.memory_space<vmem>> -> memref<2x128xi32, #tpu.memory_space<vmem>>
        %dma_start3A_194 = arith.constant 0 : i32
        %dma_start3A_195 = tpu.memref_slice %arg4[%add3A_188, %dma_start3A_194] : memref<2560x128xi32, #tpu.memory_space<hbm>> -> memref<2x128xi32, #tpu.memory_space<hbm>>
        %dma_start3A_196 = arith.constant 0 : i32
        %dma_start3A_197 = arith.constant 0 : i32
        %dma_start3A_198 = tpu.memref_slice %arg8[%dma_start3A_189, %dma_start3A_196, %dma_start3A_197] : memref<2x2x128xi32, #tpu.memory_space<vmem>> -> memref<1x2x128xi32, #tpu.memory_space<vmem>>
        %dma_start3A_199 = tpu.memref_squeeze %dma_start3A_198 : memref<1x2x128xi32, #tpu.memory_space<vmem>> -> memref<2x128xi32, #tpu.memory_space<vmem>>
        %dma_start3A_200 = arith.constant 0 : i32
        %dma_start3A_201 = tpu.memref_slice %arg4[%add3A_188, %dma_start3A_200] : memref<2560x128xi32, #tpu.memory_space<hbm>> -> memref<2x128xi32, #tpu.memory_space<hbm>>
        tpu.enqueue_dma source(%dma_start3A_201 : memref<2x128xi32, #tpu.memory_space<hbm>>) target(%dma_start3A_199 : memref<2x128xi32, #tpu.memory_space<vmem>>) target_semaphore(%arg19 : memref<!tpu.dma_semaphore, #tpu.memory_space<semaphore_mem>>)
      } else {
      }
      %add3A_160 = arith.constant 1 : i32
      %add3A_161 = arith.addi %add3A_99, %add3A_160 : i32
      %lt3A_162 = arith.cmpi slt, %add3A_161, %select_n3A_8 : i32
      %convert_element_type3A_163 = arith.extui %lt3A_162 : i1 to i32
      %cond3A_164 = arith.constant 0 : i32
      %cond3A_165 = arith.cmpi ne, %convert_element_type3A_163, %cond3A_164 : i32
      scf.if %cond3A_165 {
        %dma_start3A_166 = arith.constant 0 : i32
        %dma_start3A_167 = arith.constant 1 : i32
        %dma_start3A_168 = arith.constant 0 : i32
        %dma_start3A_169 = tpu.memref_slice %arg7[%dma_start3A_166, %dma_start3A_167, %dma_start3A_168] : memref<2x2x128xi32, #tpu.memory_space<vmem>> -> memref<1x1x128xi32, #tpu.memory_space<vmem>>
        %dma_start3A_170 = tpu.memref_squeeze %dma_start3A_169 : memref<1x1x128xi32, #tpu.memory_space<vmem>> -> memref<128xi32, #tpu.memory_space<vmem>>
        %dma_start3A_171 = arith.constant 0 : i32
        %dma_start3A_172 = arith.constant 0 : i32
        %dma_start3A_173 = tpu.memref_slice %arg2[%dma_start3A_171, %dma_start3A_172] : memref<10240x128xf32, #tpu.memory_space<hbm>> -> memref<10240x128xf32, #tpu.memory_space<hbm>>
        tpu.enqueue_indirect_dma source(%dma_start3A_173 : memref<10240x128xf32, #tpu.memory_space<hbm>>) target(%arg10 : memref<128x128xf32, #tpu.memory_space<vmem>>) offsets(%dma_start3A_170 : memref<128xi32, #tpu.memory_space<vmem>>) semaphore(%arg13 : memref<!tpu.dma_semaphore, #tpu.memory_space<semaphore_mem>>)
      } else {
      }
    }
    %barrier3A_23 = arith.constant 0 : index
    tpu.barrier barrier_id(%barrier3A_23)
    %mul3A_24 = arith.constant 640 : i32
    %mul3A_25 = arith.muli %arg1, %mul3A_24 : i32
    %mul3A_26 = arith.constant 640 : i32
    %mul3A_27 = arith.muli %arg1, %mul3A_26 : i32
    "tpu.region"() ({
      %run_scoped3A = tpu.sem_alloc : memref<!tpu.dma_semaphore, #tpu.memory_space<semaphore_mem>>
      %dma_start3A = arith.constant 0 : i32
      %dma_start3A_28 = tpu.memref_slice %arg6[%arg0, %mul3A_27, %dma_start3A] : memref<2x10240x128xf32, #tpu.memory_space<hbm>> -> memref<1x640x128xf32, #tpu.memory_space<hbm>>
      %dma_start3A_29 = tpu.memref_squeeze %dma_start3A_28 : memref<1x640x128xf32, #tpu.memory_space<hbm>> -> memref<640x128xf32, #tpu.memory_space<hbm>>
      %dma_start3A_30 = arith.constant 0 : i32
      %dma_start3A_31 = tpu.memref_slice %arg11[%mul3A_25, %dma_start3A_30] : memref<10240x128xf32, #tpu.memory_space<vmem_shared>> -> memref<640x128xf32, #tpu.memory_space<vmem_shared>>
      tpu.enqueue_dma source(%dma_start3A_31 : memref<640x128xf32, #tpu.memory_space<vmem_shared>>) target(%dma_start3A_29 : memref<640x128xf32, #tpu.memory_space<hbm>>) target_semaphore(%run_scoped3A : memref<!tpu.dma_semaphore, #tpu.memory_space<semaphore_mem>>)
      %dma_wait3A = arith.constant 0 : i32
      %dma_wait3A_32 = tpu.memref_slice %arg6[%arg0, %mul3A_27, %dma_wait3A] : memref<2x10240x128xf32, #tpu.memory_space<hbm>> -> memref<1x640x128xf32, #tpu.memory_space<hbm>>
      %dma_wait3A_33 = tpu.memref_squeeze %dma_wait3A_32 : memref<1x640x128xf32, #tpu.memory_space<hbm>> -> memref<640x128xf32, #tpu.memory_space<hbm>>
      %dma_wait3A_34 = arith.constant 0 : i32
      %dma_wait3A_35 = tpu.memref_slice %arg11[%mul3A_25, %dma_wait3A_34] : memref<10240x128xf32, #tpu.memory_space<vmem_shared>> -> memref<640x128xf32, #tpu.memory_space<vmem_shared>>
      tpu.wait_dma2 semaphore(%run_scoped3A : memref<!tpu.dma_semaphore, #tpu.memory_space<semaphore_mem>>) src(%dma_wait3A_35 : memref<640x128xf32, #tpu.memory_space<vmem_shared>>) dst(%dma_wait3A_33 : memref<640x128xf32, #tpu.memory_space<hbm>>)
      tpu.yield
    }) : () -> ()
    return
  }
}

module attributes {stable_mosaic.version = 14 : i64} {
  func.func @_t0_body(%arg0: i32, %arg1: memref<256x128xf32, #tpu.memory_space<vmem>>, %arg2: memref<128x128xf32, #tpu.memory_space<vmem>>, %arg3: memref<256x128xf32, #tpu.memory_space<vmem>>, %arg4: memref<256x128xf32, #tpu.memory_space<vmem>>, %arg5: memref<256x128xf32, #tpu.memory_space<vmem>>) attributes {dimension_semantics = [#tpu.dimension_semantics<arbitrary>], iteration_bounds = array<i64: 40>, scalar_prefetch = 0 : i64, scratch_operands = 0 : i64, tpu.core_type = #tpu.core_type<tc>, window_params = [{transform_indices = @transform_0, window_bounds = array<i64: 256, 128>}, {pipeline_mode = #tpu.pipeline_mode<synchronous>, transform_indices = @transform_1, window_bounds = array<i64: 128, 128>}, {transform_indices = @transform_2, window_bounds = array<i64: 256, 128>}, {transform_indices = @transform_3, window_bounds = array<i64: 256, 128>}, {transform_indices = @transform_4, window_bounds = array<i64: 256, 128>}]} {
    %get3A = arith.constant 0 : index
    %get3A_0 = arith.constant 0 : index
    %get3A_1 = vector.load %arg3[%get3A, %get3A_0] : memref<256x128xf32, #tpu.memory_space<vmem>>, vector<256x128xf32>
    %get3A_2 = arith.constant 0 : index
    %get3A_3 = arith.constant 0 : index
    %get3A_4 = vector.load %arg4[%get3A_2, %get3A_3] : memref<256x128xf32, #tpu.memory_space<vmem>>, vector<256x128xf32>
    %slice3A = vector.extract_strided_slice %get3A_1 {offsets = [0, 0], sizes = [256, 1], strides = [1, 1]} : vector<256x128xf32> to vector<256x1xf32>
    %slice3A_5 = vector.extract_strided_slice %get3A_4 {offsets = [0, 0], sizes = [256, 1], strides = [1, 1]} : vector<256x128xf32> to vector<256x1xf32>
    %add3A = arith.addf %slice3A, %slice3A_5 : vector<256x1xf32>
    %add3A_6 = arith.constant 1.000000e+00 : f32
    %add3A_7 = vector.broadcast %add3A_6 : f32 to vector<256x1xf32>
    %add3A_8 = arith.addf %add3A, %add3A_7 : vector<256x1xf32>
    %rsqrt3A = math.rsqrt %add3A_8 : vector<256x1xf32>
    %get3A_9 = arith.constant 0 : index
    %get3A_10 = arith.constant 0 : index
    %get3A_11 = vector.load %arg1[%get3A_9, %get3A_10] : memref<256x128xf32, #tpu.memory_space<vmem>>, vector<256x128xf32>
    %get3A_12 = arith.constant 0 : index
    %get3A_13 = arith.constant 0 : index
    %get3A_14 = vector.load %arg2[%get3A_12, %get3A_13] : memref<128x128xf32, #tpu.memory_space<vmem>>, vector<128x128xf32>
    %dot_general3A = arith.constant dense<0.000000e+00> : vector<256x128xf32>
    %dot_general3A_15 = tpu.matmul %get3A_11, %get3A_14, %dot_general3A {dimension_numbers = #tpu.dot_dimension_numbers<[1], [0], [0], [1], [0, 0, 1, 1], [], []>, precision = #tpu.contract_precision<fp32>, transpose_lhs_hint = false} : vector<256x128xf32>, vector<128x128xf32>, vector<256x128xf32> -> vector<256x128xf32>
    %mul3A = vector.broadcast %rsqrt3A : vector<256x1xf32> to vector<256x128xf32>
    %mul3A_16 = arith.mulf %dot_general3A_15, %mul3A : vector<256x128xf32>
    %swap3A = arith.constant 0 : index
    %swap3A_17 = arith.constant 0 : index
    %swap3A_18 = vector.load %arg5[%swap3A, %swap3A_17] : memref<256x128xf32, #tpu.memory_space<vmem>>, vector<256x128xf32>
    tpu.vector_store %arg5[%swap3A, %swap3A_17], %mul3A_16 {strides = array<i32>} : memref<256x128xf32, #tpu.memory_space<vmem>>, vector<256x128xf32>,
    return
  }
  func.func @transform_0(%arg0: i32) -> (i32, i32) {
    %c0_i32 = arith.constant 0 : i32
    %c0_i32_0 = arith.constant 0 : i32
    return %arg0, %c0_i32 : i32, i32
  }
  func.func @transform_1(%arg0: i32) -> (i32, i32) {
    %c0_i32 = arith.constant 0 : i32
    %c0_i32_0 = arith.constant 0 : i32
    %c0_i32_1 = arith.constant 0 : i32
    return %c0_i32, %c0_i32_0 : i32, i32
  }
  func.func @transform_2(%arg0: i32) -> (i32, i32) {
    %c0_i32 = arith.constant 0 : i32
    %c0_i32_0 = arith.constant 0 : i32
    return %arg0, %c0_i32 : i32, i32
  }
  func.func @transform_3(%arg0: i32) -> (i32, i32) {
    %c0_i32 = arith.constant 0 : i32
    %c0_i32_0 = arith.constant 0 : i32
    return %arg0, %c0_i32 : i32, i32
  }
  func.func @transform_4(%arg0: i32) -> (i32, i32) {
    %c0_i32 = arith.constant 0 : i32
    %c0_i32_0 = arith.constant 0 : i32
    return %arg0, %c0_i32 : i32, i32
  }
}

module attributes {stable_mosaic.version = 14 : i64} {
  func.func @_tmid_body(%arg0: i32, %arg1: memref<256x128xf32, #tpu.memory_space<vmem>>, %arg2: memref<256x128xf32, #tpu.memory_space<vmem>>, %arg3: memref<256x128xf32, #tpu.memory_space<vmem>>, %arg4: memref<256x128xf32, #tpu.memory_space<vmem>>, %arg5: memref<256x128xf32, #tpu.memory_space<vmem>>, %arg6: memref<128x128xf32, #tpu.memory_space<vmem>>, %arg7: memref<1x128xf32, #tpu.memory_space<vmem>>, %arg8: memref<1x128xf32, #tpu.memory_space<vmem>>, %arg9: memref<1x128xf32, #tpu.memory_space<vmem>>, %arg10: memref<1x128xf32, #tpu.memory_space<vmem>>, %arg11: memref<1x128xf32, #tpu.memory_space<vmem>>, %arg12: memref<256x128xf32, #tpu.memory_space<vmem>>) attributes {dimension_semantics = [#tpu.dimension_semantics<arbitrary>], iteration_bounds = array<i64: 40>, scalar_prefetch = 0 : i64, scratch_operands = 0 : i64, tpu.core_type = #tpu.core_type<tc>, window_params = [{transform_indices = @transform_0, window_bounds = array<i64: 256, 128>}, {transform_indices = @transform_1, window_bounds = array<i64: 256, 128>}, {transform_indices = @transform_2, window_bounds = array<i64: 256, 128>}, {transform_indices = @transform_3, window_bounds = array<i64: 256, 128>}, {transform_indices = @transform_4, window_bounds = array<i64: 256, 128>}, {pipeline_mode = #tpu.pipeline_mode<synchronous>, transform_indices = @transform_5, window_bounds = array<i64: 128, 128>}, {pipeline_mode = #tpu.pipeline_mode<synchronous>, transform_indices = @transform_6, window_bounds = array<i64: 1, 128>}, {pipeline_mode = #tpu.pipeline_mode<synchronous>, transform_indices = @transform_7, window_bounds = array<i64: 1, 128>}, {pipeline_mode = #tpu.pipeline_mode<synchronous>, transform_indices = @transform_8, window_bounds = array<i64: 1, 128>}, {pipeline_mode = #tpu.pipeline_mode<synchronous>, transform_indices = @transform_9, window_bounds = array<i64: 1, 128>}, {pipeline_mode = #tpu.pipeline_mode<synchronous>, transform_indices = @transform_10, window_bounds = array<i64: 1, 128>}, {transform_indices = @transform_11, window_bounds = array<i64: 256, 128>}]} {
    %get3A = arith.constant 0 : index
    %get3A_0 = arith.constant 0 : index
    %get3A_1 = vector.load %arg4[%get3A, %get3A_0] : memref<256x128xf32, #tpu.memory_space<vmem>>, vector<256x128xf32>
    %get3A_2 = arith.constant 0 : index
    %get3A_3 = arith.constant 0 : index
    %get3A_4 = vector.load %arg5[%get3A_2, %get3A_3] : memref<256x128xf32, #tpu.memory_space<vmem>>, vector<256x128xf32>
    %slice3A = vector.extract_strided_slice %get3A_1 {offsets = [0, 0], sizes = [256, 1], strides = [1, 1]} : vector<256x128xf32> to vector<256x1xf32>
    %slice3A_5 = vector.extract_strided_slice %get3A_4 {offsets = [0, 0], sizes = [256, 1], strides = [1, 1]} : vector<256x128xf32> to vector<256x1xf32>
    %add3A = arith.addf %slice3A, %slice3A_5 : vector<256x1xf32>
    %add3A_6 = arith.constant 1.000000e+00 : f32
    %add3A_7 = vector.broadcast %add3A_6 : f32 to vector<256x1xf32>
    %add3A_8 = arith.addf %add3A, %add3A_7 : vector<256x1xf32>
    %rsqrt3A = math.rsqrt %add3A_8 : vector<256x1xf32>
    %get3A_9 = arith.constant 0 : index
    %get3A_10 = arith.constant 0 : index
    %get3A_11 = vector.load %arg1[%get3A_9, %get3A_10] : memref<256x128xf32, #tpu.memory_space<vmem>>, vector<256x128xf32>
    %get3A_12 = arith.constant 0 : index
    %get3A_13 = arith.constant 0 : index
    %get3A_14 = vector.load %arg2[%get3A_12, %get3A_13] : memref<256x128xf32, #tpu.memory_space<vmem>>, vector<256x128xf32>
    %add3A_15 = arith.addf %get3A_11, %get3A_14 : vector<256x128xf32>
    %get3A_16 = arith.constant 0 : index
    %get3A_17 = arith.constant 0 : index
    %get3A_18 = vector.load %arg3[%get3A_16, %get3A_17] : memref<256x128xf32, #tpu.memory_space<vmem>>, vector<256x128xf32>
    %add3A_19 = arith.addf %add3A_15, %get3A_18 : vector<256x128xf32>
    %mul3A = vector.broadcast %rsqrt3A : vector<256x1xf32> to vector<256x128xf32>
    %mul3A_20 = arith.mulf %add3A_19, %mul3A : vector<256x128xf32>
    %get3A_21 = arith.constant 0 : index
    %get3A_22 = arith.constant 0 : index
    %get3A_23 = vector.load %arg11[%get3A_21, %get3A_22] : memref<1x128xf32, #tpu.memory_space<vmem>>, vector<1x128xf32>
    %add3A_24 = vector.broadcast %get3A_23 : vector<1x128xf32> to vector<256x128xf32>
    %add3A_25 = arith.addf %mul3A_20, %add3A_24 : vector<256x128xf32>
    %get3A_26 = arith.constant 0 : index
    %get3A_27 = arith.constant 0 : index
    %get3A_28 = vector.load %arg7[%get3A_26, %get3A_27] : memref<1x128xf32, #tpu.memory_space<vmem>>, vector<1x128xf32>
    %sub3A = vector.broadcast %get3A_28 : vector<1x128xf32> to vector<256x128xf32>
    %sub3A_29 = arith.subf %add3A_25, %sub3A : vector<256x128xf32>
    %get3A_30 = arith.constant 0 : index
    %get3A_31 = arith.constant 0 : index
    %get3A_32 = vector.load %arg8[%get3A_30, %get3A_31] : memref<1x128xf32, #tpu.memory_space<vmem>>, vector<1x128xf32>
    %add3A_33 = arith.constant 9.99999974E-6 : f32
    %add3A_34 = vector.broadcast %add3A_33 : f32 to vector<1x128xf32>
    %add3A_35 = arith.addf %get3A_32, %add3A_34 : vector<1x128xf32>
    %rsqrt3A_36 = math.rsqrt %add3A_35 : vector<1x128xf32>
    %mul3A_37 = vector.broadcast %rsqrt3A_36 : vector<1x128xf32> to vector<256x128xf32>
    %mul3A_38 = arith.mulf %sub3A_29, %mul3A_37 : vector<256x128xf32>
    %get3A_39 = arith.constant 0 : index
    %get3A_40 = arith.constant 0 : index
    %get3A_41 = vector.load %arg9[%get3A_39, %get3A_40] : memref<1x128xf32, #tpu.memory_space<vmem>>, vector<1x128xf32>
    %mul3A_42 = vector.broadcast %get3A_41 : vector<1x128xf32> to vector<256x128xf32>
    %mul3A_43 = arith.mulf %mul3A_38, %mul3A_42 : vector<256x128xf32>
    %get3A_44 = arith.constant 0 : index
    %get3A_45 = arith.constant 0 : index
    %get3A_46 = vector.load %arg10[%get3A_44, %get3A_45] : memref<1x128xf32, #tpu.memory_space<vmem>>, vector<1x128xf32>
    %add3A_47 = vector.broadcast %get3A_46 : vector<1x128xf32> to vector<256x128xf32>
    %add3A_48 = arith.addf %mul3A_43, %add3A_47 : vector<256x128xf32>
    %max3A = arith.constant 0.000000e+00 : f32
    %max3A_49 = vector.broadcast %max3A : f32 to vector<256x128xf32>
    %max3A_50 = arith.maximumf %add3A_48, %max3A_49 : vector<256x128xf32>
    %get3A_51 = arith.constant 0 : index
    %get3A_52 = arith.constant 0 : index
    %get3A_53 = vector.load %arg6[%get3A_51, %get3A_52] : memref<128x128xf32, #tpu.memory_space<vmem>>, vector<128x128xf32>
    %dot_general3A = arith.constant dense<0.000000e+00> : vector<256x128xf32>
    %dot_general3A_54 = tpu.matmul %max3A_50, %get3A_53, %dot_general3A {dimension_numbers = #tpu.dot_dimension_numbers<[1], [0], [0], [1], [0, 0, 1, 1], [], []>, precision = #tpu.contract_precision<fp32>, transpose_lhs_hint = false} : vector<256x128xf32>, vector<128x128xf32>, vector<256x128xf32> -> vector<256x128xf32>
    %mul3A_55 = vector.broadcast %rsqrt3A : vector<256x1xf32> to vector<256x128xf32>
    %mul3A_56 = arith.mulf %dot_general3A_54, %mul3A_55 : vector<256x128xf32>
    %swap3A = arith.constant 0 : index
    %swap3A_57 = arith.constant 0 : index
    %swap3A_58 = vector.load %arg12[%swap3A, %swap3A_57] : memref<256x128xf32, #tpu.memory_space<vmem>>, vector<256x128xf32>
    tpu.vector_store %arg12[%swap3A, %swap3A_57], %mul3A_56 {strides = array<i32>} : memref<256x128xf32, #tpu.memory_space<vmem>>, vector<256x128xf32>,
    return
  }
  func.func @transform_0(%arg0: i32) -> (i32, i32) {
    %c0_i32 = arith.constant 0 : i32
    %c0_i32_0 = arith.constant 0 : i32
    return %arg0, %c0_i32 : i32, i32
  }
  func.func @transform_1(%arg0: i32) -> (i32, i32) {
    %c0_i32 = arith.constant 0 : i32
    %c0_i32_0 = arith.constant 0 : i32
    return %arg0, %c0_i32 : i32, i32
  }
  func.func @transform_2(%arg0: i32) -> (i32, i32) {
    %c0_i32 = arith.constant 0 : i32
    %c0_i32_0 = arith.constant 0 : i32
    return %arg0, %c0_i32 : i32, i32
  }
  func.func @transform_3(%arg0: i32) -> (i32, i32) {
    %c0_i32 = arith.constant 0 : i32
    %c0_i32_0 = arith.constant 0 : i32
    return %arg0, %c0_i32 : i32, i32
  }
  func.func @transform_4(%arg0: i32) -> (i32, i32) {
    %c0_i32 = arith.constant 0 : i32
    %c0_i32_0 = arith.constant 0 : i32
    return %arg0, %c0_i32 : i32, i32
  }
  func.func @transform_5(%arg0: i32) -> (i32, i32) {
    %c0_i32 = arith.constant 0 : i32
    %c0_i32_0 = arith.constant 0 : i32
    %c0_i32_1 = arith.constant 0 : i32
    return %c0_i32, %c0_i32_0 : i32, i32
  }
  func.func @transform_6(%arg0: i32) -> (i32, i32) {
    %c0_i32 = arith.constant 0 : i32
    %c0_i32_0 = arith.constant 0 : i32
    %c0_i32_1 = arith.constant 0 : i32
    return %c0_i32, %c0_i32_0 : i32, i32
  }
  func.func @transform_7(%arg0: i32) -> (i32, i32) {
    %c0_i32 = arith.constant 0 : i32
    %c0_i32_0 = arith.constant 0 : i32
    %c0_i32_1 = arith.constant 0 : i32
    return %c0_i32, %c0_i32_0 : i32, i32
  }
  func.func @transform_8(%arg0: i32) -> (i32, i32) {
    %c0_i32 = arith.constant 0 : i32
    %c0_i32_0 = arith.constant 0 : i32
    %c0_i32_1 = arith.constant 0 : i32
    return %c0_i32, %c0_i32_0 : i32, i32
  }
  func.func @transform_9(%arg0: i32) -> (i32, i32) {
    %c0_i32 = arith.constant 0 : i32
    %c0_i32_0 = arith.constant 0 : i32
    %c0_i32_1 = arith.constant 0 : i32
    return %c0_i32, %c0_i32_0 : i32, i32
  }
  func.func @transform_10(%arg0: i32) -> (i32, i32) {
    %c0_i32 = arith.constant 0 : i32
    %c0_i32_0 = arith.constant 0 : i32
    %c0_i32_1 = arith.constant 0 : i32
    return %c0_i32, %c0_i32_0 : i32, i32
  }
  func.func @transform_11(%arg0: i32) -> (i32, i32) {
    %c0_i32 = arith.constant 0 : i32
    %c0_i32_0 = arith.constant 0 : i32
    return %arg0, %c0_i32 : i32, i32
  }
}

module attributes {stable_mosaic.version = 14 : i64} {
  func.func @_tfin_body(%arg0: i32, %arg1: memref<256x128xf32, #tpu.memory_space<vmem>>, %arg2: memref<256x128xf32, #tpu.memory_space<vmem>>, %arg3: memref<256x128xf32, #tpu.memory_space<vmem>>, %arg4: memref<256x128xf32, #tpu.memory_space<vmem>>, %arg5: memref<256x128xf32, #tpu.memory_space<vmem>>, %arg6: memref<1x256xi32, #tpu.memory_space<vmem>>, %arg7: memref<1x128xf32, #tpu.memory_space<vmem>>, %arg8: memref<1x128xf32, #tpu.memory_space<vmem>>, %arg9: memref<1x128xf32, #tpu.memory_space<vmem>>, %arg10: memref<1x128xf32, #tpu.memory_space<vmem>>, %arg11: memref<1x128xf32, #tpu.memory_space<vmem>>, %arg12: memref<128x128xf32, #tpu.memory_space<vmem>>, %arg13: memref<1x128xf32, #tpu.memory_space<vmem>>, %arg14: memref<128x128xf32, #tpu.memory_space<vmem>>, %arg15: memref<1x128xf32, #tpu.memory_space<vmem>>, %arg16: memref<128x128xf32, #tpu.memory_space<vmem>>, %arg17: memref<1x128xf32, #tpu.memory_space<vmem>>, %arg18: memref<8x128xf32, #tpu.memory_space<vmem>>, %arg19: memref<8x128xf32, #tpu.memory_space<vmem>>, %arg20: memref<8x128xf32, #tpu.memory_space<vmem>>) attributes {dimension_semantics = [#tpu.dimension_semantics<arbitrary>], iteration_bounds = array<i64: 40>, scalar_prefetch = 0 : i64, scratch_operands = 2 : i64, tpu.core_type = #tpu.core_type<tc>, window_params = [{transform_indices = @transform_0, window_bounds = array<i64: 256, 128>}, {transform_indices = @transform_1, window_bounds = array<i64: 256, 128>}, {transform_indices = @transform_2, window_bounds = array<i64: 256, 128>}, {transform_indices = @transform_3, window_bounds = array<i64: 256, 128>}, {transform_indices = @transform_4, window_bounds = array<i64: 256, 128>}, {transform_indices = @transform_5, window_bounds = array<i64: 1, 256>}, {pipeline_mode = #tpu.pipeline_mode<synchronous>, transform_indices = @transform_6, window_bounds = array<i64: 1, 128>}, {pipeline_mode = #tpu.pipeline_mode<synchronous>, transform_indices = @transform_7, window_bounds = array<i64: 1, 128>}, {pipeline_mode = #tpu.pipeline_mode<synchronous>, transform_indices = @transform_8, window_bounds = array<i64: 1, 128>}, {pipeline_mode = #tpu.pipeline_mode<synchronous>, transform_indices = @transform_9, window_bounds = array<i64: 1, 128>}, {pipeline_mode = #tpu.pipeline_mode<synchronous>, transform_indices = @transform_10, window_bounds = array<i64: 1, 128>}, {pipeline_mode = #tpu.pipeline_mode<synchronous>, transform_indices = @transform_11, window_bounds = array<i64: 128, 128>}, {pipeline_mode = #tpu.pipeline_mode<synchronous>, transform_indices = @transform_12, window_bounds = array<i64: 1, 128>}, {pipeline_mode = #tpu.pipeline_mode<synchronous>, transform_indices = @transform_13, window_bounds = array<i64: 128, 128>}, {pipeline_mode = #tpu.pipeline_mode<synchronous>, transform_indices = @transform_14, window_bounds = array<i64: 1, 128>}, {pipeline_mode = #tpu.pipeline_mode<synchronous>, transform_indices = @transform_15, window_bounds = array<i64: 128, 128>}, {pipeline_mode = #tpu.pipeline_mode<synchronous>, transform_indices = @transform_16, window_bounds = array<i64: 1, 128>}, {pipeline_mode = #tpu.pipeline_mode<synchronous>, transform_indices = @transform_17, window_bounds = array<i64: 8, 128>}]} {
    %eq3A = arith.constant 0 : i32
    %eq3A_0 = arith.cmpi eq, %arg0, %eq3A : i32
    %convert_element_type3A = arith.extui %eq3A_0 : i1 to i32
    %cond3A = arith.constant 0 : i32
    %cond3A_1 = arith.cmpi ne, %convert_element_type3A, %cond3A : i32
    scf.if %cond3A_1 {
      %broadcast_in_dim3A_82 = arith.constant 0.000000e+00 : f32
      %broadcast_in_dim3A_83 = vector.broadcast %broadcast_in_dim3A_82 : f32 to vector<8x128xf32>
      %swap3A_84 = arith.constant 0 : index
      %swap3A_85 = arith.constant 0 : index
      %swap3A_86 = vector.load %arg19[%swap3A_84, %swap3A_85] : memref<8x128xf32, #tpu.memory_space<vmem>>, vector<8x128xf32>
      tpu.vector_store %arg19[%swap3A_84, %swap3A_85], %broadcast_in_dim3A_83 {strides = array<i32>} : memref<8x128xf32, #tpu.memory_space<vmem>>, vector<8x128xf32>,
      %broadcast_in_dim3A_87 = arith.constant 0.000000e+00 : f32
      %broadcast_in_dim3A_88 = vector.broadcast %broadcast_in_dim3A_87 : f32 to vector<8x128xf32>
      %swap3A_89 = arith.constant 0 : index
      %swap3A_90 = arith.constant 0 : index
      %swap3A_91 = vector.load %arg20[%swap3A_89, %swap3A_90] : memref<8x128xf32, #tpu.memory_space<vmem>>, vector<8x128xf32>
      tpu.vector_store %arg20[%swap3A_89, %swap3A_90], %broadcast_in_dim3A_88 {strides = array<i32>} : memref<8x128xf32, #tpu.memory_space<vmem>>, vector<8x128xf32>,
    } else {
    }
    %get3A = arith.constant 0 : index
    %get3A_2 = arith.constant 0 : index
    %get3A_3 = vector.load %arg4[%get3A, %get3A_2] : memref<256x128xf32, #tpu.memory_space<vmem>>, vector<256x128xf32>
    %get3A_4 = arith.constant 0 : index
    %get3A_5 = arith.constant 0 : index
    %get3A_6 = vector.load %arg5[%get3A_4, %get3A_5] : memref<256x128xf32, #tpu.memory_space<vmem>>, vector<256x128xf32>
    %slice3A = vector.extract_strided_slice %get3A_3 {offsets = [0, 0], sizes = [256, 1], strides = [1, 1]} : vector<256x128xf32> to vector<256x1xf32>
    %slice3A_7 = vector.extract_strided_slice %get3A_6 {offsets = [0, 0], sizes = [256, 1], strides = [1, 1]} : vector<256x128xf32> to vector<256x1xf32>
    %add3A = arith.addf %slice3A, %slice3A_7 : vector<256x1xf32>
    %add3A_8 = arith.constant 1.000000e+00 : f32
    %add3A_9 = vector.broadcast %add3A_8 : f32 to vector<256x1xf32>
    %add3A_10 = arith.addf %add3A, %add3A_9 : vector<256x1xf32>
    %rsqrt3A = math.rsqrt %add3A_10 : vector<256x1xf32>
    %get3A_11 = arith.constant 0 : index
    %get3A_12 = arith.constant 0 : index
    %get3A_13 = vector.load %arg1[%get3A_11, %get3A_12] : memref<256x128xf32, #tpu.memory_space<vmem>>, vector<256x128xf32>
    %get3A_14 = arith.constant 0 : index
    %get3A_15 = arith.constant 0 : index
    %get3A_16 = vector.load %arg2[%get3A_14, %get3A_15] : memref<256x128xf32, #tpu.memory_space<vmem>>, vector<256x128xf32>
    %add3A_17 = arith.addf %get3A_13, %get3A_16 : vector<256x128xf32>
    %get3A_18 = arith.constant 0 : index
    %get3A_19 = arith.constant 0 : index
    %get3A_20 = vector.load %arg3[%get3A_18, %get3A_19] : memref<256x128xf32, #tpu.memory_space<vmem>>, vector<256x128xf32>
    %add3A_21 = arith.addf %add3A_17, %get3A_20 : vector<256x128xf32>
    %mul3A = vector.broadcast %rsqrt3A : vector<256x1xf32> to vector<256x128xf32>
    %mul3A_22 = arith.mulf %add3A_21, %mul3A : vector<256x128xf32>
    %get3A_23 = arith.constant 0 : index
    %get3A_24 = arith.constant 0 : index
    %get3A_25 = vector.load %arg11[%get3A_23, %get3A_24] : memref<1x128xf32, #tpu.memory_space<vmem>>, vector<1x128xf32>
    %add3A_26 = vector.broadcast %get3A_25 : vector<1x128xf32> to vector<256x128xf32>
    %add3A_27 = arith.addf %mul3A_22, %add3A_26 : vector<256x128xf32>
    %get3A_28 = arith.constant 0 : index
    %get3A_29 = arith.constant 0 : index
    %get3A_30 = vector.load %arg7[%get3A_28, %get3A_29] : memref<1x128xf32, #tpu.memory_space<vmem>>, vector<1x128xf32>
    %sub3A = vector.broadcast %get3A_30 : vector<1x128xf32> to vector<256x128xf32>
    %sub3A_31 = arith.subf %add3A_27, %sub3A : vector<256x128xf32>
    %get3A_32 = arith.constant 0 : index
    %get3A_33 = arith.constant 0 : index
    %get3A_34 = vector.load %arg8[%get3A_32, %get3A_33] : memref<1x128xf32, #tpu.memory_space<vmem>>, vector<1x128xf32>
    %add3A_35 = arith.constant 9.99999974E-6 : f32
    %add3A_36 = vector.broadcast %add3A_35 : f32 to vector<1x128xf32>
    %add3A_37 = arith.addf %get3A_34, %add3A_36 : vector<1x128xf32>
    %rsqrt3A_38 = math.rsqrt %add3A_37 : vector<1x128xf32>
    %mul3A_39 = vector.broadcast %rsqrt3A_38 : vector<1x128xf32> to vector<256x128xf32>
    %mul3A_40 = arith.mulf %sub3A_31, %mul3A_39 : vector<256x128xf32>
    %get3A_41 = arith.constant 0 : index
    %get3A_42 = arith.constant 0 : index
    %get3A_43 = vector.load %arg9[%get3A_41, %get3A_42] : memref<1x128xf32, #tpu.memory_space<vmem>>, vector<1x128xf32>
    %mul3A_44 = vector.broadcast %get3A_43 : vector<1x128xf32> to vector<256x128xf32>
    %mul3A_45 = arith.mulf %mul3A_40, %mul3A_44 : vector<256x128xf32>
    %get3A_46 = arith.constant 0 : index
    %get3A_47 = arith.constant 0 : index
    %get3A_48 = vector.load %arg10[%get3A_46, %get3A_47] : memref<1x128xf32, #tpu.memory_space<vmem>>, vector<1x128xf32>
    %add3A_49 = vector.broadcast %get3A_48 : vector<1x128xf32> to vector<256x128xf32>
    %add3A_50 = arith.addf %mul3A_45, %add3A_49 : vector<256x128xf32>
    %max3A = arith.constant 0.000000e+00 : f32
    %max3A_51 = vector.broadcast %max3A : f32 to vector<256x128xf32>
    %max3A_52 = arith.maximumf %add3A_50, %max3A_51 : vector<256x128xf32>
    %iota3A = tpu.iota {dimensions = array<i32: 0>} : vector<8x256xi32>
    %get3A_53 = arith.constant 0 : index
    %get3A_54 = arith.constant 0 : index
    %get3A_55 = vector.load %arg6[%get3A_53, %get3A_54] : memref<1x256xi32, #tpu.memory_space<vmem>>, vector<1x256xi32>
    %eq3A_56 = vector.broadcast %get3A_55 : vector<1x256xi32> to vector<8x256xi32>
    %eq3A_57 = arith.cmpi eq, %eq3A_56, %iota3A : vector<8x256xi32>
    %convert_element_type3A_58 = arith.extui %eq3A_57 : vector<8x256xi1> to vector<8x256xi32>
    %convert_element_type3A_59 = arith.sitofp %convert_element_type3A_58 : vector<8x256xi32> to vector<8x256xf32>
    %get3A_60 = arith.constant 0 : index
    %get3A_61 = arith.constant 0 : index
    %get3A_62 = vector.load %arg19[%get3A_60, %get3A_61] : memref<8x128xf32, #tpu.memory_space<vmem>>, vector<8x128xf32>
    %dot_general3A = arith.constant dense<0.000000e+00> : vector<8x128xf32>
    %dot_general3A_63 = tpu.matmul %convert_element_type3A_59, %max3A_52, %dot_general3A {dimension_numbers = #tpu.dot_dimension_numbers<[1], [0], [0], [1], [0, 0, 1, 1], [], []>, precision = #tpu.contract_precision<fp32>, transpose_lhs_hint = false} : vector<8x256xf32>, vector<256x128xf32>, vector<8x128xf32> -> vector<8x128xf32>
    %add3A_64 = arith.addf %get3A_62, %dot_general3A_63 : vector<8x128xf32>
    %swap3A = arith.constant 0 : index
    %swap3A_65 = arith.constant 0 : index
    %swap3A_66 = vector.load %arg19[%swap3A, %swap3A_65] : memref<8x128xf32, #tpu.memory_space<vmem>>, vector<8x128xf32>
    tpu.vector_store %arg19[%swap3A, %swap3A_65], %add3A_64 {strides = array<i32>} : memref<8x128xf32, #tpu.memory_space<vmem>>, vector<8x128xf32>,
    %get3A_67 = arith.constant 0 : index
    %get3A_68 = arith.constant 0 : index
    %get3A_69 = vector.load %arg20[%get3A_67, %get3A_68] : memref<8x128xf32, #tpu.memory_space<vmem>>, vector<8x128xf32>
    %reduce_sum3A = arith.constant dense<0.000000e+00> : vector<8xf32>
    %reduce_sum3A_70 = vector.multi_reduction <add>, %convert_element_type3A_59, %reduce_sum3A [1] : vector<8x256xf32> to vector<8xf32>
    %broadcast_in_dim3A = vector.shape_cast %reduce_sum3A_70 : vector<8xf32> to vector<8x1xf32>
    %broadcast_in_dim3A_71 = vector.shape_cast %broadcast_in_dim3A : vector<8x1xf32> to vector<8x1xf32>
    %broadcast_in_dim3A_72 = vector.broadcast %broadcast_in_dim3A_71 : vector<8x1xf32> to vector<8x128xf32>
    %add3A_73 = arith.addf %get3A_69, %broadcast_in_dim3A_72 : vector<8x128xf32>
    %swap3A_74 = arith.constant 0 : index
    %swap3A_75 = arith.constant 0 : index
    %swap3A_76 = vector.load %arg20[%swap3A_74, %swap3A_75] : memref<8x128xf32, #tpu.memory_space<vmem>>, vector<8x128xf32>
    tpu.vector_store %arg20[%swap3A_74, %swap3A_75], %add3A_73 {strides = array<i32>} : memref<8x128xf32, #tpu.memory_space<vmem>>, vector<8x128xf32>,
    %eq3A_77 = arith.constant 39 : i32
    %eq3A_78 = arith.cmpi eq, %arg0, %eq3A_77 : i32
    %convert_element_type3A_79 = arith.extui %eq3A_78 : i1 to i32
    %cond3A_80 = arith.constant 0 : i32
    %cond3A_81 = arith.cmpi ne, %convert_element_type3A_79, %cond3A_80 : i32
    scf.if %cond3A_81 {
      %get3A_82 = arith.constant 0 : index
      %get3A_83 = arith.constant 0 : index
      %get3A_84 = vector.load %arg19[%get3A_82, %get3A_83] : memref<8x128xf32, #tpu.memory_space<vmem>>, vector<8x128xf32>
      %get3A_85 = arith.constant 0 : index
      %get3A_86 = arith.constant 0 : index
      %get3A_87 = vector.load %arg20[%get3A_85, %get3A_86] : memref<8x128xf32, #tpu.memory_space<vmem>>, vector<8x128xf32>
      %max3A_88 = arith.constant 1.000000e+00 : f32
      %max3A_89 = vector.broadcast %max3A_88 : f32 to vector<8x128xf32>
      %max3A_90 = arith.maximumf %get3A_87, %max3A_89 : vector<8x128xf32>
      %div3A = arith.divf %get3A_84, %max3A_90 : vector<8x128xf32>
      %get3A_91 = arith.constant 0 : index
      %get3A_92 = arith.constant 0 : index
      %get3A_93 = vector.load %arg12[%get3A_91, %get3A_92] : memref<128x128xf32, #tpu.memory_space<vmem>>, vector<128x128xf32>
      %dot_general3A_94 = arith.constant dense<0.000000e+00> : vector<8x128xf32>
      %dot_general3A_95 = tpu.matmul %div3A, %get3A_93, %dot_general3A_94 {dimension_numbers = #tpu.dot_dimension_numbers<[1], [0], [0], [1], [0, 0, 1, 1], [], []>, precision = #tpu.contract_precision<fp32>, transpose_lhs_hint = false} : vector<8x128xf32>, vector<128x128xf32>, vector<8x128xf32> -> vector<8x128xf32>
      %get3A_96 = arith.constant 0 : index
      %get3A_97 = arith.constant 0 : index
      %get3A_98 = vector.load %arg13[%get3A_96, %get3A_97] : memref<1x128xf32, #tpu.memory_space<vmem>>, vector<1x128xf32>
      %add3A_99 = vector.broadcast %get3A_98 : vector<1x128xf32> to vector<8x128xf32>
      %add3A_100 = arith.addf %dot_general3A_95, %add3A_99 : vector<8x128xf32>
      %max3A_101 = arith.constant 0.000000e+00 : f32
      %max3A_102 = vector.broadcast %max3A_101 : f32 to vector<8x128xf32>
      %max3A_103 = arith.maximumf %add3A_100, %max3A_102 : vector<8x128xf32>
      %get3A_104 = arith.constant 0 : index
      %get3A_105 = arith.constant 0 : index
      %get3A_106 = vector.load %arg14[%get3A_104, %get3A_105] : memref<128x128xf32, #tpu.memory_space<vmem>>, vector<128x128xf32>
      %dot_general3A_107 = arith.constant dense<0.000000e+00> : vector<8x128xf32>
      %dot_general3A_108 = tpu.matmul %max3A_103, %get3A_106, %dot_general3A_107 {dimension_numbers = #tpu.dot_dimension_numbers<[1], [0], [0], [1], [0, 0, 1, 1], [], []>, precision = #tpu.contract_precision<fp32>, transpose_lhs_hint = false} : vector<8x128xf32>, vector<128x128xf32>, vector<8x128xf32> -> vector<8x128xf32>
      %get3A_109 = arith.constant 0 : index
      %get3A_110 = arith.constant 0 : index
      %get3A_111 = vector.load %arg15[%get3A_109, %get3A_110] : memref<1x128xf32, #tpu.memory_space<vmem>>, vector<1x128xf32>
      %add3A_112 = vector.broadcast %get3A_111 : vector<1x128xf32> to vector<8x128xf32>
      %add3A_113 = arith.addf %dot_general3A_108, %add3A_112 : vector<8x128xf32>
      %max3A_114 = arith.constant 0.000000e+00 : f32
      %max3A_115 = vector.broadcast %max3A_114 : f32 to vector<8x128xf32>
      %max3A_116 = arith.maximumf %add3A_113, %max3A_115 : vector<8x128xf32>
      %get3A_117 = arith.constant 0 : index
      %get3A_118 = arith.constant 0 : index
      %get3A_119 = vector.load %arg16[%get3A_117, %get3A_118] : memref<128x128xf32, #tpu.memory_space<vmem>>, vector<128x128xf32>
      %dot_general3A_120 = arith.constant dense<0.000000e+00> : vector<8x128xf32>
      %dot_general3A_121 = tpu.matmul %max3A_116, %get3A_119, %dot_general3A_120 {dimension_numbers = #tpu.dot_dimension_numbers<[1], [0], [0], [1], [0, 0, 1, 1], [], []>, precision = #tpu.contract_precision<fp32>, transpose_lhs_hint = false} : vector<8x128xf32>, vector<128x128xf32>, vector<8x128xf32> -> vector<8x128xf32>
      %get3A_122 = arith.constant 0 : index
      %get3A_123 = arith.constant 0 : index
      %get3A_124 = vector.load %arg17[%get3A_122, %get3A_123] : memref<1x128xf32, #tpu.memory_space<vmem>>, vector<1x128xf32>
      %add3A_125 = vector.broadcast %get3A_124 : vector<1x128xf32> to vector<8x128xf32>
      %add3A_126 = arith.addf %dot_general3A_121, %add3A_125 : vector<8x128xf32>
      %swap3A_127 = arith.constant 0 : index
      %swap3A_128 = arith.constant 0 : index
      %swap3A_129 = vector.load %arg18[%swap3A_127, %swap3A_128] : memref<8x128xf32, #tpu.memory_space<vmem>>, vector<8x128xf32>
      tpu.vector_store %arg18[%swap3A_127, %swap3A_128], %add3A_126 {strides = array<i32>} : memref<8x128xf32, #tpu.memory_space<vmem>>, vector<8x128xf32>,
    } else {
    }
    return
  }
  func.func @transform_0(%arg0: i32) -> (i32, i32) {
    %c0_i32 = arith.constant 0 : i32
    %c0_i32_0 = arith.constant 0 : i32
    return %arg0, %c0_i32 : i32, i32
  }
  func.func @transform_1(%arg0: i32) -> (i32, i32) {
    %c0_i32 = arith.constant 0 : i32
    %c0_i32_0 = arith.constant 0 : i32
    return %arg0, %c0_i32 : i32, i32
  }
  func.func @transform_2(%arg0: i32) -> (i32, i32) {
    %c0_i32 = arith.constant 0 : i32
    %c0_i32_0 = arith.constant 0 : i32
    return %arg0, %c0_i32 : i32, i32
  }
  func.func @transform_3(%arg0: i32) -> (i32, i32) {
    %c0_i32 = arith.constant 0 : i32
    %c0_i32_0 = arith.constant 0 : i32
    return %arg0, %c0_i32 : i32, i32
  }
  func.func @transform_4(%arg0: i32) -> (i32, i32) {
    %c0_i32 = arith.constant 0 : i32
    %c0_i32_0 = arith.constant 0 : i32
    return %arg0, %c0_i32 : i32, i32
  }
  func.func @transform_5(%arg0: i32) -> (i32, i32) {
    %c0_i32 = arith.constant 0 : i32
    %c0_i32_0 = arith.constant 0 : i32
    return %c0_i32, %arg0 : i32, i32
  }
  func.func @transform_6(%arg0: i32) -> (i32, i32) {
    %c0_i32 = arith.constant 0 : i32
    %c0_i32_0 = arith.constant 0 : i32
    %c0_i32_1 = arith.constant 0 : i32
    return %c0_i32, %c0_i32_0 : i32, i32
  }
  func.func @transform_7(%arg0: i32) -> (i32, i32) {
    %c0_i32 = arith.constant 0 : i32
    %c0_i32_0 = arith.constant 0 : i32
    %c0_i32_1 = arith.constant 0 : i32
    return %c0_i32, %c0_i32_0 : i32, i32
  }
  func.func @transform_8(%arg0: i32) -> (i32, i32) {
    %c0_i32 = arith.constant 0 : i32
    %c0_i32_0 = arith.constant 0 : i32
    %c0_i32_1 = arith.constant 0 : i32
    return %c0_i32, %c0_i32_0 : i32, i32
  }
  func.func @transform_9(%arg0: i32) -> (i32, i32) {
    %c0_i32 = arith.constant 0 : i32
    %c0_i32_0 = arith.constant 0 : i32
    %c0_i32_1 = arith.constant 0 : i32
    return %c0_i32, %c0_i32_0 : i32, i32
  }
  func.func @transform_10(%arg0: i32) -> (i32, i32) {
    %c0_i32 = arith.constant 0 : i32
    %c0_i32_0 = arith.constant 0 : i32
    %c0_i32_1 = arith.constant 0 : i32
    return %c0_i32, %c0_i32_0 : i32, i32
  }
  func.func @transform_11(%arg0: i32) -> (i32, i32) {
    %c0_i32 = arith.constant 0 : i32
    %c0_i32_0 = arith.constant 0 : i32
    %c0_i32_1 = arith.constant 0 : i32
    return %c0_i32, %c0_i32_0 : i32, i32
  }
  func.func @transform_12(%arg0: i32) -> (i32, i32) {
    %c0_i32 = arith.constant 0 : i32
    %c0_i32_0 = arith.constant 0 : i32
    %c0_i32_1 = arith.constant 0 : i32
    return %c0_i32, %c0_i32_0 : i32, i32
  }
  func.func @transform_13(%arg0: i32) -> (i32, i32) {
    %c0_i32 = arith.constant 0 : i32
    %c0_i32_0 = arith.constant 0 : i32
    %c0_i32_1 = arith.constant 0 : i32
    return %c0_i32, %c0_i32_0 : i32, i32
  }
  func.func @transform_14(%arg0: i32) -> (i32, i32) {
    %c0_i32 = arith.constant 0 : i32
    %c0_i32_0 = arith.constant 0 : i32
    %c0_i32_1 = arith.constant 0 : i32
    return %c0_i32, %c0_i32_0 : i32, i32
  }
  func.func @transform_15(%arg0: i32) -> (i32, i32) {
    %c0_i32 = arith.constant 0 : i32
    %c0_i32_0 = arith.constant 0 : i32
    %c0_i32_1 = arith.constant 0 : i32
    return %c0_i32, %c0_i32_0 : i32, i32
  }
  func.func @transform_16(%arg0: i32) -> (i32, i32) {
    %c0_i32 = arith.constant 0 : i32
    %c0_i32_0 = arith.constant 0 : i32
    %c0_i32_1 = arith.constant 0 : i32
    return %c0_i32, %c0_i32_0 : i32, i32
  }
  func.func @transform_17(%arg0: i32) -> (i32, i32) {
    %c0_i32 = arith.constant 0 : i32
    %c0_i32_0 = arith.constant 0 : i32
    %c0_i32_1 = arith.constant 0 : i32
    return %c0_i32, %c0_i32_0 : i32, i32
  }
}

</mosaic_0001>

<sc_bundles>
// kernel: kernel.10.cloned.1.call-start
scs
__scs_entry_jumppad:
0x0: {  	(pc) =	sbr.rel $0x88, $3  }
0x1: {  	(tag) =	ssettag $0x0;
	lr =	simm.s32 $0x1  }
0x2: {  	[smem:$0x3F92] =	sst lr;
	_ =	strace $0xD0000000  }
0x3: {  	_ = 	snop  }
0x4: {  	_ = 	snop  }
0x5: {  	_ = 	snop  }
0x6: {  	_ = 	snop  }
0x7: {  	_ = 	snop  }
__scs_overlays_trampoline_lowered:
0x8: {  	[smem:$0x3FA1] =	sst s0  }
0x9: {  	[smem:$0x3FA2] =	sst s1  }
0xa: {  	[smem:$0x3FA3] =	sst s2  }
0xb: {  	[smem:$0x3FA4] =	sst s3  }
0xc: {  	[smem:$0x3FA5] =	sst s4  }
0xd: {  	[smem:$0x3FA6] =	sst s5  }
0xe: {  	[smem:$0x3FA7] =	sst s6  }
0xf: {  	[smem:$0x3FA8] =	sst s7  }
0x10: {  	[smem:$0x3FA9] =	sst s8  }
0x11: {  	[smem:$0x3FAA] =	sst s9;
	s0 =	simm.s32 @!p0 $0x0  }
0x12: {  	s1 =	sld [smem:$0x3F90];
	s0 =	simm.s32 @p0 $0x1  }
0x13: {  	[smem:$0x3FAB] =	sst s0;
	s0 =	simm.s32 @!p1 $0x0  }
0x14: {  	s2 =	sld [smem:$0x3F8F];
	s0 =	simm.s32 @p1 $0x1  }
0x15: {  	[smem:$0x3FAC] =	sst s0;
	s0 =	simm.s32 @!p2 $0x0  }
0x16: {  	s3 =	sld [smem:$0x3FDB];
	s0 =	simm.s32 @p2 $0x1  }
0x17: {  	s4 =	simm.s32 $0x1BF5;
	[smem:$0x3FAE] =	sst s0  }
0x18: {  	s0 =	sld [smem:$0x3F91];
	_ =	swait.ge [sflag:s4], $0x0  }
0x19: {  	s7 =	sld [smem:$0x3F92]  }
0x1a: {  	s8 =	sadd.s32 $0xFFFFE003, lr  }
0x1b: {  	s9 =	sadd.s32 $0xFFFFFEF7, lr;
	s5 =	simm.s32 $0xFFFFFFFF;
	p2 =	slt.u32 s8, $0xFFFFF086  }
0x1c: {  	p1 =	slt.u32 s9, $0xF7A;
	s5 =	simm.s32 @!p2 $0x0  }
0x1d: {  	s5 =	simm.s32 @p1 $0x1;
	p0 =	seq.s32 s7, s2  }
0x1e: {  	s7 =	smul.u32 @!p0 $0xF7A, s2;
	p2 =	seq.s32 @!p0 s5, $0x0  }
0x1f: {  	s9 =	smul.u32 $0xF7A, s1;
	s8 =	simm.s32 @!p0 $0x1BF5;
	p2 =	por !p2, p0  }
0x20: {  	[sflag:s8] =	ssyncset.s32 @!p0 $0xFFFFF086;
	s6 =	sadd.s32 @!p0 s3, s7;
	s7 =	simm.s32 @!p0 $0x108  }
0x21: {  	s3 =	sadd.s32 s3, s9;
	s6 =	sadd.s32 @!p0 $0x88, s6;
	s7 =	simm.s32 @p2 $0x1082  }
0x22: {  	[simem:s7], [sflag:s8] =	dma.local @!p0 [hbm:s6], $0xF7A  }
0x23: {  	s9 =	sor.u32 $0xD0000000, s2;
	s6 =	simm.s32 $0x108;
	_ =	swait.ge @!p0 [sflag:s8], $0x0  }
0x24: {  	s3 =	sadd.s32 $0x88, s3;
	s6 =	simm.s32 @!p1 $0x1082;
	[sflag:s4] =	ssyncset.s32 $0xFFFFF086  }
0x25: {  	[simem:s6], [sflag:s4] =	dma.local [hbm:s3], $0xF7A  }
0x26: {  	[smem:$0x3F92] =	sst s1;
	(tag) =	ssettag s2;
	_ =	strace s9  }
0x27: {  	s1 =	sld [smem:$0x3FA2]  }
0x28: {  	s2 =	sld [smem:$0x3FA3]  }
0x29: {  	s4 =	sld [smem:$0x3FA5]  }
0x2a: {  	p0 =	seq.s32 s5, $0x0;
	s5 =	sld [smem:$0x3FA6]  }
0x2b: {  	s6 =	sld [smem:$0x3FA7]  }
0x2c: {  	s7 =	sld [smem:$0x3FA8]  }
0x2d: {  	s3 =	simm.s32 $0x108;
	s8 =	sld [smem:$0x3FA9]  }
0x2e: {  	s3 =	simm.s32 @!p0 $0x1082;
	s9 =	sld [smem:$0x3FAA]  }
0x2f: {  	lr =	sadd.s32 s0, s3;
	s0 =	sld [smem:$0x3FA1]  }
0x30: {  	s3 =	sld [smem:$0x3FA4]  }
0x31: {  	[smem:$0x3FAD] =	sst s10  }
0x32: {  	s10 =	sld [smem:$0x3FAB];
	_ =	sdelay $0x3  }
0x33: {  	p0 =	seq.s32 s10, $0x1;
	s10 =	sld [smem:$0x3FAD];
	_ =	sdelay $0x3  }
0x34: {  	[smem:$0x3FAD] =	sst s10  }
0x35: {  	s10 =	sld [smem:$0x3FAC];
	_ =	sdelay $0x3  }
0x36: {  	p1 =	seq.s32 s10, $0x1;
	s10 =	sld [smem:$0x3FAD];
	_ =	sdelay $0x3  }
0x37: {  	[smem:$0x3FAD] =	sst s10  }
0x38: {  	s10 =	sld [smem:$0x3FAE]  }
0x39: {  	_ = 	snop;
	(pc) =	sbr.ind lr, $3  }
0x3a: {  	_ = 	snop  }
0x3b: {  	_ = 	snop  }
0x3c: {  	p2 =	seq.s32 s10, $0x1;
	s10 =	sld [smem:$0x3FAD]  }
0x3d: {  	_ =	shalt  }
0x3e: {  	_ =	shalt  }
0x3f: {  	_ =	shalt  }
0x40: {  	_ =	shalt  }
0x41: {  	_ =	shalt  }
0x42: {  	_ =	shalt  }
0x43: {  	_ =	shalt  }
0x44: {  	_ =	shalt  }
0x45: {  	_ =	shalt  }
0x46: {  	_ =	shalt  }
0x47: {  	_ =	shalt  }
0x48: {  	_ =	shalt  }
0x49: {  	_ =	shalt  }
0x4a: {  	_ =	shalt  }
0x4b: {  	_ =	shalt  }
0x4c: {  	_ =	shalt  }
0x4d: {  	_ =	shalt  }
0x4e: {  	_ =	shalt  }
0x4f: {  	_ =	shalt  }
0x50: {  	_ =	shalt  }
0x51: {  	_ =	shalt  }
0x52: {  	_ =	shalt  }
0x53: {  	_ =	shalt  }
0x54: {  	_ =	shalt  }
0x55: {  	_ =	shalt  }
0x56: {  	_ =	shalt  }
0x57: {  	_ =	shalt  }
0x58: {  	_ =	shalt  }
0x59: {  	_ =	shalt  }
0x5a: {  	_ =	shalt  }
0x5b: {  	_ =	shalt  }
0x5c: {  	_ =	shalt  }
0x5d: {  	_ =	shalt  }
0x5e: {  	_ =	shalt  }
0x5f: {  	_ =	shalt  }
0x60: {  	_ =	shalt  }
0x61: {  	_ =	shalt  }
0x62: {  	_ =	shalt  }
0x63: {  	_ =	shalt  }
0x64: {  	_ =	shalt  }
0x65: {  	_ =	shalt  }
0x66: {  	_ =	shalt  }
0x67: {  	_ =	shalt  }
0x68: {  	_ =	shalt  }
0x69: {  	_ =	shalt  }
0x6a: {  	_ =	shalt  }
0x6b: {  	_ =	shalt  }
0x6c: {  	_ =	shalt  }
0x6d: {  	_ =	shalt  }
0x6e: {  	_ =	shalt  }
0x6f: {  	_ =	shalt  }
0x70: {  	_ =	shalt  }
0x71: {  	_ =	shalt  }
0x72: {  	_ =	shalt  }
0x73: {  	_ =	shalt  }
0x74: {  	_ =	shalt  }
0x75: {  	_ =	shalt  }
0x76: {  	_ =	shalt  }
0x77: {  	_ =	shalt  }
0x78: {  	_ =	shalt  }
0x79: {  	_ =	shalt  }
0x7a: {  	_ =	shalt  }
0x7b: {  	_ =	shalt  }
0x7c: {  	_ =	shalt  }
0x7d: {  	_ =	shalt  }
0x7e: {  	_ =	shalt  }
0x7f: {  	_ =	shalt  }
0x80: {  	_ =	shalt  }
0x81: {  	_ =	shalt  }
0x82: {  	_ =	shalt  }
0x83: {  	_ =	shalt  }
0x84: {  	_ =	shalt  }
0x85: {  	_ =	shalt  }
0x86: {  	_ =	shalt  }
0x87: {  	_ =	shalt  }
.Lfunc_end0:
.L_simem_size_0:
called_computation_lowered:
.L_overlay_start_0:
0x88: {  	s2 =	sld [smem:$0x3FD9]  }
0x89: {  	s3 =	sld [smem:$0x3FFE];
	_ =	sdelay $0x1  }
0x8a: {  	s1 =	srdreg.scid  }
0x8b: {  	s0 =	sand.u32 $0x1, s1  }
0x8c: {  	s16 =	sshll.u32 s0, $0xA;
	s2 =	sadd.s32 s3, s2  }
0x8d: {  	s2 =	sadd.s32 s2, s16  }
0x8e: {  	[smem:$0x3FB9] =	sst s2  }
0x8f: {  	_ = 	snop  }
0x90: {  	(tm) =	ssettm $0x1  }
0x91: {  	s17 =	sld [smem:$0x3FFB];
	_ =	sdelay $0x3  }
0x92: {  	_ =	strace s17  }
0x93: {  	s2 =	sld [smem:$0x3FFC];
	_ =	sdelay $0x3  }
0x94: {  	_ =	strace s2  }
0x95: {  	s2 =	sld [smem:$0x3FFD];
	_ =	sdelay $0x3  }
0x96: {  	_ =	strace s2  }
0x97: {  	_ =	strace $0x8FFFFFFF  }
0x98: {  	s18 =	sld [smem:$0x3FDB];
	_ =	sdelay $0x1  }
0x99: {  	s19 =	simm.s32 $_scs_section_size  }
0x9a: {  	s4 =	simm.s32 $_size__tile_overlayer_lowered;
	s5 =	simm.s32 $_tile_overlayer_lowered  }
0x9b: {  	s22 =	simm.s32 $0x1BFF;
	s21 =	sshll.u32 s5, $0x1;
	s2 =	sadd.s32 s19, s18  }
0x9c: {  	s6 =	simm.s32 $0x0;
	s20 =	sshll.u32 s4, $0x1;
	s4 =	sadd.s32 s21, s2  }
0x9d: {  	[timem:s6], [sflag:s22] =	dma.local [hbm:s4], s20  }
0x9e: {  	_ =	swait.ge [sflag:s22], s20  }
0x9f: {  	s3 =	ssub.s32 $0x0, s20;
	[sflag:s22] =	ssyncset.done $0x0  }
0xa0: {  	[sflag:s22] =	ssyncadd.s32 s3;
	_ =	sdelay $0x1  }
0xa1: {  	s23 =	simm.s32 $0x1B8B  }
0xa2: {  	_ =	swait.ge [sflag:s23], $0x1  }
0xa3: {  	[sflag:s23] =	ssyncset.done $0x0  }
0xa4: {  	s25 =	simm.s32 $0x1B8E;
	s24 =	sld [smem:$0x3FFE];
	[sflag:s23] =	ssyncadd.s32 $0xFFFFFFFF  }
0xa5: {  	s26 =	simm.s32 $execute0_lowered;
	[smem:$0x3FD2] =	sst s25  }
0xa6: {  	s4 =	sshll.u32 s26, $0x1;
	_ =	strace $0x80000046;
	[dreg:$0x1] =	wrdreg $0xFFFFFFFF  }
0xa7: {  	s28 =	simm.s32 $_size_execute0_lowered;
	s2 =	sadd.s32 s2, s4;
	[dreg:$0x0] =	wrdreg $0x0  }
0xa8: {  	s4 =	sshll.u32 s28, $0x1;
	[dreg:$0x2] =	wrdreg s2  }
0xa9: {  	[dreg:$0x3] =	wrdreg s4  }
0xaa: {  	[dreg:$0x4] =	wrdreg $0xC0  }
0xab: {  	_ =	task [dreg:s6], $0x5FFFF  }
0xac: {  	[dreg:$0x1] =	wrdreg $0xFFFFFFFF  }
0xad: {  	[dreg:$0x0] =	wrdreg $0x60  }
0xae: {  	[dreg:$0x2] =	wrdreg s24  }
0xaf: {  	[dreg:$0x3] =	wrdreg $0x68000  }
0xb0: {  	[dreg:$0x4] =	wrdreg $0x9  }
0xb1: {  	_ =	task.clear_ibuf [dreg:s6], $0x5FFFF;
	_ =	strace $0x90000046  }
0xb2: {  	s29 =	simm.s32 $0x9;
	_ =	strace $0x80000048  }
0xb3: {  	_ =	swait.ge [sflag:s29], $0x1  }
0xb4: {  	[sflag:s29] =	ssyncadd.s32 $0xFFFFFFFF  }
0xb5: {  	_ =	strace $0x90000048  }
0xb6: {  	_ =	sfence  }
0xb7: {  	s30 =	sld [smem:$0x0];
	_ =	sdelay $0x2  }
0xb8: {  	s31 =	sshll.u32 s1, $0xD;
	s1 =	sshrl.u32 s1, $0x2  }
0xb9: {  	s3 =	sand.u32 $0x4000, s31;
	s1 =	sadd.s32 s1, s30  }
0xba: {  	s0 =	sor.u32 s3, s0;
	s1 =	sshll.u32 s1, $0x11  }
0xbb: {  	s0 =	sor.u32 s1, s0  }
0xbc: {  	s0 =	sadd.s32 $0x8F2B, s0  }
0xbd: {  	[sflag:s0] =	ssyncadd.remote.s32 $0x1  }
0xbe: {  	_ =	sfence.sel $0xFFFF  }
0xbf: {  	[dreg:$0x0] =	wrdreg $0xFFFFFFFF;
	(pc) =	sbr.abs _section_cstart, $3  }
0xc0: {  	[dreg:$0x1] =	wrdreg $0xFFFFFFFF  }
0xc1: {  	_ =	task.clear_ibuf [dreg:s6], $0x2FFFF;
	_ =	strace $0x9FFFFFFF  }
0xc2: {  	(tm) =	ssettm $0x7FFFFFFF  }
0xc3: {  	_ =	shalt  }
tec
execute0_lowered:
.L_overlay_start_1:
0x0: {  	(tag) =	ssettag $0x1  }
0x1: {  	s0 =	srdreg.scid;
	s6 =	rddreg [dreg:$0x0]  }
0x2: {  	s2 =	rddreg [dreg:$0x1];
	s3 =	simm.s32 $0x0;
	s13 =	simm.s32 $0x80  }
0x3: {  	s14 =	simm.s32 $0x1;
	s15 =	simm.s32 $0x2;
	s5 =	sand.u32 $0x1, s0  }
0x4: {  	s16 =	simm.s32 $0x0;
	s0 =	stileid.u32;
	s7 =	smul.u32 $0x140000, s5  }
0x5: {  	[smem:$0x7FF] =	sst s3;
	s1 =	sshll.u32 s5, $0x4;
	s8 =	smul.u32 $0x14000, s0  }
0x6: {  	s29 =	ssub.s32 $0x2, s5;
	s10 =	smul.u32 $0x50000, s0;
	s5 =	sadd.s32 $0x18C00, s6  }
0x7: {  	s11 =	sshll.u32 s0, $0x6;
	s1 =	sor.u32 s0, s1;
	s30 =	sshrl.u32 s29, $0x1  }
0x8: {  	s11 =	sor.u32 $0x1C03, s11;
	s4 =	smul.u32 $0x500, s1;
	s1 =	rddreg [dreg:$0x2]  }
0x9: {  	_ =	strace $0x80000047;
	s7 =	sadd.s32 s8, s7;
	s8 =	ssub.s32 s29, s30  }
0xa: {  	s31 =	sshrl.u32 s10, $0x2;
	s10 =	simm.s32 $0x3;
	s7 =	sshrl.u32 s7, $0x3  }
0xb: {  	s12 =	sadd.s32 s31, s2;
	s8 =	smax.u32 s8, $0x1;
	s9 =	sadd.s32 s4, s6  }
0xc: {  	s4 =	sadd.s32 $0x1B400, s6;
	s7 =	sadd.s32 s7, s6;
	s12 =	sshrl.u32 s12, $0x3  }
0xd: {  	s6 =	sadd.s32 $0xEC00, s9;
	s7 =	sadd.s32 $0x1BC00, s7;
	s9 =	simm.s32 $0x2800  }
.LBB2_1:
0xe: {  	[tilespmem:s9], [sflag:$0x3] =	stream.linear.gather [hbm4b:s4+s3], $0x4000, $0x38;
	[tilespmem:$0x1A800] =	vst v63  }
0xf: {  	_ =	swait.ge [sflag:s10], $0x4000  }
0x10: {  	[sflag:s10] =	ssyncset.done $0x0  }
0x11: {  	[sflag:s10] =	ssyncadd.s32 $0xFFFFC000  }
0x12: {  	[tilespmem:s3], [sflag:$0x3] =	stream.linear.gather [hbm4b:s6+s3], $0x2800, $0x38;
	[tilespmem:$0x1A800] =	vst v63  }
0x13: {  	_ =	swait.ge [sflag:s10], $0x2800  }
0x14: {  	[sflag:s10] =	ssyncset.done $0x0  }
0x15: {  	[sflag:s10] =	ssyncadd.s32 $0xFFFFD800  }
0x16: {  	[spmem:s12], [sflag:s11] =	dma.local [hbm:s5], $0x2800  }
0x17: {  	_ =	swait.ge [sflag:s10], $0x2800  }
0x18: {  	[sflag:s10] =	ssyncset.done $0x0  }
0x19: {  	[sflag:s10] =	ssyncadd.s32 $0xFFFFD800  }
0x1a: {  	[bflag:$0x0] =	sbarrier.arrive $0xFFFF  }
0x1b: {  	[spmem:s2] =	stream.indirect.scatter.add.f32 [tilespmem:s9], [sflag:$0x1], $0x80, s3, s13, $0xb8;
	[tilespmem:$0x1A800] =	vst v63  }
0x1c: {  	_ = 	snop  }
0x1d: {  	[spmem:s2] =	stream.indirect.scatter.add.f32 [tilespmem:s9], [sflag:$0x2], $0x80, s13, s13, $0xb8;
	[tilespmem:$0x1A800] =	vst v63  }
0x1e: {  	_ =	swait.ge [sflag:s14], $0x4000  }
0x1f: {  	[sflag:s14] =	ssyncset.done $0x0  }
0x20: {  	s17 =	simm.s32 $0x100;
	[sflag:s14] =	ssyncadd.s32 $0xFFFFC000  }
0x21: {  	[spmem:s2] =	stream.indirect.scatter.add.f32 [tilespmem:s9], [sflag:$0x1], $0x80, s17, s13, $0xb8;
	[tilespmem:$0x1A800] =	vst v63  }
0x22: {  	_ =	swait.ge [sflag:s15], $0x4000  }
0x23: {  	[sflag:s15] =	ssyncset.done $0x0  }
0x24: {  	s18 =	simm.s32 $0x180;
	s17 =	simm.s32 $0xFFFF6800;
	[sflag:s15] =	ssyncadd.s32 $0xFFFFC000  }
.LBB2_2:
0x25: {  	[spmem:s2] =	stream.indirect.scatter.add.f32 [tilespmem:s9], [sflag:$0x2], $0x80, s18, s13, $0xb8;
	[tilespmem:$0x1A800] =	vst v63  }
0x26: {  	s18 =	smov.u32 s17  }
0x27: {  	p0 =	sne.s32 s17, $0xFFFFFC00;
	s17 =	sadd.s32 $0x400, s17;
	_ =	swait.ge [sflag:s14], $0x4000  }
0x28: {  	s18 =	sshra.s32 s18, $0x2;
	[sflag:s14] =	ssyncset.done $0x0  }
.Ltmp0:
0x29: {  	s19 =	sadd.s32 $0x2800, s18;
	[sflag:s14] =	ssyncadd.s32 $0xFFFFC000;
	(pc) =	sbr.rel @p0 .LBB2_2-.Ltmp0, $4  }
0x2a: {  	[spmem:s2] =	stream.indirect.scatter.add.f32 [tilespmem:s9], [sflag:$0x1], $0x80, s19, s13, $0xb8;
	[tilespmem:$0x1A800] =	vst v63  }
0x2b: {  	_ =	swait.ge [sflag:s15], $0x4000  }
0x2c: {  	[sflag:s15] =	ssyncset.done $0x0  }
0x2d: {  	s18 =	sadd.s32 $0x2880, s18;
	[sflag:s15] =	ssyncadd.s32 $0xFFFFC000  }
0x2e: {  	[spmem:s2] =	stream.indirect.scatter.add.f32 [tilespmem:s9], [sflag:$0x2], $0x80, s18, s13, $0xb8;
	[tilespmem:$0x1A800] =	vst v63  }
0x2f: {  	_ =	swait.ge [sflag:s14], $0x4000  }
0x30: {  	[sflag:s14] =	ssyncset.done $0x0  }
0x31: {  	[sflag:s14] =	ssyncadd.s32 $0xFFFFC000  }
0x32: {  	_ =	swait.ge [sflag:s15], $0x4000  }
0x33: {  	s16 =	sadd.s32 $0x1, s16;
	[sflag:s15] =	ssyncset.done $0x0  }
0x34: {  	p0 =	sne.s32 s16, s8;
	[sflag:s15] =	ssyncadd.s32 $0xFFFFC000  }
.Ltmp1:
0x35: {  	[bflag:$0x0] =	sbarrier.arrive $0xFFFF;
	(pc) =	sbr.rel @p0 .LBB2_1-.Ltmp1, $4  }
0x36: {  	[hbm:s7], [sflag:s11] =	dma.local [spmem:s12], $0x2800  }
0x37: {  	_ =	swait.ge [sflag:s10], $0x2800  }
0x38: {  	[sflag:s10] =	ssyncset.done $0x0  }
0x39: {  	[sflag:s10] =	ssyncadd.s32 $0xFFFFD800  }
0x3a: {  	_ =	sfence.sel $0x180000  }
0x3b: {  	[bflag:$0x0] =	sbarrier.arrive $0xFFFF  }
0x3c: {  	p0 =	sne.s32 s0, $0x0;
	_ =	strace $0x90000047  }
0x3d: {  	s0 =	sadd.s32 @!p0 $0x100000, s1;
	[bflag:$0x2] =	sbarrier.arrive $0xFFFF  }
0x3e: {  	[sflag:s0] =	ssyncadd.tile.s32 @!p0 $0x1;
	_ =	shalt  }
.Lfunc_end2:
_tile_overlayer_lowered:
.L_overlay_start_2:
0x3f: {  	(tag) =	ssettag $0x2  }
0x40: {  	s0 =	rddreg [dreg:$0x0];
	s2 =	stileid.u32  }
0x41: {  	s1 =	rddreg [dreg:$0x1];
	p0 =	sne.s32 s2, $0x0  }
0x42: {  	s3 =	rddreg [dreg:$0x2];
	[bflag:$0x3] =	sbarrier.arrive $0xFFFF;
	s2 =	simm.s32 @!p0 $0x1C03  }
0x43: {  	[timem:s3], [sflag:s2] =	dma.local @!p0 [hbm:s0], s1  }
0x44: {  	s0 =	simm.s32 @!p0 $0x3  }
0x45: {  	_ =	swait.ge @!p0 [sflag:s0], s1  }
0x46: {  	s1 =	ssub.s32 @!p0 $0x0, s1;
	[sflag:s0] =	ssyncset.done @!p0 $0x0  }
0x47: {  	[sflag:s0] =	ssyncadd.s32 @!p0 s1  }
0x48: {  	[bflag:$0x3] =	sbarrier.arrive $0xFFFF  }
0x49: {  	_ =	shalt  }

// kernel: kernel.13.cloned.1.call-start
scs
__scs_entry_jumppad:
0x0: {  	(pc) =	sbr.rel $0x88, $3  }
0x1: {  	(tag) =	ssettag $0x0;
	lr =	simm.s32 $0x1  }
0x2: {  	[smem:$0x3F92] =	sst lr;
	_ =	strace $0xD0000000  }
0x3: {  	_ = 	snop  }
0x4: {  	_ = 	snop  }
0x5: {  	_ = 	snop  }
0x6: {  	_ = 	snop  }
0x7: {  	_ = 	snop  }
__scs_overlays_trampoline_lowered:
0x8: {  	[smem:$0x3FA1] =	sst s0  }
0x9: {  	[smem:$0x3FA2] =	sst s1  }
0xa: {  	[smem:$0x3FA3] =	sst s2  }
0xb: {  	[smem:$0x3FA4] =	sst s3  }
0xc: {  	[smem:$0x3FA5] =	sst s4  }
0xd: {  	[smem:$0x3FA6] =	sst s5  }
0xe: {  	[smem:$0x3FA7] =	sst s6  }
0xf: {  	[smem:$0x3FA8] =	sst s7  }
0x10: {  	[smem:$0x3FA9] =	sst s8  }
0x11: {  	[smem:$0x3FAA] =	sst s9;
	s0 =	simm.s32 @!p0 $0x0  }
0x12: {  	s1 =	sld [smem:$0x3F90];
	s0 =	simm.s32 @p0 $0x1  }
0x13: {  	[smem:$0x3FAB] =	sst s0;
	s0 =	simm.s32 @!p1 $0x0  }
0x14: {  	s2 =	sld [smem:$0x3F8F];
	s0 =	simm.s32 @p1 $0x1  }
0x15: {  	[smem:$0x3FAC] =	sst s0;
	s0 =	simm.s32 @!p2 $0x0  }
0x16: {  	s3 =	sld [smem:$0x3FDB];
	s0 =	simm.s32 @p2 $0x1  }
0x17: {  	s4 =	simm.s32 $0x1BF5;
	[smem:$0x3FAE] =	sst s0  }
0x18: {  	s0 =	sld [smem:$0x3F91];
	_ =	swait.ge [sflag:s4], $0x0  }
0x19: {  	s7 =	sld [smem:$0x3F92]  }
0x1a: {  	s8 =	sadd.s32 $0xFFFFE003, lr  }
0x1b: {  	s9 =	sadd.s32 $0xFFFFFEF7, lr;
	s5 =	simm.s32 $0xFFFFFFFF;
	p2 =	slt.u32 s8, $0xFFFFF086  }
0x1c: {  	p1 =	slt.u32 s9, $0xF7A;
	s5 =	simm.s32 @!p2 $0x0  }
0x1d: {  	s5 =	simm.s32 @p1 $0x1;
	p0 =	seq.s32 s7, s2  }
0x1e: {  	s7 =	smul.u32 @!p0 $0xF7A, s2;
	p2 =	seq.s32 @!p0 s5, $0x0  }
0x1f: {  	s9 =	smul.u32 $0xF7A, s1;
	s8 =	simm.s32 @!p0 $0x1BF5;
	p2 =	por !p2, p0  }
0x20: {  	[sflag:s8] =	ssyncset.s32 @!p0 $0xFFFFF086;
	s6 =	sadd.s32 @!p0 s3, s7;
	s7 =	simm.s32 @!p0 $0x108  }
0x21: {  	s3 =	sadd.s32 s3, s9;
	s6 =	sadd.s32 @!p0 $0x88, s6;
	s7 =	simm.s32 @p2 $0x1082  }
0x22: {  	[simem:s7], [sflag:s8] =	dma.local @!p0 [hbm:s6], $0xF7A  }
0x23: {  	s9 =	sor.u32 $0xD0000000, s2;
	s6 =	simm.s32 $0x108;
	_ =	swait.ge @!p0 [sflag:s8], $0x0  }
0x24: {  	s3 =	sadd.s32 $0x88, s3;
	s6 =	simm.s32 @!p1 $0x1082;
	[sflag:s4] =	ssyncset.s32 $0xFFFFF086  }
0x25: {  	[simem:s6], [sflag:s4] =	dma.local [hbm:s3], $0xF7A  }
0x26: {  	[smem:$0x3F92] =	sst s1;
	(tag) =	ssettag s2;
	_ =	strace s9  }
0x27: {  	s1 =	sld [smem:$0x3FA2]  }
0x28: {  	s2 =	sld [smem:$0x3FA3]  }
0x29: {  	s4 =	sld [smem:$0x3FA5]  }
0x2a: {  	p0 =	seq.s32 s5, $0x0;
	s5 =	sld [smem:$0x3FA6]  }
0x2b: {  	s6 =	sld [smem:$0x3FA7]  }
0x2c: {  	s7 =	sld [smem:$0x3FA8]  }
0x2d: {  	s3 =	simm.s32 $0x108;
	s8 =	sld [smem:$0x3FA9]  }
0x2e: {  	s3 =	simm.s32 @!p0 $0x1082;
	s9 =	sld [smem:$0x3FAA]  }
0x2f: {  	lr =	sadd.s32 s0, s3;
	s0 =	sld [smem:$0x3FA1]  }
0x30: {  	s3 =	sld [smem:$0x3FA4]  }
0x31: {  	[smem:$0x3FAD] =	sst s10  }
0x32: {  	s10 =	sld [smem:$0x3FAB];
	_ =	sdelay $0x3  }
0x33: {  	p0 =	seq.s32 s10, $0x1;
	s10 =	sld [smem:$0x3FAD];
	_ =	sdelay $0x3  }
0x34: {  	[smem:$0x3FAD] =	sst s10  }
0x35: {  	s10 =	sld [smem:$0x3FAC];
	_ =	sdelay $0x3  }
0x36: {  	p1 =	seq.s32 s10, $0x1;
	s10 =	sld [smem:$0x3FAD];
	_ =	sdelay $0x3  }
0x37: {  	[smem:$0x3FAD] =	sst s10  }
0x38: {  	s10 =	sld [smem:$0x3FAE]  }
0x39: {  	_ = 	snop;
	(pc) =	sbr.ind lr, $3  }
0x3a: {  	_ = 	snop  }
0x3b: {  	_ = 	snop  }
0x3c: {  	p2 =	seq.s32 s10, $0x1;
	s10 =	sld [smem:$0x3FAD]  }
0x3d: {  	_ =	shalt  }
0x3e: {  	_ =	shalt  }
0x3f: {  	_ =	shalt  }
0x40: {  	_ =	shalt  }
0x41: {  	_ =	shalt  }
0x42: {  	_ =	shalt  }
0x43: {  	_ =	shalt  }
0x44: {  	_ =	shalt  }
0x45: {  	_ =	shalt  }
0x46: {  	_ =	shalt  }
0x47: {  	_ =	shalt  }
0x48: {  	_ =	shalt  }
0x49: {  	_ =	shalt  }
0x4a: {  	_ =	shalt  }
0x4b: {  	_ =	shalt  }
0x4c: {  	_ =	shalt  }
0x4d: {  	_ =	shalt  }
0x4e: {  	_ =	shalt  }
0x4f: {  	_ =	shalt  }
0x50: {  	_ =	shalt  }
0x51: {  	_ =	shalt  }
0x52: {  	_ =	shalt  }
0x53: {  	_ =	shalt  }
0x54: {  	_ =	shalt  }
0x55: {  	_ =	shalt  }
0x56: {  	_ =	shalt  }
0x57: {  	_ =	shalt  }
0x58: {  	_ =	shalt  }
0x59: {  	_ =	shalt  }
0x5a: {  	_ =	shalt  }
0x5b: {  	_ =	shalt  }
0x5c: {  	_ =	shalt  }
0x5d: {  	_ =	shalt  }
0x5e: {  	_ =	shalt  }
0x5f: {  	_ =	shalt  }
0x60: {  	_ =	shalt  }
0x61: {  	_ =	shalt  }
0x62: {  	_ =	shalt  }
0x63: {  	_ =	shalt  }
0x64: {  	_ =	shalt  }
0x65: {  	_ =	shalt  }
0x66: {  	_ =	shalt  }
0x67: {  	_ =	shalt  }
0x68: {  	_ =	shalt  }
0x69: {  	_ =	shalt  }
0x6a: {  	_ =	shalt  }
0x6b: {  	_ =	shalt  }
0x6c: {  	_ =	shalt  }
0x6d: {  	_ =	shalt  }
0x6e: {  	_ =	shalt  }
0x6f: {  	_ =	shalt  }
0x70: {  	_ =	shalt  }
0x71: {  	_ =	shalt  }
0x72: {  	_ =	shalt  }
0x73: {  	_ =	shalt  }
0x74: {  	_ =	shalt  }
0x75: {  	_ =	shalt  }
0x76: {  	_ =	shalt  }
0x77: {  	_ =	shalt  }
0x78: {  	_ =	shalt  }
0x79: {  	_ =	shalt  }
0x7a: {  	_ =	shalt  }
0x7b: {  	_ =	shalt  }
0x7c: {  	_ =	shalt  }
0x7d: {  	_ =	shalt  }
0x7e: {  	_ =	shalt  }
0x7f: {  	_ =	shalt  }
0x80: {  	_ =	shalt  }
0x81: {  	_ =	shalt  }
0x82: {  	_ =	shalt  }
0x83: {  	_ =	shalt  }
0x84: {  	_ =	shalt  }
0x85: {  	_ =	shalt  }
0x86: {  	_ =	shalt  }
0x87: {  	_ =	shalt  }
.Lfunc_end0:
.L_simem_size_0:
called_computation.1_lowered:
.L_overlay_start_0:
0x88: {  	s2 =	sld [smem:$0x3FD9]  }
0x89: {  	s3 =	sld [smem:$0x3FFE];
	_ =	sdelay $0x1  }
0x8a: {  	s1 =	srdreg.scid  }
0x8b: {  	s0 =	sand.u32 $0x1, s1  }
0x8c: {  	s16 =	sshll.u32 s0, $0xA;
	s2 =	sadd.s32 s3, s2  }
0x8d: {  	s2 =	sadd.s32 s2, s16  }
0x8e: {  	[smem:$0x3FB9] =	sst s2  }
0x8f: {  	_ = 	snop  }
0x90: {  	(tm) =	ssettm $0x1  }
0x91: {  	s17 =	sld [smem:$0x3FFB];
	_ =	sdelay $0x3  }
0x92: {  	_ =	strace s17  }
0x93: {  	s2 =	sld [smem:$0x3FFC];
	_ =	sdelay $0x3  }
0x94: {  	_ =	strace s2  }
0x95: {  	s2 =	sld [smem:$0x3FFD];
	_ =	sdelay $0x3  }
0x96: {  	_ =	strace s2  }
0x97: {  	_ =	strace $0x8FFFFFFF  }
0x98: {  	s18 =	sld [smem:$0x3FDB];
	_ =	sdelay $0x1  }
0x99: {  	s19 =	simm.s32 $_scs_section_size  }
0x9a: {  	s4 =	simm.s32 $_size__tile_overlayer_lowered;
	s5 =	simm.s32 $_tile_overlayer_lowered  }
0x9b: {  	s22 =	simm.s32 $0x1BFF;
	s21 =	sshll.u32 s5, $0x1;
	s2 =	sadd.s32 s19, s18  }
0x9c: {  	s6 =	simm.s32 $0x0;
	s20 =	sshll.u32 s4, $0x1;
	s4 =	sadd.s32 s21, s2  }
0x9d: {  	[timem:s6], [sflag:s22] =	dma.local [hbm:s4], s20  }
0x9e: {  	_ =	swait.ge [sflag:s22], s20  }
0x9f: {  	s3 =	ssub.s32 $0x0, s20;
	[sflag:s22] =	ssyncset.done $0x0  }
0xa0: {  	[sflag:s22] =	ssyncadd.s32 s3;
	_ =	sdelay $0x1  }
0xa1: {  	s23 =	simm.s32 $0x1B8B  }
0xa2: {  	_ =	swait.ge [sflag:s23], $0x1  }
0xa3: {  	[sflag:s23] =	ssyncset.done $0x0  }
0xa4: {  	s25 =	simm.s32 $0x1B8E;
	s24 =	sld [smem:$0x3FFE];
	[sflag:s23] =	ssyncadd.s32 $0xFFFFFFFF  }
0xa5: {  	s26 =	simm.s32 $execute0_lowered;
	[smem:$0x3FD2] =	sst s25  }
0xa6: {  	s4 =	sshll.u32 s26, $0x1;
	_ =	strace $0x80000049;
	[dreg:$0x1] =	wrdreg $0xFFFFFFFF  }
0xa7: {  	s28 =	simm.s32 $_size_execute0_lowered;
	s2 =	sadd.s32 s2, s4;
	[dreg:$0x0] =	wrdreg $0x0  }
0xa8: {  	s4 =	sshll.u32 s28, $0x1;
	[dreg:$0x2] =	wrdreg s2  }
0xa9: {  	[dreg:$0x3] =	wrdreg s4  }
0xaa: {  	[dreg:$0x4] =	wrdreg $0xC0  }
0xab: {  	_ =	task [dreg:s6], $0x5FFFF  }
0xac: {  	[dreg:$0x1] =	wrdreg $0xFFFFFFFF  }
0xad: {  	[dreg:$0x0] =	wrdreg $0x60  }
0xae: {  	[dreg:$0x2] =	wrdreg s24  }
0xaf: {  	[dreg:$0x3] =	wrdreg $0x84000  }
0xb0: {  	[dreg:$0x4] =	wrdreg $0x9  }
0xb1: {  	_ =	task.clear_ibuf [dreg:s6], $0x5FFFF;
	_ =	strace $0x90000049  }
0xb2: {  	s29 =	simm.s32 $0x9;
	_ =	strace $0x8000004B  }
0xb3: {  	_ =	swait.ge [sflag:s29], $0x1  }
0xb4: {  	[sflag:s29] =	ssyncadd.s32 $0xFFFFFFFF  }
0xb5: {  	_ =	strace $0x9000004B  }
0xb6: {  	_ =	sfence  }
0xb7: {  	s30 =	sld [smem:$0x0];
	_ =	sdelay $0x2  }
0xb8: {  	s31 =	sshll.u32 s1, $0xD;
	s1 =	sshrl.u32 s1, $0x2  }
0xb9: {  	s3 =	sand.u32 $0x4000, s31;
	s1 =	sadd.s32 s1, s30  }
0xba: {  	s0 =	sor.u32 s3, s0;
	s1 =	sshll.u32 s1, $0x11  }
0xbb: {  	s0 =	sor.u32 s1, s0  }
0xbc: {  	s0 =	sadd.s32 $0x8F2B, s0  }
0xbd: {  	[sflag:s0] =	ssyncadd.remote.s32 $0x1  }
0xbe: {  	_ =	sfence.sel $0xFFFF  }
0xbf: {  	[dreg:$0x0] =	wrdreg $0xFFFFFFFF;
	(pc) =	sbr.abs _section_cstart, $3  }
0xc0: {  	[dreg:$0x1] =	wrdreg $0xFFFFFFFF  }
0xc1: {  	_ =	task.clear_ibuf [dreg:s6], $0x2FFFF;
	_ =	strace $0x9FFFFFFF  }
0xc2: {  	(tm) =	ssettm $0x7FFFFFFF  }
0xc3: {  	_ =	shalt  }
tec
execute0_lowered:
.L_overlay_start_1:
0x0: {  	(tag) =	ssettag $0x1  }
0x1: {  	s0 =	rddreg [dreg:$0x0]  }
0x2: {  	s1 =	rddreg [dreg:$0x1];
	s3 =	simm.s32 $0x0;
	s2 =	srdreg.scid  }
0x3: {  	s12 =	stileid.u32;
	s29 =	simm.s32 $0x200;
	s30 =	simm.s32 $0x280  }
0x4: {  	s31 =	simm.s32 $0x380;
	s28 =	simm.s32 $0x4;
	[smem:$0x7FF] =	sst s3  }
0x5: {  	s2 =	sand.u32 $0x1, s2;
	s9 =	smul.u32 $0x14000, s12;
	s4 =	sadd.s32 $0x6B400, s0  }
0x6: {  	s5 =	sadd.s32 $0x4C00, s0;
	s6 =	sadd.s32 $0xEC00, s0;
	s11 =	smul.u32 $0x50000, s12  }
0x7: {  	s7 =	sadd.s32 $0x18C00, s0;
	s20 =	smul.u32 $0xA00, s12;
	s21 =	sshll.u32 s12, $0x6  }
0x8: {  	s13 =	smul.u32 $0x5000, s12;
	_ =	strace $0x8000004A;
	[dreg:$0x5] =	wrdreg s29  }
0x9: {  	s8 =	smul.u32 $0x140000, s2;
	s18 =	ssub.s32 $0x2, s2;
	[dreg:$0x6] =	wrdreg s30  }
0xa: {  	p0 =	seq.s32 s2, $0x1;
	[dreg:$0x7] =	wrdreg s31;
	s10 =	sshrl.u32 s18, $0x1  }
0xb: {  	s19 =	sshrl.u32 s11, $0x2;
	s22 =	sadd.s32 s5, s20;
	s14 =	sor.u32 $0x20, s20  }
0xc: {  	s23 =	sadd.s32 s6, s20;
	s13 =	simm.s32 @p0 $0x50000;
	s20 =	simm.s32 $0x400  }
0xd: {  	s8 =	sadd.s32 s9, s8;
	s16 =	ssub.s32 s18, s10;
	[dreg:$0x8] =	wrdreg s22  }
0xe: {  	s2 =	sadd.s32 s19, s1;
	s9 =	sor.u32 $0x1C09, s21;
	[dreg:$0x9] =	wrdreg s23  }
0xf: {  	s24 =	sadd.s32 s5, s14;
	s14 =	sadd.s32 s6, s14;
	s18 =	simm.s32 $0x9  }
0x10: {  	s19 =	simm.s32 $0x80;
	s21 =	simm.s32 $0x4400;
	s8 =	sshrl.u32 s8, $0x3  }
0x11: {  	s23 =	simm.s32 $0x300;
	s0 =	sadd.s32 s8, s0;
	s8 =	simm.s32 $0x0  }
.Ltmp0:
0x12: {  	[dreg:$0xa] =	wrdreg s24;
	s8 =	simm.s32 @!p0 $0x50;
	(pc) =	sbr.rel .LBB2_1-.Ltmp0, $4  }
0x13: {  	s16 =	smax.u32 s16, $0x1;
	s15 =	sshrl.u32 s8, $0x1;
	s17 =	sadd.s32 $0xFFFFFFFF, s8  }
0x14: {  	s24 =	simm.s32 $0x1;
	[dreg:$0x3] =	wrdreg s17;
	s25 =	smax.u32 s15, $0x1  }
0x15: {  	s15 =	sadd.s32 $0x93400, s0;
	s17 =	sshrl.u32 s2, $0x3;
	s26 =	sshll.u32 s25, $0x1  }
0x16: {  	s25 =	simm.s32 $0x3;
	[dreg:$0x4] =	wrdreg s26;
	s26 =	simm.s32 $0x2  }
.LBB2_2:
0x17: {  	[bflag:$0x0] =	sbarrier.arrive $0xFFFF  }
.LBB2_6:
0x18: {  	s3 =	sadd.s32 $0x1, s3  }
0x19: {  	p1 =	sne.s32 s3, s16  }
.Ltmp1:
0x1a: {  	[bflag:$0x0] =	sbarrier.arrive $0xFFFF;
	(pc) =	sbr.rel @!p1 .LBB2_7-.Ltmp1, $4  }
0x1b: {  	[hbm:s15], [sflag:s9] =	dma.local [spmem:s17], $0x2800  }
0x1c: {  	_ =	swait.ge [sflag:s18], $0x2800  }
0x1d: {  	[sflag:s18] =	ssyncset.done $0x0  }
0x1e: {  	[sflag:s18] =	ssyncadd.s32 $0xFFFFD800  }
.LBB2_1:
.Ltmp2:
0x1f: {  	(pc) =	sbr.rel @p0 .LBB2_2-.Ltmp2, $4  }
0x20: {  	[spmem:s17], [sflag:s9] =	dma.local [hbm:s7], $0x2800  }
0x21: {  	_ =	swait.ge [sflag:s18], $0x2800  }
0x22: {  	[sflag:s18] =	ssyncset.done $0x0  }
0x23: {  	[sflag:s18] =	ssyncadd.s32 $0xFFFFD800  }
0x24: {  	s0 =	simm.s32 $0x0;
	s2 =	rddreg [dreg:$0x8]  }
0x25: {  	[tilespmem:s0], [sflag:$0x9] =	stream.linear.gather [hbm4b:s2+s0], $0x100, $0x38;
	[tilespmem:$0x1C400] =	vst v63  }
0x26: {  	_ =	swait.ge [sflag:s18], $0x100  }
0x27: {  	[sflag:s18] =	ssyncset.done $0x0  }
0x28: {  	s29 =	simm.s32 $0x200;
	s12 =	rddreg [dreg:$0x9];
	[sflag:s18] =	ssyncadd.s32 $0xFFFFFF00  }
0x29: {  	[tilespmem:s29], [sflag:$0x9] =	stream.linear.gather [hbm4b:s12+s0], $0x100, $0x38;
	[tilespmem:$0x1C400] =	vst v63  }
0x2a: {  	_ =	swait.ge [sflag:s18], $0x100  }
0x2b: {  	[sflag:s18] =	ssyncset.done $0x0  }
0x2c: {  	[sflag:s18] =	ssyncadd.s32 $0xFFFFFF00  }
0x2d: {  	[tilespmem:s20], [sflag:$0x1] =	stream.indirect.gather [hbm4b:s4+s19], $0x80, s0, s19, $0xb8;
	[tilespmem:$0x1C400] =	vst v63  }
0x2e: {  	_ = 	snop  }
0x2f: {  	[tilespmem:s21], [sflag:$0x2] =	stream.indirect.gather [hbm4b:s4+s19], $0x80, s19, s19, $0xb8;
	[tilespmem:$0x1C400] =	vst v63  }
0x30: {  	s10 =	simm.s32 $0x100;
	s22 =	rddreg [dreg:$0xa]  }
0x31: {  	[tilespmem:s10], [sflag:$0x6] =	stream.linear.gather [hbm4b:s22+s0], $0x100, $0x38;
	[tilespmem:$0x1C400] =	vst v63  }
0x32: {  	_ = 	snop  }
0x33: {  	[tilespmem:s23], [sflag:$0x8] =	stream.linear.gather [hbm4b:s14+s0], $0x100, $0x38;
	[tilespmem:$0x1C400] =	vst v63  }
0x34: {  	[bflag:$0x0] =	sbarrier.arrive $0xFFFF  }
0x35: {  	_ =	swait.ge [sflag:s24], $0x4000  }
0x36: {  	[sflag:s24] =	ssyncset.done $0x0  }
0x37: {  	s31 =	rddreg [dreg:$0x5];
	[sflag:s24] =	ssyncadd.s32 $0xFFFFC000  }
0x38: {  	[spmem:s1] =	stream.indirect.scatter.add.f32 [tilespmem:s20], [sflag:$0x3], $0x80, s31, s19, $0xb8;
	[tilespmem:$0x1C400] =	vst v63  }
0x39: {  	_ =	swait.ge [sflag:s25], $0x4000  }
0x3a: {  	s2 =	rddreg [dreg:$0x3]  }
0x3b: {  	[sflag:s25] =	ssyncset.done $0x0;
	p2 =	sle.s32 s2, $0x0  }
0x3c: {  	[sflag:s25] =	ssyncadd.s32 $0xFFFFC000;
	s0 =	simm.s32 @!p2 $0x6  }
0x3d: {  	_ =	swait.ge @!p2 [sflag:s0], $0x100  }
0x3e: {  	[sflag:s0] =	ssyncset.done @!p2 $0x0  }
0x3f: {  	[sflag:s0] =	ssyncadd.s32 @!p2 $0xFFFFFF00;
	s0 =	simm.s32 @!p2 $0x8  }
0x40: {  	_ =	swait.ge @!p2 [sflag:s0], $0x100  }
0x41: {  	s2 =	simm.s32 @!p2 $0x400;
	[sflag:s0] =	ssyncset.done @!p2 $0x0  }
0x42: {  	s30 =	simm.s32 @!p2 $0x100;
	[sflag:s0] =	ssyncadd.s32 @!p2 $0xFFFFFF00;
	s0 =	simm.s32 @!p2 $0x80  }
0x43: {  	[tilespmem:s2], [sflag:$0x1] =	stream.indirect.gather @!p2 [hbm4b:s4+s0], $0x80, s30, s0, $0xb8;
	[tilespmem:$0x1C400] =	vst v63  }
0x44: {  	p1 =	sle.u32 s8, $0x2;
	_ =	swait.ge [sflag:s26], $0x4000  }
0x45: {  	s30 =	sadd.s32 @!p1 $0x200, s13;
	s2 =	sand.u32 @!p1 $0x200, s29;
	[sflag:s26] =	ssyncset.done $0x0  }
0x46: {  	s30 =	sand.u32 @!p1 $0x7FFFFC00, s30;
	s10 =	rddreg [dreg:$0x6];
	[sflag:s26] =	ssyncadd.s32 $0xFFFFC000  }
0x47: {  	[spmem:s1] =	stream.indirect.scatter.add.f32 [tilespmem:s21], [sflag:$0x4], $0x80, s10, s19, $0xb8;
	[tilespmem:$0x1C400] =	vst v63  }
0x48: {  	s2 =	sor.u32 @!p1 s2, s30;
	_ =	swait.ge [sflag:s28], $0x4000  }
0x49: {  	s2 =	sshrl.u32 @!p1 s2, $0x3;
	[sflag:s28] =	ssyncset.done $0x0  }
0x4a: {  	s30 =	simm.s32 @!p1 $0x0;
	s31 =	sadd.s32 @!p1 s5, s2;
	[sflag:s28] =	ssyncadd.s32 $0xFFFFC000  }
0x4b: {  	[tilespmem:s30], [sflag:$0x5] =	stream.linear.gather @!p1 [hbm4b:s31+s30], $0x100, $0x38;
	[tilespmem:$0x1C400] =	vst v63  }
0x4c: {  	s2 =	sadd.s32 @!p1 s6, s2;
	s31 =	simm.s32 @!p1 $0x200  }
0x4d: {  	[tilespmem:s31], [sflag:$0x7] =	stream.linear.gather @!p1 [hbm4b:s2+s30], $0x100, $0x38;
	[tilespmem:$0x1C400] =	vst v63  }
0x4e: {  	s2 =	simm.s32 @!p2 $0x180;
	s31 =	simm.s32 @!p2 $0x4400  }
0x4f: {  	[tilespmem:s31], [sflag:$0x2] =	stream.indirect.gather @!p2 [hbm4b:s4+s0], $0x80, s2, s0, $0xb8;
	[tilespmem:$0x1C400] =	vst v63  }
0x50: {  	_ =	swait.ge [sflag:s24], $0x4000  }
0x51: {  	[sflag:s24] =	ssyncset.done $0x0  }
0x52: {  	[sflag:s24] =	ssyncadd.s32 $0xFFFFC000  }
0x53: {  	[spmem:s1] =	stream.indirect.scatter.add.f32 [tilespmem:s20], [sflag:$0x3], $0x80, s23, s19, $0xb8;
	[tilespmem:$0x1C400] =	vst v63  }
0x54: {  	_ =	swait.ge [sflag:s25], $0x4000  }
0x55: {  	[sflag:s25] =	ssyncset.done $0x0  }
0x56: {  	s0 =	simm.s32 @!p1 $0x5;
	[sflag:s25] =	ssyncadd.s32 $0xFFFFC000  }
0x57: {  	_ =	swait.ge @!p1 [sflag:s0], $0x100  }
0x58: {  	[sflag:s0] =	ssyncset.done @!p1 $0x0  }
0x59: {  	s2 =	simm.s32 @!p1 $0x7;
	[sflag:s0] =	ssyncadd.s32 @!p1 $0xFFFFFF00  }
0x5a: {  	_ =	swait.ge @!p1 [sflag:s2], $0x100  }
0x5b: {  	s31 =	simm.s32 @!p1 $0x400;
	[sflag:s2] =	ssyncset.done @!p1 $0x0  }
0x5c: {  	p2 =	sle.u32 s8, $0x3;
	s0 =	simm.s32 @!p1 $0x80;
	[sflag:s2] =	ssyncadd.s32 @!p1 $0xFFFFFF00  }
0x5d: {  	[tilespmem:s31], [sflag:$0x1] =	stream.indirect.gather @!p1 [hbm4b:s4+s0], $0x80, s30, s0, $0xb8;
	[tilespmem:$0x1C400] =	vst v63  }
0x5e: {  	s30 =	simm.s32 @!p2 $0x300;
	_ =	swait.ge [sflag:s26], $0x4000  }
0x5f: {  	s31 =	sadd.s32 @!p2 $0x300, s13;
	s30 =	sand.u32 @!p2 $0x300, s30;
	[sflag:s26] =	ssyncset.done $0x0  }
0x60: {  	s31 =	sand.u32 @!p2 $0x7FFFFC00, s31;
	s11 =	rddreg [dreg:$0x7];
	[sflag:s26] =	ssyncadd.s32 $0xFFFFC000  }
0x61: {  	[spmem:s1] =	stream.indirect.scatter.add.f32 [tilespmem:s21], [sflag:$0x4], $0x80, s11, s19, $0xb8;
	[tilespmem:$0x1C400] =	vst v63  }
0x62: {  	s2 =	sor.u32 @!p2 s30, s31;
	_ =	swait.ge [sflag:s28], $0x4000  }
0x63: {  	s30 =	simm.s32 @!p2 $0x100;
	s2 =	sshrl.u32 @!p2 s2, $0x3;
	[sflag:s28] =	ssyncset.done $0x0  }
0x64: {  	s31 =	simm.s32 @!p2 $0x0;
	s22 =	sadd.s32 @!p2 s5, s2;
	[sflag:s28] =	ssyncadd.s32 $0xFFFFC000  }
0x65: {  	[tilespmem:s30], [sflag:$0x6] =	stream.linear.gather @!p2 [hbm4b:s22+s31], $0x100, $0x38;
	[tilespmem:$0x1C400] =	vst v63  }
0x66: {  	s2 =	sadd.s32 @!p2 s6, s2;
	s12 =	rddreg [dreg:$0x4];
	s30 =	simm.s32 @!p2 $0x300  }
0x67: {  	[tilespmem:s30], [sflag:$0x8] =	stream.linear.gather @!p2 [hbm4b:s2+s31], $0x100, $0x38;
	[tilespmem:$0x1C400] =	vst v63  }
0x68: {  	p2 =	sne.s32 s12, $0x2  }
.Ltmp3:
0x69: {  	_ = 	snop;
	(pc) =	sbr.rel @!p2 .LBB2_5-.Ltmp3, $2  }
0x6a: {  	_ =	sdelay $0x2  }
0x6b: {  	s30 =	simm.s32 $0x2;
	s2 =	simm.s32 @!p1 $0x4400  }
.LBB2_4:
0x6c: {  	[tilespmem:s2], [sflag:$0x2] =	stream.indirect.gather @!p1 [hbm4b:s4+s0], $0x80, s0, s0, $0xb8;
	[tilespmem:$0x1C400] =	vst v63  }
0x6d: {  	_ =	swait.ge [sflag:s24], $0x4000  }
0x6e: {  	[sflag:s24] =	ssyncset.done $0x0  }
0x6f: {  	s10 =	rddreg [dreg:$0x5];
	[sflag:s24] =	ssyncadd.s32 $0xFFFFC000  }
0x70: {  	[spmem:s1] =	stream.indirect.scatter.add.f32 [tilespmem:s20], [sflag:$0x3], $0x80, s10, s19, $0xb8;
	[tilespmem:$0x1C400] =	vst v63  }
0x71: {  	_ =	swait.ge [sflag:s25], $0x4000  }
0x72: {  	s31 =	smov.u32 s30;
	s11 =	rddreg [dreg:$0x3]  }
0x73: {  	[sflag:s25] =	ssyncset.done $0x0;
	p2 =	sge.s32 s31, s11  }
0x74: {  	[sflag:s25] =	ssyncadd.s32 $0xFFFFC000;
	s0 =	simm.s32 @!p2 $0x6  }
0x75: {  	_ =	swait.ge @!p2 [sflag:s0], $0x100  }
0x76: {  	[sflag:s0] =	ssyncset.done @!p2 $0x0  }
0x77: {  	[sflag:s0] =	ssyncadd.s32 @!p2 $0xFFFFFF00;
	s0 =	simm.s32 @!p2 $0x8  }
0x78: {  	_ =	swait.ge @!p2 [sflag:s0], $0x100  }
0x79: {  	s30 =	sadd.s32 $0x2, s30;
	s2 =	simm.s32 @!p2 $0x400;
	[sflag:s0] =	ssyncset.done @!p2 $0x0  }
0x7a: {  	s22 =	simm.s32 @!p2 $0x100;
	[sflag:s0] =	ssyncadd.s32 @!p2 $0xFFFFFF00;
	s0 =	simm.s32 @!p2 $0x80  }
0x7b: {  	[tilespmem:s2], [sflag:$0x1] =	stream.indirect.gather @!p2 [hbm4b:s4+s0], $0x80, s22, s0, $0xb8;
	[tilespmem:$0x1C400] =	vst v63  }
0x7c: {  	s29 =	sadd.s32 $0x200, s29;
	p1 =	sge.u32 s30, s8;
	_ =	swait.ge [sflag:s26], $0x4000  }
0x7d: {  	s10 =	sand.u32 @!p1 $0x200, s29;
	s22 =	sadd.s32 @!p1 s29, s13;
	[sflag:s26] =	ssyncset.done $0x0  }
0x7e: {  	s2 =	sand.u32 @!p1 $0x7FFFFC00, s22;
	s12 =	rddreg [dreg:$0x6];
	[sflag:s26] =	ssyncadd.s32 $0xFFFFC000  }
0x7f: {  	[spmem:s1] =	stream.indirect.scatter.add.f32 [tilespmem:s21], [sflag:$0x4], $0x80, s12, s19, $0xb8;
	[tilespmem:$0x1C400] =	vst v63  }
0x80: {  	s2 =	sor.u32 @!p1 s10, s2;
	_ =	swait.ge [sflag:s28], $0x4000  }
0x81: {  	s2 =	sshrl.u32 @!p1 s2, $0x3;
	[sflag:s28] =	ssyncset.done $0x0  }
0x82: {  	s10 =	simm.s32 @!p1 $0x0;
	s22 =	sadd.s32 @!p1 s5, s2;
	[sflag:s28] =	ssyncadd.s32 $0xFFFFC000  }
0x83: {  	[tilespmem:s10], [sflag:$0x5] =	stream.linear.gather @!p1 [hbm4b:s22+s10], $0x100, $0x38;
	[tilespmem:$0x1C400] =	vst v63  }
0x84: {  	s11 =	simm.s32 @!p1 $0x200;
	s2 =	sadd.s32 @!p1 s6, s2  }
0x85: {  	[tilespmem:s11], [sflag:$0x7] =	stream.linear.gather @!p1 [hbm4b:s2+s10], $0x100, $0x38;
	[tilespmem:$0x1C400] =	vst v63  }
0x86: {  	s2 =	simm.s32 @!p2 $0x180;
	s11 =	simm.s32 @!p2 $0x4400  }
0x87: {  	[tilespmem:s11], [sflag:$0x2] =	stream.indirect.gather @!p2 [hbm4b:s4+s0], $0x80, s2, s0, $0xb8;
	[tilespmem:$0x1C400] =	vst v63  }
0x88: {  	_ =	swait.ge [sflag:s24], $0x4000  }
0x89: {  	[sflag:s24] =	ssyncset.done $0x0  }
0x8a: {  	[sflag:s24] =	ssyncadd.s32 $0xFFFFC000  }
0x8b: {  	[spmem:s1] =	stream.indirect.scatter.add.f32 [tilespmem:s20], [sflag:$0x3], $0x80, s23, s19, $0xb8;
	[tilespmem:$0x1C400] =	vst v63  }
0x8c: {  	_ =	swait.ge [sflag:s25], $0x4000  }
0x8d: {  	[sflag:s25] =	ssyncset.done $0x0  }
0x8e: {  	s0 =	simm.s32 @!p1 $0x5;
	[sflag:s25] =	ssyncadd.s32 $0xFFFFC000  }
0x8f: {  	_ =	swait.ge @!p1 [sflag:s0], $0x100  }
0x90: {  	[sflag:s0] =	ssyncset.done @!p1 $0x0  }
0x91: {  	s2 =	simm.s32 @!p1 $0x7;
	[sflag:s0] =	ssyncadd.s32 @!p1 $0xFFFFFF00  }
0x92: {  	_ =	swait.ge @!p1 [sflag:s2], $0x100  }
0x93: {  	s22 =	sadd.s32 $0x3, s31;
	[sflag:s2] =	ssyncset.done @!p1 $0x0  }
0x94: {  	s11 =	simm.s32 @!p1 $0x400;
	s0 =	simm.s32 @!p1 $0x80;
	[sflag:s2] =	ssyncadd.s32 @!p1 $0xFFFFFF00  }
0x95: {  	[tilespmem:s11], [sflag:$0x1] =	stream.indirect.gather @!p1 [hbm4b:s4+s0], $0x80, s10, s0, $0xb8;
	[tilespmem:$0x1C400] =	vst v63  }
0x96: {  	p2 =	sge.u32 s22, s8;
	_ =	swait.ge [sflag:s26], $0x4000  }
0x97: {  	s10 =	sadd.s32 @!p2 $0x100, s29;
	[sflag:s26] =	ssyncset.done $0x0  }
0x98: {  	s11 =	sadd.s32 @!p2 s13, s10;
	s31 =	rddreg [dreg:$0x7];
	[sflag:s26] =	ssyncadd.s32 $0xFFFFC000  }
0x99: {  	[spmem:s1] =	stream.indirect.scatter.add.f32 [tilespmem:s21], [sflag:$0x4], $0x80, s31, s19, $0xb8;
	[tilespmem:$0x1C400] =	vst v63  }
0x9a: {  	s10 =	sand.u32 @!p2 $0x300, s10;
	s11 =	sand.u32 @!p2 $0x7FFFFC00, s11;
	_ =	swait.ge [sflag:s28], $0x4000  }
0x9b: {  	s2 =	sor.u32 @!p2 s10, s11;
	s11 =	rddreg [dreg:$0x4]  }
0x9c: {  	s22 =	simm.s32 @!p2 $0x100;
	p3 =	sne.s32 s11, s30  }
.Ltmp4:
0x9d: {  	s2 =	sshrl.u32 @!p2 s2, $0x3;
	[sflag:s28] =	ssyncset.done $0x0;
	(pc) =	sbr.rel @p3 .LBB2_4-.Ltmp4, $4  }
0x9e: {  	s10 =	simm.s32 @!p2 $0x0;
	s31 =	sadd.s32 @!p2 s5, s2;
	[sflag:s28] =	ssyncadd.s32 $0xFFFFC000  }
0x9f: {  	[tilespmem:s22], [sflag:$0x6] =	stream.linear.gather @!p2 [hbm4b:s31+s10], $0x100, $0x38;
	[tilespmem:$0x1C400] =	vst v63  }
0xa0: {  	s12 =	sadd.s32 @!p2 s6, s2;
	s2 =	simm.s32 @!p1 $0x4400;
	s22 =	simm.s32 @!p2 $0x300  }
0xa1: {  	[tilespmem:s22], [sflag:$0x8] =	stream.linear.gather @!p2 [hbm4b:s12+s10], $0x100, $0x38;
	[tilespmem:$0x1C400] =	vst v63  }
.LBB2_5:
.Ltmp5:
0xa2: {  	(pc) =	sbr.rel .LBB2_6-.Ltmp5, $2  }
0xa3: {  	_ =	sdelay $0x2  }
0xa4: {  	[tilespmem:s2], [sflag:$0x2] =	stream.indirect.gather @!p1 [hbm4b:s4+s0], $0x80, s0, s0, $0xb8;
	[tilespmem:$0x1C400] =	vst v63  }
.LBB2_7:
0xa5: {  	_ =	sfence.sel $0x180000  }
0xa6: {  	[bflag:$0x0] =	sbarrier.arrive $0xFFFF  }
0xa7: {  	_ =	strace $0x9000004A  }
0xa8: {  	s0 =	stileid.u32;
	[bflag:$0x2] =	sbarrier.arrive $0xFFFF  }
0xa9: {  	p0 =	sne.s32 s0, $0x0;
	s0 =	rddreg [dreg:$0x2]  }
0xaa: {  	s0 =	sadd.s32 @!p0 $0x100000, s0  }
0xab: {  	[sflag:s0] =	ssyncadd.tile.s32 @!p0 $0x1;
	_ =	shalt  }
.Lfunc_end2:
_tile_overlayer_lowered:
.L_overlay_start_2:
0xac: {  	(tag) =	ssettag $0x2  }
0xad: {  	s0 =	rddreg [dreg:$0x0];
	s2 =	stileid.u32  }
0xae: {  	s1 =	rddreg [dreg:$0x1];
	p0 =	sne.s32 s2, $0x0  }
0xaf: {  	s3 =	rddreg [dreg:$0x2];
	[bflag:$0x3] =	sbarrier.arrive $0xFFFF;
	s2 =	simm.s32 @!p0 $0x1C09  }
0xb0: {  	[timem:s3], [sflag:s2] =	dma.local @!p0 [hbm:s0], s1  }
0xb1: {  	s0 =	simm.s32 @!p0 $0x9  }
0xb2: {  	_ =	swait.ge @!p0 [sflag:s0], s1  }
0xb3: {  	s1 =	ssub.s32 @!p0 $0x0, s1;
	[sflag:s0] =	ssyncset.done @!p0 $0x0  }
0xb4: {  	[sflag:s0] =	ssyncadd.s32 @!p0 s1  }
0xb5: {  	[bflag:$0x3] =	sbarrier.arrive $0xFFFF  }
0xb6: {  	_ =	shalt  }

// kernel: kernel.16.cloned.1.call-start
scs
__scs_entry_jumppad:
0x0: {  	(pc) =	sbr.rel $0x88, $3  }
0x1: {  	(tag) =	ssettag $0x0;
	lr =	simm.s32 $0x1  }
0x2: {  	[smem:$0x3F92] =	sst lr;
	_ =	strace $0xD0000000  }
0x3: {  	_ = 	snop  }
0x4: {  	_ = 	snop  }
0x5: {  	_ = 	snop  }
0x6: {  	_ = 	snop  }
0x7: {  	_ = 	snop  }
__scs_overlays_trampoline_lowered:
0x8: {  	[smem:$0x3FA1] =	sst s0  }
0x9: {  	[smem:$0x3FA2] =	sst s1  }
0xa: {  	[smem:$0x3FA3] =	sst s2  }
0xb: {  	[smem:$0x3FA4] =	sst s3  }
0xc: {  	[smem:$0x3FA5] =	sst s4  }
0xd: {  	[smem:$0x3FA6] =	sst s5  }
0xe: {  	[smem:$0x3FA7] =	sst s6  }
0xf: {  	[smem:$0x3FA8] =	sst s7  }
0x10: {  	[smem:$0x3FA9] =	sst s8  }
0x11: {  	[smem:$0x3FAA] =	sst s9;
	s0 =	simm.s32 @!p0 $0x0  }
0x12: {  	s1 =	sld [smem:$0x3F90];
	s0 =	simm.s32 @p0 $0x1  }
0x13: {  	[smem:$0x3FAB] =	sst s0;
	s0 =	simm.s32 @!p1 $0x0  }
0x14: {  	s2 =	sld [smem:$0x3F8F];
	s0 =	simm.s32 @p1 $0x1  }
0x15: {  	[smem:$0x3FAC] =	sst s0;
	s0 =	simm.s32 @!p2 $0x0  }
0x16: {  	s3 =	sld [smem:$0x3FDB];
	s0 =	simm.s32 @p2 $0x1  }
0x17: {  	s4 =	simm.s32 $0x1BF5;
	[smem:$0x3FAE] =	sst s0  }
0x18: {  	s0 =	sld [smem:$0x3F91];
	_ =	swait.ge [sflag:s4], $0x0  }
0x19: {  	s7 =	sld [smem:$0x3F92]  }
0x1a: {  	s8 =	sadd.s32 $0xFFFFE003, lr  }
0x1b: {  	s9 =	sadd.s32 $0xFFFFFEF7, lr;
	s5 =	simm.s32 $0xFFFFFFFF;
	p2 =	slt.u32 s8, $0xFFFFF086  }
0x1c: {  	p1 =	slt.u32 s9, $0xF7A;
	s5 =	simm.s32 @!p2 $0x0  }
0x1d: {  	s5 =	simm.s32 @p1 $0x1;
	p0 =	seq.s32 s7, s2  }
0x1e: {  	s7 =	smul.u32 @!p0 $0xF7A, s2;
	p2 =	seq.s32 @!p0 s5, $0x0  }
0x1f: {  	s9 =	smul.u32 $0xF7A, s1;
	s8 =	simm.s32 @!p0 $0x1BF5;
	p2 =	por !p2, p0  }
0x20: {  	[sflag:s8] =	ssyncset.s32 @!p0 $0xFFFFF086;
	s6 =	sadd.s32 @!p0 s3, s7;
	s7 =	simm.s32 @!p0 $0x108  }
0x21: {  	s3 =	sadd.s32 s3, s9;
	s6 =	sadd.s32 @!p0 $0x88, s6;
	s7 =	simm.s32 @p2 $0x1082  }
0x22: {  	[simem:s7], [sflag:s8] =	dma.local @!p0 [hbm:s6], $0xF7A  }
0x23: {  	s9 =	sor.u32 $0xD0000000, s2;
	s6 =	simm.s32 $0x108;
	_ =	swait.ge @!p0 [sflag:s8], $0x0  }
0x24: {  	s3 =	sadd.s32 $0x88, s3;
	s6 =	simm.s32 @!p1 $0x1082;
	[sflag:s4] =	ssyncset.s32 $0xFFFFF086  }
0x25: {  	[simem:s6], [sflag:s4] =	dma.local [hbm:s3], $0xF7A  }
0x26: {  	[smem:$0x3F92] =	sst s1;
	(tag) =	ssettag s2;
	_ =	strace s9  }
0x27: {  	s1 =	sld [smem:$0x3FA2]  }
0x28: {  	s2 =	sld [smem:$0x3FA3]  }
0x29: {  	s4 =	sld [smem:$0x3FA5]  }
0x2a: {  	p0 =	seq.s32 s5, $0x0;
	s5 =	sld [smem:$0x3FA6]  }
0x2b: {  	s6 =	sld [smem:$0x3FA7]  }
0x2c: {  	s7 =	sld [smem:$0x3FA8]  }
0x2d: {  	s3 =	simm.s32 $0x108;
	s8 =	sld [smem:$0x3FA9]  }
0x2e: {  	s3 =	simm.s32 @!p0 $0x1082;
	s9 =	sld [smem:$0x3FAA]  }
0x2f: {  	lr =	sadd.s32 s0, s3;
	s0 =	sld [smem:$0x3FA1]  }
0x30: {  	s3 =	sld [smem:$0x3FA4]  }
0x31: {  	[smem:$0x3FAD] =	sst s10  }
0x32: {  	s10 =	sld [smem:$0x3FAB];
	_ =	sdelay $0x3  }
0x33: {  	p0 =	seq.s32 s10, $0x1;
	s10 =	sld [smem:$0x3FAD];
	_ =	sdelay $0x3  }
0x34: {  	[smem:$0x3FAD] =	sst s10  }
0x35: {  	s10 =	sld [smem:$0x3FAC];
	_ =	sdelay $0x3  }
0x36: {  	p1 =	seq.s32 s10, $0x1;
	s10 =	sld [smem:$0x3FAD];
	_ =	sdelay $0x3  }
0x37: {  	[smem:$0x3FAD] =	sst s10  }
0x38: {  	s10 =	sld [smem:$0x3FAE]  }
0x39: {  	_ = 	snop;
	(pc) =	sbr.ind lr, $3  }
0x3a: {  	_ = 	snop  }
0x3b: {  	_ = 	snop  }
0x3c: {  	p2 =	seq.s32 s10, $0x1;
	s10 =	sld [smem:$0x3FAD]  }
0x3d: {  	_ =	shalt  }
0x3e: {  	_ =	shalt  }
0x3f: {  	_ =	shalt  }
0x40: {  	_ =	shalt  }
0x41: {  	_ =	shalt  }
0x42: {  	_ =	shalt  }
0x43: {  	_ =	shalt  }
0x44: {  	_ =	shalt  }
0x45: {  	_ =	shalt  }
0x46: {  	_ =	shalt  }
0x47: {  	_ =	shalt  }
0x48: {  	_ =	shalt  }
0x49: {  	_ =	shalt  }
0x4a: {  	_ =	shalt  }
0x4b: {  	_ =	shalt  }
0x4c: {  	_ =	shalt  }
0x4d: {  	_ =	shalt  }
0x4e: {  	_ =	shalt  }
0x4f: {  	_ =	shalt  }
0x50: {  	_ =	shalt  }
0x51: {  	_ =	shalt  }
0x52: {  	_ =	shalt  }
0x53: {  	_ =	shalt  }
0x54: {  	_ =	shalt  }
0x55: {  	_ =	shalt  }
0x56: {  	_ =	shalt  }
0x57: {  	_ =	shalt  }
0x58: {  	_ =	shalt  }
0x59: {  	_ =	shalt  }
0x5a: {  	_ =	shalt  }
0x5b: {  	_ =	shalt  }
0x5c: {  	_ =	shalt  }
0x5d: {  	_ =	shalt  }
0x5e: {  	_ =	shalt  }
0x5f: {  	_ =	shalt  }
0x60: {  	_ =	shalt  }
0x61: {  	_ =	shalt  }
0x62: {  	_ =	shalt  }
0x63: {  	_ =	shalt  }
0x64: {  	_ =	shalt  }
0x65: {  	_ =	shalt  }
0x66: {  	_ =	shalt  }
0x67: {  	_ =	shalt  }
0x68: {  	_ =	shalt  }
0x69: {  	_ =	shalt  }
0x6a: {  	_ =	shalt  }
0x6b: {  	_ =	shalt  }
0x6c: {  	_ =	shalt  }
0x6d: {  	_ =	shalt  }
0x6e: {  	_ =	shalt  }
0x6f: {  	_ =	shalt  }
0x70: {  	_ =	shalt  }
0x71: {  	_ =	shalt  }
0x72: {  	_ =	shalt  }
0x73: {  	_ =	shalt  }
0x74: {  	_ =	shalt  }
0x75: {  	_ =	shalt  }
0x76: {  	_ =	shalt  }
0x77: {  	_ =	shalt  }
0x78: {  	_ =	shalt  }
0x79: {  	_ =	shalt  }
0x7a: {  	_ =	shalt  }
0x7b: {  	_ =	shalt  }
0x7c: {  	_ =	shalt  }
0x7d: {  	_ =	shalt  }
0x7e: {  	_ =	shalt  }
0x7f: {  	_ =	shalt  }
0x80: {  	_ =	shalt  }
0x81: {  	_ =	shalt  }
0x82: {  	_ =	shalt  }
0x83: {  	_ =	shalt  }
0x84: {  	_ =	shalt  }
0x85: {  	_ =	shalt  }
0x86: {  	_ =	shalt  }
0x87: {  	_ =	shalt  }
.Lfunc_end0:
.L_simem_size_0:
called_computation.2_lowered:
.L_overlay_start_0:
0x88: {  	s2 =	sld [smem:$0x3FD9]  }
0x89: {  	s3 =	sld [smem:$0x3FFE];
	_ =	sdelay $0x1  }
0x8a: {  	s1 =	srdreg.scid  }
0x8b: {  	s0 =	sand.u32 $0x1, s1  }
0x8c: {  	s16 =	sshll.u32 s0, $0xA;
	s2 =	sadd.s32 s3, s2  }
0x8d: {  	s2 =	sadd.s32 s2, s16  }
0x8e: {  	[smem:$0x3FB9] =	sst s2  }
0x8f: {  	_ = 	snop  }
0x90: {  	(tm) =	ssettm $0x1  }
0x91: {  	s17 =	sld [smem:$0x3FFB];
	_ =	sdelay $0x3  }
0x92: {  	_ =	strace s17  }
0x93: {  	s2 =	sld [smem:$0x3FFC];
	_ =	sdelay $0x3  }
0x94: {  	_ =	strace s2  }
0x95: {  	s2 =	sld [smem:$0x3FFD];
	_ =	sdelay $0x3  }
0x96: {  	_ =	strace s2  }
0x97: {  	_ =	strace $0x8FFFFFFF  }
0x98: {  	s18 =	sld [smem:$0x3FDB];
	_ =	sdelay $0x1  }
0x99: {  	s19 =	simm.s32 $_scs_section_size  }
0x9a: {  	s4 =	simm.s32 $_size__tile_overlayer_lowered;
	s5 =	simm.s32 $_tile_overlayer_lowered  }
0x9b: {  	s22 =	simm.s32 $0x1BFF;
	s21 =	sshll.u32 s5, $0x1;
	s2 =	sadd.s32 s19, s18  }
0x9c: {  	s6 =	simm.s32 $0x0;
	s20 =	sshll.u32 s4, $0x1;
	s4 =	sadd.s32 s21, s2  }
0x9d: {  	[timem:s6], [sflag:s22] =	dma.local [hbm:s4], s20  }
0x9e: {  	_ =	swait.ge [sflag:s22], s20  }
0x9f: {  	s3 =	ssub.s32 $0x0, s20;
	[sflag:s22] =	ssyncset.done $0x0  }
0xa0: {  	[sflag:s22] =	ssyncadd.s32 s3;
	_ =	sdelay $0x1  }
0xa1: {  	s23 =	simm.s32 $0x1B8B  }
0xa2: {  	_ =	swait.ge [sflag:s23], $0x1  }
0xa3: {  	[sflag:s23] =	ssyncset.done $0x0  }
0xa4: {  	s25 =	simm.s32 $0x1B8E;
	s24 =	sld [smem:$0x3FFE];
	[sflag:s23] =	ssyncadd.s32 $0xFFFFFFFF  }
0xa5: {  	s26 =	simm.s32 $execute0_lowered;
	[smem:$0x3FD2] =	sst s25  }
0xa6: {  	s4 =	sshll.u32 s26, $0x1;
	_ =	strace $0x8000004C;
	[dreg:$0x1] =	wrdreg $0xFFFFFFFF  }
0xa7: {  	s28 =	simm.s32 $_size_execute0_lowered;
	s2 =	sadd.s32 s2, s4;
	[dreg:$0x0] =	wrdreg $0x0  }
0xa8: {  	s4 =	sshll.u32 s28, $0x1;
	[dreg:$0x2] =	wrdreg s2  }
0xa9: {  	[dreg:$0x3] =	wrdreg s4  }
0xaa: {  	[dreg:$0x4] =	wrdreg $0xC0  }
0xab: {  	_ =	task [dreg:s6], $0x5FFFF  }
0xac: {  	[dreg:$0x1] =	wrdreg $0xFFFFFFFF  }
0xad: {  	[dreg:$0x0] =	wrdreg $0x60  }
0xae: {  	[dreg:$0x2] =	wrdreg s24  }
0xaf: {  	[dreg:$0x3] =	wrdreg $0x84000  }
0xb0: {  	[dreg:$0x4] =	wrdreg $0x9  }
0xb1: {  	_ =	task.clear_ibuf [dreg:s6], $0x5FFFF;
	_ =	strace $0x9000004C  }
0xb2: {  	s29 =	simm.s32 $0x9;
	_ =	strace $0x8000004E  }
0xb3: {  	_ =	swait.ge [sflag:s29], $0x1  }
0xb4: {  	[sflag:s29] =	ssyncadd.s32 $0xFFFFFFFF  }
0xb5: {  	_ =	strace $0x9000004E  }
0xb6: {  	_ =	sfence  }
0xb7: {  	s30 =	sld [smem:$0x0];
	_ =	sdelay $0x2  }
0xb8: {  	s31 =	sshll.u32 s1, $0xD;
	s1 =	sshrl.u32 s1, $0x2  }
0xb9: {  	s3 =	sand.u32 $0x4000, s31;
	s1 =	sadd.s32 s1, s30  }
0xba: {  	s0 =	sor.u32 s3, s0;
	s1 =	sshll.u32 s1, $0x11  }
0xbb: {  	s0 =	sor.u32 s1, s0  }
0xbc: {  	s0 =	sadd.s32 $0x8F2B, s0  }
0xbd: {  	[sflag:s0] =	ssyncadd.remote.s32 $0x1  }
0xbe: {  	_ =	sfence.sel $0xFFFF  }
0xbf: {  	[dreg:$0x0] =	wrdreg $0xFFFFFFFF;
	(pc) =	sbr.abs _section_cstart, $3  }
0xc0: {  	[dreg:$0x1] =	wrdreg $0xFFFFFFFF  }
0xc1: {  	_ =	task.clear_ibuf [dreg:s6], $0x2FFFF;
	_ =	strace $0x9FFFFFFF  }
0xc2: {  	(tm) =	ssettm $0x7FFFFFFF  }
0xc3: {  	_ =	shalt  }
tec
execute0_lowered:
.L_overlay_start_1:
0x0: {  	(tag) =	ssettag $0x1  }
0x1: {  	s0 =	rddreg [dreg:$0x0]  }
0x2: {  	s1 =	rddreg [dreg:$0x1];
	s3 =	simm.s32 $0x0;
	s2 =	srdreg.scid  }
0x3: {  	s12 =	stileid.u32;
	s29 =	simm.s32 $0x200;
	s30 =	simm.s32 $0x280  }
0x4: {  	s31 =	simm.s32 $0x380;
	s28 =	simm.s32 $0x4;
	[smem:$0x7FF] =	sst s3  }
0x5: {  	s2 =	sand.u32 $0x1, s2;
	s9 =	smul.u32 $0x14000, s12;
	s4 =	sadd.s32 $0x6B400, s0  }
0x6: {  	s5 =	sadd.s32 $0x4C00, s0;
	s6 =	sadd.s32 $0xEC00, s0;
	s11 =	smul.u32 $0x50000, s12  }
0x7: {  	s7 =	sadd.s32 $0x18C00, s0;
	s20 =	smul.u32 $0xA00, s12;
	s21 =	sshll.u32 s12, $0x6  }
0x8: {  	s13 =	smul.u32 $0x5000, s12;
	_ =	strace $0x8000004D;
	[dreg:$0x5] =	wrdreg s29  }
0x9: {  	s8 =	smul.u32 $0x140000, s2;
	s18 =	ssub.s32 $0x2, s2;
	[dreg:$0x6] =	wrdreg s30  }
0xa: {  	p0 =	seq.s32 s2, $0x1;
	[dreg:$0x7] =	wrdreg s31;
	s10 =	sshrl.u32 s18, $0x1  }
0xb: {  	s19 =	sshrl.u32 s11, $0x2;
	s22 =	sadd.s32 s5, s20;
	s14 =	sor.u32 $0x20, s20  }
0xc: {  	s23 =	sadd.s32 s6, s20;
	s13 =	simm.s32 @p0 $0x50000;
	s20 =	simm.s32 $0x400  }
0xd: {  	s8 =	sadd.s32 s9, s8;
	s16 =	ssub.s32 s18, s10;
	[dreg:$0x8] =	wrdreg s22  }
0xe: {  	s2 =	sadd.s32 s19, s1;
	s9 =	sor.u32 $0x1C09, s21;
	[dreg:$0x9] =	wrdreg s23  }
0xf: {  	s24 =	sadd.s32 s5, s14;
	s14 =	sadd.s32 s6, s14;
	s18 =	simm.s32 $0x9  }
0x10: {  	s19 =	simm.s32 $0x80;
	s21 =	simm.s32 $0x4400;
	s8 =	sshrl.u32 s8, $0x3  }
0x11: {  	s23 =	simm.s32 $0x300;
	s0 =	sadd.s32 s8, s0;
	s8 =	simm.s32 $0x0  }
.Ltmp0:
0x12: {  	[dreg:$0xa] =	wrdreg s24;
	s8 =	simm.s32 @!p0 $0x50;
	(pc) =	sbr.rel .LBB2_1-.Ltmp0, $4  }
0x13: {  	s16 =	smax.u32 s16, $0x1;
	s15 =	sshrl.u32 s8, $0x1;
	s17 =	sadd.s32 $0xFFFFFFFF, s8  }
0x14: {  	s24 =	simm.s32 $0x1;
	[dreg:$0x3] =	wrdreg s17;
	s25 =	smax.u32 s15, $0x1  }
0x15: {  	s15 =	sadd.s32 $0x93400, s0;
	s17 =	sshrl.u32 s2, $0x3;
	s26 =	sshll.u32 s25, $0x1  }
0x16: {  	s25 =	simm.s32 $0x3;
	[dreg:$0x4] =	wrdreg s26;
	s26 =	simm.s32 $0x2  }
.LBB2_2:
0x17: {  	[bflag:$0x0] =	sbarrier.arrive $0xFFFF  }
.LBB2_6:
0x18: {  	s3 =	sadd.s32 $0x1, s3  }
0x19: {  	p1 =	sne.s32 s3, s16  }
.Ltmp1:
0x1a: {  	[bflag:$0x0] =	sbarrier.arrive $0xFFFF;
	(pc) =	sbr.rel @!p1 .LBB2_7-.Ltmp1, $4  }
0x1b: {  	[hbm:s15], [sflag:s9] =	dma.local [spmem:s17], $0x2800  }
0x1c: {  	_ =	swait.ge [sflag:s18], $0x2800  }
0x1d: {  	[sflag:s18] =	ssyncset.done $0x0  }
0x1e: {  	[sflag:s18] =	ssyncadd.s32 $0xFFFFD800  }
.LBB2_1:
.Ltmp2:
0x1f: {  	(pc) =	sbr.rel @p0 .LBB2_2-.Ltmp2, $4  }
0x20: {  	[spmem:s17], [sflag:s9] =	dma.local [hbm:s7], $0x2800  }
0x21: {  	_ =	swait.ge [sflag:s18], $0x2800  }
0x22: {  	[sflag:s18] =	ssyncset.done $0x0  }
0x23: {  	[sflag:s18] =	ssyncadd.s32 $0xFFFFD800  }
0x24: {  	s0 =	simm.s32 $0x0;
	s2 =	rddreg [dreg:$0x8]  }
0x25: {  	[tilespmem:s0], [sflag:$0x9] =	stream.linear.gather [hbm4b:s2+s0], $0x100, $0x38;
	[tilespmem:$0x1C400] =	vst v63  }
0x26: {  	_ =	swait.ge [sflag:s18], $0x100  }
0x27: {  	[sflag:s18] =	ssyncset.done $0x0  }
0x28: {  	s29 =	simm.s32 $0x200;
	s12 =	rddreg [dreg:$0x9];
	[sflag:s18] =	ssyncadd.s32 $0xFFFFFF00  }
0x29: {  	[tilespmem:s29], [sflag:$0x9] =	stream.linear.gather [hbm4b:s12+s0], $0x100, $0x38;
	[tilespmem:$0x1C400] =	vst v63  }
0x2a: {  	_ =	swait.ge [sflag:s18], $0x100  }
0x2b: {  	[sflag:s18] =	ssyncset.done $0x0  }
0x2c: {  	[sflag:s18] =	ssyncadd.s32 $0xFFFFFF00  }
0x2d: {  	[tilespmem:s20], [sflag:$0x1] =	stream.indirect.gather [hbm4b:s4+s19], $0x80, s0, s19, $0xb8;
	[tilespmem:$0x1C400] =	vst v63  }
0x2e: {  	_ = 	snop  }
0x2f: {  	[tilespmem:s21], [sflag:$0x2] =	stream.indirect.gather [hbm4b:s4+s19], $0x80, s19, s19, $0xb8;
	[tilespmem:$0x1C400] =	vst v63  }
0x30: {  	s10 =	simm.s32 $0x100;
	s22 =	rddreg [dreg:$0xa]  }
0x31: {  	[tilespmem:s10], [sflag:$0x6] =	stream.linear.gather [hbm4b:s22+s0], $0x100, $0x38;
	[tilespmem:$0x1C400] =	vst v63  }
0x32: {  	_ = 	snop  }
0x33: {  	[tilespmem:s23], [sflag:$0x8] =	stream.linear.gather [hbm4b:s14+s0], $0x100, $0x38;
	[tilespmem:$0x1C400] =	vst v63  }
0x34: {  	[bflag:$0x0] =	sbarrier.arrive $0xFFFF  }
0x35: {  	_ =	swait.ge [sflag:s24], $0x4000  }
0x36: {  	[sflag:s24] =	ssyncset.done $0x0  }
0x37: {  	s31 =	rddreg [dreg:$0x5];
	[sflag:s24] =	ssyncadd.s32 $0xFFFFC000  }
0x38: {  	[spmem:s1] =	stream.indirect.scatter.add.f32 [tilespmem:s20], [sflag:$0x3], $0x80, s31, s19, $0xb8;
	[tilespmem:$0x1C400] =	vst v63  }
0x39: {  	_ =	swait.ge [sflag:s25], $0x4000  }
0x3a: {  	s2 =	rddreg [dreg:$0x3]  }
0x3b: {  	[sflag:s25] =	ssyncset.done $0x0;
	p2 =	sle.s32 s2, $0x0  }
0x3c: {  	[sflag:s25] =	ssyncadd.s32 $0xFFFFC000;
	s0 =	simm.s32 @!p2 $0x6  }
0x3d: {  	_ =	swait.ge @!p2 [sflag:s0], $0x100  }
0x3e: {  	[sflag:s0] =	ssyncset.done @!p2 $0x0  }
0x3f: {  	[sflag:s0] =	ssyncadd.s32 @!p2 $0xFFFFFF00;
	s0 =	simm.s32 @!p2 $0x8  }
0x40: {  	_ =	swait.ge @!p2 [sflag:s0], $0x100  }
0x41: {  	s2 =	simm.s32 @!p2 $0x400;
	[sflag:s0] =	ssyncset.done @!p2 $0x0  }
0x42: {  	s30 =	simm.s32 @!p2 $0x100;
	[sflag:s0] =	ssyncadd.s32 @!p2 $0xFFFFFF00;
	s0 =	simm.s32 @!p2 $0x80  }
0x43: {  	[tilespmem:s2], [sflag:$0x1] =	stream.indirect.gather @!p2 [hbm4b:s4+s0], $0x80, s30, s0, $0xb8;
	[tilespmem:$0x1C400] =	vst v63  }
0x44: {  	p1 =	sle.u32 s8, $0x2;
	_ =	swait.ge [sflag:s26], $0x4000  }
0x45: {  	s30 =	sadd.s32 @!p1 $0x200, s13;
	s2 =	sand.u32 @!p1 $0x200, s29;
	[sflag:s26] =	ssyncset.done $0x0  }
0x46: {  	s30 =	sand.u32 @!p1 $0x7FFFFC00, s30;
	s10 =	rddreg [dreg:$0x6];
	[sflag:s26] =	ssyncadd.s32 $0xFFFFC000  }
0x47: {  	[spmem:s1] =	stream.indirect.scatter.add.f32 [tilespmem:s21], [sflag:$0x4], $0x80, s10, s19, $0xb8;
	[tilespmem:$0x1C400] =	vst v63  }
0x48: {  	s2 =	sor.u32 @!p1 s2, s30;
	_ =	swait.ge [sflag:s28], $0x4000  }
0x49: {  	s2 =	sshrl.u32 @!p1 s2, $0x3;
	[sflag:s28] =	ssyncset.done $0x0  }
0x4a: {  	s30 =	simm.s32 @!p1 $0x0;
	s31 =	sadd.s32 @!p1 s5, s2;
	[sflag:s28] =	ssyncadd.s32 $0xFFFFC000  }
0x4b: {  	[tilespmem:s30], [sflag:$0x5] =	stream.linear.gather @!p1 [hbm4b:s31+s30], $0x100, $0x38;
	[tilespmem:$0x1C400] =	vst v63  }
0x4c: {  	s2 =	sadd.s32 @!p1 s6, s2;
	s31 =	simm.s32 @!p1 $0x200  }
0x4d: {  	[tilespmem:s31], [sflag:$0x7] =	stream.linear.gather @!p1 [hbm4b:s2+s30], $0x100, $0x38;
	[tilespmem:$0x1C400] =	vst v63  }
0x4e: {  	s2 =	simm.s32 @!p2 $0x180;
	s31 =	simm.s32 @!p2 $0x4400  }
0x4f: {  	[tilespmem:s31], [sflag:$0x2] =	stream.indirect.gather @!p2 [hbm4b:s4+s0], $0x80, s2, s0, $0xb8;
	[tilespmem:$0x1C400] =	vst v63  }
0x50: {  	_ =	swait.ge [sflag:s24], $0x4000  }
0x51: {  	[sflag:s24] =	ssyncset.done $0x0  }
0x52: {  	[sflag:s24] =	ssyncadd.s32 $0xFFFFC000  }
0x53: {  	[spmem:s1] =	stream.indirect.scatter.add.f32 [tilespmem:s20], [sflag:$0x3], $0x80, s23, s19, $0xb8;
	[tilespmem:$0x1C400] =	vst v63  }
0x54: {  	_ =	swait.ge [sflag:s25], $0x4000  }
0x55: {  	[sflag:s25] =	ssyncset.done $0x0  }
0x56: {  	s0 =	simm.s32 @!p1 $0x5;
	[sflag:s25] =	ssyncadd.s32 $0xFFFFC000  }
0x57: {  	_ =	swait.ge @!p1 [sflag:s0], $0x100  }
0x58: {  	[sflag:s0] =	ssyncset.done @!p1 $0x0  }
0x59: {  	s2 =	simm.s32 @!p1 $0x7;
	[sflag:s0] =	ssyncadd.s32 @!p1 $0xFFFFFF00  }
0x5a: {  	_ =	swait.ge @!p1 [sflag:s2], $0x100  }
0x5b: {  	s31 =	simm.s32 @!p1 $0x400;
	[sflag:s2] =	ssyncset.done @!p1 $0x0  }
0x5c: {  	p2 =	sle.u32 s8, $0x3;
	s0 =	simm.s32 @!p1 $0x80;
	[sflag:s2] =	ssyncadd.s32 @!p1 $0xFFFFFF00  }
0x5d: {  	[tilespmem:s31], [sflag:$0x1] =	stream.indirect.gather @!p1 [hbm4b:s4+s0], $0x80, s30, s0, $0xb8;
	[tilespmem:$0x1C400] =	vst v63  }
0x5e: {  	s30 =	simm.s32 @!p2 $0x300;
	_ =	swait.ge [sflag:s26], $0x4000  }
0x5f: {  	s31 =	sadd.s32 @!p2 $0x300, s13;
	s30 =	sand.u32 @!p2 $0x300, s30;
	[sflag:s26] =	ssyncset.done $0x0  }
0x60: {  	s31 =	sand.u32 @!p2 $0x7FFFFC00, s31;
	s11 =	rddreg [dreg:$0x7];
	[sflag:s26] =	ssyncadd.s32 $0xFFFFC000  }
0x61: {  	[spmem:s1] =	stream.indirect.scatter.add.f32 [tilespmem:s21], [sflag:$0x4], $0x80, s11, s19, $0xb8;
	[tilespmem:$0x1C400] =	vst v63  }
0x62: {  	s2 =	sor.u32 @!p2 s30, s31;
	_ =	swait.ge [sflag:s28], $0x4000  }
0x63: {  	s30 =	simm.s32 @!p2 $0x100;
	s2 =	sshrl.u32 @!p2 s2, $0x3;
	[sflag:s28] =	ssyncset.done $0x0  }
0x64: {  	s31 =	simm.s32 @!p2 $0x0;
	s22 =	sadd.s32 @!p2 s5, s2;
	[sflag:s28] =	ssyncadd.s32 $0xFFFFC000  }
0x65: {  	[tilespmem:s30], [sflag:$0x6] =	stream.linear.gather @!p2 [hbm4b:s22+s31], $0x100, $0x38;
	[tilespmem:$0x1C400] =	vst v63  }
0x66: {  	s2 =	sadd.s32 @!p2 s6, s2;
	s12 =	rddreg [dreg:$0x4];
	s30 =	simm.s32 @!p2 $0x300  }
0x67: {  	[tilespmem:s30], [sflag:$0x8] =	stream.linear.gather @!p2 [hbm4b:s2+s31], $0x100, $0x38;
	[tilespmem:$0x1C400] =	vst v63  }
0x68: {  	p2 =	sne.s32 s12, $0x2  }
.Ltmp3:
0x69: {  	_ = 	snop;
	(pc) =	sbr.rel @!p2 .LBB2_5-.Ltmp3, $2  }
0x6a: {  	_ =	sdelay $0x2  }
0x6b: {  	s30 =	simm.s32 $0x2;
	s2 =	simm.s32 @!p1 $0x4400  }
.LBB2_4:
0x6c: {  	[tilespmem:s2], [sflag:$0x2] =	stream.indirect.gather @!p1 [hbm4b:s4+s0], $0x80, s0, s0, $0xb8;
	[tilespmem:$0x1C400] =	vst v63  }
0x6d: {  	_ =	swait.ge [sflag:s24], $0x4000  }
0x6e: {  	[sflag:s24] =	ssyncset.done $0x0  }
0x6f: {  	s10 =	rddreg [dreg:$0x5];
	[sflag:s24] =	ssyncadd.s32 $0xFFFFC000  }
0x70: {  	[spmem:s1] =	stream.indirect.scatter.add.f32 [tilespmem:s20], [sflag:$0x3], $0x80, s10, s19, $0xb8;
	[tilespmem:$0x1C400] =	vst v63  }
0x71: {  	_ =	swait.ge [sflag:s25], $0x4000  }
0x72: {  	s31 =	smov.u32 s30;
	s11 =	rddreg [dreg:$0x3]  }
0x73: {  	[sflag:s25] =	ssyncset.done $0x0;
	p2 =	sge.s32 s31, s11  }
0x74: {  	[sflag:s25] =	ssyncadd.s32 $0xFFFFC000;
	s0 =	simm.s32 @!p2 $0x6  }
0x75: {  	_ =	swait.ge @!p2 [sflag:s0], $0x100  }
0x76: {  	[sflag:s0] =	ssyncset.done @!p2 $0x0  }
0x77: {  	[sflag:s0] =	ssyncadd.s32 @!p2 $0xFFFFFF00;
	s0 =	simm.s32 @!p2 $0x8  }
0x78: {  	_ =	swait.ge @!p2 [sflag:s0], $0x100  }
0x79: {  	s30 =	sadd.s32 $0x2, s30;
	s2 =	simm.s32 @!p2 $0x400;
	[sflag:s0] =	ssyncset.done @!p2 $0x0  }
0x7a: {  	s22 =	simm.s32 @!p2 $0x100;
	[sflag:s0] =	ssyncadd.s32 @!p2 $0xFFFFFF00;
	s0 =	simm.s32 @!p2 $0x80  }
0x7b: {  	[tilespmem:s2], [sflag:$0x1] =	stream.indirect.gather @!p2 [hbm4b:s4+s0], $0x80, s22, s0, $0xb8;
	[tilespmem:$0x1C400] =	vst v63  }
0x7c: {  	s29 =	sadd.s32 $0x200, s29;
	p1 =	sge.u32 s30, s8;
	_ =	swait.ge [sflag:s26], $0x4000  }
0x7d: {  	s10 =	sand.u32 @!p1 $0x200, s29;
	s22 =	sadd.s32 @!p1 s29, s13;
	[sflag:s26] =	ssyncset.done $0x0  }
0x7e: {  	s2 =	sand.u32 @!p1 $0x7FFFFC00, s22;
	s12 =	rddreg [dreg:$0x6];
	[sflag:s26] =	ssyncadd.s32 $0xFFFFC000  }
0x7f: {  	[spmem:s1] =	stream.indirect.scatter.add.f32 [tilespmem:s21], [sflag:$0x4], $0x80, s12, s19, $0xb8;
	[tilespmem:$0x1C400] =	vst v63  }
0x80: {  	s2 =	sor.u32 @!p1 s10, s2;
	_ =	swait.ge [sflag:s28], $0x4000  }
0x81: {  	s2 =	sshrl.u32 @!p1 s2, $0x3;
	[sflag:s28] =	ssyncset.done $0x0  }
0x82: {  	s10 =	simm.s32 @!p1 $0x0;
	s22 =	sadd.s32 @!p1 s5, s2;
	[sflag:s28] =	ssyncadd.s32 $0xFFFFC000  }
0x83: {  	[tilespmem:s10], [sflag:$0x5] =	stream.linear.gather @!p1 [hbm4b:s22+s10], $0x100, $0x38;
	[tilespmem:$0x1C400] =	vst v63  }
0x84: {  	s11 =	simm.s32 @!p1 $0x200;
	s2 =	sadd.s32 @!p1 s6, s2  }
0x85: {  	[tilespmem:s11], [sflag:$0x7] =	stream.linear.gather @!p1 [hbm4b:s2+s10], $0x100, $0x38;
	[tilespmem:$0x1C400] =	vst v63  }
0x86: {  	s2 =	simm.s32 @!p2 $0x180;
	s11 =	simm.s32 @!p2 $0x4400  }
0x87: {  	[tilespmem:s11], [sflag:$0x2] =	stream.indirect.gather @!p2 [hbm4b:s4+s0], $0x80, s2, s0, $0xb8;
	[tilespmem:$0x1C400] =	vst v63  }
0x88: {  	_ =	swait.ge [sflag:s24], $0x4000  }
0x89: {  	[sflag:s24] =	ssyncset.done $0x0  }
0x8a: {  	[sflag:s24] =	ssyncadd.s32 $0xFFFFC000  }
0x8b: {  	[spmem:s1] =	stream.indirect.scatter.add.f32 [tilespmem:s20], [sflag:$0x3], $0x80, s23, s19, $0xb8;
	[tilespmem:$0x1C400] =	vst v63  }
0x8c: {  	_ =	swait.ge [sflag:s25], $0x4000  }
0x8d: {  	[sflag:s25] =	ssyncset.done $0x0  }
0x8e: {  	s0 =	simm.s32 @!p1 $0x5;
	[sflag:s25] =	ssyncadd.s32 $0xFFFFC000  }
0x8f: {  	_ =	swait.ge @!p1 [sflag:s0], $0x100  }
0x90: {  	[sflag:s0] =	ssyncset.done @!p1 $0x0  }
0x91: {  	s2 =	simm.s32 @!p1 $0x7;
	[sflag:s0] =	ssyncadd.s32 @!p1 $0xFFFFFF00  }
0x92: {  	_ =	swait.ge @!p1 [sflag:s2], $0x100  }
0x93: {  	s22 =	sadd.s32 $0x3, s31;
	[sflag:s2] =	ssyncset.done @!p1 $0x0  }
0x94: {  	s11 =	simm.s32 @!p1 $0x400;
	s0 =	simm.s32 @!p1 $0x80;
	[sflag:s2] =	ssyncadd.s32 @!p1 $0xFFFFFF00  }
0x95: {  	[tilespmem:s11], [sflag:$0x1] =	stream.indirect.gather @!p1 [hbm4b:s4+s0], $0x80, s10, s0, $0xb8;
	[tilespmem:$0x1C400] =	vst v63  }
0x96: {  	p2 =	sge.u32 s22, s8;
	_ =	swait.ge [sflag:s26], $0x4000  }
0x97: {  	s10 =	sadd.s32 @!p2 $0x100, s29;
	[sflag:s26] =	ssyncset.done $0x0  }
0x98: {  	s11 =	sadd.s32 @!p2 s13, s10;
	s31 =	rddreg [dreg:$0x7];
	[sflag:s26] =	ssyncadd.s32 $0xFFFFC000  }
0x99: {  	[spmem:s1] =	stream.indirect.scatter.add.f32 [tilespmem:s21], [sflag:$0x4], $0x80, s31, s19, $0xb8;
	[tilespmem:$0x1C400] =	vst v63  }
0x9a: {  	s10 =	sand.u32 @!p2 $0x300, s10;
	s11 =	sand.u32 @!p2 $0x7FFFFC00, s11;
	_ =	swait.ge [sflag:s28], $0x4000  }
0x9b: {  	s2 =	sor.u32 @!p2 s10, s11;
	s11 =	rddreg [dreg:$0x4]  }
0x9c: {  	s22 =	simm.s32 @!p2 $0x100;
	p3 =	sne.s32 s11, s30  }
.Ltmp4:
0x9d: {  	s2 =	sshrl.u32 @!p2 s2, $0x3;
	[sflag:s28] =	ssyncset.done $0x0;
	(pc) =	sbr.rel @p3 .LBB2_4-.Ltmp4, $4  }
0x9e: {  	s10 =	simm.s32 @!p2 $0x0;
	s31 =	sadd.s32 @!p2 s5, s2;
	[sflag:s28] =	ssyncadd.s32 $0xFFFFC000  }
0x9f: {  	[tilespmem:s22], [sflag:$0x6] =	stream.linear.gather @!p2 [hbm4b:s31+s10], $0x100, $0x38;
	[tilespmem:$0x1C400] =	vst v63  }
0xa0: {  	s12 =	sadd.s32 @!p2 s6, s2;
	s2 =	simm.s32 @!p1 $0x4400;
	s22 =	simm.s32 @!p2 $0x300  }
0xa1: {  	[tilespmem:s22], [sflag:$0x8] =	stream.linear.gather @!p2 [hbm4b:s12+s10], $0x100, $0x38;
	[tilespmem:$0x1C400] =	vst v63  }
.LBB2_5:
.Ltmp5:
0xa2: {  	(pc) =	sbr.rel .LBB2_6-.Ltmp5, $2  }
0xa3: {  	_ =	sdelay $0x2  }
0xa4: {  	[tilespmem:s2], [sflag:$0x2] =	stream.indirect.gather @!p1 [hbm4b:s4+s0], $0x80, s0, s0, $0xb8;
	[tilespmem:$0x1C400] =	vst v63  }
.LBB2_7:
0xa5: {  	_ =	sfence.sel $0x180000  }
0xa6: {  	[bflag:$0x0] =	sbarrier.arrive $0xFFFF  }
0xa7: {  	_ =	strace $0x9000004D  }
0xa8: {  	s0 =	stileid.u32;
	[bflag:$0x2] =	sbarrier.arrive $0xFFFF  }
0xa9: {  	p0 =	sne.s32 s0, $0x0;
	s0 =	rddreg [dreg:$0x2]  }
0xaa: {  	s0 =	sadd.s32 @!p0 $0x100000, s0  }
0xab: {  	[sflag:s0] =	ssyncadd.tile.s32 @!p0 $0x1;
	_ =	shalt  }
.Lfunc_end2:
_tile_overlayer_lowered:
.L_overlay_start_2:
0xac: {  	(tag) =	ssettag $0x2  }
0xad: {  	s0 =	rddreg [dreg:$0x0];
	s2 =	stileid.u32  }
0xae: {  	s1 =	rddreg [dreg:$0x1];
	p0 =	sne.s32 s2, $0x0  }
0xaf: {  	s3 =	rddreg [dreg:$0x2];
	[bflag:$0x3] =	sbarrier.arrive $0xFFFF;
	s2 =	simm.s32 @!p0 $0x1C09  }
0xb0: {  	[timem:s3], [sflag:s2] =	dma.local @!p0 [hbm:s0], s1  }
0xb1: {  	s0 =	simm.s32 @!p0 $0x9  }
0xb2: {  	_ =	swait.ge @!p0 [sflag:s0], s1  }
0xb3: {  	s1 =	ssub.s32 @!p0 $0x0, s1;
	[sflag:s0] =	ssyncset.done @!p0 $0x0  }
0xb4: {  	[sflag:s0] =	ssyncadd.s32 @!p0 s1  }
0xb5: {  	[bflag:$0x3] =	sbarrier.arrive $0xFFFF  }
0xb6: {  	_ =	shalt  }

// kernel: kernel.19.cloned.1.call-start
scs
__scs_entry_jumppad:
0x0: {  	(pc) =	sbr.rel $0x88, $3  }
0x1: {  	(tag) =	ssettag $0x0;
	lr =	simm.s32 $0x1  }
0x2: {  	[smem:$0x3F92] =	sst lr;
	_ =	strace $0xD0000000  }
0x3: {  	_ = 	snop  }
0x4: {  	_ = 	snop  }
0x5: {  	_ = 	snop  }
0x6: {  	_ = 	snop  }
0x7: {  	_ = 	snop  }
__scs_overlays_trampoline_lowered:
0x8: {  	[smem:$0x3FA1] =	sst s0  }
0x9: {  	[smem:$0x3FA2] =	sst s1  }
0xa: {  	[smem:$0x3FA3] =	sst s2  }
0xb: {  	[smem:$0x3FA4] =	sst s3  }
0xc: {  	[smem:$0x3FA5] =	sst s4  }
0xd: {  	[smem:$0x3FA6] =	sst s5  }
0xe: {  	[smem:$0x3FA7] =	sst s6  }
0xf: {  	[smem:$0x3FA8] =	sst s7  }
0x10: {  	[smem:$0x3FA9] =	sst s8  }
0x11: {  	[smem:$0x3FAA] =	sst s9;
	s0 =	simm.s32 @!p0 $0x0  }
0x12: {  	s1 =	sld [smem:$0x3F90];
	s0 =	simm.s32 @p0 $0x1  }
0x13: {  	[smem:$0x3FAB] =	sst s0;
	s0 =	simm.s32 @!p1 $0x0  }
0x14: {  	s2 =	sld [smem:$0x3F8F];
	s0 =	simm.s32 @p1 $0x1  }
0x15: {  	[smem:$0x3FAC] =	sst s0;
	s0 =	simm.s32 @!p2 $0x0  }
0x16: {  	s3 =	sld [smem:$0x3FDB];
	s0 =	simm.s32 @p2 $0x1  }
0x17: {  	s4 =	simm.s32 $0x1BF5;
	[smem:$0x3FAE] =	sst s0  }
0x18: {  	s0 =	sld [smem:$0x3F91];
	_ =	swait.ge [sflag:s4], $0x0  }
0x19: {  	s7 =	sld [smem:$0x3F92]  }
0x1a: {  	s8 =	sadd.s32 $0xFFFFE003, lr  }
0x1b: {  	s9 =	sadd.s32 $0xFFFFFEF7, lr;
	s5 =	simm.s32 $0xFFFFFFFF;
	p2 =	slt.u32 s8, $0xFFFFF086  }
0x1c: {  	p1 =	slt.u32 s9, $0xF7A;
	s5 =	simm.s32 @!p2 $0x0  }
0x1d: {  	s5 =	simm.s32 @p1 $0x1;
	p0 =	seq.s32 s7, s2  }
0x1e: {  	s7 =	smul.u32 @!p0 $0xF7A, s2;
	p2 =	seq.s32 @!p0 s5, $0x0  }
0x1f: {  	s9 =	smul.u32 $0xF7A, s1;
	s8 =	simm.s32 @!p0 $0x1BF5;
	p2 =	por !p2, p0  }
0x20: {  	[sflag:s8] =	ssyncset.s32 @!p0 $0xFFFFF086;
	s6 =	sadd.s32 @!p0 s3, s7;
	s7 =	simm.s32 @!p0 $0x108  }
0x21: {  	s3 =	sadd.s32 s3, s9;
	s6 =	sadd.s32 @!p0 $0x88, s6;
	s7 =	simm.s32 @p2 $0x1082  }
0x22: {  	[simem:s7], [sflag:s8] =	dma.local @!p0 [hbm:s6], $0xF7A  }
0x23: {  	s9 =	sor.u32 $0xD0000000, s2;
	s6 =	simm.s32 $0x108;
	_ =	swait.ge @!p0 [sflag:s8], $0x0  }
0x24: {  	s3 =	sadd.s32 $0x88, s3;
	s6 =	simm.s32 @!p1 $0x1082;
	[sflag:s4] =	ssyncset.s32 $0xFFFFF086  }
0x25: {  	[simem:s6], [sflag:s4] =	dma.local [hbm:s3], $0xF7A  }
0x26: {  	[smem:$0x3F92] =	sst s1;
	(tag) =	ssettag s2;
	_ =	strace s9  }
0x27: {  	s1 =	sld [smem:$0x3FA2]  }
0x28: {  	s2 =	sld [smem:$0x3FA3]  }
0x29: {  	s4 =	sld [smem:$0x3FA5]  }
0x2a: {  	p0 =	seq.s32 s5, $0x0;
	s5 =	sld [smem:$0x3FA6]  }
0x2b: {  	s6 =	sld [smem:$0x3FA7]  }
0x2c: {  	s7 =	sld [smem:$0x3FA8]  }
0x2d: {  	s3 =	simm.s32 $0x108;
	s8 =	sld [smem:$0x3FA9]  }
0x2e: {  	s3 =	simm.s32 @!p0 $0x1082;
	s9 =	sld [smem:$0x3FAA]  }
0x2f: {  	lr =	sadd.s32 s0, s3;
	s0 =	sld [smem:$0x3FA1]  }
0x30: {  	s3 =	sld [smem:$0x3FA4]  }
0x31: {  	[smem:$0x3FAD] =	sst s10  }
0x32: {  	s10 =	sld [smem:$0x3FAB];
	_ =	sdelay $0x3  }
0x33: {  	p0 =	seq.s32 s10, $0x1;
	s10 =	sld [smem:$0x3FAD];
	_ =	sdelay $0x3  }
0x34: {  	[smem:$0x3FAD] =	sst s10  }
0x35: {  	s10 =	sld [smem:$0x3FAC];
	_ =	sdelay $0x3  }
0x36: {  	p1 =	seq.s32 s10, $0x1;
	s10 =	sld [smem:$0x3FAD];
	_ =	sdelay $0x3  }
0x37: {  	[smem:$0x3FAD] =	sst s10  }
0x38: {  	s10 =	sld [smem:$0x3FAE]  }
0x39: {  	_ = 	snop;
	(pc) =	sbr.ind lr, $3  }
0x3a: {  	_ = 	snop  }
0x3b: {  	_ = 	snop  }
0x3c: {  	p2 =	seq.s32 s10, $0x1;
	s10 =	sld [smem:$0x3FAD]  }
0x3d: {  	_ =	shalt  }
0x3e: {  	_ =	shalt  }
0x3f: {  	_ =	shalt  }
0x40: {  	_ =	shalt  }
0x41: {  	_ =	shalt  }
0x42: {  	_ =	shalt  }
0x43: {  	_ =	shalt  }
0x44: {  	_ =	shalt  }
0x45: {  	_ =	shalt  }
0x46: {  	_ =	shalt  }
0x47: {  	_ =	shalt  }
0x48: {  	_ =	shalt  }
0x49: {  	_ =	shalt  }
0x4a: {  	_ =	shalt  }
0x4b: {  	_ =	shalt  }
0x4c: {  	_ =	shalt  }
0x4d: {  	_ =	shalt  }
0x4e: {  	_ =	shalt  }
0x4f: {  	_ =	shalt  }
0x50: {  	_ =	shalt  }
0x51: {  	_ =	shalt  }
0x52: {  	_ =	shalt  }
0x53: {  	_ =	shalt  }
0x54: {  	_ =	shalt  }
0x55: {  	_ =	shalt  }
0x56: {  	_ =	shalt  }
0x57: {  	_ =	shalt  }
0x58: {  	_ =	shalt  }
0x59: {  	_ =	shalt  }
0x5a: {  	_ =	shalt  }
0x5b: {  	_ =	shalt  }
0x5c: {  	_ =	shalt  }
0x5d: {  	_ =	shalt  }
0x5e: {  	_ =	shalt  }
0x5f: {  	_ =	shalt  }
0x60: {  	_ =	shalt  }
0x61: {  	_ =	shalt  }
0x62: {  	_ =	shalt  }
0x63: {  	_ =	shalt  }
0x64: {  	_ =	shalt  }
0x65: {  	_ =	shalt  }
0x66: {  	_ =	shalt  }
0x67: {  	_ =	shalt  }
0x68: {  	_ =	shalt  }
0x69: {  	_ =	shalt  }
0x6a: {  	_ =	shalt  }
0x6b: {  	_ =	shalt  }
0x6c: {  	_ =	shalt  }
0x6d: {  	_ =	shalt  }
0x6e: {  	_ =	shalt  }
0x6f: {  	_ =	shalt  }
0x70: {  	_ =	shalt  }
0x71: {  	_ =	shalt  }
0x72: {  	_ =	shalt  }
0x73: {  	_ =	shalt  }
0x74: {  	_ =	shalt  }
0x75: {  	_ =	shalt  }
0x76: {  	_ =	shalt  }
0x77: {  	_ =	shalt  }
0x78: {  	_ =	shalt  }
0x79: {  	_ =	shalt  }
0x7a: {  	_ =	shalt  }
0x7b: {  	_ =	shalt  }
0x7c: {  	_ =	shalt  }
0x7d: {  	_ =	shalt  }
0x7e: {  	_ =	shalt  }
0x7f: {  	_ =	shalt  }
0x80: {  	_ =	shalt  }
0x81: {  	_ =	shalt  }
0x82: {  	_ =	shalt  }
0x83: {  	_ =	shalt  }
0x84: {  	_ =	shalt  }
0x85: {  	_ =	shalt  }
0x86: {  	_ =	shalt  }
0x87: {  	_ =	shalt  }
.Lfunc_end0:
.L_simem_size_0:
called_computation.3_lowered:
.L_overlay_start_0:
0x88: {  	s2 =	sld [smem:$0x3FD9]  }
0x89: {  	s3 =	sld [smem:$0x3FFE];
	_ =	sdelay $0x1  }
0x8a: {  	s1 =	srdreg.scid  }
0x8b: {  	s0 =	sand.u32 $0x1, s1  }
0x8c: {  	s16 =	sshll.u32 s0, $0xA;
	s2 =	sadd.s32 s3, s2  }
0x8d: {  	s2 =	sadd.s32 s2, s16  }
0x8e: {  	[smem:$0x3FB9] =	sst s2  }
0x8f: {  	_ = 	snop  }
0x90: {  	(tm) =	ssettm $0x1  }
0x91: {  	s17 =	sld [smem:$0x3FFB];
	_ =	sdelay $0x3  }
0x92: {  	_ =	strace s17  }
0x93: {  	s2 =	sld [smem:$0x3FFC];
	_ =	sdelay $0x3  }
0x94: {  	_ =	strace s2  }
0x95: {  	s2 =	sld [smem:$0x3FFD];
	_ =	sdelay $0x3  }
0x96: {  	_ =	strace s2  }
0x97: {  	_ =	strace $0x8FFFFFFF  }
0x98: {  	s18 =	sld [smem:$0x3FDB];
	_ =	sdelay $0x1  }
0x99: {  	s19 =	simm.s32 $_scs_section_size  }
0x9a: {  	s4 =	simm.s32 $_size__tile_overlayer_lowered;
	s5 =	simm.s32 $_tile_overlayer_lowered  }
0x9b: {  	s22 =	simm.s32 $0x1BFF;
	s21 =	sshll.u32 s5, $0x1;
	s2 =	sadd.s32 s19, s18  }
0x9c: {  	s6 =	simm.s32 $0x0;
	s20 =	sshll.u32 s4, $0x1;
	s4 =	sadd.s32 s21, s2  }
0x9d: {  	[timem:s6], [sflag:s22] =	dma.local [hbm:s4], s20  }
0x9e: {  	_ =	swait.ge [sflag:s22], s20  }
0x9f: {  	s3 =	ssub.s32 $0x0, s20;
	[sflag:s22] =	ssyncset.done $0x0  }
0xa0: {  	[sflag:s22] =	ssyncadd.s32 s3;
	_ =	sdelay $0x1  }
0xa1: {  	s23 =	simm.s32 $0x1B8B  }
0xa2: {  	_ =	swait.ge [sflag:s23], $0x1  }
0xa3: {  	[sflag:s23] =	ssyncset.done $0x0  }
0xa4: {  	s25 =	simm.s32 $0x1B8E;
	s24 =	sld [smem:$0x3FFE];
	[sflag:s23] =	ssyncadd.s32 $0xFFFFFFFF  }
0xa5: {  	s26 =	simm.s32 $execute0_lowered;
	[smem:$0x3FD2] =	sst s25  }
0xa6: {  	s4 =	sshll.u32 s26, $0x1;
	_ =	strace $0x8000004F;
	[dreg:$0x1] =	wrdreg $0xFFFFFFFF  }
0xa7: {  	s28 =	simm.s32 $_size_execute0_lowered;
	s2 =	sadd.s32 s2, s4;
	[dreg:$0x0] =	wrdreg $0x0  }
0xa8: {  	s4 =	sshll.u32 s28, $0x1;
	[dreg:$0x2] =	wrdreg s2  }
0xa9: {  	[dreg:$0x3] =	wrdreg s4  }
0xaa: {  	[dreg:$0x4] =	wrdreg $0xC0  }
0xab: {  	_ =	task [dreg:s6], $0x5FFFF  }
0xac: {  	[dreg:$0x1] =	wrdreg $0xFFFFFFFF  }
0xad: {  	[dreg:$0x0] =	wrdreg $0x60  }
0xae: {  	[dreg:$0x2] =	wrdreg s24  }
0xaf: {  	[dreg:$0x3] =	wrdreg $0x84000  }
0xb0: {  	[dreg:$0x4] =	wrdreg $0x9  }
0xb1: {  	_ =	task.clear_ibuf [dreg:s6], $0x5FFFF;
	_ =	strace $0x9000004F  }
0xb2: {  	s29 =	simm.s32 $0x9;
	_ =	strace $0x80000051  }
0xb3: {  	_ =	swait.ge [sflag:s29], $0x1  }
0xb4: {  	[sflag:s29] =	ssyncadd.s32 $0xFFFFFFFF  }
0xb5: {  	_ =	strace $0x90000051  }
0xb6: {  	_ =	sfence  }
0xb7: {  	s30 =	sld [smem:$0x0];
	_ =	sdelay $0x2  }
0xb8: {  	s31 =	sshll.u32 s1, $0xD;
	s1 =	sshrl.u32 s1, $0x2  }
0xb9: {  	s3 =	sand.u32 $0x4000, s31;
	s1 =	sadd.s32 s1, s30  }
0xba: {  	s0 =	sor.u32 s3, s0;
	s1 =	sshll.u32 s1, $0x11  }
0xbb: {  	s0 =	sor.u32 s1, s0  }
0xbc: {  	s0 =	sadd.s32 $0x8F2B, s0  }
0xbd: {  	[sflag:s0] =	ssyncadd.remote.s32 $0x1  }
0xbe: {  	_ =	sfence.sel $0xFFFF  }
0xbf: {  	[dreg:$0x0] =	wrdreg $0xFFFFFFFF;
	(pc) =	sbr.abs _section_cstart, $3  }
0xc0: {  	[dreg:$0x1] =	wrdreg $0xFFFFFFFF  }
0xc1: {  	_ =	task.clear_ibuf [dreg:s6], $0x2FFFF;
	_ =	strace $0x9FFFFFFF  }
0xc2: {  	(tm) =	ssettm $0x7FFFFFFF  }
0xc3: {  	_ =	shalt  }
tec
execute0_lowered:
.L_overlay_start_1:
0x0: {  	(tag) =	ssettag $0x1  }
0x1: {  	s0 =	rddreg [dreg:$0x0]  }
0x2: {  	s1 =	rddreg [dreg:$0x1];
	s3 =	simm.s32 $0x0;
	s2 =	srdreg.scid  }
0x3: {  	s12 =	stileid.u32;
	s29 =	simm.s32 $0x200;
	s30 =	simm.s32 $0x280  }
0x4: {  	s31 =	simm.s32 $0x380;
	s28 =	simm.s32 $0x4;
	[smem:$0x7FF] =	sst s3  }
0x5: {  	s2 =	sand.u32 $0x1, s2;
	s9 =	smul.u32 $0x14000, s12;
	s4 =	sadd.s32 $0x6B400, s0  }
0x6: {  	s5 =	sadd.s32 $0x4C00, s0;
	s6 =	sadd.s32 $0xEC00, s0;
	s11 =	smul.u32 $0x50000, s12  }
0x7: {  	s7 =	sadd.s32 $0x18C00, s0;
	s20 =	smul.u32 $0xA00, s12;
	s21 =	sshll.u32 s12, $0x6  }
0x8: {  	s13 =	smul.u32 $0x5000, s12;
	_ =	strace $0x80000050;
	[dreg:$0x5] =	wrdreg s29  }
0x9: {  	s8 =	smul.u32 $0x140000, s2;
	s18 =	ssub.s32 $0x2, s2;
	[dreg:$0x6] =	wrdreg s30  }
0xa: {  	p0 =	seq.s32 s2, $0x1;
	[dreg:$0x7] =	wrdreg s31;
	s10 =	sshrl.u32 s18, $0x1  }
0xb: {  	s19 =	sshrl.u32 s11, $0x2;
	s22 =	sadd.s32 s5, s20;
	s14 =	sor.u32 $0x20, s20  }
0xc: {  	s23 =	sadd.s32 s6, s20;
	s13 =	simm.s32 @p0 $0x50000;
	s20 =	simm.s32 $0x400  }
0xd: {  	s8 =	sadd.s32 s9, s8;
	s16 =	ssub.s32 s18, s10;
	[dreg:$0x8] =	wrdreg s22  }
0xe: {  	s2 =	sadd.s32 s19, s1;
	s9 =	sor.u32 $0x1C09, s21;
	[dreg:$0x9] =	wrdreg s23  }
0xf: {  	s24 =	sadd.s32 s5, s14;
	s14 =	sadd.s32 s6, s14;
	s18 =	simm.s32 $0x9  }
0x10: {  	s19 =	simm.s32 $0x80;
	s21 =	simm.s32 $0x4400;
	s8 =	sshrl.u32 s8, $0x3  }
0x11: {  	s23 =	simm.s32 $0x300;
	s0 =	sadd.s32 s8, s0;
	s8 =	simm.s32 $0x0  }
.Ltmp0:
0x12: {  	[dreg:$0xa] =	wrdreg s24;
	s8 =	simm.s32 @!p0 $0x50;
	(pc) =	sbr.rel .LBB2_1-.Ltmp0, $4  }
0x13: {  	s16 =	smax.u32 s16, $0x1;
	s15 =	sshrl.u32 s8, $0x1;
	s17 =	sadd.s32 $0xFFFFFFFF, s8  }
0x14: {  	s24 =	simm.s32 $0x1;
	[dreg:$0x3] =	wrdreg s17;
	s25 =	smax.u32 s15, $0x1  }
0x15: {  	s15 =	sadd.s32 $0x93400, s0;
	s17 =	sshrl.u32 s2, $0x3;
	s26 =	sshll.u32 s25, $0x1  }
0x16: {  	s25 =	simm.s32 $0x3;
	[dreg:$0x4] =	wrdreg s26;
	s26 =	simm.s32 $0x2  }
.LBB2_2:
0x17: {  	[bflag:$0x0] =	sbarrier.arrive $0xFFFF  }
.LBB2_6:
0x18: {  	s3 =	sadd.s32 $0x1, s3  }
0x19: {  	p1 =	sne.s32 s3, s16  }
.Ltmp1:
0x1a: {  	[bflag:$0x0] =	sbarrier.arrive $0xFFFF;
	(pc) =	sbr.rel @!p1 .LBB2_7-.Ltmp1, $4  }
0x1b: {  	[hbm:s15], [sflag:s9] =	dma.local [spmem:s17], $0x2800  }
0x1c: {  	_ =	swait.ge [sflag:s18], $0x2800  }
0x1d: {  	[sflag:s18] =	ssyncset.done $0x0  }
0x1e: {  	[sflag:s18] =	ssyncadd.s32 $0xFFFFD800  }
.LBB2_1:
.Ltmp2:
0x1f: {  	(pc) =	sbr.rel @p0 .LBB2_2-.Ltmp2, $4  }
0x20: {  	[spmem:s17], [sflag:s9] =	dma.local [hbm:s7], $0x2800  }
0x21: {  	_ =	swait.ge [sflag:s18], $0x2800  }
0x22: {  	[sflag:s18] =	ssyncset.done $0x0  }
0x23: {  	[sflag:s18] =	ssyncadd.s32 $0xFFFFD800  }
0x24: {  	s0 =	simm.s32 $0x0;
	s2 =	rddreg [dreg:$0x8]  }
0x25: {  	[tilespmem:s0], [sflag:$0x9] =	stream.linear.gather [hbm4b:s2+s0], $0x100, $0x38;
	[tilespmem:$0x1C400] =	vst v63  }
0x26: {  	_ =	swait.ge [sflag:s18], $0x100  }
0x27: {  	[sflag:s18] =	ssyncset.done $0x0  }
0x28: {  	s29 =	simm.s32 $0x200;
	s12 =	rddreg [dreg:$0x9];
	[sflag:s18] =	ssyncadd.s32 $0xFFFFFF00  }
0x29: {  	[tilespmem:s29], [sflag:$0x9] =	stream.linear.gather [hbm4b:s12+s0], $0x100, $0x38;
	[tilespmem:$0x1C400] =	vst v63  }
0x2a: {  	_ =	swait.ge [sflag:s18], $0x100  }
0x2b: {  	[sflag:s18] =	ssyncset.done $0x0  }
0x2c: {  	[sflag:s18] =	ssyncadd.s32 $0xFFFFFF00  }
0x2d: {  	[tilespmem:s20], [sflag:$0x1] =	stream.indirect.gather [hbm4b:s4+s19], $0x80, s0, s19, $0xb8;
	[tilespmem:$0x1C400] =	vst v63  }
0x2e: {  	_ = 	snop  }
0x2f: {  	[tilespmem:s21], [sflag:$0x2] =	stream.indirect.gather [hbm4b:s4+s19], $0x80, s19, s19, $0xb8;
	[tilespmem:$0x1C400] =	vst v63  }
0x30: {  	s10 =	simm.s32 $0x100;
	s22 =	rddreg [dreg:$0xa]  }
0x31: {  	[tilespmem:s10], [sflag:$0x6] =	stream.linear.gather [hbm4b:s22+s0], $0x100, $0x38;
	[tilespmem:$0x1C400] =	vst v63  }
0x32: {  	_ = 	snop  }
0x33: {  	[tilespmem:s23], [sflag:$0x8] =	stream.linear.gather [hbm4b:s14+s0], $0x100, $0x38;
	[tilespmem:$0x1C400] =	vst v63  }
0x34: {  	[bflag:$0x0] =	sbarrier.arrive $0xFFFF  }
0x35: {  	_ =	swait.ge [sflag:s24], $0x4000  }
0x36: {  	[sflag:s24] =	ssyncset.done $0x0  }
0x37: {  	s31 =	rddreg [dreg:$0x5];
	[sflag:s24] =	ssyncadd.s32 $0xFFFFC000  }
0x38: {  	[spmem:s1] =	stream.indirect.scatter.add.f32 [tilespmem:s20], [sflag:$0x3], $0x80, s31, s19, $0xb8;
	[tilespmem:$0x1C400] =	vst v63  }
0x39: {  	_ =	swait.ge [sflag:s25], $0x4000  }
0x3a: {  	s2 =	rddreg [dreg:$0x3]  }
0x3b: {  	[sflag:s25] =	ssyncset.done $0x0;
	p2 =	sle.s32 s2, $0x0  }
0x3c: {  	[sflag:s25] =	ssyncadd.s32 $0xFFFFC000;
	s0 =	simm.s32 @!p2 $0x6  }
0x3d: {  	_ =	swait.ge @!p2 [sflag:s0], $0x100  }
0x3e: {  	[sflag:s0] =	ssyncset.done @!p2 $0x0  }
0x3f: {  	[sflag:s0] =	ssyncadd.s32 @!p2 $0xFFFFFF00;
	s0 =	simm.s32 @!p2 $0x8  }
0x40: {  	_ =	swait.ge @!p2 [sflag:s0], $0x100  }
0x41: {  	s2 =	simm.s32 @!p2 $0x400;
	[sflag:s0] =	ssyncset.done @!p2 $0x0  }
0x42: {  	s30 =	simm.s32 @!p2 $0x100;
	[sflag:s0] =	ssyncadd.s32 @!p2 $0xFFFFFF00;
	s0 =	simm.s32 @!p2 $0x80  }
0x43: {  	[tilespmem:s2], [sflag:$0x1] =	stream.indirect.gather @!p2 [hbm4b:s4+s0], $0x80, s30, s0, $0xb8;
	[tilespmem:$0x1C400] =	vst v63  }
0x44: {  	p1 =	sle.u32 s8, $0x2;
	_ =	swait.ge [sflag:s26], $0x4000  }
0x45: {  	s30 =	sadd.s32 @!p1 $0x200, s13;
	s2 =	sand.u32 @!p1 $0x200, s29;
	[sflag:s26] =	ssyncset.done $0x0  }
0x46: {  	s30 =	sand.u32 @!p1 $0x7FFFFC00, s30;
	s10 =	rddreg [dreg:$0x6];
	[sflag:s26] =	ssyncadd.s32 $0xFFFFC000  }
0x47: {  	[spmem:s1] =	stream.indirect.scatter.add.f32 [tilespmem:s21], [sflag:$0x4], $0x80, s10, s19, $0xb8;
	[tilespmem:$0x1C400] =	vst v63  }
0x48: {  	s2 =	sor.u32 @!p1 s2, s30;
	_ =	swait.ge [sflag:s28], $0x4000  }
0x49: {  	s2 =	sshrl.u32 @!p1 s2, $0x3;
	[sflag:s28] =	ssyncset.done $0x0  }
0x4a: {  	s30 =	simm.s32 @!p1 $0x0;
	s31 =	sadd.s32 @!p1 s5, s2;
	[sflag:s28] =	ssyncadd.s32 $0xFFFFC000  }
0x4b: {  	[tilespmem:s30], [sflag:$0x5] =	stream.linear.gather @!p1 [hbm4b:s31+s30], $0x100, $0x38;
	[tilespmem:$0x1C400] =	vst v63  }
0x4c: {  	s2 =	sadd.s32 @!p1 s6, s2;
	s31 =	simm.s32 @!p1 $0x200  }
0x4d: {  	[tilespmem:s31], [sflag:$0x7] =	stream.linear.gather @!p1 [hbm4b:s2+s30], $0x100, $0x38;
	[tilespmem:$0x1C400] =	vst v63  }
0x4e: {  	s2 =	simm.s32 @!p2 $0x180;
	s31 =	simm.s32 @!p2 $0x4400  }
0x4f: {  	[tilespmem:s31], [sflag:$0x2] =	stream.indirect.gather @!p2 [hbm4b:s4+s0], $0x80, s2, s0, $0xb8;
	[tilespmem:$0x1C400] =	vst v63  }
0x50: {  	_ =	swait.ge [sflag:s24], $0x4000  }
0x51: {  	[sflag:s24] =	ssyncset.done $0x0  }
0x52: {  	[sflag:s24] =	ssyncadd.s32 $0xFFFFC000  }
0x53: {  	[spmem:s1] =	stream.indirect.scatter.add.f32 [tilespmem:s20], [sflag:$0x3], $0x80, s23, s19, $0xb8;
	[tilespmem:$0x1C400] =	vst v63  }
0x54: {  	_ =	swait.ge [sflag:s25], $0x4000  }
0x55: {  	[sflag:s25] =	ssyncset.done $0x0  }
0x56: {  	s0 =	simm.s32 @!p1 $0x5;
	[sflag:s25] =	ssyncadd.s32 $0xFFFFC000  }
0x57: {  	_ =	swait.ge @!p1 [sflag:s0], $0x100  }
0x58: {  	[sflag:s0] =	ssyncset.done @!p1 $0x0  }
0x59: {  	s2 =	simm.s32 @!p1 $0x7;
	[sflag:s0] =	ssyncadd.s32 @!p1 $0xFFFFFF00  }
0x5a: {  	_ =	swait.ge @!p1 [sflag:s2], $0x100  }
0x5b: {  	s31 =	simm.s32 @!p1 $0x400;
	[sflag:s2] =	ssyncset.done @!p1 $0x0  }
0x5c: {  	p2 =	sle.u32 s8, $0x3;
	s0 =	simm.s32 @!p1 $0x80;
	[sflag:s2] =	ssyncadd.s32 @!p1 $0xFFFFFF00  }
0x5d: {  	[tilespmem:s31], [sflag:$0x1] =	stream.indirect.gather @!p1 [hbm4b:s4+s0], $0x80, s30, s0, $0xb8;
	[tilespmem:$0x1C400] =	vst v63  }
0x5e: {  	s30 =	simm.s32 @!p2 $0x300;
	_ =	swait.ge [sflag:s26], $0x4000  }
0x5f: {  	s31 =	sadd.s32 @!p2 $0x300, s13;
	s30 =	sand.u32 @!p2 $0x300, s30;
	[sflag:s26] =	ssyncset.done $0x0  }
0x60: {  	s31 =	sand.u32 @!p2 $0x7FFFFC00, s31;
	s11 =	rddreg [dreg:$0x7];
	[sflag:s26] =	ssyncadd.s32 $0xFFFFC000  }
0x61: {  	[spmem:s1] =	stream.indirect.scatter.add.f32 [tilespmem:s21], [sflag:$0x4], $0x80, s11, s19, $0xb8;
	[tilespmem:$0x1C400] =	vst v63  }
0x62: {  	s2 =	sor.u32 @!p2 s30, s31;
	_ =	swait.ge [sflag:s28], $0x4000  }
0x63: {  	s30 =	simm.s32 @!p2 $0x100;
	s2 =	sshrl.u32 @!p2 s2, $0x3;
	[sflag:s28] =	ssyncset.done $0x0  }
0x64: {  	s31 =	simm.s32 @!p2 $0x0;
	s22 =	sadd.s32 @!p2 s5, s2;
	[sflag:s28] =	ssyncadd.s32 $0xFFFFC000  }
0x65: {  	[tilespmem:s30], [sflag:$0x6] =	stream.linear.gather @!p2 [hbm4b:s22+s31], $0x100, $0x38;
	[tilespmem:$0x1C400] =	vst v63  }
0x66: {  	s2 =	sadd.s32 @!p2 s6, s2;
	s12 =	rddreg [dreg:$0x4];
	s30 =	simm.s32 @!p2 $0x300  }
0x67: {  	[tilespmem:s30], [sflag:$0x8] =	stream.linear.gather @!p2 [hbm4b:s2+s31], $0x100, $0x38;
	[tilespmem:$0x1C400] =	vst v63  }
0x68: {  	p2 =	sne.s32 s12, $0x2  }
.Ltmp3:
0x69: {  	_ = 	snop;
	(pc) =	sbr.rel @!p2 .LBB2_5-.Ltmp3, $2  }
0x6a: {  	_ =	sdelay $0x2  }
0x6b: {  	s30 =	simm.s32 $0x2;
	s2 =	simm.s32 @!p1 $0x4400  }
.LBB2_4:
0x6c: {  	[tilespmem:s2], [sflag:$0x2] =	stream.indirect.gather @!p1 [hbm4b:s4+s0], $0x80, s0, s0, $0xb8;
	[tilespmem:$0x1C400] =	vst v63  }
0x6d: {  	_ =	swait.ge [sflag:s24], $0x4000  }
0x6e: {  	[sflag:s24] =	ssyncset.done $0x0  }
0x6f: {  	s10 =	rddreg [dreg:$0x5];
	[sflag:s24] =	ssyncadd.s32 $0xFFFFC000  }
0x70: {  	[spmem:s1] =	stream.indirect.scatter.add.f32 [tilespmem:s20], [sflag:$0x3], $0x80, s10, s19, $0xb8;
	[tilespmem:$0x1C400] =	vst v63  }
0x71: {  	_ =	swait.ge [sflag:s25], $0x4000  }
0x72: {  	s31 =	smov.u32 s30;
	s11 =	rddreg [dreg:$0x3]  }
0x73: {  	[sflag:s25] =	ssyncset.done $0x0;
	p2 =	sge.s32 s31, s11  }
0x74: {  	[sflag:s25] =	ssyncadd.s32 $0xFFFFC000;
	s0 =	simm.s32 @!p2 $0x6  }
0x75: {  	_ =	swait.ge @!p2 [sflag:s0], $0x100  }
0x76: {  	[sflag:s0] =	ssyncset.done @!p2 $0x0  }
0x77: {  	[sflag:s0] =	ssyncadd.s32 @!p2 $0xFFFFFF00;
	s0 =	simm.s32 @!p2 $0x8  }
0x78: {  	_ =	swait.ge @!p2 [sflag:s0], $0x100  }
0x79: {  	s30 =	sadd.s32 $0x2, s30;
	s2 =	simm.s32 @!p2 $0x400;
	[sflag:s0] =	ssyncset.done @!p2 $0x0  }
0x7a: {  	s22 =	simm.s32 @!p2 $0x100;
	[sflag:s0] =	ssyncadd.s32 @!p2 $0xFFFFFF00;
	s0 =	simm.s32 @!p2 $0x80  }
0x7b: {  	[tilespmem:s2], [sflag:$0x1] =	stream.indirect.gather @!p2 [hbm4b:s4+s0], $0x80, s22, s0, $0xb8;
	[tilespmem:$0x1C400] =	vst v63  }
0x7c: {  	s29 =	sadd.s32 $0x200, s29;
	p1 =	sge.u32 s30, s8;
	_ =	swait.ge [sflag:s26], $0x4000  }
0x7d: {  	s10 =	sand.u32 @!p1 $0x200, s29;
	s22 =	sadd.s32 @!p1 s29, s13;
	[sflag:s26] =	ssyncset.done $0x0  }
0x7e: {  	s2 =	sand.u32 @!p1 $0x7FFFFC00, s22;
	s12 =	rddreg [dreg:$0x6];
	[sflag:s26] =	ssyncadd.s32 $0xFFFFC000  }
0x7f: {  	[spmem:s1] =	stream.indirect.scatter.add.f32 [tilespmem:s21], [sflag:$0x4], $0x80, s12, s19, $0xb8;
	[tilespmem:$0x1C400] =	vst v63  }
0x80: {  	s2 =	sor.u32 @!p1 s10, s2;
	_ =	swait.ge [sflag:s28], $0x4000  }
0x81: {  	s2 =	sshrl.u32 @!p1 s2, $0x3;
	[sflag:s28] =	ssyncset.done $0x0  }
0x82: {  	s10 =	simm.s32 @!p1 $0x0;
	s22 =	sadd.s32 @!p1 s5, s2;
	[sflag:s28] =	ssyncadd.s32 $0xFFFFC000  }
0x83: {  	[tilespmem:s10], [sflag:$0x5] =	stream.linear.gather @!p1 [hbm4b:s22+s10], $0x100, $0x38;
	[tilespmem:$0x1C400] =	vst v63  }
0x84: {  	s11 =	simm.s32 @!p1 $0x200;
	s2 =	sadd.s32 @!p1 s6, s2  }
0x85: {  	[tilespmem:s11], [sflag:$0x7] =	stream.linear.gather @!p1 [hbm4b:s2+s10], $0x100, $0x38;
	[tilespmem:$0x1C400] =	vst v63  }
0x86: {  	s2 =	simm.s32 @!p2 $0x180;
	s11 =	simm.s32 @!p2 $0x4400  }
0x87: {  	[tilespmem:s11], [sflag:$0x2] =	stream.indirect.gather @!p2 [hbm4b:s4+s0], $0x80, s2, s0, $0xb8;
	[tilespmem:$0x1C400] =	vst v63  }
0x88: {  	_ =	swait.ge [sflag:s24], $0x4000  }
0x89: {  	[sflag:s24] =	ssyncset.done $0x0  }
0x8a: {  	[sflag:s24] =	ssyncadd.s32 $0xFFFFC000  }
0x8b: {  	[spmem:s1] =	stream.indirect.scatter.add.f32 [tilespmem:s20], [sflag:$0x3], $0x80, s23, s19, $0xb8;
	[tilespmem:$0x1C400] =	vst v63  }
0x8c: {  	_ =	swait.ge [sflag:s25], $0x4000  }
0x8d: {  	[sflag:s25] =	ssyncset.done $0x0  }
0x8e: {  	s0 =	simm.s32 @!p1 $0x5;
	[sflag:s25] =	ssyncadd.s32 $0xFFFFC000  }
0x8f: {  	_ =	swait.ge @!p1 [sflag:s0], $0x100  }
0x90: {  	[sflag:s0] =	ssyncset.done @!p1 $0x0  }
0x91: {  	s2 =	simm.s32 @!p1 $0x7;
	[sflag:s0] =	ssyncadd.s32 @!p1 $0xFFFFFF00  }
0x92: {  	_ =	swait.ge @!p1 [sflag:s2], $0x100  }
0x93: {  	s22 =	sadd.s32 $0x3, s31;
	[sflag:s2] =	ssyncset.done @!p1 $0x0  }
0x94: {  	s11 =	simm.s32 @!p1 $0x400;
	s0 =	simm.s32 @!p1 $0x80;
	[sflag:s2] =	ssyncadd.s32 @!p1 $0xFFFFFF00  }
0x95: {  	[tilespmem:s11], [sflag:$0x1] =	stream.indirect.gather @!p1 [hbm4b:s4+s0], $0x80, s10, s0, $0xb8;
	[tilespmem:$0x1C400] =	vst v63  }
0x96: {  	p2 =	sge.u32 s22, s8;
	_ =	swait.ge [sflag:s26], $0x4000  }
0x97: {  	s10 =	sadd.s32 @!p2 $0x100, s29;
	[sflag:s26] =	ssyncset.done $0x0  }
0x98: {  	s11 =	sadd.s32 @!p2 s13, s10;
	s31 =	rddreg [dreg:$0x7];
	[sflag:s26] =	ssyncadd.s32 $0xFFFFC000  }
0x99: {  	[spmem:s1] =	stream.indirect.scatter.add.f32 [tilespmem:s21], [sflag:$0x4], $0x80, s31, s19, $0xb8;
	[tilespmem:$0x1C400] =	vst v63  }
0x9a: {  	s10 =	sand.u32 @!p2 $0x300, s10;
	s11 =	sand.u32 @!p2 $0x7FFFFC00, s11;
	_ =	swait.ge [sflag:s28], $0x4000  }
0x9b: {  	s2 =	sor.u32 @!p2 s10, s11;
	s11 =	rddreg [dreg:$0x4]  }
0x9c: {  	s22 =	simm.s32 @!p2 $0x100;
	p3 =	sne.s32 s11, s30  }
.Ltmp4:
0x9d: {  	s2 =	sshrl.u32 @!p2 s2, $0x3;
	[sflag:s28] =	ssyncset.done $0x0;
	(pc) =	sbr.rel @p3 .LBB2_4-.Ltmp4, $4  }
0x9e: {  	s10 =	simm.s32 @!p2 $0x0;
	s31 =	sadd.s32 @!p2 s5, s2;
	[sflag:s28] =	ssyncadd.s32 $0xFFFFC000  }
0x9f: {  	[tilespmem:s22], [sflag:$0x6] =	stream.linear.gather @!p2 [hbm4b:s31+s10], $0x100, $0x38;
	[tilespmem:$0x1C400] =	vst v63  }
0xa0: {  	s12 =	sadd.s32 @!p2 s6, s2;
	s2 =	simm.s32 @!p1 $0x4400;
	s22 =	simm.s32 @!p2 $0x300  }
0xa1: {  	[tilespmem:s22], [sflag:$0x8] =	stream.linear.gather @!p2 [hbm4b:s12+s10], $0x100, $0x38;
	[tilespmem:$0x1C400] =	vst v63  }
.LBB2_5:
.Ltmp5:
0xa2: {  	(pc) =	sbr.rel .LBB2_6-.Ltmp5, $2  }
0xa3: {  	_ =	sdelay $0x2  }
0xa4: {  	[tilespmem:s2], [sflag:$0x2] =	stream.indirect.gather @!p1 [hbm4b:s4+s0], $0x80, s0, s0, $0xb8;
	[tilespmem:$0x1C400] =	vst v63  }
.LBB2_7:
0xa5: {  	_ =	sfence.sel $0x180000  }
0xa6: {  	[bflag:$0x0] =	sbarrier.arrive $0xFFFF  }
0xa7: {  	_ =	strace $0x90000050  }
0xa8: {  	s0 =	stileid.u32;
	[bflag:$0x2] =	sbarrier.arrive $0xFFFF  }
0xa9: {  	p0 =	sne.s32 s0, $0x0;
	s0 =	rddreg [dreg:$0x2]  }
0xaa: {  	s0 =	sadd.s32 @!p0 $0x100000, s0  }
0xab: {  	[sflag:s0] =	ssyncadd.tile.s32 @!p0 $0x1;
	_ =	shalt  }
.Lfunc_end2:
_tile_overlayer_lowered:
.L_overlay_start_2:
0xac: {  	(tag) =	ssettag $0x2  }
0xad: {  	s0 =	rddreg [dreg:$0x0];
	s2 =	stileid.u32  }
0xae: {  	s1 =	rddreg [dreg:$0x1];
	p0 =	sne.s32 s2, $0x0  }
0xaf: {  	s3 =	rddreg [dreg:$0x2];
	[bflag:$0x3] =	sbarrier.arrive $0xFFFF;
	s2 =	simm.s32 @!p0 $0x1C09  }
0xb0: {  	[timem:s3], [sflag:s2] =	dma.local @!p0 [hbm:s0], s1  }
0xb1: {  	s0 =	simm.s32 @!p0 $0x9  }
0xb2: {  	_ =	swait.ge @!p0 [sflag:s0], s1  }
0xb3: {  	s1 =	ssub.s32 @!p0 $0x0, s1;
	[sflag:s0] =	ssyncset.done @!p0 $0x0  }
0xb4: {  	[sflag:s0] =	ssyncadd.s32 @!p0 s1  }
0xb5: {  	[bflag:$0x3] =	sbarrier.arrive $0xFFFF  }
0xb6: {  	_ =	shalt  }

</sc_bundles>
